<compile_context>
chip_gen: v7x
topology: tpu7x:2x2x1
jax: 0.10.2.dev20260603
libtpu: 0.0.44.dev20260713+nightly
codegen_flags: <defaults>
</compile_context>

<pallas_src>
import functools
from functools import partial

import jax
import jax.numpy as jnp
from jax import lax
from jax.experimental import pallas as pl
from jax.experimental.pallas import tpu as pltpu
from jax.experimental.pallas import tpu_sc as plsc

NC = 2
NS = 16
NW = NC * NS
CHUNK = 128

_HIGH = jax.lax.Precision.HIGHEST


def _mesh():
    return plsc.VectorSubcoreMesh(
        core_axis_name="c", subcore_axis_name="s", num_cores=NC, num_subcores=NS
    )


def _hist_body(cpw, rpt, dst_hbm, zeros_hbm, ones_hbm, degp_hbm,
               idx_v, buf_v, acc_sh):
    c = lax.axis_index("c")
    s = lax.axis_index("s")
    wid = s * NC + c
    pltpu.sync_copy(zeros_hbm, acc_sh.at[pl.ds(s * rpt, rpt)])
    pltpu.sync_copy(ones_hbm, buf_v)
    pltpu.sync_copy(dst_hbm.at[pl.ds(wid * cpw, cpw)], idx_v)
    plsc.subcore_barrier()

    def body(j, carry):
        pltpu.sync_copy(buf_v, acc_sh.at[idx_v.at[j]], add=True)
        return carry

    lax.fori_loop(0, cpw, body, 0)
    plsc.subcore_barrier()
    pltpu.sync_copy(acc_sh.at[pl.ds(s * rpt, rpt)],
                    degp_hbm.at[c, pl.ds(s * rpt, rpt)])


def _make_hist(cpw, rows, rpt):
    return pl.kernel(
        partial(_hist_body, cpw, rpt),
        out_type=jax.ShapeDtypeStruct((NC, rows, 16), jnp.float32),
        mesh=_mesh(),
        compiler_params=pltpu.CompilerParams(use_tc_tiling_on_sc=False),
        scratch_types=[
            pltpu.VMEM((cpw, CHUNK), jnp.int32),
            pltpu.VMEM((CHUNK, 16), jnp.float32),
            pltpu.VMEM_SHARED((rows, 16), jnp.float32),
        ],
    )


def _agg_body(cpw, rpt, d, nbuf, ih, src_hbm, dst_hbm, table_hbm, zeros_hbm,
              part_hbm, sidx_v, didx_v, rbuf_v, acc_sh, gsem):
    c = lax.axis_index("c")
    s = lax.axis_index("s")
    wid = s * NC + c
    hpc = cpw // ih
    pltpu.sync_copy(zeros_hbm, acc_sh.at[pl.ds(s * rpt, rpt)])
    plsc.subcore_barrier()

    def gather_start(ch, b):
        pltpu.async_copy(table_hbm.at[sidx_v.at[ch]], rbuf_v.at[b], gsem.at[b])

    def gather_wait(ch, b):
        pltpu.make_async_copy(table_hbm.at[sidx_v.at[ch]], rbuf_v.at[b],
                              gsem.at[b]).wait()

    for h in range(ih):
        base = wid * cpw + h * hpc
        pltpu.sync_copy(src_hbm.at[pl.ds(base, hpc)], sidx_v)
        pltpu.sync_copy(dst_hbm.at[pl.ds(base, hpc)], didx_v)
        for b in range(nbuf):
            gather_start(b, b)

        def rnd(g, carry):
            for b in range(nbuf):
                lch = g * nbuf + b
                gather_wait(lch, b)
                pltpu.sync_copy(rbuf_v.at[b], acc_sh.at[didx_v.at[lch]],
                                add=True)
                gather_start(lch + nbuf, b)
            return carry

        lax.fori_loop(0, hpc // nbuf - 1, rnd, 0)
        for b in range(nbuf):
            lch = hpc - nbuf + b
            gather_wait(lch, b)
            pltpu.sync_copy(rbuf_v.at[b], acc_sh.at[didx_v.at[lch]], add=True)

    plsc.subcore_barrier()
    pltpu.sync_copy(acc_sh.at[pl.ds(s * rpt, rpt)],
                    part_hbm.at[c, pl.ds(s * rpt, rpt)])


def _make_agg(cpw, rows, rpt, d):
    nbuf = 8
    ih = 2 if d > 64 else 1
    return pl.kernel(
        partial(_agg_body, cpw, rpt, d, nbuf, ih),
        out_type=jax.ShapeDtypeStruct((NC, rows, d), jnp.bfloat16),
        mesh=_mesh(),
        compiler_params=pltpu.CompilerParams(use_tc_tiling_on_sc=False),
        scratch_types=[
            pltpu.VMEM((cpw // ih, CHUNK), jnp.int32),
            pltpu.VMEM((cpw // ih, CHUNK), jnp.int32),
            pltpu.VMEM((nbuf, CHUNK, d), jnp.bfloat16),
            pltpu.VMEM_SHARED((rows, d), jnp.bfloat16),
            pltpu.SemaphoreType.DMA((nbuf,)),
        ],
    )


def _scale_body(degp_ref, x_ref, dinv_ref, y1_ref):
    d = 1.0 + degp_ref[0, :, 0:1] + degp_ref[1, :, 0:1]
    dv = jax.lax.rsqrt(d)
    dinv_ref[...] = dv
    y1_ref[...] = (dv * x_ref[...]).astype(jnp.bfloat16)


def _make_scale(n, rows, in_c, blk):
    grid = -(-rows // blk)
    return pl.pallas_call(
        _scale_body,
        grid=(grid,),
        in_specs=[
            pl.BlockSpec((NC, blk, 16), lambda i: (0, i, 0)),
            pl.BlockSpec((blk, in_c), lambda i: (i, 0)),
        ],
        out_specs=[
            pl.BlockSpec((blk, 1), lambda i: (i, 0)),
            pl.BlockSpec((blk, in_c), lambda i: (i, 0)),
        ],
        out_shape=[
            jax.ShapeDtypeStruct((rows, 1), jnp.float32),
            jax.ShapeDtypeStruct((n, in_c), jnp.bfloat16),
        ],
    )


def _mid_body(y1_ref, p_ref, dinv_ref, w1_ref, b1_ref, w2_ref, y2_ref):
    s1 = (y1_ref[...].astype(jnp.float32)
          + p_ref[0].astype(jnp.float32) + p_ref[1].astype(jnp.float32))
    t = dinv_ref[...] * s1
    h = jnp.dot(t, w1_ref[...], precision=_HIGH) + b1_ref[...]
    h = jnp.maximum(h, 0.0)
    y2 = dinv_ref[...] * jnp.dot(h, w2_ref[...], precision=_HIGH)
    y2_ref[...] = y2.astype(jnp.bfloat16)


def _make_mid(n, rows, in_c, hid_c, outp, blk):
    grid = -(-rows // blk)
    return pl.pallas_call(
        _mid_body,
        grid=(grid,),
        in_specs=[
            pl.BlockSpec((blk, in_c), lambda i: (i, 0)),
            pl.BlockSpec((NC, blk, in_c), lambda i: (0, i, 0)),
            pl.BlockSpec((blk, 1), lambda i: (i, 0)),
            pl.BlockSpec((in_c, hid_c), lambda i: (0, 0)),
            pl.BlockSpec((1, hid_c), lambda i: (0, 0)),
            pl.BlockSpec((hid_c, outp), lambda i: (0, 0)),
        ],
        out_specs=pl.BlockSpec((blk, outp), lambda i: (i, 0)),
        out_shape=jax.ShapeDtypeStruct((n, outp), jnp.bfloat16),
    )


def _fin_body(out_c, y2_ref, q_ref, dinv_ref, b2_ref, out_ref):
    z = (y2_ref[...].astype(jnp.float32) + q_ref[0].astype(jnp.float32)
         + q_ref[1].astype(jnp.float32))[:, :out_c]
    z = dinv_ref[...] * z + b2_ref[...]
    m = jnp.max(z, axis=1, keepdims=True)
    e = z - m
    out_ref[...] = e - jnp.log(jnp.sum(jnp.exp(e), axis=1, keepdims=True))


def _make_fin(n, rows, outp, out_c, blk):
    grid = -(-rows // blk)
    return pl.pallas_call(
        partial(_fin_body, out_c),
        grid=(grid,),
        in_specs=[
            pl.BlockSpec((blk, outp), lambda i: (i, 0)),
            pl.BlockSpec((NC, blk, outp), lambda i: (0, i, 0)),
            pl.BlockSpec((blk, 1), lambda i: (i, 0)),
            pl.BlockSpec((1, out_c), lambda i: (0, 0)),
        ],
        out_specs=pl.BlockSpec((blk, out_c), lambda i: (i, 0)),
        out_shape=jax.ShapeDtypeStruct((n, out_c), jnp.float32),
    )


@jax.jit
def kernel(x, edge_index, W1, b1, W2, b2):
    n, in_c = x.shape
    hid_c = W1.shape[1]
    out_c = W2.shape[1]
    outp = -(-out_c // 32) * 32
    e0 = edge_index.shape[1]

    cpw = (-(-e0 // (NW * CHUNK)) + 7) // 8 * 8
    ep = NW * CHUNK * cpw
    rpt = (-(-(n + 1) // NS) + 7) // 8 * 8
    rows = NS * rpt

    src = edge_index[0].astype(jnp.int32)
    dst = edge_index[1].astype(jnp.int32)
    pad = ep - e0
    pad_dst = n + jnp.arange(pad, dtype=jnp.int32) % (rows - n)
    pad_src = jnp.arange(pad, dtype=jnp.int32) % n
    src2 = jnp.concatenate([src, pad_src]).reshape(-1, CHUNK)
    dst2 = jnp.concatenate([dst, pad_dst]).reshape(-1, CHUNK)

    degp = _make_hist(cpw, rows, rpt)(
        dst2, jnp.zeros((rpt, 16), jnp.float32), jnp.ones((CHUNK, 16), jnp.float32))

    blk = 2048
    dinv, y1 = _make_scale(n, rows, in_c, blk)(degp, x)

    p = _make_agg(cpw, rows, rpt, in_c)(
        src2, dst2, y1, jnp.zeros((rpt, in_c), jnp.bfloat16))

    w2p = jnp.concatenate([W2, jnp.zeros((hid_c, outp - out_c), W2.dtype)], axis=1)
    y2 = _make_mid(n, rows, in_c, hid_c, outp, blk)(
        y1, p, dinv, W1, b1.reshape(1, hid_c), w2p)

    q = _make_agg(cpw, rows, rpt, outp)(
        src2, dst2, y2, jnp.zeros((rpt, outp), jnp.bfloat16))

    out = _make_fin(n, rows, outp, out_c, blk)(
        y2, q, dinv, b2.reshape(1, out_c))
    return out

# --- scband reference (transcript-rebuilt; emitter-appended) ---
"""Pipeline reference for scband-gcnmodel-24507083391315 (READ-ONLY COPY).

The authoritative reference and input builder live on the scoring server;
editing this copy changes nothing except your own understanding.
"""

import jax, jax.numpy as jnp
import numpy as np

N = 10000
E = 320000
IN_C = 128
HID_C = 128
OUT_C = 40


def setup_inputs(seed: int = 0) -> dict:
    key = jax.random.key(seed)
    k1, k2, k3, k4 = jax.random.split(key, 4)
    x = jax.random.normal(k1, (N, IN_C), dtype=jnp.float32)
    edge_index = jax.random.randint(k2, (2, E), 0, N)
    W1 = jax.random.normal(k3, (IN_C, HID_C), dtype=jnp.float32) * (1.0 / np.sqrt(IN_C))
    b1 = jnp.zeros((HID_C,), dtype=jnp.float32)
    W2 = jax.random.normal(k4, (HID_C, OUT_C), dtype=jnp.float32) * (1.0 / np.sqrt(HID_C))
    b2 = jnp.zeros((OUT_C,), dtype=jnp.float32)
    return {"x": x, "edge_index": edge_index, "W1": W1, "b1": b1, "W2": W2, "b2": b2}


def _gcn_conv(x, src, dst, norm, W, b, n_nodes):
    # GCNConv: x' = D^{-1/2} (A + I) D^{-1/2} X W + b
    h = x @ W
    msg = jnp.take(h, src, axis=0) * norm[:, None]
    out = jax.ops.segment_sum(msg, dst, num_segments=n_nodes)
    return out + b


def reference(x, edge_index, W1, b1, W2, b2):
    n_nodes = x.shape[0]
    # add self-loops (PyG GCNConv default)
    loop = jnp.arange(n_nodes, dtype=edge_index.dtype)
    src = jnp.concatenate([edge_index[0], loop])
    dst = jnp.concatenate([edge_index[1], loop])
    # symmetric normalization
    deg = jax.ops.segment_sum(jnp.ones(src.shape[0], dtype=x.dtype), dst, num_segments=n_nodes)
    deg_inv_sqrt = jnp.where(deg > 0, deg ** -0.5, 0.0)
    norm = deg_inv_sqrt[src] * deg_inv_sqrt[dst]
    h = _gcn_conv(x, src, dst, norm, W1, b1, n_nodes)
    h = jax.nn.relu(h)
    h = _gcn_conv(h, src, dst, norm, W2, b2, n_nodes)
    return jax.nn.log_softmax(h, axis=1)

if __name__ == "__main__":
    import jax
    _d = setup_inputs()
    print(jax.jit(kernel)(*tuple(_d.values())))

</pallas_src>

<mosaic_0001>
#map = affine_map<(d0, d1) -> (0, 0)>
#map1 = affine_map<(d0, d1) -> (0, 0, 0)>
module attributes {stable_mosaic.version = 14 : i64} {
  func.func @_hist_body(%arg0: i32, %arg1: i32, %arg2: memref<2560x128xi32, #tpu.memory_space<hbm>>, %arg3: memref<632x16xf32, #tpu.memory_space<hbm>>, %arg4: memref<128x16xf32, #tpu.memory_space<hbm>>, %arg5: memref<2x10112x16xf32, #tpu.memory_space<hbm>>, %arg6: memref<80x128xi32, #tpu.memory_space<vmem>>, %arg7: memref<128x16xf32, #tpu.memory_space<vmem>>, %arg8: memref<10112x16xf32, #tpu.memory_space<vmem_shared>>) attributes {dimension_semantics = [#tpu.dimension_semantics<core_parallel>, #tpu.dimension_semantics<subcore_parallel>], iteration_bounds = array<i64: 2, 16>, scalar_prefetch = 0 : i64, scratch_operands = 3 : i64, tpu.core_type = #tpu.core_type<sc_vector_subcore>, window_params = [{transform_indices = #map}, {transform_indices = #map}, {transform_indices = #map}, {transform_indices = #map1}]} {
    %mul3A = arith.constant 2 : i32
    %mul3A_0 = arith.muli %arg1, %mul3A : i32
    %add3A = arith.addi %mul3A_0, %arg0 : i32
    %mul3A_1 = arith.constant 632 : i32
    %mul3A_2 = arith.muli %arg1, %mul3A_1 : i32
    "tpu.region"() ({
      %run_scoped3A = tpu.sem_alloc : memref<!tpu.dma_semaphore, #tpu.memory_space<semaphore_mem>>
      %dma_start3A = arith.constant 0 : i32
      %dma_start3A_15 = tpu.memref_slice %arg8[%mul3A_2, %dma_start3A] : memref<10112x16xf32, #tpu.memory_space<vmem_shared>> -> memref<632x16xf32, #tpu.memory_space<vmem_shared>>
      tpu.enqueue_dma source(%arg3 : memref<632x16xf32, #tpu.memory_space<hbm>>) target(%dma_start3A_15 : memref<632x16xf32, #tpu.memory_space<vmem_shared>>) target_semaphore(%run_scoped3A : memref<!tpu.dma_semaphore, #tpu.memory_space<semaphore_mem>>)
      %dma_wait3A = arith.constant 0 : i32
      %dma_wait3A_16 = tpu.memref_slice %arg8[%mul3A_2, %dma_wait3A] : memref<10112x16xf32, #tpu.memory_space<vmem_shared>> -> memref<632x16xf32, #tpu.memory_space<vmem_shared>>
      tpu.wait_dma2 semaphore(%run_scoped3A : memref<!tpu.dma_semaphore, #tpu.memory_space<semaphore_mem>>) src(%arg3 : memref<632x16xf32, #tpu.memory_space<hbm>>) dst(%dma_wait3A_16 : memref<632x16xf32, #tpu.memory_space<vmem_shared>>)
      tpu.yield
    }) : () -> ()
    "tpu.region"() ({
      %run_scoped3A = tpu.sem_alloc : memref<!tpu.dma_semaphore, #tpu.memory_space<semaphore_mem>>
      tpu.enqueue_dma source(%arg4 : memref<128x16xf32, #tpu.memory_space<hbm>>) target(%arg7 : memref<128x16xf32, #tpu.memory_space<vmem>>) target_semaphore(%run_scoped3A : memref<!tpu.dma_semaphore, #tpu.memory_space<semaphore_mem>>)
      tpu.wait_dma2 semaphore(%run_scoped3A : memref<!tpu.dma_semaphore, #tpu.memory_space<semaphore_mem>>) src(%arg4 : memref<128x16xf32, #tpu.memory_space<hbm>>) dst(%arg7 : memref<128x16xf32, #tpu.memory_space<vmem>>)
      tpu.yield
    }) : () -> ()
    %mul3A_3 = arith.constant 80 : i32
    %mul3A_4 = arith.muli %add3A, %mul3A_3 : i32
    "tpu.region"() ({
      %run_scoped3A = tpu.sem_alloc : memref<!tpu.dma_semaphore, #tpu.memory_space<semaphore_mem>>
      %dma_start3A = arith.constant 0 : i32
      %dma_start3A_15 = tpu.memref_slice %arg2[%mul3A_4, %dma_start3A] : memref<2560x128xi32, #tpu.memory_space<hbm>> -> memref<80x128xi32, #tpu.memory_space<hbm>>
      %dma_start3A_16 = arith.constant 0 : i32
      %dma_start3A_17 = tpu.memref_slice %arg2[%mul3A_4, %dma_start3A_16] : memref<2560x128xi32, #tpu.memory_space<hbm>> -> memref<80x128xi32, #tpu.memory_space<hbm>>
      tpu.enqueue_dma source(%dma_start3A_17 : memref<80x128xi32, #tpu.memory_space<hbm>>) target(%arg6 : memref<80x128xi32, #tpu.memory_space<vmem>>) target_semaphore(%run_scoped3A : memref<!tpu.dma_semaphore, #tpu.memory_space<semaphore_mem>>)
      %dma_wait3A = arith.constant 0 : i32
      %dma_wait3A_18 = tpu.memref_slice %arg2[%mul3A_4, %dma_wait3A] : memref<2560x128xi32, #tpu.memory_space<hbm>> -> memref<80x128xi32, #tpu.memory_space<hbm>>
      %dma_wait3A_19 = arith.constant 0 : i32
      %dma_wait3A_20 = tpu.memref_slice %arg2[%mul3A_4, %dma_wait3A_19] : memref<2560x128xi32, #tpu.memory_space<hbm>> -> memref<80x128xi32, #tpu.memory_space<hbm>>
      tpu.wait_dma2 semaphore(%run_scoped3A : memref<!tpu.dma_semaphore, #tpu.memory_space<semaphore_mem>>) src(%dma_wait3A_20 : memref<80x128xi32, #tpu.memory_space<hbm>>) dst(%arg6 : memref<80x128xi32, #tpu.memory_space<vmem>>)
      tpu.yield
    }) : () -> ()
    %barrier3A = arith.constant 0 : index
    tpu.barrier barrier_id(%barrier3A)
    %scan3A = arith.constant 0 : i32
    %scan3A_5 = arith.constant 0 : i32
    %scan3A_6 = arith.constant 80 : i32
    %scan3A_7 = arith.addi %scan3A_5, %scan3A_6 : i32
    %scan3A_8 = arith.constant 1 : i32
    scf.for %scan3A_15 = %scan3A_5 to %scan3A_7 step %scan3A_8  : i32 {
      "tpu.region"() ({
        %run_scoped3A = tpu.sem_alloc : memref<!tpu.dma_semaphore, #tpu.memory_space<semaphore_mem>>
        %dma_start3A = arith.constant 0 : i32
        %dma_start3A_16 = tpu.memref_slice %arg6[%scan3A_15, %dma_start3A] : memref<80x128xi32, #tpu.memory_space<vmem>> -> memref<1x128xi32, #tpu.memory_space<vmem>>
        %dma_start3A_17 = tpu.memref_squeeze %dma_start3A_16 : memref<1x128xi32, #tpu.memory_space<vmem>> -> memref<128xi32, #tpu.memory_space<vmem>>
        %dma_start3A_18 = arith.constant 0 : i32
        %dma_start3A_19 = arith.constant 0 : i32
        %dma_start3A_20 = tpu.memref_slice %arg8[%dma_start3A_18, %dma_start3A_19] : memref<10112x16xf32, #tpu.memory_space<vmem_shared>> -> memref<10112x16xf32, #tpu.memory_space<vmem_shared>>
        tpu.enqueue_indirect_dma source(%arg7 : memref<128x16xf32, #tpu.memory_space<vmem>>) target(%dma_start3A_20 : memref<10112x16xf32, #tpu.memory_space<vmem_shared>>) offsets(%dma_start3A_17 : memref<128xi32, #tpu.memory_space<vmem>>) semaphore(%run_scoped3A : memref<!tpu.dma_semaphore, #tpu.memory_space<semaphore_mem>>) {add = true}
        %dma_wait3A = arith.constant 0 : i32
        %dma_wait3A_21 = tpu.memref_slice %arg6[%scan3A_15, %dma_wait3A] : memref<80x128xi32, #tpu.memory_space<vmem>> -> memref<1x128xi32, #tpu.memory_space<vmem>>
        %dma_wait3A_22 = tpu.memref_squeeze %dma_wait3A_21 : memref<1x128xi32, #tpu.memory_space<vmem>> -> memref<128xi32, #tpu.memory_space<vmem>>
        %dma_wait3A_23 = arith.constant 0 : i32
        %dma_wait3A_24 = arith.constant 0 : i32
        %dma_wait3A_25 = tpu.memref_slice %arg8[%dma_wait3A_23, %dma_wait3A_24] : memref<10112x16xf32, #tpu.memory_space<vmem_shared>> -> memref<10112x16xf32, #tpu.memory_space<vmem_shared>>
        tpu.wait_indirect_dma semaphore(%run_scoped3A : memref<!tpu.dma_semaphore, #tpu.memory_space<semaphore_mem>>) src(%arg7 : memref<128x16xf32, #tpu.memory_space<vmem>>) dst(%dma_wait3A_25 : memref<10112x16xf32, #tpu.memory_space<vmem_shared>>)
        tpu.yield
      }) : () -> ()
    }
    %scan3A_9 = arith.constant 80 : i32
    %barrier3A_10 = arith.constant 0 : index
    tpu.barrier barrier_id(%barrier3A_10)
    %mul3A_11 = arith.constant 632 : i32
    %mul3A_12 = arith.muli %arg1, %mul3A_11 : i32
    %mul3A_13 = arith.constant 632 : i32
    %mul3A_14 = arith.muli %arg1, %mul3A_13 : i32
    "tpu.region"() ({
      %run_scoped3A = tpu.sem_alloc : memref<!tpu.dma_semaphore, #tpu.memory_space<semaphore_mem>>
      %dma_start3A = arith.constant 0 : i32
      %dma_start3A_15 = tpu.memref_slice %arg5[%arg0, %mul3A_14, %dma_start3A] : memref<2x10112x16xf32, #tpu.memory_space<hbm>> -> memref<1x632x16xf32, #tpu.memory_space<hbm>>
      %dma_start3A_16 = tpu.memref_squeeze %dma_start3A_15 : memref<1x632x16xf32, #tpu.memory_space<hbm>> -> memref<632x16xf32, #tpu.memory_space<hbm>>
      %dma_start3A_17 = arith.constant 0 : i32
      %dma_start3A_18 = tpu.memref_slice %arg8[%mul3A_12, %dma_start3A_17] : memref<10112x16xf32, #tpu.memory_space<vmem_shared>> -> memref<632x16xf32, #tpu.memory_space<vmem_shared>>
      tpu.enqueue_dma source(%dma_start3A_18 : memref<632x16xf32, #tpu.memory_space<vmem_shared>>) target(%dma_start3A_16 : memref<632x16xf32, #tpu.memory_space<hbm>>) target_semaphore(%run_scoped3A : memref<!tpu.dma_semaphore, #tpu.memory_space<semaphore_mem>>)
      %dma_wait3A = arith.constant 0 : i32
      %dma_wait3A_19 = tpu.memref_slice %arg5[%arg0, %mul3A_14, %dma_wait3A] : memref<2x10112x16xf32, #tpu.memory_space<hbm>> -> memref<1x632x16xf32, #tpu.memory_space<hbm>>
      %dma_wait3A_20 = tpu.memref_squeeze %dma_wait3A_19 : memref<1x632x16xf32, #tpu.memory_space<hbm>> -> memref<632x16xf32, #tpu.memory_space<hbm>>
      %dma_wait3A_21 = arith.constant 0 : i32
      %dma_wait3A_22 = tpu.memref_slice %arg8[%mul3A_12, %dma_wait3A_21] : memref<10112x16xf32, #tpu.memory_space<vmem_shared>> -> memref<632x16xf32, #tpu.memory_space<vmem_shared>>
      tpu.wait_dma2 semaphore(%run_scoped3A : memref<!tpu.dma_semaphore, #tpu.memory_space<semaphore_mem>>) src(%dma_wait3A_22 : memref<632x16xf32, #tpu.memory_space<vmem_shared>>) dst(%dma_wait3A_20 : memref<632x16xf32, #tpu.memory_space<hbm>>)
      tpu.yield
    }) : () -> ()
    return
  }
}

#map = affine_map<(d0, d1) -> (0, 0)>
#map1 = affine_map<(d0, d1) -> (0, 0, 0)>
module attributes {stable_mosaic.version = 14 : i64} {
  func.func @_agg_body(%arg0: i32, %arg1: i32, %arg2: memref<2560x128xi32, #tpu.memory_space<hbm>>, %arg3: memref<2560x128xi32, #tpu.memory_space<hbm>>, %arg4: memref<10000x128xbf16, #tpu.memory_space<hbm>>, %arg5: memref<632x128xbf16, #tpu.memory_space<hbm>>, %arg6: memref<2x10112x128xbf16, #tpu.memory_space<hbm>>, %arg7: memref<40x128xi32, #tpu.memory_space<vmem>>, %arg8: memref<40x128xi32, #tpu.memory_space<vmem>>, %arg9: memref<8x128x128xbf16, #tpu.memory_space<vmem>>, %arg10: memref<10112x128xbf16, #tpu.memory_space<vmem_shared>>, %arg11: memref<8x!tpu.dma_semaphore, #tpu.memory_space<semaphore_mem>>) attributes {dimension_semantics = [#tpu.dimension_semantics<core_parallel>, #tpu.dimension_semantics<subcore_parallel>], iteration_bounds = array<i64: 2, 16>, scalar_prefetch = 0 : i64, scratch_operands = 5 : i64, tpu.core_type = #tpu.core_type<sc_vector_subcore>, window_params = [{transform_indices = #map}, {transform_indices = #map}, {transform_indices = #map}, {transform_indices = #map}, {transform_indices = #map1}]} {
    %mul3A = arith.constant 2 : i32
    %mul3A_0 = arith.muli %arg1, %mul3A : i32
    %add3A = arith.addi %mul3A_0, %arg0 : i32
    %mul3A_1 = arith.constant 632 : i32
    %mul3A_2 = arith.muli %arg1, %mul3A_1 : i32
    "tpu.region"() ({
      %run_scoped3A_536 = tpu.sem_alloc : memref<!tpu.dma_semaphore, #tpu.memory_space<semaphore_mem>>
      %dma_start3A_537 = arith.constant 0 : i32
      %dma_start3A_538 = tpu.memref_slice %arg10[%mul3A_2, %dma_start3A_537] : memref<10112x128xbf16, #tpu.memory_space<vmem_shared>> -> memref<632x128xbf16, #tpu.memory_space<vmem_shared>>
      tpu.enqueue_dma source(%arg5 : memref<632x128xbf16, #tpu.memory_space<hbm>>) target(%dma_start3A_538 : memref<632x128xbf16, #tpu.memory_space<vmem_shared>>) target_semaphore(%run_scoped3A_536 : memref<!tpu.dma_semaphore, #tpu.memory_space<semaphore_mem>>)
      %dma_wait3A_539 = arith.constant 0 : i32
      %dma_wait3A_540 = tpu.memref_slice %arg10[%mul3A_2, %dma_wait3A_539] : memref<10112x128xbf16, #tpu.memory_space<vmem_shared>> -> memref<632x128xbf16, #tpu.memory_space<vmem_shared>>
      tpu.wait_dma2 semaphore(%run_scoped3A_536 : memref<!tpu.dma_semaphore, #tpu.memory_space<semaphore_mem>>) src(%arg5 : memref<632x128xbf16, #tpu.memory_space<hbm>>) dst(%dma_wait3A_540 : memref<632x128xbf16, #tpu.memory_space<vmem_shared>>)
      tpu.yield
    }) : () -> ()
    %barrier3A = arith.constant 0 : index
    tpu.barrier barrier_id(%barrier3A)
    %mul3A_3 = arith.constant 80 : i32
    %mul3A_4 = arith.muli %add3A, %mul3A_3 : i32
    %add3A_5 = arith.constant 0 : i32
    %add3A_6 = arith.addi %mul3A_4, %add3A_5 : i32
    "tpu.region"() ({
      %run_scoped3A_536 = tpu.sem_alloc : memref<!tpu.dma_semaphore, #tpu.memory_space<semaphore_mem>>
      %dma_start3A_537 = arith.constant 0 : i32
      %dma_start3A_538 = tpu.memref_slice %arg2[%add3A_6, %dma_start3A_537] : memref<2560x128xi32, #tpu.memory_space<hbm>> -> memref<40x128xi32, #tpu.memory_space<hbm>>
      %dma_start3A_539 = arith.constant 0 : i32
      %dma_start3A_540 = tpu.memref_slice %arg2[%add3A_6, %dma_start3A_539] : memref<2560x128xi32, #tpu.memory_space<hbm>> -> memref<40x128xi32, #tpu.memory_space<hbm>>
      tpu.enqueue_dma source(%dma_start3A_540 : memref<40x128xi32, #tpu.memory_space<hbm>>) target(%arg7 : memref<40x128xi32, #tpu.memory_space<vmem>>) target_semaphore(%run_scoped3A_536 : memref<!tpu.dma_semaphore, #tpu.memory_space<semaphore_mem>>)
      %dma_wait3A_541 = arith.constant 0 : i32
      %dma_wait3A_542 = tpu.memref_slice %arg2[%add3A_6, %dma_wait3A_541] : memref<2560x128xi32, #tpu.memory_space<hbm>> -> memref<40x128xi32, #tpu.memory_space<hbm>>
      %dma_wait3A_543 = arith.constant 0 : i32
      %dma_wait3A_544 = tpu.memref_slice %arg2[%add3A_6, %dma_wait3A_543] : memref<2560x128xi32, #tpu.memory_space<hbm>> -> memref<40x128xi32, #tpu.memory_space<hbm>>
      tpu.wait_dma2 semaphore(%run_scoped3A_536 : memref<!tpu.dma_semaphore, #tpu.memory_space<semaphore_mem>>) src(%dma_wait3A_544 : memref<40x128xi32, #tpu.memory_space<hbm>>) dst(%arg7 : memref<40x128xi32, #tpu.memory_space<vmem>>)
      tpu.yield
    }) : () -> ()
    "tpu.region"() ({
      %run_scoped3A_536 = tpu.sem_alloc : memref<!tpu.dma_semaphore, #tpu.memory_space<semaphore_mem>>
      %dma_start3A_537 = arith.constant 0 : i32
      %dma_start3A_538 = tpu.memref_slice %arg3[%add3A_6, %dma_start3A_537] : memref<2560x128xi32, #tpu.memory_space<hbm>> -> memref<40x128xi32, #tpu.memory_space<hbm>>
      %dma_start3A_539 = arith.constant 0 : i32
      %dma_start3A_540 = tpu.memref_slice %arg3[%add3A_6, %dma_start3A_539] : memref<2560x128xi32, #tpu.memory_space<hbm>> -> memref<40x128xi32, #tpu.memory_space<hbm>>
      tpu.enqueue_dma source(%dma_start3A_540 : memref<40x128xi32, #tpu.memory_space<hbm>>) target(%arg8 : memref<40x128xi32, #tpu.memory_space<vmem>>) target_semaphore(%run_scoped3A_536 : memref<!tpu.dma_semaphore, #tpu.memory_space<semaphore_mem>>)
      %dma_wait3A_541 = arith.constant 0 : i32
      %dma_wait3A_542 = tpu.memref_slice %arg3[%add3A_6, %dma_wait3A_541] : memref<2560x128xi32, #tpu.memory_space<hbm>> -> memref<40x128xi32, #tpu.memory_space<hbm>>
      %dma_wait3A_543 = arith.constant 0 : i32
      %dma_wait3A_544 = tpu.memref_slice %arg3[%add3A_6, %dma_wait3A_543] : memref<2560x128xi32, #tpu.memory_space<hbm>> -> memref<40x128xi32, #tpu.memory_space<hbm>>
      tpu.wait_dma2 semaphore(%run_scoped3A_536 : memref<!tpu.dma_semaphore, #tpu.memory_space<semaphore_mem>>) src(%dma_wait3A_544 : memref<40x128xi32, #tpu.memory_space<hbm>>) dst(%arg8 : memref<40x128xi32, #tpu.memory_space<vmem>>)
      tpu.yield
    }) : () -> ()
    %dma_start3A = arith.constant 0 : i32
    %dma_start3A_7 = arith.constant 0 : i32
    %dma_start3A_8 = arith.constant 0 : i32
    %dma_start3A_9 = arith.constant 0 : i32
    %dma_start3A_10 = arith.constant 0 : i32
    %dma_start3A_11 = tpu.memref_slice %arg9[%dma_start3A_7, %dma_start3A_9, %dma_start3A_10] : memref<8x128x128xbf16, #tpu.memory_space<vmem>> -> memref<1x128x128xbf16, #tpu.memory_space<vmem>>
    %dma_start3A_12 = tpu.memref_squeeze %dma_start3A_11 : memref<1x128x128xbf16, #tpu.memory_space<vmem>> -> memref<128x128xbf16, #tpu.memory_space<vmem>>
    %dma_start3A_13 = arith.constant 0 : i32
    %dma_start3A_14 = tpu.memref_slice %arg7[%dma_start3A, %dma_start3A_13] : memref<40x128xi32, #tpu.memory_space<vmem>> -> memref<1x128xi32, #tpu.memory_space<vmem>>
    %dma_start3A_15 = tpu.memref_squeeze %dma_start3A_14 : memref<1x128xi32, #tpu.memory_space<vmem>> -> memref<128xi32, #tpu.memory_space<vmem>>
    %dma_start3A_16 = arith.constant 0 : i32
    %dma_start3A_17 = arith.constant 0 : i32
    %dma_start3A_18 = tpu.memref_slice %arg4[%dma_start3A_16, %dma_start3A_17] : memref<10000x128xbf16, #tpu.memory_space<hbm>> -> memref<10000x128xbf16, #tpu.memory_space<hbm>>
    %dma_start3A_19 = tpu.memref_slice %arg11[%dma_start3A_8] : memref<8x!tpu.dma_semaphore, #tpu.memory_space<semaphore_mem>> -> memref<1x!tpu.dma_semaphore, #tpu.memory_space<semaphore_mem>>
    %dma_start3A_20 = tpu.memref_squeeze %dma_start3A_19 : memref<1x!tpu.dma_semaphore, #tpu.memory_space<semaphore_mem>> -> memref<!tpu.dma_semaphore, #tpu.memory_space<semaphore_mem>>
    tpu.enqueue_indirect_dma source(%dma_start3A_18 : memref<10000x128xbf16, #tpu.memory_space<hbm>>) target(%dma_start3A_12 : memref<128x128xbf16, #tpu.memory_space<vmem>>) offsets(%dma_start3A_15 : memref<128xi32, #tpu.memory_space<vmem>>) semaphore(%dma_start3A_20 : memref<!tpu.dma_semaphore, #tpu.memory_space<semaphore_mem>>)
    %dma_start3A_21 = arith.constant 1 : i32
    %dma_start3A_22 = arith.constant 1 : i32
    %dma_start3A_23 = arith.constant 1 : i32
    %dma_start3A_24 = arith.constant 0 : i32
    %dma_start3A_25 = arith.constant 0 : i32
    %dma_start3A_26 = tpu.memref_slice %arg9[%dma_start3A_22, %dma_start3A_24, %dma_start3A_25] : memref<8x128x128xbf16, #tpu.memory_space<vmem>> -> memref<1x128x128xbf16, #tpu.memory_space<vmem>>
    %dma_start3A_27 = tpu.memref_squeeze %dma_start3A_26 : memref<1x128x128xbf16, #tpu.memory_space<vmem>> -> memref<128x128xbf16, #tpu.memory_space<vmem>>
    %dma_start3A_28 = arith.constant 0 : i32
    %dma_start3A_29 = tpu.memref_slice %arg7[%dma_start3A_21, %dma_start3A_28] : memref<40x128xi32, #tpu.memory_space<vmem>> -> memref<1x128xi32, #tpu.memory_space<vmem>>
    %dma_start3A_30 = tpu.memref_squeeze %dma_start3A_29 : memref<1x128xi32, #tpu.memory_space<vmem>> -> memref<128xi32, #tpu.memory_space<vmem>>
    %dma_start3A_31 = arith.constant 0 : i32
    %dma_start3A_32 = arith.constant 0 : i32
    %dma_start3A_33 = tpu.memref_slice %arg4[%dma_start3A_31, %dma_start3A_32] : memref<10000x128xbf16, #tpu.memory_space<hbm>> -> memref<10000x128xbf16, #tpu.memory_space<hbm>>
    %dma_start3A_34 = tpu.memref_slice %arg11[%dma_start3A_23] : memref<8x!tpu.dma_semaphore, #tpu.memory_space<semaphore_mem>> -> memref<1x!tpu.dma_semaphore, #tpu.memory_space<semaphore_mem>>
    %dma_start3A_35 = tpu.memref_squeeze %dma_start3A_34 : memref<1x!tpu.dma_semaphore, #tpu.memory_space<semaphore_mem>> -> memref<!tpu.dma_semaphore, #tpu.memory_space<semaphore_mem>>
    tpu.enqueue_indirect_dma source(%dma_start3A_33 : memref<10000x128xbf16, #tpu.memory_space<hbm>>) target(%dma_start3A_27 : memref<128x128xbf16, #tpu.memory_space<vmem>>) offsets(%dma_start3A_30 : memref<128xi32, #tpu.memory_space<vmem>>) semaphore(%dma_start3A_35 : memref<!tpu.dma_semaphore, #tpu.memory_space<semaphore_mem>>)
    %dma_start3A_36 = arith.constant 2 : i32
    %dma_start3A_37 = arith.constant 2 : i32
    %dma_start3A_38 = arith.constant 2 : i32
    %dma_start3A_39 = arith.constant 0 : i32
    %dma_start3A_40 = arith.constant 0 : i32
    %dma_start3A_41 = tpu.memref_slice %arg9[%dma_start3A_37, %dma_start3A_39, %dma_start3A_40] : memref<8x128x128xbf16, #tpu.memory_space<vmem>> -> memref<1x128x128xbf16, #tpu.memory_space<vmem>>
    %dma_start3A_42 = tpu.memref_squeeze %dma_start3A_41 : memref<1x128x128xbf16, #tpu.memory_space<vmem>> -> memref<128x128xbf16, #tpu.memory_space<vmem>>
    %dma_start3A_43 = arith.constant 0 : i32
    %dma_start3A_44 = tpu.memref_slice %arg7[%dma_start3A_36, %dma_start3A_43] : memref<40x128xi32, #tpu.memory_space<vmem>> -> memref<1x128xi32, #tpu.memory_space<vmem>>
    %dma_start3A_45 = tpu.memref_squeeze %dma_start3A_44 : memref<1x128xi32, #tpu.memory_space<vmem>> -> memref<128xi32, #tpu.memory_space<vmem>>
    %dma_start3A_46 = arith.constant 0 : i32
    %dma_start3A_47 = arith.constant 0 : i32
    %dma_start3A_48 = tpu.memref_slice %arg4[%dma_start3A_46, %dma_start3A_47] : memref<10000x128xbf16, #tpu.memory_space<hbm>> -> memref<10000x128xbf16, #tpu.memory_space<hbm>>
    %dma_start3A_49 = tpu.memref_slice %arg11[%dma_start3A_38] : memref<8x!tpu.dma_semaphore, #tpu.memory_space<semaphore_mem>> -> memref<1x!tpu.dma_semaphore, #tpu.memory_space<semaphore_mem>>
    %dma_start3A_50 = tpu.memref_squeeze %dma_start3A_49 : memref<1x!tpu.dma_semaphore, #tpu.memory_space<semaphore_mem>> -> memref<!tpu.dma_semaphore, #tpu.memory_space<semaphore_mem>>
    tpu.enqueue_indirect_dma source(%dma_start3A_48 : memref<10000x128xbf16, #tpu.memory_space<hbm>>) target(%dma_start3A_42 : memref<128x128xbf16, #tpu.memory_space<vmem>>) offsets(%dma_start3A_45 : memref<128xi32, #tpu.memory_space<vmem>>) semaphore(%dma_start3A_50 : memref<!tpu.dma_semaphore, #tpu.memory_space<semaphore_mem>>)
    %dma_start3A_51 = arith.constant 3 : i32
    %dma_start3A_52 = arith.constant 3 : i32
    %dma_start3A_53 = arith.constant 3 : i32
    %dma_start3A_54 = arith.constant 0 : i32
    %dma_start3A_55 = arith.constant 0 : i32
    %dma_start3A_56 = tpu.memref_slice %arg9[%dma_start3A_52, %dma_start3A_54, %dma_start3A_55] : memref<8x128x128xbf16, #tpu.memory_space<vmem>> -> memref<1x128x128xbf16, #tpu.memory_space<vmem>>
    %dma_start3A_57 = tpu.memref_squeeze %dma_start3A_56 : memref<1x128x128xbf16, #tpu.memory_space<vmem>> -> memref<128x128xbf16, #tpu.memory_space<vmem>>
    %dma_start3A_58 = arith.constant 0 : i32
    %dma_start3A_59 = tpu.memref_slice %arg7[%dma_start3A_51, %dma_start3A_58] : memref<40x128xi32, #tpu.memory_space<vmem>> -> memref<1x128xi32, #tpu.memory_space<vmem>>
    %dma_start3A_60 = tpu.memref_squeeze %dma_start3A_59 : memref<1x128xi32, #tpu.memory_space<vmem>> -> memref<128xi32, #tpu.memory_space<vmem>>
    %dma_start3A_61 = arith.constant 0 : i32
    %dma_start3A_62 = arith.constant 0 : i32
    %dma_start3A_63 = tpu.memref_slice %arg4[%dma_start3A_61, %dma_start3A_62] : memref<10000x128xbf16, #tpu.memory_space<hbm>> -> memref<10000x128xbf16, #tpu.memory_space<hbm>>
    %dma_start3A_64 = tpu.memref_slice %arg11[%dma_start3A_53] : memref<8x!tpu.dma_semaphore, #tpu.memory_space<semaphore_mem>> -> memref<1x!tpu.dma_semaphore, #tpu.memory_space<semaphore_mem>>
    %dma_start3A_65 = tpu.memref_squeeze %dma_start3A_64 : memref<1x!tpu.dma_semaphore, #tpu.memory_space<semaphore_mem>> -> memref<!tpu.dma_semaphore, #tpu.memory_space<semaphore_mem>>
    tpu.enqueue_indirect_dma source(%dma_start3A_63 : memref<10000x128xbf16, #tpu.memory_space<hbm>>) target(%dma_start3A_57 : memref<128x128xbf16, #tpu.memory_space<vmem>>) offsets(%dma_start3A_60 : memref<128xi32, #tpu.memory_space<vmem>>) semaphore(%dma_start3A_65 : memref<!tpu.dma_semaphore, #tpu.memory_space<semaphore_mem>>)
    %dma_start3A_66 = arith.constant 4 : i32
    %dma_start3A_67 = arith.constant 4 : i32
    %dma_start3A_68 = arith.constant 4 : i32
    %dma_start3A_69 = arith.constant 0 : i32
    %dma_start3A_70 = arith.constant 0 : i32
    %dma_start3A_71 = tpu.memref_slice %arg9[%dma_start3A_67, %dma_start3A_69, %dma_start3A_70] : memref<8x128x128xbf16, #tpu.memory_space<vmem>> -> memref<1x128x128xbf16, #tpu.memory_space<vmem>>
    %dma_start3A_72 = tpu.memref_squeeze %dma_start3A_71 : memref<1x128x128xbf16, #tpu.memory_space<vmem>> -> memref<128x128xbf16, #tpu.memory_space<vmem>>
    %dma_start3A_73 = arith.constant 0 : i32
    %dma_start3A_74 = tpu.memref_slice %arg7[%dma_start3A_66, %dma_start3A_73] : memref<40x128xi32, #tpu.memory_space<vmem>> -> memref<1x128xi32, #tpu.memory_space<vmem>>
    %dma_start3A_75 = tpu.memref_squeeze %dma_start3A_74 : memref<1x128xi32, #tpu.memory_space<vmem>> -> memref<128xi32, #tpu.memory_space<vmem>>
    %dma_start3A_76 = arith.constant 0 : i32
    %dma_start3A_77 = arith.constant 0 : i32
    %dma_start3A_78 = tpu.memref_slice %arg4[%dma_start3A_76, %dma_start3A_77] : memref<10000x128xbf16, #tpu.memory_space<hbm>> -> memref<10000x128xbf16, #tpu.memory_space<hbm>>
    %dma_start3A_79 = tpu.memref_slice %arg11[%dma_start3A_68] : memref<8x!tpu.dma_semaphore, #tpu.memory_space<semaphore_mem>> -> memref<1x!tpu.dma_semaphore, #tpu.memory_space<semaphore_mem>>
    %dma_start3A_80 = tpu.memref_squeeze %dma_start3A_79 : memref<1x!tpu.dma_semaphore, #tpu.memory_space<semaphore_mem>> -> memref<!tpu.dma_semaphore, #tpu.memory_space<semaphore_mem>>
    tpu.enqueue_indirect_dma source(%dma_start3A_78 : memref<10000x128xbf16, #tpu.memory_space<hbm>>) target(%dma_start3A_72 : memref<128x128xbf16, #tpu.memory_space<vmem>>) offsets(%dma_start3A_75 : memref<128xi32, #tpu.memory_space<vmem>>) semaphore(%dma_start3A_80 : memref<!tpu.dma_semaphore, #tpu.memory_space<semaphore_mem>>)
    %dma_start3A_81 = arith.constant 5 : i32
    %dma_start3A_82 = arith.constant 5 : i32
    %dma_start3A_83 = arith.constant 5 : i32
    %dma_start3A_84 = arith.constant 0 : i32
    %dma_start3A_85 = arith.constant 0 : i32
    %dma_start3A_86 = tpu.memref_slice %arg9[%dma_start3A_82, %dma_start3A_84, %dma_start3A_85] : memref<8x128x128xbf16, #tpu.memory_space<vmem>> -> memref<1x128x128xbf16, #tpu.memory_space<vmem>>
    %dma_start3A_87 = tpu.memref_squeeze %dma_start3A_86 : memref<1x128x128xbf16, #tpu.memory_space<vmem>> -> memref<128x128xbf16, #tpu.memory_space<vmem>>
    %dma_start3A_88 = arith.constant 0 : i32
    %dma_start3A_89 = tpu.memref_slice %arg7[%dma_start3A_81, %dma_start3A_88] : memref<40x128xi32, #tpu.memory_space<vmem>> -> memref<1x128xi32, #tpu.memory_space<vmem>>
    %dma_start3A_90 = tpu.memref_squeeze %dma_start3A_89 : memref<1x128xi32, #tpu.memory_space<vmem>> -> memref<128xi32, #tpu.memory_space<vmem>>
    %dma_start3A_91 = arith.constant 0 : i32
    %dma_start3A_92 = arith.constant 0 : i32
    %dma_start3A_93 = tpu.memref_slice %arg4[%dma_start3A_91, %dma_start3A_92] : memref<10000x128xbf16, #tpu.memory_space<hbm>> -> memref<10000x128xbf16, #tpu.memory_space<hbm>>
    %dma_start3A_94 = tpu.memref_slice %arg11[%dma_start3A_83] : memref<8x!tpu.dma_semaphore, #tpu.memory_space<semaphore_mem>> -> memref<1x!tpu.dma_semaphore, #tpu.memory_space<semaphore_mem>>
    %dma_start3A_95 = tpu.memref_squeeze %dma_start3A_94 : memref<1x!tpu.dma_semaphore, #tpu.memory_space<semaphore_mem>> -> memref<!tpu.dma_semaphore, #tpu.memory_space<semaphore_mem>>
    tpu.enqueue_indirect_dma source(%dma_start3A_93 : memref<10000x128xbf16, #tpu.memory_space<hbm>>) target(%dma_start3A_87 : memref<128x128xbf16, #tpu.memory_space<vmem>>) offsets(%dma_start3A_90 : memref<128xi32, #tpu.memory_space<vmem>>) semaphore(%dma_start3A_95 : memref<!tpu.dma_semaphore, #tpu.memory_space<semaphore_mem>>)
    %dma_start3A_96 = arith.constant 6 : i32
    %dma_start3A_97 = arith.constant 6 : i32
    %dma_start3A_98 = arith.constant 6 : i32
    %dma_start3A_99 = arith.constant 0 : i32
    %dma_start3A_100 = arith.constant 0 : i32
    %dma_start3A_101 = tpu.memref_slice %arg9[%dma_start3A_97, %dma_start3A_99, %dma_start3A_100] : memref<8x128x128xbf16, #tpu.memory_space<vmem>> -> memref<1x128x128xbf16, #tpu.memory_space<vmem>>
    %dma_start3A_102 = tpu.memref_squeeze %dma_start3A_101 : memref<1x128x128xbf16, #tpu.memory_space<vmem>> -> memref<128x128xbf16, #tpu.memory_space<vmem>>
    %dma_start3A_103 = arith.constant 0 : i32
    %dma_start3A_104 = tpu.memref_slice %arg7[%dma_start3A_96, %dma_start3A_103] : memref<40x128xi32, #tpu.memory_space<vmem>> -> memref<1x128xi32, #tpu.memory_space<vmem>>
    %dma_start3A_105 = tpu.memref_squeeze %dma_start3A_104 : memref<1x128xi32, #tpu.memory_space<vmem>> -> memref<128xi32, #tpu.memory_space<vmem>>
    %dma_start3A_106 = arith.constant 0 : i32
    %dma_start3A_107 = arith.constant 0 : i32
    %dma_start3A_108 = tpu.memref_slice %arg4[%dma_start3A_106, %dma_start3A_107] : memref<10000x128xbf16, #tpu.memory_space<hbm>> -> memref<10000x128xbf16, #tpu.memory_space<hbm>>
    %dma_start3A_109 = tpu.memref_slice %arg11[%dma_start3A_98] : memref<8x!tpu.dma_semaphore, #tpu.memory_space<semaphore_mem>> -> memref<1x!tpu.dma_semaphore, #tpu.memory_space<semaphore_mem>>
    %dma_start3A_110 = tpu.memref_squeeze %dma_start3A_109 : memref<1x!tpu.dma_semaphore, #tpu.memory_space<semaphore_mem>> -> memref<!tpu.dma_semaphore, #tpu.memory_space<semaphore_mem>>
    tpu.enqueue_indirect_dma source(%dma_start3A_108 : memref<10000x128xbf16, #tpu.memory_space<hbm>>) target(%dma_start3A_102 : memref<128x128xbf16, #tpu.memory_space<vmem>>) offsets(%dma_start3A_105 : memref<128xi32, #tpu.memory_space<vmem>>) semaphore(%dma_start3A_110 : memref<!tpu.dma_semaphore, #tpu.memory_space<semaphore_mem>>)
    %dma_start3A_111 = arith.constant 7 : i32
    %dma_start3A_112 = arith.constant 7 : i32
    %dma_start3A_113 = arith.constant 7 : i32
    %dma_start3A_114 = arith.constant 0 : i32
    %dma_start3A_115 = arith.constant 0 : i32
    %dma_start3A_116 = tpu.memref_slice %arg9[%dma_start3A_112, %dma_start3A_114, %dma_start3A_115] : memref<8x128x128xbf16, #tpu.memory_space<vmem>> -> memref<1x128x128xbf16, #tpu.memory_space<vmem>>
    %dma_start3A_117 = tpu.memref_squeeze %dma_start3A_116 : memref<1x128x128xbf16, #tpu.memory_space<vmem>> -> memref<128x128xbf16, #tpu.memory_space<vmem>>
    %dma_start3A_118 = arith.constant 0 : i32
    %dma_start3A_119 = tpu.memref_slice %arg7[%dma_start3A_111, %dma_start3A_118] : memref<40x128xi32, #tpu.memory_space<vmem>> -> memref<1x128xi32, #tpu.memory_space<vmem>>
    %dma_start3A_120 = tpu.memref_squeeze %dma_start3A_119 : memref<1x128xi32, #tpu.memory_space<vmem>> -> memref<128xi32, #tpu.memory_space<vmem>>
    %dma_start3A_121 = arith.constant 0 : i32
    %dma_start3A_122 = arith.constant 0 : i32
    %dma_start3A_123 = tpu.memref_slice %arg4[%dma_start3A_121, %dma_start3A_122] : memref<10000x128xbf16, #tpu.memory_space<hbm>> -> memref<10000x128xbf16, #tpu.memory_space<hbm>>
    %dma_start3A_124 = tpu.memref_slice %arg11[%dma_start3A_113] : memref<8x!tpu.dma_semaphore, #tpu.memory_space<semaphore_mem>> -> memref<1x!tpu.dma_semaphore, #tpu.memory_space<semaphore_mem>>
    %dma_start3A_125 = tpu.memref_squeeze %dma_start3A_124 : memref<1x!tpu.dma_semaphore, #tpu.memory_space<semaphore_mem>> -> memref<!tpu.dma_semaphore, #tpu.memory_space<semaphore_mem>>
    tpu.enqueue_indirect_dma source(%dma_start3A_123 : memref<10000x128xbf16, #tpu.memory_space<hbm>>) target(%dma_start3A_117 : memref<128x128xbf16, #tpu.memory_space<vmem>>) offsets(%dma_start3A_120 : memref<128xi32, #tpu.memory_space<vmem>>) semaphore(%dma_start3A_125 : memref<!tpu.dma_semaphore, #tpu.memory_space<semaphore_mem>>)
    %scan3A = arith.constant 0 : i32
    %scan3A_126 = arith.constant 0 : i32
    %scan3A_127 = arith.constant 4 : i32
    %scan3A_128 = arith.addi %scan3A_126, %scan3A_127 : i32
    %scan3A_129 = arith.constant 1 : i32
    scf.for %scan3A_536 = %scan3A_126 to %scan3A_128 step %scan3A_129  : i32 {
      %mul3A_537 = arith.constant 8 : i32
      %mul3A_538 = arith.muli %scan3A_536, %mul3A_537 : i32
      %add3A_539 = arith.constant 0 : i32
      %add3A_540 = arith.addi %mul3A_538, %add3A_539 : i32
      %dma_wait3A_541 = arith.constant 0 : i32
      %dma_wait3A_542 = arith.constant 0 : i32
      %dma_wait3A_543 = arith.constant 0 : i32
      %dma_wait3A_544 = arith.constant 0 : i32
      %dma_wait3A_545 = tpu.memref_slice %arg9[%dma_wait3A_541, %dma_wait3A_543, %dma_wait3A_544] : memref<8x128x128xbf16, #tpu.memory_space<vmem>> -> memref<1x128x128xbf16, #tpu.memory_space<vmem>>
      %dma_wait3A_546 = tpu.memref_squeeze %dma_wait3A_545 : memref<1x128x128xbf16, #tpu.memory_space<vmem>> -> memref<128x128xbf16, #tpu.memory_space<vmem>>
      %dma_wait3A_547 = arith.constant 0 : i32
      %dma_wait3A_548 = tpu.memref_slice %arg7[%add3A_540, %dma_wait3A_547] : memref<40x128xi32, #tpu.memory_space<vmem>> -> memref<1x128xi32, #tpu.memory_space<vmem>>
      %dma_wait3A_549 = tpu.memref_squeeze %dma_wait3A_548 : memref<1x128xi32, #tpu.memory_space<vmem>> -> memref<128xi32, #tpu.memory_space<vmem>>
      %dma_wait3A_550 = arith.constant 0 : i32
      %dma_wait3A_551 = arith.constant 0 : i32
      %dma_wait3A_552 = tpu.memref_slice %arg4[%dma_wait3A_550, %dma_wait3A_551] : memref<10000x128xbf16, #tpu.memory_space<hbm>> -> memref<10000x128xbf16, #tpu.memory_space<hbm>>
      %dma_wait3A_553 = tpu.memref_slice %arg11[%dma_wait3A_542] : memref<8x!tpu.dma_semaphore, #tpu.memory_space<semaphore_mem>> -> memref<1x!tpu.dma_semaphore, #tpu.memory_space<semaphore_mem>>
      %dma_wait3A_554 = tpu.memref_squeeze %dma_wait3A_553 : memref<1x!tpu.dma_semaphore, #tpu.memory_space<semaphore_mem>> -> memref<!tpu.dma_semaphore, #tpu.memory_space<semaphore_mem>>
      tpu.wait_indirect_dma semaphore(%dma_wait3A_554 : memref<!tpu.dma_semaphore, #tpu.memory_space<semaphore_mem>>) src(%dma_wait3A_552 : memref<10000x128xbf16, #tpu.memory_space<hbm>>) dst(%dma_wait3A_546 : memref<128x128xbf16, #tpu.memory_space<vmem>>)
      %run_scoped3A_555 = arith.constant 0 : i32
      "tpu.region"() ({
        %run_scoped3A_817 = tpu.sem_alloc : memref<!tpu.dma_semaphore, #tpu.memory_space<semaphore_mem>>
        %dma_start3A_818 = arith.constant 0 : i32
        %dma_start3A_819 = arith.constant 0 : i32
        %dma_start3A_820 = tpu.memref_slice %arg9[%run_scoped3A_555, %dma_start3A_818, %dma_start3A_819] : memref<8x128x128xbf16, #tpu.memory_space<vmem>> -> memref<1x128x128xbf16, #tpu.memory_space<vmem>>
        %dma_start3A_821 = tpu.memref_squeeze %dma_start3A_820 : memref<1x128x128xbf16, #tpu.memory_space<vmem>> -> memref<128x128xbf16, #tpu.memory_space<vmem>>
        %dma_start3A_822 = arith.constant 0 : i32
        %dma_start3A_823 = tpu.memref_slice %arg8[%add3A_540, %dma_start3A_822] : memref<40x128xi32, #tpu.memory_space<vmem>> -> memref<1x128xi32, #tpu.memory_space<vmem>>
        %dma_start3A_824 = tpu.memref_squeeze %dma_start3A_823 : memref<1x128xi32, #tpu.memory_space<vmem>> -> memref<128xi32, #tpu.memory_space<vmem>>
        %dma_start3A_825 = arith.constant 0 : i32
        %dma_start3A_826 = arith.constant 0 : i32
        %dma_start3A_827 = tpu.memref_slice %arg10[%dma_start3A_825, %dma_start3A_826] : memref<10112x128xbf16, #tpu.memory_space<vmem_shared>> -> memref<10112x128xbf16, #tpu.memory_space<vmem_shared>>
        tpu.enqueue_indirect_dma source(%dma_start3A_821 : memref<128x128xbf16, #tpu.memory_space<vmem>>) target(%dma_start3A_827 : memref<10112x128xbf16, #tpu.memory_space<vmem_shared>>) offsets(%dma_start3A_824 : memref<128xi32, #tpu.memory_space<vmem>>) semaphore(%run_scoped3A_817 : memref<!tpu.dma_semaphore, #tpu.memory_space<semaphore_mem>>) {add = true}
        %dma_wait3A_828 = arith.constant 0 : i32
        %dma_wait3A_829 = arith.constant 0 : i32
        %dma_wait3A_830 = tpu.memref_slice %arg9[%run_scoped3A_555, %dma_wait3A_828, %dma_wait3A_829] : memref<8x128x128xbf16, #tpu.memory_space<vmem>> -> memref<1x128x128xbf16, #tpu.memory_space<vmem>>
        %dma_wait3A_831 = tpu.memref_squeeze %dma_wait3A_830 : memref<1x128x128xbf16, #tpu.memory_space<vmem>> -> memref<128x128xbf16, #tpu.memory_space<vmem>>
        %dma_wait3A_832 = arith.constant 0 : i32
        %dma_wait3A_833 = tpu.memref_slice %arg8[%add3A_540, %dma_wait3A_832] : memref<40x128xi32, #tpu.memory_space<vmem>> -> memref<1x128xi32, #tpu.memory_space<vmem>>
        %dma_wait3A_834 = tpu.memref_squeeze %dma_wait3A_833 : memref<1x128xi32, #tpu.memory_space<vmem>> -> memref<128xi32, #tpu.memory_space<vmem>>
        %dma_wait3A_835 = arith.constant 0 : i32
        %dma_wait3A_836 = arith.constant 0 : i32
        %dma_wait3A_837 = tpu.memref_slice %arg10[%dma_wait3A_835, %dma_wait3A_836] : memref<10112x128xbf16, #tpu.memory_space<vmem_shared>> -> memref<10112x128xbf16, #tpu.memory_space<vmem_shared>>
        tpu.wait_indirect_dma semaphore(%run_scoped3A_817 : memref<!tpu.dma_semaphore, #tpu.memory_space<semaphore_mem>>) src(%dma_wait3A_831 : memref<128x128xbf16, #tpu.memory_space<vmem>>) dst(%dma_wait3A_837 : memref<10112x128xbf16, #tpu.memory_space<vmem_shared>>)
        tpu.yield
      }) : () -> ()
      %add3A_556 = arith.constant 8 : i32
      %add3A_557 = arith.addi %add3A_540, %add3A_556 : i32
      %dma_start3A_558 = arith.constant 0 : i32
      %dma_start3A_559 = arith.constant 0 : i32
      %dma_start3A_560 = arith.constant 0 : i32
      %dma_start3A_561 = arith.constant 0 : i32
      %dma_start3A_562 = tpu.memref_slice %arg9[%dma_start3A_558, %dma_start3A_560, %dma_start3A_561] : memref<8x128x128xbf16, #tpu.memory_space<vmem>> -> memref<1x128x128xbf16, #tpu.memory_space<vmem>>
      %dma_start3A_563 = tpu.memref_squeeze %dma_start3A_562 : memref<1x128x128xbf16, #tpu.memory_space<vmem>> -> memref<128x128xbf16, #tpu.memory_space<vmem>>
      %dma_start3A_564 = arith.constant 0 : i32
      %dma_start3A_565 = tpu.memref_slice %arg7[%add3A_557, %dma_start3A_564] : memref<40x128xi32, #tpu.memory_space<vmem>> -> memref<1x128xi32, #tpu.memory_space<vmem>>
      %dma_start3A_566 = tpu.memref_squeeze %dma_start3A_565 : memref<1x128xi32, #tpu.memory_space<vmem>> -> memref<128xi32, #tpu.memory_space<vmem>>
      %dma_start3A_567 = arith.constant 0 : i32
      %dma_start3A_568 = arith.constant 0 : i32
      %dma_start3A_569 = tpu.memref_slice %arg4[%dma_start3A_567, %dma_start3A_568] : memref<10000x128xbf16, #tpu.memory_space<hbm>> -> memref<10000x128xbf16, #tpu.memory_space<hbm>>
      %dma_start3A_570 = tpu.memref_slice %arg11[%dma_start3A_559] : memref<8x!tpu.dma_semaphore, #tpu.memory_space<semaphore_mem>> -> memref<1x!tpu.dma_semaphore, #tpu.memory_space<semaphore_mem>>
      %dma_start3A_571 = tpu.memref_squeeze %dma_start3A_570 : memref<1x!tpu.dma_semaphore, #tpu.memory_space<semaphore_mem>> -> memref<!tpu.dma_semaphore, #tpu.memory_space<semaphore_mem>>
      tpu.enqueue_indirect_dma source(%dma_start3A_569 : memref<10000x128xbf16, #tpu.memory_space<hbm>>) target(%dma_start3A_563 : memref<128x128xbf16, #tpu.memory_space<vmem>>) offsets(%dma_start3A_566 : memref<128xi32, #tpu.memory_space<vmem>>) semaphore(%dma_start3A_571 : memref<!tpu.dma_semaphore, #tpu.memory_space<semaphore_mem>>)
      %mul3A_572 = arith.constant 8 : i32
      %mul3A_573 = arith.muli %scan3A_536, %mul3A_572 : i32
      %add3A_574 = arith.constant 1 : i32
      %add3A_575 = arith.addi %mul3A_573, %add3A_574 : i32
      %dma_wait3A_576 = arith.constant 1 : i32
      %dma_wait3A_577 = arith.constant 1 : i32
      %dma_wait3A_578 = arith.constant 0 : i32
      %dma_wait3A_579 = arith.constant 0 : i32
      %dma_wait3A_580 = tpu.memref_slice %arg9[%dma_wait3A_576, %dma_wait3A_578, %dma_wait3A_579] : memref<8x128x128xbf16, #tpu.memory_space<vmem>> -> memref<1x128x128xbf16, #tpu.memory_space<vmem>>
      %dma_wait3A_581 = tpu.memref_squeeze %dma_wait3A_580 : memref<1x128x128xbf16, #tpu.memory_space<vmem>> -> memref<128x128xbf16, #tpu.memory_space<vmem>>
      %dma_wait3A_582 = arith.constant 0 : i32
      %dma_wait3A_583 = tpu.memref_slice %arg7[%add3A_575, %dma_wait3A_582] : memref<40x128xi32, #tpu.memory_space<vmem>> -> memref<1x128xi32, #tpu.memory_space<vmem>>
      %dma_wait3A_584 = tpu.memref_squeeze %dma_wait3A_583 : memref<1x128xi32, #tpu.memory_space<vmem>> -> memref<128xi32, #tpu.memory_space<vmem>>
      %dma_wait3A_585 = arith.constant 0 : i32
      %dma_wait3A_586 = arith.constant 0 : i32
      %dma_wait3A_587 = tpu.memref_slice %arg4[%dma_wait3A_585, %dma_wait3A_586] : memref<10000x128xbf16, #tpu.memory_space<hbm>> -> memref<10000x128xbf16, #tpu.memory_space<hbm>>
      %dma_wait3A_588 = tpu.memref_slice %arg11[%dma_wait3A_577] : memref<8x!tpu.dma_semaphore, #tpu.memory_space<semaphore_mem>> -> memref<1x!tpu.dma_semaphore, #tpu.memory_space<semaphore_mem>>
      %dma_wait3A_589 = tpu.memref_squeeze %dma_wait3A_588 : memref<1x!tpu.dma_semaphore, #tpu.memory_space<semaphore_mem>> -> memref<!tpu.dma_semaphore, #tpu.memory_space<semaphore_mem>>
      tpu.wait_indirect_dma semaphore(%dma_wait3A_589 : memref<!tpu.dma_semaphore, #tpu.memory_space<semaphore_mem>>) src(%dma_wait3A_587 : memref<10000x128xbf16, #tpu.memory_space<hbm>>) dst(%dma_wait3A_581 : memref<128x128xbf16, #tpu.memory_space<vmem>>)
      %run_scoped3A_590 = arith.constant 1 : i32
      "tpu.region"() ({
        %run_scoped3A_817 = tpu.sem_alloc : memref<!tpu.dma_semaphore, #tpu.memory_space<semaphore_mem>>
        %dma_start3A_818 = arith.constant 0 : i32
        %dma_start3A_819 = arith.constant 0 : i32
        %dma_start3A_820 = tpu.memref_slice %arg9[%run_scoped3A_590, %dma_start3A_818, %dma_start3A_819] : memref<8x128x128xbf16, #tpu.memory_space<vmem>> -> memref<1x128x128xbf16, #tpu.memory_space<vmem>>
        %dma_start3A_821 = tpu.memref_squeeze %dma_start3A_820 : memref<1x128x128xbf16, #tpu.memory_space<vmem>> -> memref<128x128xbf16, #tpu.memory_space<vmem>>
        %dma_start3A_822 = arith.constant 0 : i32
        %dma_start3A_823 = tpu.memref_slice %arg8[%add3A_575, %dma_start3A_822] : memref<40x128xi32, #tpu.memory_space<vmem>> -> memref<1x128xi32, #tpu.memory_space<vmem>>
        %dma_start3A_824 = tpu.memref_squeeze %dma_start3A_823 : memref<1x128xi32, #tpu.memory_space<vmem>> -> memref<128xi32, #tpu.memory_space<vmem>>
        %dma_start3A_825 = arith.constant 0 : i32
        %dma_start3A_826 = arith.constant 0 : i32
        %dma_start3A_827 = tpu.memref_slice %arg10[%dma_start3A_825, %dma_start3A_826] : memref<10112x128xbf16, #tpu.memory_space<vmem_shared>> -> memref<10112x128xbf16, #tpu.memory_space<vmem_shared>>
        tpu.enqueue_indirect_dma source(%dma_start3A_821 : memref<128x128xbf16, #tpu.memory_space<vmem>>) target(%dma_start3A_827 : memref<10112x128xbf16, #tpu.memory_space<vmem_shared>>) offsets(%dma_start3A_824 : memref<128xi32, #tpu.memory_space<vmem>>) semaphore(%run_scoped3A_817 : memref<!tpu.dma_semaphore, #tpu.memory_space<semaphore_mem>>) {add = true}
        %dma_wait3A_828 = arith.constant 0 : i32
        %dma_wait3A_829 = arith.constant 0 : i32
        %dma_wait3A_830 = tpu.memref_slice %arg9[%run_scoped3A_590, %dma_wait3A_828, %dma_wait3A_829] : memref<8x128x128xbf16, #tpu.memory_space<vmem>> -> memref<1x128x128xbf16, #tpu.memory_space<vmem>>
        %dma_wait3A_831 = tpu.memref_squeeze %dma_wait3A_830 : memref<1x128x128xbf16, #tpu.memory_space<vmem>> -> memref<128x128xbf16, #tpu.memory_space<vmem>>
        %dma_wait3A_832 = arith.constant 0 : i32
        %dma_wait3A_833 = tpu.memref_slice %arg8[%add3A_575, %dma_wait3A_832] : memref<40x128xi32, #tpu.memory_space<vmem>> -> memref<1x128xi32, #tpu.memory_space<vmem>>
        %dma_wait3A_834 = tpu.memref_squeeze %dma_wait3A_833 : memref<1x128xi32, #tpu.memory_space<vmem>> -> memref<128xi32, #tpu.memory_space<vmem>>
        %dma_wait3A_835 = arith.constant 0 : i32
        %dma_wait3A_836 = arith.constant 0 : i32
        %dma_wait3A_837 = tpu.memref_slice %arg10[%dma_wait3A_835, %dma_wait3A_836] : memref<10112x128xbf16, #tpu.memory_space<vmem_shared>> -> memref<10112x128xbf16, #tpu.memory_space<vmem_shared>>
        tpu.wait_indirect_dma semaphore(%run_scoped3A_817 : memref<!tpu.dma_semaphore, #tpu.memory_space<semaphore_mem>>) src(%dma_wait3A_831 : memref<128x128xbf16, #tpu.memory_space<vmem>>) dst(%dma_wait3A_837 : memref<10112x128xbf16, #tpu.memory_space<vmem_shared>>)
        tpu.yield
      }) : () -> ()
      %add3A_591 = arith.constant 8 : i32
      %add3A_592 = arith.addi %add3A_575, %add3A_591 : i32
      %dma_start3A_593 = arith.constant 1 : i32
      %dma_start3A_594 = arith.constant 1 : i32
      %dma_start3A_595 = arith.constant 0 : i32
      %dma_start3A_596 = arith.constant 0 : i32
      %dma_start3A_597 = tpu.memref_slice %arg9[%dma_start3A_593, %dma_start3A_595, %dma_start3A_596] : memref<8x128x128xbf16, #tpu.memory_space<vmem>> -> memref<1x128x128xbf16, #tpu.memory_space<vmem>>
      %dma_start3A_598 = tpu.memref_squeeze %dma_start3A_597 : memref<1x128x128xbf16, #tpu.memory_space<vmem>> -> memref<128x128xbf16, #tpu.memory_space<vmem>>
      %dma_start3A_599 = arith.constant 0 : i32
      %dma_start3A_600 = tpu.memref_slice %arg7[%add3A_592, %dma_start3A_599] : memref<40x128xi32, #tpu.memory_space<vmem>> -> memref<1x128xi32, #tpu.memory_space<vmem>>
      %dma_start3A_601 = tpu.memref_squeeze %dma_start3A_600 : memref<1x128xi32, #tpu.memory_space<vmem>> -> memref<128xi32, #tpu.memory_space<vmem>>
      %dma_start3A_602 = arith.constant 0 : i32
      %dma_start3A_603 = arith.constant 0 : i32
      %dma_start3A_604 = tpu.memref_slice %arg4[%dma_start3A_602, %dma_start3A_603] : memref<10000x128xbf16, #tpu.memory_space<hbm>> -> memref<10000x128xbf16, #tpu.memory_space<hbm>>
      %dma_start3A_605 = tpu.memref_slice %arg11[%dma_start3A_594] : memref<8x!tpu.dma_semaphore, #tpu.memory_space<semaphore_mem>> -> memref<1x!tpu.dma_semaphore, #tpu.memory_space<semaphore_mem>>
      %dma_start3A_606 = tpu.memref_squeeze %dma_start3A_605 : memref<1x!tpu.dma_semaphore, #tpu.memory_space<semaphore_mem>> -> memref<!tpu.dma_semaphore, #tpu.memory_space<semaphore_mem>>
      tpu.enqueue_indirect_dma source(%dma_start3A_604 : memref<10000x128xbf16, #tpu.memory_space<hbm>>) target(%dma_start3A_598 : memref<128x128xbf16, #tpu.memory_space<vmem>>) offsets(%dma_start3A_601 : memref<128xi32, #tpu.memory_space<vmem>>) semaphore(%dma_start3A_606 : memref<!tpu.dma_semaphore, #tpu.memory_space<semaphore_mem>>)
      %mul3A_607 = arith.constant 8 : i32
      %mul3A_608 = arith.muli %scan3A_536, %mul3A_607 : i32
      %add3A_609 = arith.constant 2 : i32
      %add3A_610 = arith.addi %mul3A_608, %add3A_609 : i32
      %dma_wait3A_611 = arith.constant 2 : i32
      %dma_wait3A_612 = arith.constant 2 : i32
      %dma_wait3A_613 = arith.constant 0 : i32
      %dma_wait3A_614 = arith.constant 0 : i32
      %dma_wait3A_615 = tpu.memref_slice %arg9[%dma_wait3A_611, %dma_wait3A_613, %dma_wait3A_614] : memref<8x128x128xbf16, #tpu.memory_space<vmem>> -> memref<1x128x128xbf16, #tpu.memory_space<vmem>>
      %dma_wait3A_616 = tpu.memref_squeeze %dma_wait3A_615 : memref<1x128x128xbf16, #tpu.memory_space<vmem>> -> memref<128x128xbf16, #tpu.memory_space<vmem>>
      %dma_wait3A_617 = arith.constant 0 : i32
      %dma_wait3A_618 = tpu.memref_slice %arg7[%add3A_610, %dma_wait3A_617] : memref<40x128xi32, #tpu.memory_space<vmem>> -> memref<1x128xi32, #tpu.memory_space<vmem>>
      %dma_wait3A_619 = tpu.memref_squeeze %dma_wait3A_618 : memref<1x128xi32, #tpu.memory_space<vmem>> -> memref<128xi32, #tpu.memory_space<vmem>>
      %dma_wait3A_620 = arith.constant 0 : i32
      %dma_wait3A_621 = arith.constant 0 : i32
      %dma_wait3A_622 = tpu.memref_slice %arg4[%dma_wait3A_620, %dma_wait3A_621] : memref<10000x128xbf16, #tpu.memory_space<hbm>> -> memref<10000x128xbf16, #tpu.memory_space<hbm>>
      %dma_wait3A_623 = tpu.memref_slice %arg11[%dma_wait3A_612] : memref<8x!tpu.dma_semaphore, #tpu.memory_space<semaphore_mem>> -> memref<1x!tpu.dma_semaphore, #tpu.memory_space<semaphore_mem>>
      %dma_wait3A_624 = tpu.memref_squeeze %dma_wait3A_623 : memref<1x!tpu.dma_semaphore, #tpu.memory_space<semaphore_mem>> -> memref<!tpu.dma_semaphore, #tpu.memory_space<semaphore_mem>>
      tpu.wait_indirect_dma semaphore(%dma_wait3A_624 : memref<!tpu.dma_semaphore, #tpu.memory_space<semaphore_mem>>) src(%dma_wait3A_622 : memref<10000x128xbf16, #tpu.memory_space<hbm>>) dst(%dma_wait3A_616 : memref<128x128xbf16, #tpu.memory_space<vmem>>)
      %run_scoped3A_625 = arith.constant 2 : i32
      "tpu.region"() ({
        %run_scoped3A_817 = tpu.sem_alloc : memref<!tpu.dma_semaphore, #tpu.memory_space<semaphore_mem>>
        %dma_start3A_818 = arith.constant 0 : i32
        %dma_start3A_819 = arith.constant 0 : i32
        %dma_start3A_820 = tpu.memref_slice %arg9[%run_scoped3A_625, %dma_start3A_818, %dma_start3A_819] : memref<8x128x128xbf16, #tpu.memory_space<vmem>> -> memref<1x128x128xbf16, #tpu.memory_space<vmem>>
        %dma_start3A_821 = tpu.memref_squeeze %dma_start3A_820 : memref<1x128x128xbf16, #tpu.memory_space<vmem>> -> memref<128x128xbf16, #tpu.memory_space<vmem>>
        %dma_start3A_822 = arith.constant 0 : i32
        %dma_start3A_823 = tpu.memref_slice %arg8[%add3A_610, %dma_start3A_822] : memref<40x128xi32, #tpu.memory_space<vmem>> -> memref<1x128xi32, #tpu.memory_space<vmem>>
        %dma_start3A_824 = tpu.memref_squeeze %dma_start3A_823 : memref<1x128xi32, #tpu.memory_space<vmem>> -> memref<128xi32, #tpu.memory_space<vmem>>
        %dma_start3A_825 = arith.constant 0 : i32
        %dma_start3A_826 = arith.constant 0 : i32
        %dma_start3A_827 = tpu.memref_slice %arg10[%dma_start3A_825, %dma_start3A_826] : memref<10112x128xbf16, #tpu.memory_space<vmem_shared>> -> memref<10112x128xbf16, #tpu.memory_space<vmem_shared>>
        tpu.enqueue_indirect_dma source(%dma_start3A_821 : memref<128x128xbf16, #tpu.memory_space<vmem>>) target(%dma_start3A_827 : memref<10112x128xbf16, #tpu.memory_space<vmem_shared>>) offsets(%dma_start3A_824 : memref<128xi32, #tpu.memory_space<vmem>>) semaphore(%run_scoped3A_817 : memref<!tpu.dma_semaphore, #tpu.memory_space<semaphore_mem>>) {add = true}
        %dma_wait3A_828 = arith.constant 0 : i32
        %dma_wait3A_829 = arith.constant 0 : i32
        %dma_wait3A_830 = tpu.memref_slice %arg9[%run_scoped3A_625, %dma_wait3A_828, %dma_wait3A_829] : memref<8x128x128xbf16, #tpu.memory_space<vmem>> -> memref<1x128x128xbf16, #tpu.memory_space<vmem>>
        %dma_wait3A_831 = tpu.memref_squeeze %dma_wait3A_830 : memref<1x128x128xbf16, #tpu.memory_space<vmem>> -> memref<128x128xbf16, #tpu.memory_space<vmem>>
        %dma_wait3A_832 = arith.constant 0 : i32
        %dma_wait3A_833 = tpu.memref_slice %arg8[%add3A_610, %dma_wait3A_832] : memref<40x128xi32, #tpu.memory_space<vmem>> -> memref<1x128xi32, #tpu.memory_space<vmem>>
        %dma_wait3A_834 = tpu.memref_squeeze %dma_wait3A_833 : memref<1x128xi32, #tpu.memory_space<vmem>> -> memref<128xi32, #tpu.memory_space<vmem>>
        %dma_wait3A_835 = arith.constant 0 : i32
        %dma_wait3A_836 = arith.constant 0 : i32
        %dma_wait3A_837 = tpu.memref_slice %arg10[%dma_wait3A_835, %dma_wait3A_836] : memref<10112x128xbf16, #tpu.memory_space<vmem_shared>> -> memref<10112x128xbf16, #tpu.memory_space<vmem_shared>>
        tpu.wait_indirect_dma semaphore(%run_scoped3A_817 : memref<!tpu.dma_semaphore, #tpu.memory_space<semaphore_mem>>) src(%dma_wait3A_831 : memref<128x128xbf16, #tpu.memory_space<vmem>>) dst(%dma_wait3A_837 : memref<10112x128xbf16, #tpu.memory_space<vmem_shared>>)
        tpu.yield
      }) : () -> ()
      %add3A_626 = arith.constant 8 : i32
      %add3A_627 = arith.addi %add3A_610, %add3A_626 : i32
      %dma_start3A_628 = arith.constant 2 : i32
      %dma_start3A_629 = arith.constant 2 : i32
      %dma_start3A_630 = arith.constant 0 : i32
      %dma_start3A_631 = arith.constant 0 : i32
      %dma_start3A_632 = tpu.memref_slice %arg9[%dma_start3A_628, %dma_start3A_630, %dma_start3A_631] : memref<8x128x128xbf16, #tpu.memory_space<vmem>> -> memref<1x128x128xbf16, #tpu.memory_space<vmem>>
      %dma_start3A_633 = tpu.memref_squeeze %dma_start3A_632 : memref<1x128x128xbf16, #tpu.memory_space<vmem>> -> memref<128x128xbf16, #tpu.memory_space<vmem>>
      %dma_start3A_634 = arith.constant 0 : i32
      %dma_start3A_635 = tpu.memref_slice %arg7[%add3A_627, %dma_start3A_634] : memref<40x128xi32, #tpu.memory_space<vmem>> -> memref<1x128xi32, #tpu.memory_space<vmem>>
      %dma_start3A_636 = tpu.memref_squeeze %dma_start3A_635 : memref<1x128xi32, #tpu.memory_space<vmem>> -> memref<128xi32, #tpu.memory_space<vmem>>
      %dma_start3A_637 = arith.constant 0 : i32
      %dma_start3A_638 = arith.constant 0 : i32
      %dma_start3A_639 = tpu.memref_slice %arg4[%dma_start3A_637, %dma_start3A_638] : memref<10000x128xbf16, #tpu.memory_space<hbm>> -> memref<10000x128xbf16, #tpu.memory_space<hbm>>
      %dma_start3A_640 = tpu.memref_slice %arg11[%dma_start3A_629] : memref<8x!tpu.dma_semaphore, #tpu.memory_space<semaphore_mem>> -> memref<1x!tpu.dma_semaphore, #tpu.memory_space<semaphore_mem>>
      %dma_start3A_641 = tpu.memref_squeeze %dma_start3A_640 : memref<1x!tpu.dma_semaphore, #tpu.memory_space<semaphore_mem>> -> memref<!tpu.dma_semaphore, #tpu.memory_space<semaphore_mem>>
      tpu.enqueue_indirect_dma source(%dma_start3A_639 : memref<10000x128xbf16, #tpu.memory_space<hbm>>) target(%dma_start3A_633 : memref<128x128xbf16, #tpu.memory_space<vmem>>) offsets(%dma_start3A_636 : memref<128xi32, #tpu.memory_space<vmem>>) semaphore(%dma_start3A_641 : memref<!tpu.dma_semaphore, #tpu.memory_space<semaphore_mem>>)
      %mul3A_642 = arith.constant 8 : i32
      %mul3A_643 = arith.muli %scan3A_536, %mul3A_642 : i32
      %add3A_644 = arith.constant 3 : i32
      %add3A_645 = arith.addi %mul3A_643, %add3A_644 : i32
      %dma_wait3A_646 = arith.constant 3 : i32
      %dma_wait3A_647 = arith.constant 3 : i32
      %dma_wait3A_648 = arith.constant 0 : i32
      %dma_wait3A_649 = arith.constant 0 : i32
      %dma_wait3A_650 = tpu.memref_slice %arg9[%dma_wait3A_646, %dma_wait3A_648, %dma_wait3A_649] : memref<8x128x128xbf16, #tpu.memory_space<vmem>> -> memref<1x128x128xbf16, #tpu.memory_space<vmem>>
      %dma_wait3A_651 = tpu.memref_squeeze %dma_wait3A_650 : memref<1x128x128xbf16, #tpu.memory_space<vmem>> -> memref<128x128xbf16, #tpu.memory_space<vmem>>
      %dma_wait3A_652 = arith.constant 0 : i32
      %dma_wait3A_653 = tpu.memref_slice %arg7[%add3A_645, %dma_wait3A_652] : memref<40x128xi32, #tpu.memory_space<vmem>> -> memref<1x128xi32, #tpu.memory_space<vmem>>
      %dma_wait3A_654 = tpu.memref_squeeze %dma_wait3A_653 : memref<1x128xi32, #tpu.memory_space<vmem>> -> memref<128xi32, #tpu.memory_space<vmem>>
      %dma_wait3A_655 = arith.constant 0 : i32
      %dma_wait3A_656 = arith.constant 0 : i32
      %dma_wait3A_657 = tpu.memref_slice %arg4[%dma_wait3A_655, %dma_wait3A_656] : memref<10000x128xbf16, #tpu.memory_space<hbm>> -> memref<10000x128xbf16, #tpu.memory_space<hbm>>
      %dma_wait3A_658 = tpu.memref_slice %arg11[%dma_wait3A_647] : memref<8x!tpu.dma_semaphore, #tpu.memory_space<semaphore_mem>> -> memref<1x!tpu.dma_semaphore, #tpu.memory_space<semaphore_mem>>
      %dma_wait3A_659 = tpu.memref_squeeze %dma_wait3A_658 : memref<1x!tpu.dma_semaphore, #tpu.memory_space<semaphore_mem>> -> memref<!tpu.dma_semaphore, #tpu.memory_space<semaphore_mem>>
      tpu.wait_indirect_dma semaphore(%dma_wait3A_659 : memref<!tpu.dma_semaphore, #tpu.memory_space<semaphore_mem>>) src(%dma_wait3A_657 : memref<10000x128xbf16, #tpu.memory_space<hbm>>) dst(%dma_wait3A_651 : memref<128x128xbf16, #tpu.memory_space<vmem>>)
      %run_scoped3A_660 = arith.constant 3 : i32
      "tpu.region"() ({
        %run_scoped3A_817 = tpu.sem_alloc : memref<!tpu.dma_semaphore, #tpu.memory_space<semaphore_mem>>
        %dma_start3A_818 = arith.constant 0 : i32
        %dma_start3A_819 = arith.constant 0 : i32
        %dma_start3A_820 = tpu.memref_slice %arg9[%run_scoped3A_660, %dma_start3A_818, %dma_start3A_819] : memref<8x128x128xbf16, #tpu.memory_space<vmem>> -> memref<1x128x128xbf16, #tpu.memory_space<vmem>>
        %dma_start3A_821 = tpu.memref_squeeze %dma_start3A_820 : memref<1x128x128xbf16, #tpu.memory_space<vmem>> -> memref<128x128xbf16, #tpu.memory_space<vmem>>
        %dma_start3A_822 = arith.constant 0 : i32
        %dma_start3A_823 = tpu.memref_slice %arg8[%add3A_645, %dma_start3A_822] : memref<40x128xi32, #tpu.memory_space<vmem>> -> memref<1x128xi32, #tpu.memory_space<vmem>>
        %dma_start3A_824 = tpu.memref_squeeze %dma_start3A_823 : memref<1x128xi32, #tpu.memory_space<vmem>> -> memref<128xi32, #tpu.memory_space<vmem>>
        %dma_start3A_825 = arith.constant 0 : i32
        %dma_start3A_826 = arith.constant 0 : i32
        %dma_start3A_827 = tpu.memref_slice %arg10[%dma_start3A_825, %dma_start3A_826] : memref<10112x128xbf16, #tpu.memory_space<vmem_shared>> -> memref<10112x128xbf16, #tpu.memory_space<vmem_shared>>
        tpu.enqueue_indirect_dma source(%dma_start3A_821 : memref<128x128xbf16, #tpu.memory_space<vmem>>) target(%dma_start3A_827 : memref<10112x128xbf16, #tpu.memory_space<vmem_shared>>) offsets(%dma_start3A_824 : memref<128xi32, #tpu.memory_space<vmem>>) semaphore(%run_scoped3A_817 : memref<!tpu.dma_semaphore, #tpu.memory_space<semaphore_mem>>) {add = true}
        %dma_wait3A_828 = arith.constant 0 : i32
        %dma_wait3A_829 = arith.constant 0 : i32
        %dma_wait3A_830 = tpu.memref_slice %arg9[%run_scoped3A_660, %dma_wait3A_828, %dma_wait3A_829] : memref<8x128x128xbf16, #tpu.memory_space<vmem>> -> memref<1x128x128xbf16, #tpu.memory_space<vmem>>
        %dma_wait3A_831 = tpu.memref_squeeze %dma_wait3A_830 : memref<1x128x128xbf16, #tpu.memory_space<vmem>> -> memref<128x128xbf16, #tpu.memory_space<vmem>>
        %dma_wait3A_832 = arith.constant 0 : i32
        %dma_wait3A_833 = tpu.memref_slice %arg8[%add3A_645, %dma_wait3A_832] : memref<40x128xi32, #tpu.memory_space<vmem>> -> memref<1x128xi32, #tpu.memory_space<vmem>>
        %dma_wait3A_834 = tpu.memref_squeeze %dma_wait3A_833 : memref<1x128xi32, #tpu.memory_space<vmem>> -> memref<128xi32, #tpu.memory_space<vmem>>
        %dma_wait3A_835 = arith.constant 0 : i32
        %dma_wait3A_836 = arith.constant 0 : i32
        %dma_wait3A_837 = tpu.memref_slice %arg10[%dma_wait3A_835, %dma_wait3A_836] : memref<10112x128xbf16, #tpu.memory_space<vmem_shared>> -> memref<10112x128xbf16, #tpu.memory_space<vmem_shared>>
        tpu.wait_indirect_dma semaphore(%run_scoped3A_817 : memref<!tpu.dma_semaphore, #tpu.memory_space<semaphore_mem>>) src(%dma_wait3A_831 : memref<128x128xbf16, #tpu.memory_space<vmem>>) dst(%dma_wait3A_837 : memref<10112x128xbf16, #tpu.memory_space<vmem_shared>>)
        tpu.yield
      }) : () -> ()
      %add3A_661 = arith.constant 8 : i32
      %add3A_662 = arith.addi %add3A_645, %add3A_661 : i32
      %dma_start3A_663 = arith.constant 3 : i32
      %dma_start3A_664 = arith.constant 3 : i32
      %dma_start3A_665 = arith.constant 0 : i32
      %dma_start3A_666 = arith.constant 0 : i32
      %dma_start3A_667 = tpu.memref_slice %arg9[%dma_start3A_663, %dma_start3A_665, %dma_start3A_666] : memref<8x128x128xbf16, #tpu.memory_space<vmem>> -> memref<1x128x128xbf16, #tpu.memory_space<vmem>>
      %dma_start3A_668 = tpu.memref_squeeze %dma_start3A_667 : memref<1x128x128xbf16, #tpu.memory_space<vmem>> -> memref<128x128xbf16, #tpu.memory_space<vmem>>
      %dma_start3A_669 = arith.constant 0 : i32
      %dma_start3A_670 = tpu.memref_slice %arg7[%add3A_662, %dma_start3A_669] : memref<40x128xi32, #tpu.memory_space<vmem>> -> memref<1x128xi32, #tpu.memory_space<vmem>>
      %dma_start3A_671 = tpu.memref_squeeze %dma_start3A_670 : memref<1x128xi32, #tpu.memory_space<vmem>> -> memref<128xi32, #tpu.memory_space<vmem>>
      %dma_start3A_672 = arith.constant 0 : i32
      %dma_start3A_673 = arith.constant 0 : i32
      %dma_start3A_674 = tpu.memref_slice %arg4[%dma_start3A_672, %dma_start3A_673] : memref<10000x128xbf16, #tpu.memory_space<hbm>> -> memref<10000x128xbf16, #tpu.memory_space<hbm>>
      %dma_start3A_675 = tpu.memref_slice %arg11[%dma_start3A_664] : memref<8x!tpu.dma_semaphore, #tpu.memory_space<semaphore_mem>> -> memref<1x!tpu.dma_semaphore, #tpu.memory_space<semaphore_mem>>
      %dma_start3A_676 = tpu.memref_squeeze %dma_start3A_675 : memref<1x!tpu.dma_semaphore, #tpu.memory_space<semaphore_mem>> -> memref<!tpu.dma_semaphore, #tpu.memory_space<semaphore_mem>>
      tpu.enqueue_indirect_dma source(%dma_start3A_674 : memref<10000x128xbf16, #tpu.memory_space<hbm>>) target(%dma_start3A_668 : memref<128x128xbf16, #tpu.memory_space<vmem>>) offsets(%dma_start3A_671 : memref<128xi32, #tpu.memory_space<vmem>>) semaphore(%dma_start3A_676 : memref<!tpu.dma_semaphore, #tpu.memory_space<semaphore_mem>>)
      %mul3A_677 = arith.constant 8 : i32
      %mul3A_678 = arith.muli %scan3A_536, %mul3A_677 : i32
      %add3A_679 = arith.constant 4 : i32
      %add3A_680 = arith.addi %mul3A_678, %add3A_679 : i32
      %dma_wait3A_681 = arith.constant 4 : i32
      %dma_wait3A_682 = arith.constant 4 : i32
      %dma_wait3A_683 = arith.constant 0 : i32
      %dma_wait3A_684 = arith.constant 0 : i32
      %dma_wait3A_685 = tpu.memref_slice %arg9[%dma_wait3A_681, %dma_wait3A_683, %dma_wait3A_684] : memref<8x128x128xbf16, #tpu.memory_space<vmem>> -> memref<1x128x128xbf16, #tpu.memory_space<vmem>>
      %dma_wait3A_686 = tpu.memref_squeeze %dma_wait3A_685 : memref<1x128x128xbf16, #tpu.memory_space<vmem>> -> memref<128x128xbf16, #tpu.memory_space<vmem>>
      %dma_wait3A_687 = arith.constant 0 : i32
      %dma_wait3A_688 = tpu.memref_slice %arg7[%add3A_680, %dma_wait3A_687] : memref<40x128xi32, #tpu.memory_space<vmem>> -> memref<1x128xi32, #tpu.memory_space<vmem>>
      %dma_wait3A_689 = tpu.memref_squeeze %dma_wait3A_688 : memref<1x128xi32, #tpu.memory_space<vmem>> -> memref<128xi32, #tpu.memory_space<vmem>>
      %dma_wait3A_690 = arith.constant 0 : i32
      %dma_wait3A_691 = arith.constant 0 : i32
      %dma_wait3A_692 = tpu.memref_slice %arg4[%dma_wait3A_690, %dma_wait3A_691] : memref<10000x128xbf16, #tpu.memory_space<hbm>> -> memref<10000x128xbf16, #tpu.memory_space<hbm>>
      %dma_wait3A_693 = tpu.memref_slice %arg11[%dma_wait3A_682] : memref<8x!tpu.dma_semaphore, #tpu.memory_space<semaphore_mem>> -> memref<1x!tpu.dma_semaphore, #tpu.memory_space<semaphore_mem>>
      %dma_wait3A_694 = tpu.memref_squeeze %dma_wait3A_693 : memref<1x!tpu.dma_semaphore, #tpu.memory_space<semaphore_mem>> -> memref<!tpu.dma_semaphore, #tpu.memory_space<semaphore_mem>>
      tpu.wait_indirect_dma semaphore(%dma_wait3A_694 : memref<!tpu.dma_semaphore, #tpu.memory_space<semaphore_mem>>) src(%dma_wait3A_692 : memref<10000x128xbf16, #tpu.memory_space<hbm>>) dst(%dma_wait3A_686 : memref<128x128xbf16, #tpu.memory_space<vmem>>)
      %run_scoped3A_695 = arith.constant 4 : i32
      "tpu.region"() ({
        %run_scoped3A_817 = tpu.sem_alloc : memref<!tpu.dma_semaphore, #tpu.memory_space<semaphore_mem>>
        %dma_start3A_818 = arith.constant 0 : i32
        %dma_start3A_819 = arith.constant 0 : i32
        %dma_start3A_820 = tpu.memref_slice %arg9[%run_scoped3A_695, %dma_start3A_818, %dma_start3A_819] : memref<8x128x128xbf16, #tpu.memory_space<vmem>> -> memref<1x128x128xbf16, #tpu.memory_space<vmem>>
        %dma_start3A_821 = tpu.memref_squeeze %dma_start3A_820 : memref<1x128x128xbf16, #tpu.memory_space<vmem>> -> memref<128x128xbf16, #tpu.memory_space<vmem>>
        %dma_start3A_822 = arith.constant 0 : i32
        %dma_start3A_823 = tpu.memref_slice %arg8[%add3A_680, %dma_start3A_822] : memref<40x128xi32, #tpu.memory_space<vmem>> -> memref<1x128xi32, #tpu.memory_space<vmem>>
        %dma_start3A_824 = tpu.memref_squeeze %dma_start3A_823 : memref<1x128xi32, #tpu.memory_space<vmem>> -> memref<128xi32, #tpu.memory_space<vmem>>
        %dma_start3A_825 = arith.constant 0 : i32
        %dma_start3A_826 = arith.constant 0 : i32
        %dma_start3A_827 = tpu.memref_slice %arg10[%dma_start3A_825, %dma_start3A_826] : memref<10112x128xbf16, #tpu.memory_space<vmem_shared>> -> memref<10112x128xbf16, #tpu.memory_space<vmem_shared>>
        tpu.enqueue_indirect_dma source(%dma_start3A_821 : memref<128x128xbf16, #tpu.memory_space<vmem>>) target(%dma_start3A_827 : memref<10112x128xbf16, #tpu.memory_space<vmem_shared>>) offsets(%dma_start3A_824 : memref<128xi32, #tpu.memory_space<vmem>>) semaphore(%run_scoped3A_817 : memref<!tpu.dma_semaphore, #tpu.memory_space<semaphore_mem>>) {add = true}
        %dma_wait3A_828 = arith.constant 0 : i32
        %dma_wait3A_829 = arith.constant 0 : i32
        %dma_wait3A_830 = tpu.memref_slice %arg9[%run_scoped3A_695, %dma_wait3A_828, %dma_wait3A_829] : memref<8x128x128xbf16, #tpu.memory_space<vmem>> -> memref<1x128x128xbf16, #tpu.memory_space<vmem>>
        %dma_wait3A_831 = tpu.memref_squeeze %dma_wait3A_830 : memref<1x128x128xbf16, #tpu.memory_space<vmem>> -> memref<128x128xbf16, #tpu.memory_space<vmem>>
        %dma_wait3A_832 = arith.constant 0 : i32
        %dma_wait3A_833 = tpu.memref_slice %arg8[%add3A_680, %dma_wait3A_832] : memref<40x128xi32, #tpu.memory_space<vmem>> -> memref<1x128xi32, #tpu.memory_space<vmem>>
        %dma_wait3A_834 = tpu.memref_squeeze %dma_wait3A_833 : memref<1x128xi32, #tpu.memory_space<vmem>> -> memref<128xi32, #tpu.memory_space<vmem>>
        %dma_wait3A_835 = arith.constant 0 : i32
        %dma_wait3A_836 = arith.constant 0 : i32
        %dma_wait3A_837 = tpu.memref_slice %arg10[%dma_wait3A_835, %dma_wait3A_836] : memref<10112x128xbf16, #tpu.memory_space<vmem_shared>> -> memref<10112x128xbf16, #tpu.memory_space<vmem_shared>>
        tpu.wait_indirect_dma semaphore(%run_scoped3A_817 : memref<!tpu.dma_semaphore, #tpu.memory_space<semaphore_mem>>) src(%dma_wait3A_831 : memref<128x128xbf16, #tpu.memory_space<vmem>>) dst(%dma_wait3A_837 : memref<10112x128xbf16, #tpu.memory_space<vmem_shared>>)
        tpu.yield
      }) : () -> ()
      %add3A_696 = arith.constant 8 : i32
      %add3A_697 = arith.addi %add3A_680, %add3A_696 : i32
      %dma_start3A_698 = arith.constant 4 : i32
      %dma_start3A_699 = arith.constant 4 : i32
      %dma_start3A_700 = arith.constant 0 : i32
      %dma_start3A_701 = arith.constant 0 : i32
      %dma_start3A_702 = tpu.memref_slice %arg9[%dma_start3A_698, %dma_start3A_700, %dma_start3A_701] : memref<8x128x128xbf16, #tpu.memory_space<vmem>> -> memref<1x128x128xbf16, #tpu.memory_space<vmem>>
      %dma_start3A_703 = tpu.memref_squeeze %dma_start3A_702 : memref<1x128x128xbf16, #tpu.memory_space<vmem>> -> memref<128x128xbf16, #tpu.memory_space<vmem>>
      %dma_start3A_704 = arith.constant 0 : i32
      %dma_start3A_705 = tpu.memref_slice %arg7[%add3A_697, %dma_start3A_704] : memref<40x128xi32, #tpu.memory_space<vmem>> -> memref<1x128xi32, #tpu.memory_space<vmem>>
      %dma_start3A_706 = tpu.memref_squeeze %dma_start3A_705 : memref<1x128xi32, #tpu.memory_space<vmem>> -> memref<128xi32, #tpu.memory_space<vmem>>
      %dma_start3A_707 = arith.constant 0 : i32
      %dma_start3A_708 = arith.constant 0 : i32
      %dma_start3A_709 = tpu.memref_slice %arg4[%dma_start3A_707, %dma_start3A_708] : memref<10000x128xbf16, #tpu.memory_space<hbm>> -> memref<10000x128xbf16, #tpu.memory_space<hbm>>
      %dma_start3A_710 = tpu.memref_slice %arg11[%dma_start3A_699] : memref<8x!tpu.dma_semaphore, #tpu.memory_space<semaphore_mem>> -> memref<1x!tpu.dma_semaphore, #tpu.memory_space<semaphore_mem>>
      %dma_start3A_711 = tpu.memref_squeeze %dma_start3A_710 : memref<1x!tpu.dma_semaphore, #tpu.memory_space<semaphore_mem>> -> memref<!tpu.dma_semaphore, #tpu.memory_space<semaphore_mem>>
      tpu.enqueue_indirect_dma source(%dma_start3A_709 : memref<10000x128xbf16, #tpu.memory_space<hbm>>) target(%dma_start3A_703 : memref<128x128xbf16, #tpu.memory_space<vmem>>) offsets(%dma_start3A_706 : memref<128xi32, #tpu.memory_space<vmem>>) semaphore(%dma_start3A_711 : memref<!tpu.dma_semaphore, #tpu.memory_space<semaphore_mem>>)
      %mul3A_712 = arith.constant 8 : i32
      %mul3A_713 = arith.muli %scan3A_536, %mul3A_712 : i32
      %add3A_714 = arith.constant 5 : i32
      %add3A_715 = arith.addi %mul3A_713, %add3A_714 : i32
      %dma_wait3A_716 = arith.constant 5 : i32
      %dma_wait3A_717 = arith.constant 5 : i32
      %dma_wait3A_718 = arith.constant 0 : i32
      %dma_wait3A_719 = arith.constant 0 : i32
      %dma_wait3A_720 = tpu.memref_slice %arg9[%dma_wait3A_716, %dma_wait3A_718, %dma_wait3A_719] : memref<8x128x128xbf16, #tpu.memory_space<vmem>> -> memref<1x128x128xbf16, #tpu.memory_space<vmem>>
      %dma_wait3A_721 = tpu.memref_squeeze %dma_wait3A_720 : memref<1x128x128xbf16, #tpu.memory_space<vmem>> -> memref<128x128xbf16, #tpu.memory_space<vmem>>
      %dma_wait3A_722 = arith.constant 0 : i32
      %dma_wait3A_723 = tpu.memref_slice %arg7[%add3A_715, %dma_wait3A_722] : memref<40x128xi32, #tpu.memory_space<vmem>> -> memref<1x128xi32, #tpu.memory_space<vmem>>
      %dma_wait3A_724 = tpu.memref_squeeze %dma_wait3A_723 : memref<1x128xi32, #tpu.memory_space<vmem>> -> memref<128xi32, #tpu.memory_space<vmem>>
      %dma_wait3A_725 = arith.constant 0 : i32
      %dma_wait3A_726 = arith.constant 0 : i32
      %dma_wait3A_727 = tpu.memref_slice %arg4[%dma_wait3A_725, %dma_wait3A_726] : memref<10000x128xbf16, #tpu.memory_space<hbm>> -> memref<10000x128xbf16, #tpu.memory_space<hbm>>
      %dma_wait3A_728 = tpu.memref_slice %arg11[%dma_wait3A_717] : memref<8x!tpu.dma_semaphore, #tpu.memory_space<semaphore_mem>> -> memref<1x!tpu.dma_semaphore, #tpu.memory_space<semaphore_mem>>
      %dma_wait3A_729 = tpu.memref_squeeze %dma_wait3A_728 : memref<1x!tpu.dma_semaphore, #tpu.memory_space<semaphore_mem>> -> memref<!tpu.dma_semaphore, #tpu.memory_space<semaphore_mem>>
      tpu.wait_indirect_dma semaphore(%dma_wait3A_729 : memref<!tpu.dma_semaphore, #tpu.memory_space<semaphore_mem>>) src(%dma_wait3A_727 : memref<10000x128xbf16, #tpu.memory_space<hbm>>) dst(%dma_wait3A_721 : memref<128x128xbf16, #tpu.memory_space<vmem>>)
      %run_scoped3A_730 = arith.constant 5 : i32
      "tpu.region"() ({
        %run_scoped3A_817 = tpu.sem_alloc : memref<!tpu.dma_semaphore, #tpu.memory_space<semaphore_mem>>
        %dma_start3A_818 = arith.constant 0 : i32
        %dma_start3A_819 = arith.constant 0 : i32
        %dma_start3A_820 = tpu.memref_slice %arg9[%run_scoped3A_730, %dma_start3A_818, %dma_start3A_819] : memref<8x128x128xbf16, #tpu.memory_space<vmem>> -> memref<1x128x128xbf16, #tpu.memory_space<vmem>>
        %dma_start3A_821 = tpu.memref_squeeze %dma_start3A_820 : memref<1x128x128xbf16, #tpu.memory_space<vmem>> -> memref<128x128xbf16, #tpu.memory_space<vmem>>
        %dma_start3A_822 = arith.constant 0 : i32
        %dma_start3A_823 = tpu.memref_slice %arg8[%add3A_715, %dma_start3A_822] : memref<40x128xi32, #tpu.memory_space<vmem>> -> memref<1x128xi32, #tpu.memory_space<vmem>>
        %dma_start3A_824 = tpu.memref_squeeze %dma_start3A_823 : memref<1x128xi32, #tpu.memory_space<vmem>> -> memref<128xi32, #tpu.memory_space<vmem>>
        %dma_start3A_825 = arith.constant 0 : i32
        %dma_start3A_826 = arith.constant 0 : i32
        %dma_start3A_827 = tpu.memref_slice %arg10[%dma_start3A_825, %dma_start3A_826] : memref<10112x128xbf16, #tpu.memory_space<vmem_shared>> -> memref<10112x128xbf16, #tpu.memory_space<vmem_shared>>
        tpu.enqueue_indirect_dma source(%dma_start3A_821 : memref<128x128xbf16, #tpu.memory_space<vmem>>) target(%dma_start3A_827 : memref<10112x128xbf16, #tpu.memory_space<vmem_shared>>) offsets(%dma_start3A_824 : memref<128xi32, #tpu.memory_space<vmem>>) semaphore(%run_scoped3A_817 : memref<!tpu.dma_semaphore, #tpu.memory_space<semaphore_mem>>) {add = true}
        %dma_wait3A_828 = arith.constant 0 : i32
        %dma_wait3A_829 = arith.constant 0 : i32
        %dma_wait3A_830 = tpu.memref_slice %arg9[%run_scoped3A_730, %dma_wait3A_828, %dma_wait3A_829] : memref<8x128x128xbf16, #tpu.memory_space<vmem>> -> memref<1x128x128xbf16, #tpu.memory_space<vmem>>
        %dma_wait3A_831 = tpu.memref_squeeze %dma_wait3A_830 : memref<1x128x128xbf16, #tpu.memory_space<vmem>> -> memref<128x128xbf16, #tpu.memory_space<vmem>>
        %dma_wait3A_832 = arith.constant 0 : i32
        %dma_wait3A_833 = tpu.memref_slice %arg8[%add3A_715, %dma_wait3A_832] : memref<40x128xi32, #tpu.memory_space<vmem>> -> memref<1x128xi32, #tpu.memory_space<vmem>>
        %dma_wait3A_834 = tpu.memref_squeeze %dma_wait3A_833 : memref<1x128xi32, #tpu.memory_space<vmem>> -> memref<128xi32, #tpu.memory_space<vmem>>
        %dma_wait3A_835 = arith.constant 0 : i32
        %dma_wait3A_836 = arith.constant 0 : i32
        %dma_wait3A_837 = tpu.memref_slice %arg10[%dma_wait3A_835, %dma_wait3A_836] : memref<10112x128xbf16, #tpu.memory_space<vmem_shared>> -> memref<10112x128xbf16, #tpu.memory_space<vmem_shared>>
        tpu.wait_indirect_dma semaphore(%run_scoped3A_817 : memref<!tpu.dma_semaphore, #tpu.memory_space<semaphore_mem>>) src(%dma_wait3A_831 : memref<128x128xbf16, #tpu.memory_space<vmem>>) dst(%dma_wait3A_837 : memref<10112x128xbf16, #tpu.memory_space<vmem_shared>>)
        tpu.yield
      }) : () -> ()
      %add3A_731 = arith.constant 8 : i32
      %add3A_732 = arith.addi %add3A_715, %add3A_731 : i32
      %dma_start3A_733 = arith.constant 5 : i32
      %dma_start3A_734 = arith.constant 5 : i32
      %dma_start3A_735 = arith.constant 0 : i32
      %dma_start3A_736 = arith.constant 0 : i32
      %dma_start3A_737 = tpu.memref_slice %arg9[%dma_start3A_733, %dma_start3A_735, %dma_start3A_736] : memref<8x128x128xbf16, #tpu.memory_space<vmem>> -> memref<1x128x128xbf16, #tpu.memory_space<vmem>>
      %dma_start3A_738 = tpu.memref_squeeze %dma_start3A_737 : memref<1x128x128xbf16, #tpu.memory_space<vmem>> -> memref<128x128xbf16, #tpu.memory_space<vmem>>
      %dma_start3A_739 = arith.constant 0 : i32
      %dma_start3A_740 = tpu.memref_slice %arg7[%add3A_732, %dma_start3A_739] : memref<40x128xi32, #tpu.memory_space<vmem>> -> memref<1x128xi32, #tpu.memory_space<vmem>>
      %dma_start3A_741 = tpu.memref_squeeze %dma_start3A_740 : memref<1x128xi32, #tpu.memory_space<vmem>> -> memref<128xi32, #tpu.memory_space<vmem>>
      %dma_start3A_742 = arith.constant 0 : i32
      %dma_start3A_743 = arith.constant 0 : i32
      %dma_start3A_744 = tpu.memref_slice %arg4[%dma_start3A_742, %dma_start3A_743] : memref<10000x128xbf16, #tpu.memory_space<hbm>> -> memref<10000x128xbf16, #tpu.memory_space<hbm>>
      %dma_start3A_745 = tpu.memref_slice %arg11[%dma_start3A_734] : memref<8x!tpu.dma_semaphore, #tpu.memory_space<semaphore_mem>> -> memref<1x!tpu.dma_semaphore, #tpu.memory_space<semaphore_mem>>
      %dma_start3A_746 = tpu.memref_squeeze %dma_start3A_745 : memref<1x!tpu.dma_semaphore, #tpu.memory_space<semaphore_mem>> -> memref<!tpu.dma_semaphore, #tpu.memory_space<semaphore_mem>>
      tpu.enqueue_indirect_dma source(%dma_start3A_744 : memref<10000x128xbf16, #tpu.memory_space<hbm>>) target(%dma_start3A_738 : memref<128x128xbf16, #tpu.memory_space<vmem>>) offsets(%dma_start3A_741 : memref<128xi32, #tpu.memory_space<vmem>>) semaphore(%dma_start3A_746 : memref<!tpu.dma_semaphore, #tpu.memory_space<semaphore_mem>>)
      %mul3A_747 = arith.constant 8 : i32
      %mul3A_748 = arith.muli %scan3A_536, %mul3A_747 : i32
      %add3A_749 = arith.constant 6 : i32
      %add3A_750 = arith.addi %mul3A_748, %add3A_749 : i32
      %dma_wait3A_751 = arith.constant 6 : i32
      %dma_wait3A_752 = arith.constant 6 : i32
      %dma_wait3A_753 = arith.constant 0 : i32
      %dma_wait3A_754 = arith.constant 0 : i32
      %dma_wait3A_755 = tpu.memref_slice %arg9[%dma_wait3A_751, %dma_wait3A_753, %dma_wait3A_754] : memref<8x128x128xbf16, #tpu.memory_space<vmem>> -> memref<1x128x128xbf16, #tpu.memory_space<vmem>>
      %dma_wait3A_756 = tpu.memref_squeeze %dma_wait3A_755 : memref<1x128x128xbf16, #tpu.memory_space<vmem>> -> memref<128x128xbf16, #tpu.memory_space<vmem>>
      %dma_wait3A_757 = arith.constant 0 : i32
      %dma_wait3A_758 = tpu.memref_slice %arg7[%add3A_750, %dma_wait3A_757] : memref<40x128xi32, #tpu.memory_space<vmem>> -> memref<1x128xi32, #tpu.memory_space<vmem>>
      %dma_wait3A_759 = tpu.memref_squeeze %dma_wait3A_758 : memref<1x128xi32, #tpu.memory_space<vmem>> -> memref<128xi32, #tpu.memory_space<vmem>>
      %dma_wait3A_760 = arith.constant 0 : i32
      %dma_wait3A_761 = arith.constant 0 : i32
      %dma_wait3A_762 = tpu.memref_slice %arg4[%dma_wait3A_760, %dma_wait3A_761] : memref<10000x128xbf16, #tpu.memory_space<hbm>> -> memref<10000x128xbf16, #tpu.memory_space<hbm>>
      %dma_wait3A_763 = tpu.memref_slice %arg11[%dma_wait3A_752] : memref<8x!tpu.dma_semaphore, #tpu.memory_space<semaphore_mem>> -> memref<1x!tpu.dma_semaphore, #tpu.memory_space<semaphore_mem>>
      %dma_wait3A_764 = tpu.memref_squeeze %dma_wait3A_763 : memref<1x!tpu.dma_semaphore, #tpu.memory_space<semaphore_mem>> -> memref<!tpu.dma_semaphore, #tpu.memory_space<semaphore_mem>>
      tpu.wait_indirect_dma semaphore(%dma_wait3A_764 : memref<!tpu.dma_semaphore, #tpu.memory_space<semaphore_mem>>) src(%dma_wait3A_762 : memref<10000x128xbf16, #tpu.memory_space<hbm>>) dst(%dma_wait3A_756 : memref<128x128xbf16, #tpu.memory_space<vmem>>)
      %run_scoped3A_765 = arith.constant 6 : i32
      "tpu.region"() ({
        %run_scoped3A_817 = tpu.sem_alloc : memref<!tpu.dma_semaphore, #tpu.memory_space<semaphore_mem>>
        %dma_start3A_818 = arith.constant 0 : i32
        %dma_start3A_819 = arith.constant 0 : i32
        %dma_start3A_820 = tpu.memref_slice %arg9[%run_scoped3A_765, %dma_start3A_818, %dma_start3A_819] : memref<8x128x128xbf16, #tpu.memory_space<vmem>> -> memref<1x128x128xbf16, #tpu.memory_space<vmem>>
        %dma_start3A_821 = tpu.memref_squeeze %dma_start3A_820 : memref<1x128x128xbf16, #tpu.memory_space<vmem>> -> memref<128x128xbf16, #tpu.memory_space<vmem>>
        %dma_start3A_822 = arith.constant 0 : i32
        %dma_start3A_823 = tpu.memref_slice %arg8[%add3A_750, %dma_start3A_822] : memref<40x128xi32, #tpu.memory_space<vmem>> -> memref<1x128xi32, #tpu.memory_space<vmem>>
        %dma_start3A_824 = tpu.memref_squeeze %dma_start3A_823 : memref<1x128xi32, #tpu.memory_space<vmem>> -> memref<128xi32, #tpu.memory_space<vmem>>
        %dma_start3A_825 = arith.constant 0 : i32
        %dma_start3A_826 = arith.constant 0 : i32
        %dma_start3A_827 = tpu.memref_slice %arg10[%dma_start3A_825, %dma_start3A_826] : memref<10112x128xbf16, #tpu.memory_space<vmem_shared>> -> memref<10112x128xbf16, #tpu.memory_space<vmem_shared>>
        tpu.enqueue_indirect_dma source(%dma_start3A_821 : memref<128x128xbf16, #tpu.memory_space<vmem>>) target(%dma_start3A_827 : memref<10112x128xbf16, #tpu.memory_space<vmem_shared>>) offsets(%dma_start3A_824 : memref<128xi32, #tpu.memory_space<vmem>>) semaphore(%run_scoped3A_817 : memref<!tpu.dma_semaphore, #tpu.memory_space<semaphore_mem>>) {add = true}
        %dma_wait3A_828 = arith.constant 0 : i32
        %dma_wait3A_829 = arith.constant 0 : i32
        %dma_wait3A_830 = tpu.memref_slice %arg9[%run_scoped3A_765, %dma_wait3A_828, %dma_wait3A_829] : memref<8x128x128xbf16, #tpu.memory_space<vmem>> -> memref<1x128x128xbf16, #tpu.memory_space<vmem>>
        %dma_wait3A_831 = tpu.memref_squeeze %dma_wait3A_830 : memref<1x128x128xbf16, #tpu.memory_space<vmem>> -> memref<128x128xbf16, #tpu.memory_space<vmem>>
        %dma_wait3A_832 = arith.constant 0 : i32
        %dma_wait3A_833 = tpu.memref_slice %arg8[%add3A_750, %dma_wait3A_832] : memref<40x128xi32, #tpu.memory_space<vmem>> -> memref<1x128xi32, #tpu.memory_space<vmem>>
        %dma_wait3A_834 = tpu.memref_squeeze %dma_wait3A_833 : memref<1x128xi32, #tpu.memory_space<vmem>> -> memref<128xi32, #tpu.memory_space<vmem>>
        %dma_wait3A_835 = arith.constant 0 : i32
        %dma_wait3A_836 = arith.constant 0 : i32
        %dma_wait3A_837 = tpu.memref_slice %arg10[%dma_wait3A_835, %dma_wait3A_836] : memref<10112x128xbf16, #tpu.memory_space<vmem_shared>> -> memref<10112x128xbf16, #tpu.memory_space<vmem_shared>>
        tpu.wait_indirect_dma semaphore(%run_scoped3A_817 : memref<!tpu.dma_semaphore, #tpu.memory_space<semaphore_mem>>) src(%dma_wait3A_831 : memref<128x128xbf16, #tpu.memory_space<vmem>>) dst(%dma_wait3A_837 : memref<10112x128xbf16, #tpu.memory_space<vmem_shared>>)
        tpu.yield
      }) : () -> ()
      %add3A_766 = arith.constant 8 : i32
      %add3A_767 = arith.addi %add3A_750, %add3A_766 : i32
      %dma_start3A_768 = arith.constant 6 : i32
      %dma_start3A_769 = arith.constant 6 : i32
      %dma_start3A_770 = arith.constant 0 : i32
      %dma_start3A_771 = arith.constant 0 : i32
      %dma_start3A_772 = tpu.memref_slice %arg9[%dma_start3A_768, %dma_start3A_770, %dma_start3A_771] : memref<8x128x128xbf16, #tpu.memory_space<vmem>> -> memref<1x128x128xbf16, #tpu.memory_space<vmem>>
      %dma_start3A_773 = tpu.memref_squeeze %dma_start3A_772 : memref<1x128x128xbf16, #tpu.memory_space<vmem>> -> memref<128x128xbf16, #tpu.memory_space<vmem>>
      %dma_start3A_774 = arith.constant 0 : i32
      %dma_start3A_775 = tpu.memref_slice %arg7[%add3A_767, %dma_start3A_774] : memref<40x128xi32, #tpu.memory_space<vmem>> -> memref<1x128xi32, #tpu.memory_space<vmem>>
      %dma_start3A_776 = tpu.memref_squeeze %dma_start3A_775 : memref<1x128xi32, #tpu.memory_space<vmem>> -> memref<128xi32, #tpu.memory_space<vmem>>
      %dma_start3A_777 = arith.constant 0 : i32
      %dma_start3A_778 = arith.constant 0 : i32
      %dma_start3A_779 = tpu.memref_slice %arg4[%dma_start3A_777, %dma_start3A_778] : memref<10000x128xbf16, #tpu.memory_space<hbm>> -> memref<10000x128xbf16, #tpu.memory_space<hbm>>
      %dma_start3A_780 = tpu.memref_slice %arg11[%dma_start3A_769] : memref<8x!tpu.dma_semaphore, #tpu.memory_space<semaphore_mem>> -> memref<1x!tpu.dma_semaphore, #tpu.memory_space<semaphore_mem>>
      %dma_start3A_781 = tpu.memref_squeeze %dma_start3A_780 : memref<1x!tpu.dma_semaphore, #tpu.memory_space<semaphore_mem>> -> memref<!tpu.dma_semaphore, #tpu.memory_space<semaphore_mem>>
      tpu.enqueue_indirect_dma source(%dma_start3A_779 : memref<10000x128xbf16, #tpu.memory_space<hbm>>) target(%dma_start3A_773 : memref<128x128xbf16, #tpu.memory_space<vmem>>) offsets(%dma_start3A_776 : memref<128xi32, #tpu.memory_space<vmem>>) semaphore(%dma_start3A_781 : memref<!tpu.dma_semaphore, #tpu.memory_space<semaphore_mem>>)
      %mul3A_782 = arith.constant 8 : i32
      %mul3A_783 = arith.muli %scan3A_536, %mul3A_782 : i32
      %add3A_784 = arith.constant 7 : i32
      %add3A_785 = arith.addi %mul3A_783, %add3A_784 : i32
      %dma_wait3A_786 = arith.constant 7 : i32
      %dma_wait3A_787 = arith.constant 7 : i32
      %dma_wait3A_788 = arith.constant 0 : i32
      %dma_wait3A_789 = arith.constant 0 : i32
      %dma_wait3A_790 = tpu.memref_slice %arg9[%dma_wait3A_786, %dma_wait3A_788, %dma_wait3A_789] : memref<8x128x128xbf16, #tpu.memory_space<vmem>> -> memref<1x128x128xbf16, #tpu.memory_space<vmem>>
      %dma_wait3A_791 = tpu.memref_squeeze %dma_wait3A_790 : memref<1x128x128xbf16, #tpu.memory_space<vmem>> -> memref<128x128xbf16, #tpu.memory_space<vmem>>
      %dma_wait3A_792 = arith.constant 0 : i32
      %dma_wait3A_793 = tpu.memref_slice %arg7[%add3A_785, %dma_wait3A_792] : memref<40x128xi32, #tpu.memory_space<vmem>> -> memref<1x128xi32, #tpu.memory_space<vmem>>
      %dma_wait3A_794 = tpu.memref_squeeze %dma_wait3A_793 : memref<1x128xi32, #tpu.memory_space<vmem>> -> memref<128xi32, #tpu.memory_space<vmem>>
      %dma_wait3A_795 = arith.constant 0 : i32
      %dma_wait3A_796 = arith.constant 0 : i32
      %dma_wait3A_797 = tpu.memref_slice %arg4[%dma_wait3A_795, %dma_wait3A_796] : memref<10000x128xbf16, #tpu.memory_space<hbm>> -> memref<10000x128xbf16, #tpu.memory_space<hbm>>
      %dma_wait3A_798 = tpu.memref_slice %arg11[%dma_wait3A_787] : memref<8x!tpu.dma_semaphore, #tpu.memory_space<semaphore_mem>> -> memref<1x!tpu.dma_semaphore, #tpu.memory_space<semaphore_mem>>
      %dma_wait3A_799 = tpu.memref_squeeze %dma_wait3A_798 : memref<1x!tpu.dma_semaphore, #tpu.memory_space<semaphore_mem>> -> memref<!tpu.dma_semaphore, #tpu.memory_space<semaphore_mem>>
      tpu.wait_indirect_dma semaphore(%dma_wait3A_799 : memref<!tpu.dma_semaphore, #tpu.memory_space<semaphore_mem>>) src(%dma_wait3A_797 : memref<10000x128xbf16, #tpu.memory_space<hbm>>) dst(%dma_wait3A_791 : memref<128x128xbf16, #tpu.memory_space<vmem>>)
      %run_scoped3A_800 = arith.constant 7 : i32
      "tpu.region"() ({
        %run_scoped3A_817 = tpu.sem_alloc : memref<!tpu.dma_semaphore, #tpu.memory_space<semaphore_mem>>
        %dma_start3A_818 = arith.constant 0 : i32
        %dma_start3A_819 = arith.constant 0 : i32
        %dma_start3A_820 = tpu.memref_slice %arg9[%run_scoped3A_800, %dma_start3A_818, %dma_start3A_819] : memref<8x128x128xbf16, #tpu.memory_space<vmem>> -> memref<1x128x128xbf16, #tpu.memory_space<vmem>>
        %dma_start3A_821 = tpu.memref_squeeze %dma_start3A_820 : memref<1x128x128xbf16, #tpu.memory_space<vmem>> -> memref<128x128xbf16, #tpu.memory_space<vmem>>
        %dma_start3A_822 = arith.constant 0 : i32
        %dma_start3A_823 = tpu.memref_slice %arg8[%add3A_785, %dma_start3A_822] : memref<40x128xi32, #tpu.memory_space<vmem>> -> memref<1x128xi32, #tpu.memory_space<vmem>>
        %dma_start3A_824 = tpu.memref_squeeze %dma_start3A_823 : memref<1x128xi32, #tpu.memory_space<vmem>> -> memref<128xi32, #tpu.memory_space<vmem>>
        %dma_start3A_825 = arith.constant 0 : i32
        %dma_start3A_826 = arith.constant 0 : i32
        %dma_start3A_827 = tpu.memref_slice %arg10[%dma_start3A_825, %dma_start3A_826] : memref<10112x128xbf16, #tpu.memory_space<vmem_shared>> -> memref<10112x128xbf16, #tpu.memory_space<vmem_shared>>
        tpu.enqueue_indirect_dma source(%dma_start3A_821 : memref<128x128xbf16, #tpu.memory_space<vmem>>) target(%dma_start3A_827 : memref<10112x128xbf16, #tpu.memory_space<vmem_shared>>) offsets(%dma_start3A_824 : memref<128xi32, #tpu.memory_space<vmem>>) semaphore(%run_scoped3A_817 : memref<!tpu.dma_semaphore, #tpu.memory_space<semaphore_mem>>) {add = true}
        %dma_wait3A_828 = arith.constant 0 : i32
        %dma_wait3A_829 = arith.constant 0 : i32
        %dma_wait3A_830 = tpu.memref_slice %arg9[%run_scoped3A_800, %dma_wait3A_828, %dma_wait3A_829] : memref<8x128x128xbf16, #tpu.memory_space<vmem>> -> memref<1x128x128xbf16, #tpu.memory_space<vmem>>
        %dma_wait3A_831 = tpu.memref_squeeze %dma_wait3A_830 : memref<1x128x128xbf16, #tpu.memory_space<vmem>> -> memref<128x128xbf16, #tpu.memory_space<vmem>>
        %dma_wait3A_832 = arith.constant 0 : i32
        %dma_wait3A_833 = tpu.memref_slice %arg8[%add3A_785, %dma_wait3A_832] : memref<40x128xi32, #tpu.memory_space<vmem>> -> memref<1x128xi32, #tpu.memory_space<vmem>>
        %dma_wait3A_834 = tpu.memref_squeeze %dma_wait3A_833 : memref<1x128xi32, #tpu.memory_space<vmem>> -> memref<128xi32, #tpu.memory_space<vmem>>
        %dma_wait3A_835 = arith.constant 0 : i32
        %dma_wait3A_836 = arith.constant 0 : i32
        %dma_wait3A_837 = tpu.memref_slice %arg10[%dma_wait3A_835, %dma_wait3A_836] : memref<10112x128xbf16, #tpu.memory_space<vmem_shared>> -> memref<10112x128xbf16, #tpu.memory_space<vmem_shared>>
        tpu.wait_indirect_dma semaphore(%run_scoped3A_817 : memref<!tpu.dma_semaphore, #tpu.memory_space<semaphore_mem>>) src(%dma_wait3A_831 : memref<128x128xbf16, #tpu.memory_space<vmem>>) dst(%dma_wait3A_837 : memref<10112x128xbf16, #tpu.memory_space<vmem_shared>>)
        tpu.yield
      }) : () -> ()
      %add3A_801 = arith.constant 8 : i32
      %add3A_802 = arith.addi %add3A_785, %add3A_801 : i32
      %dma_start3A_803 = arith.constant 7 : i32
      %dma_start3A_804 = arith.constant 7 : i32
      %dma_start3A_805 = arith.constant 0 : i32
      %dma_start3A_806 = arith.constant 0 : i32
      %dma_start3A_807 = tpu.memref_slice %arg9[%dma_start3A_803, %dma_start3A_805, %dma_start3A_806] : memref<8x128x128xbf16, #tpu.memory_space<vmem>> -> memref<1x128x128xbf16, #tpu.memory_space<vmem>>
      %dma_start3A_808 = tpu.memref_squeeze %dma_start3A_807 : memref<1x128x128xbf16, #tpu.memory_space<vmem>> -> memref<128x128xbf16, #tpu.memory_space<vmem>>
      %dma_start3A_809 = arith.constant 0 : i32
      %dma_start3A_810 = tpu.memref_slice %arg7[%add3A_802, %dma_start3A_809] : memref<40x128xi32, #tpu.memory_space<vmem>> -> memref<1x128xi32, #tpu.memory_space<vmem>>
      %dma_start3A_811 = tpu.memref_squeeze %dma_start3A_810 : memref<1x128xi32, #tpu.memory_space<vmem>> -> memref<128xi32, #tpu.memory_space<vmem>>
      %dma_start3A_812 = arith.constant 0 : i32
      %dma_start3A_813 = arith.constant 0 : i32
      %dma_start3A_814 = tpu.memref_slice %arg4[%dma_start3A_812, %dma_start3A_813] : memref<10000x128xbf16, #tpu.memory_space<hbm>> -> memref<10000x128xbf16, #tpu.memory_space<hbm>>
      %dma_start3A_815 = tpu.memref_slice %arg11[%dma_start3A_804] : memref<8x!tpu.dma_semaphore, #tpu.memory_space<semaphore_mem>> -> memref<1x!tpu.dma_semaphore, #tpu.memory_space<semaphore_mem>>
      %dma_start3A_816 = tpu.memref_squeeze %dma_start3A_815 : memref<1x!tpu.dma_semaphore, #tpu.memory_space<semaphore_mem>> -> memref<!tpu.dma_semaphore, #tpu.memory_space<semaphore_mem>>
      tpu.enqueue_indirect_dma source(%dma_start3A_814 : memref<10000x128xbf16, #tpu.memory_space<hbm>>) target(%dma_start3A_808 : memref<128x128xbf16, #tpu.memory_space<vmem>>) offsets(%dma_start3A_811 : memref<128xi32, #tpu.memory_space<vmem>>) semaphore(%dma_start3A_816 : memref<!tpu.dma_semaphore, #tpu.memory_space<semaphore_mem>>)
    }
    %scan3A_130 = arith.constant 4 : i32
    %dma_wait3A = arith.constant 32 : i32
    %dma_wait3A_131 = arith.constant 0 : i32
    %dma_wait3A_132 = arith.constant 0 : i32
    %dma_wait3A_133 = arith.constant 0 : i32
    %dma_wait3A_134 = arith.constant 0 : i32
    %dma_wait3A_135 = tpu.memref_slice %arg9[%dma_wait3A_131, %dma_wait3A_133, %dma_wait3A_134] : memref<8x128x128xbf16, #tpu.memory_space<vmem>> -> memref<1x128x128xbf16, #tpu.memory_space<vmem>>
    %dma_wait3A_136 = tpu.memref_squeeze %dma_wait3A_135 : memref<1x128x128xbf16, #tpu.memory_space<vmem>> -> memref<128x128xbf16, #tpu.memory_space<vmem>>
    %dma_wait3A_137 = arith.constant 0 : i32
    %dma_wait3A_138 = tpu.memref_slice %arg7[%dma_wait3A, %dma_wait3A_137] : memref<40x128xi32, #tpu.memory_space<vmem>> -> memref<1x128xi32, #tpu.memory_space<vmem>>
    %dma_wait3A_139 = tpu.memref_squeeze %dma_wait3A_138 : memref<1x128xi32, #tpu.memory_space<vmem>> -> memref<128xi32, #tpu.memory_space<vmem>>
    %dma_wait3A_140 = arith.constant 0 : i32
    %dma_wait3A_141 = arith.constant 0 : i32
    %dma_wait3A_142 = tpu.memref_slice %arg4[%dma_wait3A_140, %dma_wait3A_141] : memref<10000x128xbf16, #tpu.memory_space<hbm>> -> memref<10000x128xbf16, #tpu.memory_space<hbm>>
    %dma_wait3A_143 = tpu.memref_slice %arg11[%dma_wait3A_132] : memref<8x!tpu.dma_semaphore, #tpu.memory_space<semaphore_mem>> -> memref<1x!tpu.dma_semaphore, #tpu.memory_space<semaphore_mem>>
    %dma_wait3A_144 = tpu.memref_squeeze %dma_wait3A_143 : memref<1x!tpu.dma_semaphore, #tpu.memory_space<semaphore_mem>> -> memref<!tpu.dma_semaphore, #tpu.memory_space<semaphore_mem>>
    tpu.wait_indirect_dma semaphore(%dma_wait3A_144 : memref<!tpu.dma_semaphore, #tpu.memory_space<semaphore_mem>>) src(%dma_wait3A_142 : memref<10000x128xbf16, #tpu.memory_space<hbm>>) dst(%dma_wait3A_136 : memref<128x128xbf16, #tpu.memory_space<vmem>>)
    %run_scoped3A = arith.constant 0 : i32
    %run_scoped3A_145 = arith.constant 32 : i32
    "tpu.region"() ({
      %run_scoped3A_536 = tpu.sem_alloc : memref<!tpu.dma_semaphore, #tpu.memory_space<semaphore_mem>>
      %dma_start3A_537 = arith.constant 0 : i32
      %dma_start3A_538 = arith.constant 0 : i32
      %dma_start3A_539 = tpu.memref_slice %arg9[%run_scoped3A, %dma_start3A_537, %dma_start3A_538] : memref<8x128x128xbf16, #tpu.memory_space<vmem>> -> memref<1x128x128xbf16, #tpu.memory_space<vmem>>
      %dma_start3A_540 = tpu.memref_squeeze %dma_start3A_539 : memref<1x128x128xbf16, #tpu.memory_space<vmem>> -> memref<128x128xbf16, #tpu.memory_space<vmem>>
      %dma_start3A_541 = arith.constant 0 : i32
      %dma_start3A_542 = tpu.memref_slice %arg8[%run_scoped3A_145, %dma_start3A_541] : memref<40x128xi32, #tpu.memory_space<vmem>> -> memref<1x128xi32, #tpu.memory_space<vmem>>
      %dma_start3A_543 = tpu.memref_squeeze %dma_start3A_542 : memref<1x128xi32, #tpu.memory_space<vmem>> -> memref<128xi32, #tpu.memory_space<vmem>>
      %dma_start3A_544 = arith.constant 0 : i32
      %dma_start3A_545 = arith.constant 0 : i32
      %dma_start3A_546 = tpu.memref_slice %arg10[%dma_start3A_544, %dma_start3A_545] : memref<10112x128xbf16, #tpu.memory_space<vmem_shared>> -> memref<10112x128xbf16, #tpu.memory_space<vmem_shared>>
      tpu.enqueue_indirect_dma source(%dma_start3A_540 : memref<128x128xbf16, #tpu.memory_space<vmem>>) target(%dma_start3A_546 : memref<10112x128xbf16, #tpu.memory_space<vmem_shared>>) offsets(%dma_start3A_543 : memref<128xi32, #tpu.memory_space<vmem>>) semaphore(%run_scoped3A_536 : memref<!tpu.dma_semaphore, #tpu.memory_space<semaphore_mem>>) {add = true}
      %dma_wait3A_547 = arith.constant 0 : i32
      %dma_wait3A_548 = arith.constant 0 : i32
      %dma_wait3A_549 = tpu.memref_slice %arg9[%run_scoped3A, %dma_wait3A_547, %dma_wait3A_548] : memref<8x128x128xbf16, #tpu.memory_space<vmem>> -> memref<1x128x128xbf16, #tpu.memory_space<vmem>>
      %dma_wait3A_550 = tpu.memref_squeeze %dma_wait3A_549 : memref<1x128x128xbf16, #tpu.memory_space<vmem>> -> memref<128x128xbf16, #tpu.memory_space<vmem>>
      %dma_wait3A_551 = arith.constant 0 : i32
      %dma_wait3A_552 = tpu.memref_slice %arg8[%run_scoped3A_145, %dma_wait3A_551] : memref<40x128xi32, #tpu.memory_space<vmem>> -> memref<1x128xi32, #tpu.memory_space<vmem>>
      %dma_wait3A_553 = tpu.memref_squeeze %dma_wait3A_552 : memref<1x128xi32, #tpu.memory_space<vmem>> -> memref<128xi32, #tpu.memory_space<vmem>>
      %dma_wait3A_554 = arith.constant 0 : i32
      %dma_wait3A_555 = arith.constant 0 : i32
      %dma_wait3A_556 = tpu.memref_slice %arg10[%dma_wait3A_554, %dma_wait3A_555] : memref<10112x128xbf16, #tpu.memory_space<vmem_shared>> -> memref<10112x128xbf16, #tpu.memory_space<vmem_shared>>
      tpu.wait_indirect_dma semaphore(%run_scoped3A_536 : memref<!tpu.dma_semaphore, #tpu.memory_space<semaphore_mem>>) src(%dma_wait3A_550 : memref<128x128xbf16, #tpu.memory_space<vmem>>) dst(%dma_wait3A_556 : memref<10112x128xbf16, #tpu.memory_space<vmem_shared>>)
      tpu.yield
    }) : () -> ()
    %dma_wait3A_146 = arith.constant 33 : i32
    %dma_wait3A_147 = arith.constant 1 : i32
    %dma_wait3A_148 = arith.constant 1 : i32
    %dma_wait3A_149 = arith.constant 0 : i32
    %dma_wait3A_150 = arith.constant 0 : i32
    %dma_wait3A_151 = tpu.memref_slice %arg9[%dma_wait3A_147, %dma_wait3A_149, %dma_wait3A_150] : memref<8x128x128xbf16, #tpu.memory_space<vmem>> -> memref<1x128x128xbf16, #tpu.memory_space<vmem>>
    %dma_wait3A_152 = tpu.memref_squeeze %dma_wait3A_151 : memref<1x128x128xbf16, #tpu.memory_space<vmem>> -> memref<128x128xbf16, #tpu.memory_space<vmem>>
    %dma_wait3A_153 = arith.constant 0 : i32
    %dma_wait3A_154 = tpu.memref_slice %arg7[%dma_wait3A_146, %dma_wait3A_153] : memref<40x128xi32, #tpu.memory_space<vmem>> -> memref<1x128xi32, #tpu.memory_space<vmem>>
    %dma_wait3A_155 = tpu.memref_squeeze %dma_wait3A_154 : memref<1x128xi32, #tpu.memory_space<vmem>> -> memref<128xi32, #tpu.memory_space<vmem>>
    %dma_wait3A_156 = arith.constant 0 : i32
    %dma_wait3A_157 = arith.constant 0 : i32
    %dma_wait3A_158 = tpu.memref_slice %arg4[%dma_wait3A_156, %dma_wait3A_157] : memref<10000x128xbf16, #tpu.memory_space<hbm>> -> memref<10000x128xbf16, #tpu.memory_space<hbm>>
    %dma_wait3A_159 = tpu.memref_slice %arg11[%dma_wait3A_148] : memref<8x!tpu.dma_semaphore, #tpu.memory_space<semaphore_mem>> -> memref<1x!tpu.dma_semaphore, #tpu.memory_space<semaphore_mem>>
    %dma_wait3A_160 = tpu.memref_squeeze %dma_wait3A_159 : memref<1x!tpu.dma_semaphore, #tpu.memory_space<semaphore_mem>> -> memref<!tpu.dma_semaphore, #tpu.memory_space<semaphore_mem>>
    tpu.wait_indirect_dma semaphore(%dma_wait3A_160 : memref<!tpu.dma_semaphore, #tpu.memory_space<semaphore_mem>>) src(%dma_wait3A_158 : memref<10000x128xbf16, #tpu.memory_space<hbm>>) dst(%dma_wait3A_152 : memref<128x128xbf16, #tpu.memory_space<vmem>>)
    %run_scoped3A_161 = arith.constant 1 : i32
    %run_scoped3A_162 = arith.constant 33 : i32
    "tpu.region"() ({
      %run_scoped3A_536 = tpu.sem_alloc : memref<!tpu.dma_semaphore, #tpu.memory_space<semaphore_mem>>
      %dma_start3A_537 = arith.constant 0 : i32
      %dma_start3A_538 = arith.constant 0 : i32
      %dma_start3A_539 = tpu.memref_slice %arg9[%run_scoped3A_161, %dma_start3A_537, %dma_start3A_538] : memref<8x128x128xbf16, #tpu.memory_space<vmem>> -> memref<1x128x128xbf16, #tpu.memory_space<vmem>>
      %dma_start3A_540 = tpu.memref_squeeze %dma_start3A_539 : memref<1x128x128xbf16, #tpu.memory_space<vmem>> -> memref<128x128xbf16, #tpu.memory_space<vmem>>
      %dma_start3A_541 = arith.constant 0 : i32
      %dma_start3A_542 = tpu.memref_slice %arg8[%run_scoped3A_162, %dma_start3A_541] : memref<40x128xi32, #tpu.memory_space<vmem>> -> memref<1x128xi32, #tpu.memory_space<vmem>>
      %dma_start3A_543 = tpu.memref_squeeze %dma_start3A_542 : memref<1x128xi32, #tpu.memory_space<vmem>> -> memref<128xi32, #tpu.memory_space<vmem>>
      %dma_start3A_544 = arith.constant 0 : i32
      %dma_start3A_545 = arith.constant 0 : i32
      %dma_start3A_546 = tpu.memref_slice %arg10[%dma_start3A_544, %dma_start3A_545] : memref<10112x128xbf16, #tpu.memory_space<vmem_shared>> -> memref<10112x128xbf16, #tpu.memory_space<vmem_shared>>
      tpu.enqueue_indirect_dma source(%dma_start3A_540 : memref<128x128xbf16, #tpu.memory_space<vmem>>) target(%dma_start3A_546 : memref<10112x128xbf16, #tpu.memory_space<vmem_shared>>) offsets(%dma_start3A_543 : memref<128xi32, #tpu.memory_space<vmem>>) semaphore(%run_scoped3A_536 : memref<!tpu.dma_semaphore, #tpu.memory_space<semaphore_mem>>) {add = true}
      %dma_wait3A_547 = arith.constant 0 : i32
      %dma_wait3A_548 = arith.constant 0 : i32
      %dma_wait3A_549 = tpu.memref_slice %arg9[%run_scoped3A_161, %dma_wait3A_547, %dma_wait3A_548] : memref<8x128x128xbf16, #tpu.memory_space<vmem>> -> memref<1x128x128xbf16, #tpu.memory_space<vmem>>
      %dma_wait3A_550 = tpu.memref_squeeze %dma_wait3A_549 : memref<1x128x128xbf16, #tpu.memory_space<vmem>> -> memref<128x128xbf16, #tpu.memory_space<vmem>>
      %dma_wait3A_551 = arith.constant 0 : i32
      %dma_wait3A_552 = tpu.memref_slice %arg8[%run_scoped3A_162, %dma_wait3A_551] : memref<40x128xi32, #tpu.memory_space<vmem>> -> memref<1x128xi32, #tpu.memory_space<vmem>>
      %dma_wait3A_553 = tpu.memref_squeeze %dma_wait3A_552 : memref<1x128xi32, #tpu.memory_space<vmem>> -> memref<128xi32, #tpu.memory_space<vmem>>
      %dma_wait3A_554 = arith.constant 0 : i32
      %dma_wait3A_555 = arith.constant 0 : i32
      %dma_wait3A_556 = tpu.memref_slice %arg10[%dma_wait3A_554, %dma_wait3A_555] : memref<10112x128xbf16, #tpu.memory_space<vmem_shared>> -> memref<10112x128xbf16, #tpu.memory_space<vmem_shared>>
      tpu.wait_indirect_dma semaphore(%run_scoped3A_536 : memref<!tpu.dma_semaphore, #tpu.memory_space<semaphore_mem>>) src(%dma_wait3A_550 : memref<128x128xbf16, #tpu.memory_space<vmem>>) dst(%dma_wait3A_556 : memref<10112x128xbf16, #tpu.memory_space<vmem_shared>>)
      tpu.yield
    }) : () -> ()
    %dma_wait3A_163 = arith.constant 34 : i32
    %dma_wait3A_164 = arith.constant 2 : i32
    %dma_wait3A_165 = arith.constant 2 : i32
    %dma_wait3A_166 = arith.constant 0 : i32
    %dma_wait3A_167 = arith.constant 0 : i32
    %dma_wait3A_168 = tpu.memref_slice %arg9[%dma_wait3A_164, %dma_wait3A_166, %dma_wait3A_167] : memref<8x128x128xbf16, #tpu.memory_space<vmem>> -> memref<1x128x128xbf16, #tpu.memory_space<vmem>>
    %dma_wait3A_169 = tpu.memref_squeeze %dma_wait3A_168 : memref<1x128x128xbf16, #tpu.memory_space<vmem>> -> memref<128x128xbf16, #tpu.memory_space<vmem>>
    %dma_wait3A_170 = arith.constant 0 : i32
    %dma_wait3A_171 = tpu.memref_slice %arg7[%dma_wait3A_163, %dma_wait3A_170] : memref<40x128xi32, #tpu.memory_space<vmem>> -> memref<1x128xi32, #tpu.memory_space<vmem>>
    %dma_wait3A_172 = tpu.memref_squeeze %dma_wait3A_171 : memref<1x128xi32, #tpu.memory_space<vmem>> -> memref<128xi32, #tpu.memory_space<vmem>>
    %dma_wait3A_173 = arith.constant 0 : i32
    %dma_wait3A_174 = arith.constant 0 : i32
    %dma_wait3A_175 = tpu.memref_slice %arg4[%dma_wait3A_173, %dma_wait3A_174] : memref<10000x128xbf16, #tpu.memory_space<hbm>> -> memref<10000x128xbf16, #tpu.memory_space<hbm>>
    %dma_wait3A_176 = tpu.memref_slice %arg11[%dma_wait3A_165] : memref<8x!tpu.dma_semaphore, #tpu.memory_space<semaphore_mem>> -> memref<1x!tpu.dma_semaphore, #tpu.memory_space<semaphore_mem>>
    %dma_wait3A_177 = tpu.memref_squeeze %dma_wait3A_176 : memref<1x!tpu.dma_semaphore, #tpu.memory_space<semaphore_mem>> -> memref<!tpu.dma_semaphore, #tpu.memory_space<semaphore_mem>>
    tpu.wait_indirect_dma semaphore(%dma_wait3A_177 : memref<!tpu.dma_semaphore, #tpu.memory_space<semaphore_mem>>) src(%dma_wait3A_175 : memref<10000x128xbf16, #tpu.memory_space<hbm>>) dst(%dma_wait3A_169 : memref<128x128xbf16, #tpu.memory_space<vmem>>)
    %run_scoped3A_178 = arith.constant 2 : i32
    %run_scoped3A_179 = arith.constant 34 : i32
    "tpu.region"() ({
      %run_scoped3A_536 = tpu.sem_alloc : memref<!tpu.dma_semaphore, #tpu.memory_space<semaphore_mem>>
      %dma_start3A_537 = arith.constant 0 : i32
      %dma_start3A_538 = arith.constant 0 : i32
      %dma_start3A_539 = tpu.memref_slice %arg9[%run_scoped3A_178, %dma_start3A_537, %dma_start3A_538] : memref<8x128x128xbf16, #tpu.memory_space<vmem>> -> memref<1x128x128xbf16, #tpu.memory_space<vmem>>
      %dma_start3A_540 = tpu.memref_squeeze %dma_start3A_539 : memref<1x128x128xbf16, #tpu.memory_space<vmem>> -> memref<128x128xbf16, #tpu.memory_space<vmem>>
      %dma_start3A_541 = arith.constant 0 : i32
      %dma_start3A_542 = tpu.memref_slice %arg8[%run_scoped3A_179, %dma_start3A_541] : memref<40x128xi32, #tpu.memory_space<vmem>> -> memref<1x128xi32, #tpu.memory_space<vmem>>
      %dma_start3A_543 = tpu.memref_squeeze %dma_start3A_542 : memref<1x128xi32, #tpu.memory_space<vmem>> -> memref<128xi32, #tpu.memory_space<vmem>>
      %dma_start3A_544 = arith.constant 0 : i32
      %dma_start3A_545 = arith.constant 0 : i32
      %dma_start3A_546 = tpu.memref_slice %arg10[%dma_start3A_544, %dma_start3A_545] : memref<10112x128xbf16, #tpu.memory_space<vmem_shared>> -> memref<10112x128xbf16, #tpu.memory_space<vmem_shared>>
      tpu.enqueue_indirect_dma source(%dma_start3A_540 : memref<128x128xbf16, #tpu.memory_space<vmem>>) target(%dma_start3A_546 : memref<10112x128xbf16, #tpu.memory_space<vmem_shared>>) offsets(%dma_start3A_543 : memref<128xi32, #tpu.memory_space<vmem>>) semaphore(%run_scoped3A_536 : memref<!tpu.dma_semaphore, #tpu.memory_space<semaphore_mem>>) {add = true}
      %dma_wait3A_547 = arith.constant 0 : i32
      %dma_wait3A_548 = arith.constant 0 : i32
      %dma_wait3A_549 = tpu.memref_slice %arg9[%run_scoped3A_178, %dma_wait3A_547, %dma_wait3A_548] : memref<8x128x128xbf16, #tpu.memory_space<vmem>> -> memref<1x128x128xbf16, #tpu.memory_space<vmem>>
      %dma_wait3A_550 = tpu.memref_squeeze %dma_wait3A_549 : memref<1x128x128xbf16, #tpu.memory_space<vmem>> -> memref<128x128xbf16, #tpu.memory_space<vmem>>
      %dma_wait3A_551 = arith.constant 0 : i32
      %dma_wait3A_552 = tpu.memref_slice %arg8[%run_scoped3A_179, %dma_wait3A_551] : memref<40x128xi32, #tpu.memory_space<vmem>> -> memref<1x128xi32, #tpu.memory_space<vmem>>
      %dma_wait3A_553 = tpu.memref_squeeze %dma_wait3A_552 : memref<1x128xi32, #tpu.memory_space<vmem>> -> memref<128xi32, #tpu.memory_space<vmem>>
      %dma_wait3A_554 = arith.constant 0 : i32
      %dma_wait3A_555 = arith.constant 0 : i32
      %dma_wait3A_556 = tpu.memref_slice %arg10[%dma_wait3A_554, %dma_wait3A_555] : memref<10112x128xbf16, #tpu.memory_space<vmem_shared>> -> memref<10112x128xbf16, #tpu.memory_space<vmem_shared>>
      tpu.wait_indirect_dma semaphore(%run_scoped3A_536 : memref<!tpu.dma_semaphore, #tpu.memory_space<semaphore_mem>>) src(%dma_wait3A_550 : memref<128x128xbf16, #tpu.memory_space<vmem>>) dst(%dma_wait3A_556 : memref<10112x128xbf16, #tpu.memory_space<vmem_shared>>)
      tpu.yield
    }) : () -> ()
    %dma_wait3A_180 = arith.constant 35 : i32
    %dma_wait3A_181 = arith.constant 3 : i32
    %dma_wait3A_182 = arith.constant 3 : i32
    %dma_wait3A_183 = arith.constant 0 : i32
    %dma_wait3A_184 = arith.constant 0 : i32
    %dma_wait3A_185 = tpu.memref_slice %arg9[%dma_wait3A_181, %dma_wait3A_183, %dma_wait3A_184] : memref<8x128x128xbf16, #tpu.memory_space<vmem>> -> memref<1x128x128xbf16, #tpu.memory_space<vmem>>
    %dma_wait3A_186 = tpu.memref_squeeze %dma_wait3A_185 : memref<1x128x128xbf16, #tpu.memory_space<vmem>> -> memref<128x128xbf16, #tpu.memory_space<vmem>>
    %dma_wait3A_187 = arith.constant 0 : i32
    %dma_wait3A_188 = tpu.memref_slice %arg7[%dma_wait3A_180, %dma_wait3A_187] : memref<40x128xi32, #tpu.memory_space<vmem>> -> memref<1x128xi32, #tpu.memory_space<vmem>>
    %dma_wait3A_189 = tpu.memref_squeeze %dma_wait3A_188 : memref<1x128xi32, #tpu.memory_space<vmem>> -> memref<128xi32, #tpu.memory_space<vmem>>
    %dma_wait3A_190 = arith.constant 0 : i32
    %dma_wait3A_191 = arith.constant 0 : i32
    %dma_wait3A_192 = tpu.memref_slice %arg4[%dma_wait3A_190, %dma_wait3A_191] : memref<10000x128xbf16, #tpu.memory_space<hbm>> -> memref<10000x128xbf16, #tpu.memory_space<hbm>>
    %dma_wait3A_193 = tpu.memref_slice %arg11[%dma_wait3A_182] : memref<8x!tpu.dma_semaphore, #tpu.memory_space<semaphore_mem>> -> memref<1x!tpu.dma_semaphore, #tpu.memory_space<semaphore_mem>>
    %dma_wait3A_194 = tpu.memref_squeeze %dma_wait3A_193 : memref<1x!tpu.dma_semaphore, #tpu.memory_space<semaphore_mem>> -> memref<!tpu.dma_semaphore, #tpu.memory_space<semaphore_mem>>
    tpu.wait_indirect_dma semaphore(%dma_wait3A_194 : memref<!tpu.dma_semaphore, #tpu.memory_space<semaphore_mem>>) src(%dma_wait3A_192 : memref<10000x128xbf16, #tpu.memory_space<hbm>>) dst(%dma_wait3A_186 : memref<128x128xbf16, #tpu.memory_space<vmem>>)
    %run_scoped3A_195 = arith.constant 3 : i32
    %run_scoped3A_196 = arith.constant 35 : i32
    "tpu.region"() ({
      %run_scoped3A_536 = tpu.sem_alloc : memref<!tpu.dma_semaphore, #tpu.memory_space<semaphore_mem>>
      %dma_start3A_537 = arith.constant 0 : i32
      %dma_start3A_538 = arith.constant 0 : i32
      %dma_start3A_539 = tpu.memref_slice %arg9[%run_scoped3A_195, %dma_start3A_537, %dma_start3A_538] : memref<8x128x128xbf16, #tpu.memory_space<vmem>> -> memref<1x128x128xbf16, #tpu.memory_space<vmem>>
      %dma_start3A_540 = tpu.memref_squeeze %dma_start3A_539 : memref<1x128x128xbf16, #tpu.memory_space<vmem>> -> memref<128x128xbf16, #tpu.memory_space<vmem>>
      %dma_start3A_541 = arith.constant 0 : i32
      %dma_start3A_542 = tpu.memref_slice %arg8[%run_scoped3A_196, %dma_start3A_541] : memref<40x128xi32, #tpu.memory_space<vmem>> -> memref<1x128xi32, #tpu.memory_space<vmem>>
      %dma_start3A_543 = tpu.memref_squeeze %dma_start3A_542 : memref<1x128xi32, #tpu.memory_space<vmem>> -> memref<128xi32, #tpu.memory_space<vmem>>
      %dma_start3A_544 = arith.constant 0 : i32
      %dma_start3A_545 = arith.constant 0 : i32
      %dma_start3A_546 = tpu.memref_slice %arg10[%dma_start3A_544, %dma_start3A_545] : memref<10112x128xbf16, #tpu.memory_space<vmem_shared>> -> memref<10112x128xbf16, #tpu.memory_space<vmem_shared>>
      tpu.enqueue_indirect_dma source(%dma_start3A_540 : memref<128x128xbf16, #tpu.memory_space<vmem>>) target(%dma_start3A_546 : memref<10112x128xbf16, #tpu.memory_space<vmem_shared>>) offsets(%dma_start3A_543 : memref<128xi32, #tpu.memory_space<vmem>>) semaphore(%run_scoped3A_536 : memref<!tpu.dma_semaphore, #tpu.memory_space<semaphore_mem>>) {add = true}
      %dma_wait3A_547 = arith.constant 0 : i32
      %dma_wait3A_548 = arith.constant 0 : i32
      %dma_wait3A_549 = tpu.memref_slice %arg9[%run_scoped3A_195, %dma_wait3A_547, %dma_wait3A_548] : memref<8x128x128xbf16, #tpu.memory_space<vmem>> -> memref<1x128x128xbf16, #tpu.memory_space<vmem>>
      %dma_wait3A_550 = tpu.memref_squeeze %dma_wait3A_549 : memref<1x128x128xbf16, #tpu.memory_space<vmem>> -> memref<128x128xbf16, #tpu.memory_space<vmem>>
      %dma_wait3A_551 = arith.constant 0 : i32
      %dma_wait3A_552 = tpu.memref_slice %arg8[%run_scoped3A_196, %dma_wait3A_551] : memref<40x128xi32, #tpu.memory_space<vmem>> -> memref<1x128xi32, #tpu.memory_space<vmem>>
      %dma_wait3A_553 = tpu.memref_squeeze %dma_wait3A_552 : memref<1x128xi32, #tpu.memory_space<vmem>> -> memref<128xi32, #tpu.memory_space<vmem>>
      %dma_wait3A_554 = arith.constant 0 : i32
      %dma_wait3A_555 = arith.constant 0 : i32
      %dma_wait3A_556 = tpu.memref_slice %arg10[%dma_wait3A_554, %dma_wait3A_555] : memref<10112x128xbf16, #tpu.memory_space<vmem_shared>> -> memref<10112x128xbf16, #tpu.memory_space<vmem_shared>>
      tpu.wait_indirect_dma semaphore(%run_scoped3A_536 : memref<!tpu.dma_semaphore, #tpu.memory_space<semaphore_mem>>) src(%dma_wait3A_550 : memref<128x128xbf16, #tpu.memory_space<vmem>>) dst(%dma_wait3A_556 : memref<10112x128xbf16, #tpu.memory_space<vmem_shared>>)
      tpu.yield
    }) : () -> ()
    %dma_wait3A_197 = arith.constant 36 : i32
    %dma_wait3A_198 = arith.constant 4 : i32
    %dma_wait3A_199 = arith.constant 4 : i32
    %dma_wait3A_200 = arith.constant 0 : i32
    %dma_wait3A_201 = arith.constant 0 : i32
    %dma_wait3A_202 = tpu.memref_slice %arg9[%dma_wait3A_198, %dma_wait3A_200, %dma_wait3A_201] : memref<8x128x128xbf16, #tpu.memory_space<vmem>> -> memref<1x128x128xbf16, #tpu.memory_space<vmem>>
    %dma_wait3A_203 = tpu.memref_squeeze %dma_wait3A_202 : memref<1x128x128xbf16, #tpu.memory_space<vmem>> -> memref<128x128xbf16, #tpu.memory_space<vmem>>
    %dma_wait3A_204 = arith.constant 0 : i32
    %dma_wait3A_205 = tpu.memref_slice %arg7[%dma_wait3A_197, %dma_wait3A_204] : memref<40x128xi32, #tpu.memory_space<vmem>> -> memref<1x128xi32, #tpu.memory_space<vmem>>
    %dma_wait3A_206 = tpu.memref_squeeze %dma_wait3A_205 : memref<1x128xi32, #tpu.memory_space<vmem>> -> memref<128xi32, #tpu.memory_space<vmem>>
    %dma_wait3A_207 = arith.constant 0 : i32
    %dma_wait3A_208 = arith.constant 0 : i32
    %dma_wait3A_209 = tpu.memref_slice %arg4[%dma_wait3A_207, %dma_wait3A_208] : memref<10000x128xbf16, #tpu.memory_space<hbm>> -> memref<10000x128xbf16, #tpu.memory_space<hbm>>
    %dma_wait3A_210 = tpu.memref_slice %arg11[%dma_wait3A_199] : memref<8x!tpu.dma_semaphore, #tpu.memory_space<semaphore_mem>> -> memref<1x!tpu.dma_semaphore, #tpu.memory_space<semaphore_mem>>
    %dma_wait3A_211 = tpu.memref_squeeze %dma_wait3A_210 : memref<1x!tpu.dma_semaphore, #tpu.memory_space<semaphore_mem>> -> memref<!tpu.dma_semaphore, #tpu.memory_space<semaphore_mem>>
    tpu.wait_indirect_dma semaphore(%dma_wait3A_211 : memref<!tpu.dma_semaphore, #tpu.memory_space<semaphore_mem>>) src(%dma_wait3A_209 : memref<10000x128xbf16, #tpu.memory_space<hbm>>) dst(%dma_wait3A_203 : memref<128x128xbf16, #tpu.memory_space<vmem>>)
    %run_scoped3A_212 = arith.constant 4 : i32
    %run_scoped3A_213 = arith.constant 36 : i32
    "tpu.region"() ({
      %run_scoped3A_536 = tpu.sem_alloc : memref<!tpu.dma_semaphore, #tpu.memory_space<semaphore_mem>>
      %dma_start3A_537 = arith.constant 0 : i32
      %dma_start3A_538 = arith.constant 0 : i32
      %dma_start3A_539 = tpu.memref_slice %arg9[%run_scoped3A_212, %dma_start3A_537, %dma_start3A_538] : memref<8x128x128xbf16, #tpu.memory_space<vmem>> -> memref<1x128x128xbf16, #tpu.memory_space<vmem>>
      %dma_start3A_540 = tpu.memref_squeeze %dma_start3A_539 : memref<1x128x128xbf16, #tpu.memory_space<vmem>> -> memref<128x128xbf16, #tpu.memory_space<vmem>>
      %dma_start3A_541 = arith.constant 0 : i32
      %dma_start3A_542 = tpu.memref_slice %arg8[%run_scoped3A_213, %dma_start3A_541] : memref<40x128xi32, #tpu.memory_space<vmem>> -> memref<1x128xi32, #tpu.memory_space<vmem>>
      %dma_start3A_543 = tpu.memref_squeeze %dma_start3A_542 : memref<1x128xi32, #tpu.memory_space<vmem>> -> memref<128xi32, #tpu.memory_space<vmem>>
      %dma_start3A_544 = arith.constant 0 : i32
      %dma_start3A_545 = arith.constant 0 : i32
      %dma_start3A_546 = tpu.memref_slice %arg10[%dma_start3A_544, %dma_start3A_545] : memref<10112x128xbf16, #tpu.memory_space<vmem_shared>> -> memref<10112x128xbf16, #tpu.memory_space<vmem_shared>>
      tpu.enqueue_indirect_dma source(%dma_start3A_540 : memref<128x128xbf16, #tpu.memory_space<vmem>>) target(%dma_start3A_546 : memref<10112x128xbf16, #tpu.memory_space<vmem_shared>>) offsets(%dma_start3A_543 : memref<128xi32, #tpu.memory_space<vmem>>) semaphore(%run_scoped3A_536 : memref<!tpu.dma_semaphore, #tpu.memory_space<semaphore_mem>>) {add = true}
      %dma_wait3A_547 = arith.constant 0 : i32
      %dma_wait3A_548 = arith.constant 0 : i32
      %dma_wait3A_549 = tpu.memref_slice %arg9[%run_scoped3A_212, %dma_wait3A_547, %dma_wait3A_548] : memref<8x128x128xbf16, #tpu.memory_space<vmem>> -> memref<1x128x128xbf16, #tpu.memory_space<vmem>>
      %dma_wait3A_550 = tpu.memref_squeeze %dma_wait3A_549 : memref<1x128x128xbf16, #tpu.memory_space<vmem>> -> memref<128x128xbf16, #tpu.memory_space<vmem>>
      %dma_wait3A_551 = arith.constant 0 : i32
      %dma_wait3A_552 = tpu.memref_slice %arg8[%run_scoped3A_213, %dma_wait3A_551] : memref<40x128xi32, #tpu.memory_space<vmem>> -> memref<1x128xi32, #tpu.memory_space<vmem>>
      %dma_wait3A_553 = tpu.memref_squeeze %dma_wait3A_552 : memref<1x128xi32, #tpu.memory_space<vmem>> -> memref<128xi32, #tpu.memory_space<vmem>>
      %dma_wait3A_554 = arith.constant 0 : i32
      %dma_wait3A_555 = arith.constant 0 : i32
      %dma_wait3A_556 = tpu.memref_slice %arg10[%dma_wait3A_554, %dma_wait3A_555] : memref<10112x128xbf16, #tpu.memory_space<vmem_shared>> -> memref<10112x128xbf16, #tpu.memory_space<vmem_shared>>
      tpu.wait_indirect_dma semaphore(%run_scoped3A_536 : memref<!tpu.dma_semaphore, #tpu.memory_space<semaphore_mem>>) src(%dma_wait3A_550 : memref<128x128xbf16, #tpu.memory_space<vmem>>) dst(%dma_wait3A_556 : memref<10112x128xbf16, #tpu.memory_space<vmem_shared>>)
      tpu.yield
    }) : () -> ()
    %dma_wait3A_214 = arith.constant 37 : i32
    %dma_wait3A_215 = arith.constant 5 : i32
    %dma_wait3A_216 = arith.constant 5 : i32
    %dma_wait3A_217 = arith.constant 0 : i32
    %dma_wait3A_218 = arith.constant 0 : i32
    %dma_wait3A_219 = tpu.memref_slice %arg9[%dma_wait3A_215, %dma_wait3A_217, %dma_wait3A_218] : memref<8x128x128xbf16, #tpu.memory_space<vmem>> -> memref<1x128x128xbf16, #tpu.memory_space<vmem>>
    %dma_wait3A_220 = tpu.memref_squeeze %dma_wait3A_219 : memref<1x128x128xbf16, #tpu.memory_space<vmem>> -> memref<128x128xbf16, #tpu.memory_space<vmem>>
    %dma_wait3A_221 = arith.constant 0 : i32
    %dma_wait3A_222 = tpu.memref_slice %arg7[%dma_wait3A_214, %dma_wait3A_221] : memref<40x128xi32, #tpu.memory_space<vmem>> -> memref<1x128xi32, #tpu.memory_space<vmem>>
    %dma_wait3A_223 = tpu.memref_squeeze %dma_wait3A_222 : memref<1x128xi32, #tpu.memory_space<vmem>> -> memref<128xi32, #tpu.memory_space<vmem>>
    %dma_wait3A_224 = arith.constant 0 : i32
    %dma_wait3A_225 = arith.constant 0 : i32
    %dma_wait3A_226 = tpu.memref_slice %arg4[%dma_wait3A_224, %dma_wait3A_225] : memref<10000x128xbf16, #tpu.memory_space<hbm>> -> memref<10000x128xbf16, #tpu.memory_space<hbm>>
    %dma_wait3A_227 = tpu.memref_slice %arg11[%dma_wait3A_216] : memref<8x!tpu.dma_semaphore, #tpu.memory_space<semaphore_mem>> -> memref<1x!tpu.dma_semaphore, #tpu.memory_space<semaphore_mem>>
    %dma_wait3A_228 = tpu.memref_squeeze %dma_wait3A_227 : memref<1x!tpu.dma_semaphore, #tpu.memory_space<semaphore_mem>> -> memref<!tpu.dma_semaphore, #tpu.memory_space<semaphore_mem>>
    tpu.wait_indirect_dma semaphore(%dma_wait3A_228 : memref<!tpu.dma_semaphore, #tpu.memory_space<semaphore_mem>>) src(%dma_wait3A_226 : memref<10000x128xbf16, #tpu.memory_space<hbm>>) dst(%dma_wait3A_220 : memref<128x128xbf16, #tpu.memory_space<vmem>>)
    %run_scoped3A_229 = arith.constant 5 : i32
    %run_scoped3A_230 = arith.constant 37 : i32
    "tpu.region"() ({
      %run_scoped3A_536 = tpu.sem_alloc : memref<!tpu.dma_semaphore, #tpu.memory_space<semaphore_mem>>
      %dma_start3A_537 = arith.constant 0 : i32
      %dma_start3A_538 = arith.constant 0 : i32
      %dma_start3A_539 = tpu.memref_slice %arg9[%run_scoped3A_229, %dma_start3A_537, %dma_start3A_538] : memref<8x128x128xbf16, #tpu.memory_space<vmem>> -> memref<1x128x128xbf16, #tpu.memory_space<vmem>>
      %dma_start3A_540 = tpu.memref_squeeze %dma_start3A_539 : memref<1x128x128xbf16, #tpu.memory_space<vmem>> -> memref<128x128xbf16, #tpu.memory_space<vmem>>
      %dma_start3A_541 = arith.constant 0 : i32
      %dma_start3A_542 = tpu.memref_slice %arg8[%run_scoped3A_230, %dma_start3A_541] : memref<40x128xi32, #tpu.memory_space<vmem>> -> memref<1x128xi32, #tpu.memory_space<vmem>>
      %dma_start3A_543 = tpu.memref_squeeze %dma_start3A_542 : memref<1x128xi32, #tpu.memory_space<vmem>> -> memref<128xi32, #tpu.memory_space<vmem>>
      %dma_start3A_544 = arith.constant 0 : i32
      %dma_start3A_545 = arith.constant 0 : i32
      %dma_start3A_546 = tpu.memref_slice %arg10[%dma_start3A_544, %dma_start3A_545] : memref<10112x128xbf16, #tpu.memory_space<vmem_shared>> -> memref<10112x128xbf16, #tpu.memory_space<vmem_shared>>
      tpu.enqueue_indirect_dma source(%dma_start3A_540 : memref<128x128xbf16, #tpu.memory_space<vmem>>) target(%dma_start3A_546 : memref<10112x128xbf16, #tpu.memory_space<vmem_shared>>) offsets(%dma_start3A_543 : memref<128xi32, #tpu.memory_space<vmem>>) semaphore(%run_scoped3A_536 : memref<!tpu.dma_semaphore, #tpu.memory_space<semaphore_mem>>) {add = true}
      %dma_wait3A_547 = arith.constant 0 : i32
      %dma_wait3A_548 = arith.constant 0 : i32
      %dma_wait3A_549 = tpu.memref_slice %arg9[%run_scoped3A_229, %dma_wait3A_547, %dma_wait3A_548] : memref<8x128x128xbf16, #tpu.memory_space<vmem>> -> memref<1x128x128xbf16, #tpu.memory_space<vmem>>
      %dma_wait3A_550 = tpu.memref_squeeze %dma_wait3A_549 : memref<1x128x128xbf16, #tpu.memory_space<vmem>> -> memref<128x128xbf16, #tpu.memory_space<vmem>>
      %dma_wait3A_551 = arith.constant 0 : i32
      %dma_wait3A_552 = tpu.memref_slice %arg8[%run_scoped3A_230, %dma_wait3A_551] : memref<40x128xi32, #tpu.memory_space<vmem>> -> memref<1x128xi32, #tpu.memory_space<vmem>>
      %dma_wait3A_553 = tpu.memref_squeeze %dma_wait3A_552 : memref<1x128xi32, #tpu.memory_space<vmem>> -> memref<128xi32, #tpu.memory_space<vmem>>
      %dma_wait3A_554 = arith.constant 0 : i32
      %dma_wait3A_555 = arith.constant 0 : i32
      %dma_wait3A_556 = tpu.memref_slice %arg10[%dma_wait3A_554, %dma_wait3A_555] : memref<10112x128xbf16, #tpu.memory_space<vmem_shared>> -> memref<10112x128xbf16, #tpu.memory_space<vmem_shared>>
      tpu.wait_indirect_dma semaphore(%run_scoped3A_536 : memref<!tpu.dma_semaphore, #tpu.memory_space<semaphore_mem>>) src(%dma_wait3A_550 : memref<128x128xbf16, #tpu.memory_space<vmem>>) dst(%dma_wait3A_556 : memref<10112x128xbf16, #tpu.memory_space<vmem_shared>>)
      tpu.yield
    }) : () -> ()
    %dma_wait3A_231 = arith.constant 38 : i32
    %dma_wait3A_232 = arith.constant 6 : i32
    %dma_wait3A_233 = arith.constant 6 : i32
    %dma_wait3A_234 = arith.constant 0 : i32
    %dma_wait3A_235 = arith.constant 0 : i32
    %dma_wait3A_236 = tpu.memref_slice %arg9[%dma_wait3A_232, %dma_wait3A_234, %dma_wait3A_235] : memref<8x128x128xbf16, #tpu.memory_space<vmem>> -> memref<1x128x128xbf16, #tpu.memory_space<vmem>>
    %dma_wait3A_237 = tpu.memref_squeeze %dma_wait3A_236 : memref<1x128x128xbf16, #tpu.memory_space<vmem>> -> memref<128x128xbf16, #tpu.memory_space<vmem>>
    %dma_wait3A_238 = arith.constant 0 : i32
    %dma_wait3A_239 = tpu.memref_slice %arg7[%dma_wait3A_231, %dma_wait3A_238] : memref<40x128xi32, #tpu.memory_space<vmem>> -> memref<1x128xi32, #tpu.memory_space<vmem>>
    %dma_wait3A_240 = tpu.memref_squeeze %dma_wait3A_239 : memref<1x128xi32, #tpu.memory_space<vmem>> -> memref<128xi32, #tpu.memory_space<vmem>>
    %dma_wait3A_241 = arith.constant 0 : i32
    %dma_wait3A_242 = arith.constant 0 : i32
    %dma_wait3A_243 = tpu.memref_slice %arg4[%dma_wait3A_241, %dma_wait3A_242] : memref<10000x128xbf16, #tpu.memory_space<hbm>> -> memref<10000x128xbf16, #tpu.memory_space<hbm>>
    %dma_wait3A_244 = tpu.memref_slice %arg11[%dma_wait3A_233] : memref<8x!tpu.dma_semaphore, #tpu.memory_space<semaphore_mem>> -> memref<1x!tpu.dma_semaphore, #tpu.memory_space<semaphore_mem>>
    %dma_wait3A_245 = tpu.memref_squeeze %dma_wait3A_244 : memref<1x!tpu.dma_semaphore, #tpu.memory_space<semaphore_mem>> -> memref<!tpu.dma_semaphore, #tpu.memory_space<semaphore_mem>>
    tpu.wait_indirect_dma semaphore(%dma_wait3A_245 : memref<!tpu.dma_semaphore, #tpu.memory_space<semaphore_mem>>) src(%dma_wait3A_243 : memref<10000x128xbf16, #tpu.memory_space<hbm>>) dst(%dma_wait3A_237 : memref<128x128xbf16, #tpu.memory_space<vmem>>)
    %run_scoped3A_246 = arith.constant 6 : i32
    %run_scoped3A_247 = arith.constant 38 : i32
    "tpu.region"() ({
      %run_scoped3A_536 = tpu.sem_alloc : memref<!tpu.dma_semaphore, #tpu.memory_space<semaphore_mem>>
      %dma_start3A_537 = arith.constant 0 : i32
      %dma_start3A_538 = arith.constant 0 : i32
      %dma_start3A_539 = tpu.memref_slice %arg9[%run_scoped3A_246, %dma_start3A_537, %dma_start3A_538] : memref<8x128x128xbf16, #tpu.memory_space<vmem>> -> memref<1x128x128xbf16, #tpu.memory_space<vmem>>
      %dma_start3A_540 = tpu.memref_squeeze %dma_start3A_539 : memref<1x128x128xbf16, #tpu.memory_space<vmem>> -> memref<128x128xbf16, #tpu.memory_space<vmem>>
      %dma_start3A_541 = arith.constant 0 : i32
      %dma_start3A_542 = tpu.memref_slice %arg8[%run_scoped3A_247, %dma_start3A_541] : memref<40x128xi32, #tpu.memory_space<vmem>> -> memref<1x128xi32, #tpu.memory_space<vmem>>
      %dma_start3A_543 = tpu.memref_squeeze %dma_start3A_542 : memref<1x128xi32, #tpu.memory_space<vmem>> -> memref<128xi32, #tpu.memory_space<vmem>>
      %dma_start3A_544 = arith.constant 0 : i32
      %dma_start3A_545 = arith.constant 0 : i32
      %dma_start3A_546 = tpu.memref_slice %arg10[%dma_start3A_544, %dma_start3A_545] : memref<10112x128xbf16, #tpu.memory_space<vmem_shared>> -> memref<10112x128xbf16, #tpu.memory_space<vmem_shared>>
      tpu.enqueue_indirect_dma source(%dma_start3A_540 : memref<128x128xbf16, #tpu.memory_space<vmem>>) target(%dma_start3A_546 : memref<10112x128xbf16, #tpu.memory_space<vmem_shared>>) offsets(%dma_start3A_543 : memref<128xi32, #tpu.memory_space<vmem>>) semaphore(%run_scoped3A_536 : memref<!tpu.dma_semaphore, #tpu.memory_space<semaphore_mem>>) {add = true}
      %dma_wait3A_547 = arith.constant 0 : i32
      %dma_wait3A_548 = arith.constant 0 : i32
      %dma_wait3A_549 = tpu.memref_slice %arg9[%run_scoped3A_246, %dma_wait3A_547, %dma_wait3A_548] : memref<8x128x128xbf16, #tpu.memory_space<vmem>> -> memref<1x128x128xbf16, #tpu.memory_space<vmem>>
      %dma_wait3A_550 = tpu.memref_squeeze %dma_wait3A_549 : memref<1x128x128xbf16, #tpu.memory_space<vmem>> -> memref<128x128xbf16, #tpu.memory_space<vmem>>
      %dma_wait3A_551 = arith.constant 0 : i32
      %dma_wait3A_552 = tpu.memref_slice %arg8[%run_scoped3A_247, %dma_wait3A_551] : memref<40x128xi32, #tpu.memory_space<vmem>> -> memref<1x128xi32, #tpu.memory_space<vmem>>
      %dma_wait3A_553 = tpu.memref_squeeze %dma_wait3A_552 : memref<1x128xi32, #tpu.memory_space<vmem>> -> memref<128xi32, #tpu.memory_space<vmem>>
      %dma_wait3A_554 = arith.constant 0 : i32
      %dma_wait3A_555 = arith.constant 0 : i32
      %dma_wait3A_556 = tpu.memref_slice %arg10[%dma_wait3A_554, %dma_wait3A_555] : memref<10112x128xbf16, #tpu.memory_space<vmem_shared>> -> memref<10112x128xbf16, #tpu.memory_space<vmem_shared>>
      tpu.wait_indirect_dma semaphore(%run_scoped3A_536 : memref<!tpu.dma_semaphore, #tpu.memory_space<semaphore_mem>>) src(%dma_wait3A_550 : memref<128x128xbf16, #tpu.memory_space<vmem>>) dst(%dma_wait3A_556 : memref<10112x128xbf16, #tpu.memory_space<vmem_shared>>)
      tpu.yield
    }) : () -> ()
    %dma_wait3A_248 = arith.constant 39 : i32
    %dma_wait3A_249 = arith.constant 7 : i32
    %dma_wait3A_250 = arith.constant 7 : i32
    %dma_wait3A_251 = arith.constant 0 : i32
    %dma_wait3A_252 = arith.constant 0 : i32
    %dma_wait3A_253 = tpu.memref_slice %arg9[%dma_wait3A_249, %dma_wait3A_251, %dma_wait3A_252] : memref<8x128x128xbf16, #tpu.memory_space<vmem>> -> memref<1x128x128xbf16, #tpu.memory_space<vmem>>
    %dma_wait3A_254 = tpu.memref_squeeze %dma_wait3A_253 : memref<1x128x128xbf16, #tpu.memory_space<vmem>> -> memref<128x128xbf16, #tpu.memory_space<vmem>>
    %dma_wait3A_255 = arith.constant 0 : i32
    %dma_wait3A_256 = tpu.memref_slice %arg7[%dma_wait3A_248, %dma_wait3A_255] : memref<40x128xi32, #tpu.memory_space<vmem>> -> memref<1x128xi32, #tpu.memory_space<vmem>>
    %dma_wait3A_257 = tpu.memref_squeeze %dma_wait3A_256 : memref<1x128xi32, #tpu.memory_space<vmem>> -> memref<128xi32, #tpu.memory_space<vmem>>
    %dma_wait3A_258 = arith.constant 0 : i32
    %dma_wait3A_259 = arith.constant 0 : i32
    %dma_wait3A_260 = tpu.memref_slice %arg4[%dma_wait3A_258, %dma_wait3A_259] : memref<10000x128xbf16, #tpu.memory_space<hbm>> -> memref<10000x128xbf16, #tpu.memory_space<hbm>>
    %dma_wait3A_261 = tpu.memref_slice %arg11[%dma_wait3A_250] : memref<8x!tpu.dma_semaphore, #tpu.memory_space<semaphore_mem>> -> memref<1x!tpu.dma_semaphore, #tpu.memory_space<semaphore_mem>>
    %dma_wait3A_262 = tpu.memref_squeeze %dma_wait3A_261 : memref<1x!tpu.dma_semaphore, #tpu.memory_space<semaphore_mem>> -> memref<!tpu.dma_semaphore, #tpu.memory_space<semaphore_mem>>
    tpu.wait_indirect_dma semaphore(%dma_wait3A_262 : memref<!tpu.dma_semaphore, #tpu.memory_space<semaphore_mem>>) src(%dma_wait3A_260 : memref<10000x128xbf16, #tpu.memory_space<hbm>>) dst(%dma_wait3A_254 : memref<128x128xbf16, #tpu.memory_space<vmem>>)
    %run_scoped3A_263 = arith.constant 7 : i32
    %run_scoped3A_264 = arith.constant 39 : i32
    "tpu.region"() ({
      %run_scoped3A_536 = tpu.sem_alloc : memref<!tpu.dma_semaphore, #tpu.memory_space<semaphore_mem>>
      %dma_start3A_537 = arith.constant 0 : i32
      %dma_start3A_538 = arith.constant 0 : i32
      %dma_start3A_539 = tpu.memref_slice %arg9[%run_scoped3A_263, %dma_start3A_537, %dma_start3A_538] : memref<8x128x128xbf16, #tpu.memory_space<vmem>> -> memref<1x128x128xbf16, #tpu.memory_space<vmem>>
      %dma_start3A_540 = tpu.memref_squeeze %dma_start3A_539 : memref<1x128x128xbf16, #tpu.memory_space<vmem>> -> memref<128x128xbf16, #tpu.memory_space<vmem>>
      %dma_start3A_541 = arith.constant 0 : i32
      %dma_start3A_542 = tpu.memref_slice %arg8[%run_scoped3A_264, %dma_start3A_541] : memref<40x128xi32, #tpu.memory_space<vmem>> -> memref<1x128xi32, #tpu.memory_space<vmem>>
      %dma_start3A_543 = tpu.memref_squeeze %dma_start3A_542 : memref<1x128xi32, #tpu.memory_space<vmem>> -> memref<128xi32, #tpu.memory_space<vmem>>
      %dma_start3A_544 = arith.constant 0 : i32
      %dma_start3A_545 = arith.constant 0 : i32
      %dma_start3A_546 = tpu.memref_slice %arg10[%dma_start3A_544, %dma_start3A_545] : memref<10112x128xbf16, #tpu.memory_space<vmem_shared>> -> memref<10112x128xbf16, #tpu.memory_space<vmem_shared>>
      tpu.enqueue_indirect_dma source(%dma_start3A_540 : memref<128x128xbf16, #tpu.memory_space<vmem>>) target(%dma_start3A_546 : memref<10112x128xbf16, #tpu.memory_space<vmem_shared>>) offsets(%dma_start3A_543 : memref<128xi32, #tpu.memory_space<vmem>>) semaphore(%run_scoped3A_536 : memref<!tpu.dma_semaphore, #tpu.memory_space<semaphore_mem>>) {add = true}
      %dma_wait3A_547 = arith.constant 0 : i32
      %dma_wait3A_548 = arith.constant 0 : i32
      %dma_wait3A_549 = tpu.memref_slice %arg9[%run_scoped3A_263, %dma_wait3A_547, %dma_wait3A_548] : memref<8x128x128xbf16, #tpu.memory_space<vmem>> -> memref<1x128x128xbf16, #tpu.memory_space<vmem>>
      %dma_wait3A_550 = tpu.memref_squeeze %dma_wait3A_549 : memref<1x128x128xbf16, #tpu.memory_space<vmem>> -> memref<128x128xbf16, #tpu.memory_space<vmem>>
      %dma_wait3A_551 = arith.constant 0 : i32
      %dma_wait3A_552 = tpu.memref_slice %arg8[%run_scoped3A_264, %dma_wait3A_551] : memref<40x128xi32, #tpu.memory_space<vmem>> -> memref<1x128xi32, #tpu.memory_space<vmem>>
      %dma_wait3A_553 = tpu.memref_squeeze %dma_wait3A_552 : memref<1x128xi32, #tpu.memory_space<vmem>> -> memref<128xi32, #tpu.memory_space<vmem>>
      %dma_wait3A_554 = arith.constant 0 : i32
      %dma_wait3A_555 = arith.constant 0 : i32
      %dma_wait3A_556 = tpu.memref_slice %arg10[%dma_wait3A_554, %dma_wait3A_555] : memref<10112x128xbf16, #tpu.memory_space<vmem_shared>> -> memref<10112x128xbf16, #tpu.memory_space<vmem_shared>>
      tpu.wait_indirect_dma semaphore(%run_scoped3A_536 : memref<!tpu.dma_semaphore, #tpu.memory_space<semaphore_mem>>) src(%dma_wait3A_550 : memref<128x128xbf16, #tpu.memory_space<vmem>>) dst(%dma_wait3A_556 : memref<10112x128xbf16, #tpu.memory_space<vmem_shared>>)
      tpu.yield
    }) : () -> ()
    %mul3A_265 = arith.constant 80 : i32
    %mul3A_266 = arith.muli %add3A, %mul3A_265 : i32
    %add3A_267 = arith.constant 40 : i32
    %add3A_268 = arith.addi %mul3A_266, %add3A_267 : i32
    "tpu.region"() ({
      %run_scoped3A_536 = tpu.sem_alloc : memref<!tpu.dma_semaphore, #tpu.memory_space<semaphore_mem>>
      %dma_start3A_537 = arith.constant 0 : i32
      %dma_start3A_538 = tpu.memref_slice %arg2[%add3A_268, %dma_start3A_537] : memref<2560x128xi32, #tpu.memory_space<hbm>> -> memref<40x128xi32, #tpu.memory_space<hbm>>
      %dma_start3A_539 = arith.constant 0 : i32
      %dma_start3A_540 = tpu.memref_slice %arg2[%add3A_268, %dma_start3A_539] : memref<2560x128xi32, #tpu.memory_space<hbm>> -> memref<40x128xi32, #tpu.memory_space<hbm>>
      tpu.enqueue_dma source(%dma_start3A_540 : memref<40x128xi32, #tpu.memory_space<hbm>>) target(%arg7 : memref<40x128xi32, #tpu.memory_space<vmem>>) target_semaphore(%run_scoped3A_536 : memref<!tpu.dma_semaphore, #tpu.memory_space<semaphore_mem>>)
      %dma_wait3A_541 = arith.constant 0 : i32
      %dma_wait3A_542 = tpu.memref_slice %arg2[%add3A_268, %dma_wait3A_541] : memref<2560x128xi32, #tpu.memory_space<hbm>> -> memref<40x128xi32, #tpu.memory_space<hbm>>
      %dma_wait3A_543 = arith.constant 0 : i32
      %dma_wait3A_544 = tpu.memref_slice %arg2[%add3A_268, %dma_wait3A_543] : memref<2560x128xi32, #tpu.memory_space<hbm>> -> memref<40x128xi32, #tpu.memory_space<hbm>>
      tpu.wait_dma2 semaphore(%run_scoped3A_536 : memref<!tpu.dma_semaphore, #tpu.memory_space<semaphore_mem>>) src(%dma_wait3A_544 : memref<40x128xi32, #tpu.memory_space<hbm>>) dst(%arg7 : memref<40x128xi32, #tpu.memory_space<vmem>>)
      tpu.yield
    }) : () -> ()
    "tpu.region"() ({
      %run_scoped3A_536 = tpu.sem_alloc : memref<!tpu.dma_semaphore, #tpu.memory_space<semaphore_mem>>
      %dma_start3A_537 = arith.constant 0 : i32
      %dma_start3A_538 = tpu.memref_slice %arg3[%add3A_268, %dma_start3A_537] : memref<2560x128xi32, #tpu.memory_space<hbm>> -> memref<40x128xi32, #tpu.memory_space<hbm>>
      %dma_start3A_539 = arith.constant 0 : i32
      %dma_start3A_540 = tpu.memref_slice %arg3[%add3A_268, %dma_start3A_539] : memref<2560x128xi32, #tpu.memory_space<hbm>> -> memref<40x128xi32, #tpu.memory_space<hbm>>
      tpu.enqueue_dma source(%dma_start3A_540 : memref<40x128xi32, #tpu.memory_space<hbm>>) target(%arg8 : memref<40x128xi32, #tpu.memory_space<vmem>>) target_semaphore(%run_scoped3A_536 : memref<!tpu.dma_semaphore, #tpu.memory_space<semaphore_mem>>)
      %dma_wait3A_541 = arith.constant 0 : i32
      %dma_wait3A_542 = tpu.memref_slice %arg3[%add3A_268, %dma_wait3A_541] : memref<2560x128xi32, #tpu.memory_space<hbm>> -> memref<40x128xi32, #tpu.memory_space<hbm>>
      %dma_wait3A_543 = arith.constant 0 : i32
      %dma_wait3A_544 = tpu.memref_slice %arg3[%add3A_268, %dma_wait3A_543] : memref<2560x128xi32, #tpu.memory_space<hbm>> -> memref<40x128xi32, #tpu.memory_space<hbm>>
      tpu.wait_dma2 semaphore(%run_scoped3A_536 : memref<!tpu.dma_semaphore, #tpu.memory_space<semaphore_mem>>) src(%dma_wait3A_544 : memref<40x128xi32, #tpu.memory_space<hbm>>) dst(%arg8 : memref<40x128xi32, #tpu.memory_space<vmem>>)
      tpu.yield
    }) : () -> ()
    %dma_start3A_269 = arith.constant 0 : i32
    %dma_start3A_270 = arith.constant 0 : i32
    %dma_start3A_271 = arith.constant 0 : i32
    %dma_start3A_272 = arith.constant 0 : i32
    %dma_start3A_273 = arith.constant 0 : i32
    %dma_start3A_274 = tpu.memref_slice %arg9[%dma_start3A_270, %dma_start3A_272, %dma_start3A_273] : memref<8x128x128xbf16, #tpu.memory_space<vmem>> -> memref<1x128x128xbf16, #tpu.memory_space<vmem>>
    %dma_start3A_275 = tpu.memref_squeeze %dma_start3A_274 : memref<1x128x128xbf16, #tpu.memory_space<vmem>> -> memref<128x128xbf16, #tpu.memory_space<vmem>>
    %dma_start3A_276 = arith.constant 0 : i32
    %dma_start3A_277 = tpu.memref_slice %arg7[%dma_start3A_269, %dma_start3A_276] : memref<40x128xi32, #tpu.memory_space<vmem>> -> memref<1x128xi32, #tpu.memory_space<vmem>>
    %dma_start3A_278 = tpu.memref_squeeze %dma_start3A_277 : memref<1x128xi32, #tpu.memory_space<vmem>> -> memref<128xi32, #tpu.memory_space<vmem>>
    %dma_start3A_279 = arith.constant 0 : i32
    %dma_start3A_280 = arith.constant 0 : i32
    %dma_start3A_281 = tpu.memref_slice %arg4[%dma_start3A_279, %dma_start3A_280] : memref<10000x128xbf16, #tpu.memory_space<hbm>> -> memref<10000x128xbf16, #tpu.memory_space<hbm>>
    %dma_start3A_282 = tpu.memref_slice %arg11[%dma_start3A_271] : memref<8x!tpu.dma_semaphore, #tpu.memory_space<semaphore_mem>> -> memref<1x!tpu.dma_semaphore, #tpu.memory_space<semaphore_mem>>
    %dma_start3A_283 = tpu.memref_squeeze %dma_start3A_282 : memref<1x!tpu.dma_semaphore, #tpu.memory_space<semaphore_mem>> -> memref<!tpu.dma_semaphore, #tpu.memory_space<semaphore_mem>>
    tpu.enqueue_indirect_dma source(%dma_start3A_281 : memref<10000x128xbf16, #tpu.memory_space<hbm>>) target(%dma_start3A_275 : memref<128x128xbf16, #tpu.memory_space<vmem>>) offsets(%dma_start3A_278 : memref<128xi32, #tpu.memory_space<vmem>>) semaphore(%dma_start3A_283 : memref<!tpu.dma_semaphore, #tpu.memory_space<semaphore_mem>>)
    %dma_start3A_284 = arith.constant 1 : i32
    %dma_start3A_285 = arith.constant 1 : i32
    %dma_start3A_286 = arith.constant 1 : i32
    %dma_start3A_287 = arith.constant 0 : i32
    %dma_start3A_288 = arith.constant 0 : i32
    %dma_start3A_289 = tpu.memref_slice %arg9[%dma_start3A_285, %dma_start3A_287, %dma_start3A_288] : memref<8x128x128xbf16, #tpu.memory_space<vmem>> -> memref<1x128x128xbf16, #tpu.memory_space<vmem>>
    %dma_start3A_290 = tpu.memref_squeeze %dma_start3A_289 : memref<1x128x128xbf16, #tpu.memory_space<vmem>> -> memref<128x128xbf16, #tpu.memory_space<vmem>>
    %dma_start3A_291 = arith.constant 0 : i32
    %dma_start3A_292 = tpu.memref_slice %arg7[%dma_start3A_284, %dma_start3A_291] : memref<40x128xi32, #tpu.memory_space<vmem>> -> memref<1x128xi32, #tpu.memory_space<vmem>>
    %dma_start3A_293 = tpu.memref_squeeze %dma_start3A_292 : memref<1x128xi32, #tpu.memory_space<vmem>> -> memref<128xi32, #tpu.memory_space<vmem>>
    %dma_start3A_294 = arith.constant 0 : i32
    %dma_start3A_295 = arith.constant 0 : i32
    %dma_start3A_296 = tpu.memref_slice %arg4[%dma_start3A_294, %dma_start3A_295] : memref<10000x128xbf16, #tpu.memory_space<hbm>> -> memref<10000x128xbf16, #tpu.memory_space<hbm>>
    %dma_start3A_297 = tpu.memref_slice %arg11[%dma_start3A_286] : memref<8x!tpu.dma_semaphore, #tpu.memory_space<semaphore_mem>> -> memref<1x!tpu.dma_semaphore, #tpu.memory_space<semaphore_mem>>
    %dma_start3A_298 = tpu.memref_squeeze %dma_start3A_297 : memref<1x!tpu.dma_semaphore, #tpu.memory_space<semaphore_mem>> -> memref<!tpu.dma_semaphore, #tpu.memory_space<semaphore_mem>>
    tpu.enqueue_indirect_dma source(%dma_start3A_296 : memref<10000x128xbf16, #tpu.memory_space<hbm>>) target(%dma_start3A_290 : memref<128x128xbf16, #tpu.memory_space<vmem>>) offsets(%dma_start3A_293 : memref<128xi32, #tpu.memory_space<vmem>>) semaphore(%dma_start3A_298 : memref<!tpu.dma_semaphore, #tpu.memory_space<semaphore_mem>>)
    %dma_start3A_299 = arith.constant 2 : i32
    %dma_start3A_300 = arith.constant 2 : i32
    %dma_start3A_301 = arith.constant 2 : i32
    %dma_start3A_302 = arith.constant 0 : i32
    %dma_start3A_303 = arith.constant 0 : i32
    %dma_start3A_304 = tpu.memref_slice %arg9[%dma_start3A_300, %dma_start3A_302, %dma_start3A_303] : memref<8x128x128xbf16, #tpu.memory_space<vmem>> -> memref<1x128x128xbf16, #tpu.memory_space<vmem>>
    %dma_start3A_305 = tpu.memref_squeeze %dma_start3A_304 : memref<1x128x128xbf16, #tpu.memory_space<vmem>> -> memref<128x128xbf16, #tpu.memory_space<vmem>>
    %dma_start3A_306 = arith.constant 0 : i32
    %dma_start3A_307 = tpu.memref_slice %arg7[%dma_start3A_299, %dma_start3A_306] : memref<40x128xi32, #tpu.memory_space<vmem>> -> memref<1x128xi32, #tpu.memory_space<vmem>>
    %dma_start3A_308 = tpu.memref_squeeze %dma_start3A_307 : memref<1x128xi32, #tpu.memory_space<vmem>> -> memref<128xi32, #tpu.memory_space<vmem>>
    %dma_start3A_309 = arith.constant 0 : i32
    %dma_start3A_310 = arith.constant 0 : i32
    %dma_start3A_311 = tpu.memref_slice %arg4[%dma_start3A_309, %dma_start3A_310] : memref<10000x128xbf16, #tpu.memory_space<hbm>> -> memref<10000x128xbf16, #tpu.memory_space<hbm>>
    %dma_start3A_312 = tpu.memref_slice %arg11[%dma_start3A_301] : memref<8x!tpu.dma_semaphore, #tpu.memory_space<semaphore_mem>> -> memref<1x!tpu.dma_semaphore, #tpu.memory_space<semaphore_mem>>
    %dma_start3A_313 = tpu.memref_squeeze %dma_start3A_312 : memref<1x!tpu.dma_semaphore, #tpu.memory_space<semaphore_mem>> -> memref<!tpu.dma_semaphore, #tpu.memory_space<semaphore_mem>>
    tpu.enqueue_indirect_dma source(%dma_start3A_311 : memref<10000x128xbf16, #tpu.memory_space<hbm>>) target(%dma_start3A_305 : memref<128x128xbf16, #tpu.memory_space<vmem>>) offsets(%dma_start3A_308 : memref<128xi32, #tpu.memory_space<vmem>>) semaphore(%dma_start3A_313 : memref<!tpu.dma_semaphore, #tpu.memory_space<semaphore_mem>>)
    %dma_start3A_314 = arith.constant 3 : i32
    %dma_start3A_315 = arith.constant 3 : i32
    %dma_start3A_316 = arith.constant 3 : i32
    %dma_start3A_317 = arith.constant 0 : i32
    %dma_start3A_318 = arith.constant 0 : i32
    %dma_start3A_319 = tpu.memref_slice %arg9[%dma_start3A_315, %dma_start3A_317, %dma_start3A_318] : memref<8x128x128xbf16, #tpu.memory_space<vmem>> -> memref<1x128x128xbf16, #tpu.memory_space<vmem>>
    %dma_start3A_320 = tpu.memref_squeeze %dma_start3A_319 : memref<1x128x128xbf16, #tpu.memory_space<vmem>> -> memref<128x128xbf16, #tpu.memory_space<vmem>>
    %dma_start3A_321 = arith.constant 0 : i32
    %dma_start3A_322 = tpu.memref_slice %arg7[%dma_start3A_314, %dma_start3A_321] : memref<40x128xi32, #tpu.memory_space<vmem>> -> memref<1x128xi32, #tpu.memory_space<vmem>>
    %dma_start3A_323 = tpu.memref_squeeze %dma_start3A_322 : memref<1x128xi32, #tpu.memory_space<vmem>> -> memref<128xi32, #tpu.memory_space<vmem>>
    %dma_start3A_324 = arith.constant 0 : i32
    %dma_start3A_325 = arith.constant 0 : i32
    %dma_start3A_326 = tpu.memref_slice %arg4[%dma_start3A_324, %dma_start3A_325] : memref<10000x128xbf16, #tpu.memory_space<hbm>> -> memref<10000x128xbf16, #tpu.memory_space<hbm>>
    %dma_start3A_327 = tpu.memref_slice %arg11[%dma_start3A_316] : memref<8x!tpu.dma_semaphore, #tpu.memory_space<semaphore_mem>> -> memref<1x!tpu.dma_semaphore, #tpu.memory_space<semaphore_mem>>
    %dma_start3A_328 = tpu.memref_squeeze %dma_start3A_327 : memref<1x!tpu.dma_semaphore, #tpu.memory_space<semaphore_mem>> -> memref<!tpu.dma_semaphore, #tpu.memory_space<semaphore_mem>>
    tpu.enqueue_indirect_dma source(%dma_start3A_326 : memref<10000x128xbf16, #tpu.memory_space<hbm>>) target(%dma_start3A_320 : memref<128x128xbf16, #tpu.memory_space<vmem>>) offsets(%dma_start3A_323 : memref<128xi32, #tpu.memory_space<vmem>>) semaphore(%dma_start3A_328 : memref<!tpu.dma_semaphore, #tpu.memory_space<semaphore_mem>>)
    %dma_start3A_329 = arith.constant 4 : i32
    %dma_start3A_330 = arith.constant 4 : i32
    %dma_start3A_331 = arith.constant 4 : i32
    %dma_start3A_332 = arith.constant 0 : i32
    %dma_start3A_333 = arith.constant 0 : i32
    %dma_start3A_334 = tpu.memref_slice %arg9[%dma_start3A_330, %dma_start3A_332, %dma_start3A_333] : memref<8x128x128xbf16, #tpu.memory_space<vmem>> -> memref<1x128x128xbf16, #tpu.memory_space<vmem>>
    %dma_start3A_335 = tpu.memref_squeeze %dma_start3A_334 : memref<1x128x128xbf16, #tpu.memory_space<vmem>> -> memref<128x128xbf16, #tpu.memory_space<vmem>>
    %dma_start3A_336 = arith.constant 0 : i32
    %dma_start3A_337 = tpu.memref_slice %arg7[%dma_start3A_329, %dma_start3A_336] : memref<40x128xi32, #tpu.memory_space<vmem>> -> memref<1x128xi32, #tpu.memory_space<vmem>>
    %dma_start3A_338 = tpu.memref_squeeze %dma_start3A_337 : memref<1x128xi32, #tpu.memory_space<vmem>> -> memref<128xi32, #tpu.memory_space<vmem>>
    %dma_start3A_339 = arith.constant 0 : i32
    %dma_start3A_340 = arith.constant 0 : i32
    %dma_start3A_341 = tpu.memref_slice %arg4[%dma_start3A_339, %dma_start3A_340] : memref<10000x128xbf16, #tpu.memory_space<hbm>> -> memref<10000x128xbf16, #tpu.memory_space<hbm>>
    %dma_start3A_342 = tpu.memref_slice %arg11[%dma_start3A_331] : memref<8x!tpu.dma_semaphore, #tpu.memory_space<semaphore_mem>> -> memref<1x!tpu.dma_semaphore, #tpu.memory_space<semaphore_mem>>
    %dma_start3A_343 = tpu.memref_squeeze %dma_start3A_342 : memref<1x!tpu.dma_semaphore, #tpu.memory_space<semaphore_mem>> -> memref<!tpu.dma_semaphore, #tpu.memory_space<semaphore_mem>>
    tpu.enqueue_indirect_dma source(%dma_start3A_341 : memref<10000x128xbf16, #tpu.memory_space<hbm>>) target(%dma_start3A_335 : memref<128x128xbf16, #tpu.memory_space<vmem>>) offsets(%dma_start3A_338 : memref<128xi32, #tpu.memory_space<vmem>>) semaphore(%dma_start3A_343 : memref<!tpu.dma_semaphore, #tpu.memory_space<semaphore_mem>>)
    %dma_start3A_344 = arith.constant 5 : i32
    %dma_start3A_345 = arith.constant 5 : i32
    %dma_start3A_346 = arith.constant 5 : i32
    %dma_start3A_347 = arith.constant 0 : i32
    %dma_start3A_348 = arith.constant 0 : i32
    %dma_start3A_349 = tpu.memref_slice %arg9[%dma_start3A_345, %dma_start3A_347, %dma_start3A_348] : memref<8x128x128xbf16, #tpu.memory_space<vmem>> -> memref<1x128x128xbf16, #tpu.memory_space<vmem>>
    %dma_start3A_350 = tpu.memref_squeeze %dma_start3A_349 : memref<1x128x128xbf16, #tpu.memory_space<vmem>> -> memref<128x128xbf16, #tpu.memory_space<vmem>>
    %dma_start3A_351 = arith.constant 0 : i32
    %dma_start3A_352 = tpu.memref_slice %arg7[%dma_start3A_344, %dma_start3A_351] : memref<40x128xi32, #tpu.memory_space<vmem>> -> memref<1x128xi32, #tpu.memory_space<vmem>>
    %dma_start3A_353 = tpu.memref_squeeze %dma_start3A_352 : memref<1x128xi32, #tpu.memory_space<vmem>> -> memref<128xi32, #tpu.memory_space<vmem>>
    %dma_start3A_354 = arith.constant 0 : i32
    %dma_start3A_355 = arith.constant 0 : i32
    %dma_start3A_356 = tpu.memref_slice %arg4[%dma_start3A_354, %dma_start3A_355] : memref<10000x128xbf16, #tpu.memory_space<hbm>> -> memref<10000x128xbf16, #tpu.memory_space<hbm>>
    %dma_start3A_357 = tpu.memref_slice %arg11[%dma_start3A_346] : memref<8x!tpu.dma_semaphore, #tpu.memory_space<semaphore_mem>> -> memref<1x!tpu.dma_semaphore, #tpu.memory_space<semaphore_mem>>
    %dma_start3A_358 = tpu.memref_squeeze %dma_start3A_357 : memref<1x!tpu.dma_semaphore, #tpu.memory_space<semaphore_mem>> -> memref<!tpu.dma_semaphore, #tpu.memory_space<semaphore_mem>>
    tpu.enqueue_indirect_dma source(%dma_start3A_356 : memref<10000x128xbf16, #tpu.memory_space<hbm>>) target(%dma_start3A_350 : memref<128x128xbf16, #tpu.memory_space<vmem>>) offsets(%dma_start3A_353 : memref<128xi32, #tpu.memory_space<vmem>>) semaphore(%dma_start3A_358 : memref<!tpu.dma_semaphore, #tpu.memory_space<semaphore_mem>>)
    %dma_start3A_359 = arith.constant 6 : i32
    %dma_start3A_360 = arith.constant 6 : i32
    %dma_start3A_361 = arith.constant 6 : i32
    %dma_start3A_362 = arith.constant 0 : i32
    %dma_start3A_363 = arith.constant 0 : i32
    %dma_start3A_364 = tpu.memref_slice %arg9[%dma_start3A_360, %dma_start3A_362, %dma_start3A_363] : memref<8x128x128xbf16, #tpu.memory_space<vmem>> -> memref<1x128x128xbf16, #tpu.memory_space<vmem>>
    %dma_start3A_365 = tpu.memref_squeeze %dma_start3A_364 : memref<1x128x128xbf16, #tpu.memory_space<vmem>> -> memref<128x128xbf16, #tpu.memory_space<vmem>>
    %dma_start3A_366 = arith.constant 0 : i32
    %dma_start3A_367 = tpu.memref_slice %arg7[%dma_start3A_359, %dma_start3A_366] : memref<40x128xi32, #tpu.memory_space<vmem>> -> memref<1x128xi32, #tpu.memory_space<vmem>>
    %dma_start3A_368 = tpu.memref_squeeze %dma_start3A_367 : memref<1x128xi32, #tpu.memory_space<vmem>> -> memref<128xi32, #tpu.memory_space<vmem>>
    %dma_start3A_369 = arith.constant 0 : i32
    %dma_start3A_370 = arith.constant 0 : i32
    %dma_start3A_371 = tpu.memref_slice %arg4[%dma_start3A_369, %dma_start3A_370] : memref<10000x128xbf16, #tpu.memory_space<hbm>> -> memref<10000x128xbf16, #tpu.memory_space<hbm>>
    %dma_start3A_372 = tpu.memref_slice %arg11[%dma_start3A_361] : memref<8x!tpu.dma_semaphore, #tpu.memory_space<semaphore_mem>> -> memref<1x!tpu.dma_semaphore, #tpu.memory_space<semaphore_mem>>
    %dma_start3A_373 = tpu.memref_squeeze %dma_start3A_372 : memref<1x!tpu.dma_semaphore, #tpu.memory_space<semaphore_mem>> -> memref<!tpu.dma_semaphore, #tpu.memory_space<semaphore_mem>>
    tpu.enqueue_indirect_dma source(%dma_start3A_371 : memref<10000x128xbf16, #tpu.memory_space<hbm>>) target(%dma_start3A_365 : memref<128x128xbf16, #tpu.memory_space<vmem>>) offsets(%dma_start3A_368 : memref<128xi32, #tpu.memory_space<vmem>>) semaphore(%dma_start3A_373 : memref<!tpu.dma_semaphore, #tpu.memory_space<semaphore_mem>>)
    %dma_start3A_374 = arith.constant 7 : i32
    %dma_start3A_375 = arith.constant 7 : i32
    %dma_start3A_376 = arith.constant 7 : i32
    %dma_start3A_377 = arith.constant 0 : i32
    %dma_start3A_378 = arith.constant 0 : i32
    %dma_start3A_379 = tpu.memref_slice %arg9[%dma_start3A_375, %dma_start3A_377, %dma_start3A_378] : memref<8x128x128xbf16, #tpu.memory_space<vmem>> -> memref<1x128x128xbf16, #tpu.memory_space<vmem>>
    %dma_start3A_380 = tpu.memref_squeeze %dma_start3A_379 : memref<1x128x128xbf16, #tpu.memory_space<vmem>> -> memref<128x128xbf16, #tpu.memory_space<vmem>>
    %dma_start3A_381 = arith.constant 0 : i32
    %dma_start3A_382 = tpu.memref_slice %arg7[%dma_start3A_374, %dma_start3A_381] : memref<40x128xi32, #tpu.memory_space<vmem>> -> memref<1x128xi32, #tpu.memory_space<vmem>>
    %dma_start3A_383 = tpu.memref_squeeze %dma_start3A_382 : memref<1x128xi32, #tpu.memory_space<vmem>> -> memref<128xi32, #tpu.memory_space<vmem>>
    %dma_start3A_384 = arith.constant 0 : i32
    %dma_start3A_385 = arith.constant 0 : i32
    %dma_start3A_386 = tpu.memref_slice %arg4[%dma_start3A_384, %dma_start3A_385] : memref<10000x128xbf16, #tpu.memory_space<hbm>> -> memref<10000x128xbf16, #tpu.memory_space<hbm>>
    %dma_start3A_387 = tpu.memref_slice %arg11[%dma_start3A_376] : memref<8x!tpu.dma_semaphore, #tpu.memory_space<semaphore_mem>> -> memref<1x!tpu.dma_semaphore, #tpu.memory_space<semaphore_mem>>
    %dma_start3A_388 = tpu.memref_squeeze %dma_start3A_387 : memref<1x!tpu.dma_semaphore, #tpu.memory_space<semaphore_mem>> -> memref<!tpu.dma_semaphore, #tpu.memory_space<semaphore_mem>>
    tpu.enqueue_indirect_dma source(%dma_start3A_386 : memref<10000x128xbf16, #tpu.memory_space<hbm>>) target(%dma_start3A_380 : memref<128x128xbf16, #tpu.memory_space<vmem>>) offsets(%dma_start3A_383 : memref<128xi32, #tpu.memory_space<vmem>>) semaphore(%dma_start3A_388 : memref<!tpu.dma_semaphore, #tpu.memory_space<semaphore_mem>>)
    %scan3A_389 = arith.constant 0 : i32
    %scan3A_390 = arith.constant 0 : i32
    %scan3A_391 = arith.constant 4 : i32
    %scan3A_392 = arith.addi %scan3A_390, %scan3A_391 : i32
    %scan3A_393 = arith.constant 1 : i32
    scf.for %scan3A_536 = %scan3A_390 to %scan3A_392 step %scan3A_393  : i32 {
      %mul3A_537 = arith.constant 8 : i32
      %mul3A_538 = arith.muli %scan3A_536, %mul3A_537 : i32
      %add3A_539 = arith.constant 0 : i32
      %add3A_540 = arith.addi %mul3A_538, %add3A_539 : i32
      %dma_wait3A_541 = arith.constant 0 : i32
      %dma_wait3A_542 = arith.constant 0 : i32
      %dma_wait3A_543 = arith.constant 0 : i32
      %dma_wait3A_544 = arith.constant 0 : i32
      %dma_wait3A_545 = tpu.memref_slice %arg9[%dma_wait3A_541, %dma_wait3A_543, %dma_wait3A_544] : memref<8x128x128xbf16, #tpu.memory_space<vmem>> -> memref<1x128x128xbf16, #tpu.memory_space<vmem>>
      %dma_wait3A_546 = tpu.memref_squeeze %dma_wait3A_545 : memref<1x128x128xbf16, #tpu.memory_space<vmem>> -> memref<128x128xbf16, #tpu.memory_space<vmem>>
      %dma_wait3A_547 = arith.constant 0 : i32
      %dma_wait3A_548 = tpu.memref_slice %arg7[%add3A_540, %dma_wait3A_547] : memref<40x128xi32, #tpu.memory_space<vmem>> -> memref<1x128xi32, #tpu.memory_space<vmem>>
      %dma_wait3A_549 = tpu.memref_squeeze %dma_wait3A_548 : memref<1x128xi32, #tpu.memory_space<vmem>> -> memref<128xi32, #tpu.memory_space<vmem>>
      %dma_wait3A_550 = arith.constant 0 : i32
      %dma_wait3A_551 = arith.constant 0 : i32
      %dma_wait3A_552 = tpu.memref_slice %arg4[%dma_wait3A_550, %dma_wait3A_551] : memref<10000x128xbf16, #tpu.memory_space<hbm>> -> memref<10000x128xbf16, #tpu.memory_space<hbm>>
      %dma_wait3A_553 = tpu.memref_slice %arg11[%dma_wait3A_542] : memref<8x!tpu.dma_semaphore, #tpu.memory_space<semaphore_mem>> -> memref<1x!tpu.dma_semaphore, #tpu.memory_space<semaphore_mem>>
      %dma_wait3A_554 = tpu.memref_squeeze %dma_wait3A_553 : memref<1x!tpu.dma_semaphore, #tpu.memory_space<semaphore_mem>> -> memref<!tpu.dma_semaphore, #tpu.memory_space<semaphore_mem>>
      tpu.wait_indirect_dma semaphore(%dma_wait3A_554 : memref<!tpu.dma_semaphore, #tpu.memory_space<semaphore_mem>>) src(%dma_wait3A_552 : memref<10000x128xbf16, #tpu.memory_space<hbm>>) dst(%dma_wait3A_546 : memref<128x128xbf16, #tpu.memory_space<vmem>>)
      %run_scoped3A_555 = arith.constant 0 : i32
      "tpu.region"() ({
        %run_scoped3A_817 = tpu.sem_alloc : memref<!tpu.dma_semaphore, #tpu.memory_space<semaphore_mem>>
        %dma_start3A_818 = arith.constant 0 : i32
        %dma_start3A_819 = arith.constant 0 : i32
        %dma_start3A_820 = tpu.memref_slice %arg9[%run_scoped3A_555, %dma_start3A_818, %dma_start3A_819] : memref<8x128x128xbf16, #tpu.memory_space<vmem>> -> memref<1x128x128xbf16, #tpu.memory_space<vmem>>
        %dma_start3A_821 = tpu.memref_squeeze %dma_start3A_820 : memref<1x128x128xbf16, #tpu.memory_space<vmem>> -> memref<128x128xbf16, #tpu.memory_space<vmem>>
        %dma_start3A_822 = arith.constant 0 : i32
        %dma_start3A_823 = tpu.memref_slice %arg8[%add3A_540, %dma_start3A_822] : memref<40x128xi32, #tpu.memory_space<vmem>> -> memref<1x128xi32, #tpu.memory_space<vmem>>
        %dma_start3A_824 = tpu.memref_squeeze %dma_start3A_823 : memref<1x128xi32, #tpu.memory_space<vmem>> -> memref<128xi32, #tpu.memory_space<vmem>>
        %dma_start3A_825 = arith.constant 0 : i32
        %dma_start3A_826 = arith.constant 0 : i32
        %dma_start3A_827 = tpu.memref_slice %arg10[%dma_start3A_825, %dma_start3A_826] : memref<10112x128xbf16, #tpu.memory_space<vmem_shared>> -> memref<10112x128xbf16, #tpu.memory_space<vmem_shared>>
        tpu.enqueue_indirect_dma source(%dma_start3A_821 : memref<128x128xbf16, #tpu.memory_space<vmem>>) target(%dma_start3A_827 : memref<10112x128xbf16, #tpu.memory_space<vmem_shared>>) offsets(%dma_start3A_824 : memref<128xi32, #tpu.memory_space<vmem>>) semaphore(%run_scoped3A_817 : memref<!tpu.dma_semaphore, #tpu.memory_space<semaphore_mem>>) {add = true}
        %dma_wait3A_828 = arith.constant 0 : i32
        %dma_wait3A_829 = arith.constant 0 : i32
        %dma_wait3A_830 = tpu.memref_slice %arg9[%run_scoped3A_555, %dma_wait3A_828, %dma_wait3A_829] : memref<8x128x128xbf16, #tpu.memory_space<vmem>> -> memref<1x128x128xbf16, #tpu.memory_space<vmem>>
        %dma_wait3A_831 = tpu.memref_squeeze %dma_wait3A_830 : memref<1x128x128xbf16, #tpu.memory_space<vmem>> -> memref<128x128xbf16, #tpu.memory_space<vmem>>
        %dma_wait3A_832 = arith.constant 0 : i32
        %dma_wait3A_833 = tpu.memref_slice %arg8[%add3A_540, %dma_wait3A_832] : memref<40x128xi32, #tpu.memory_space<vmem>> -> memref<1x128xi32, #tpu.memory_space<vmem>>
        %dma_wait3A_834 = tpu.memref_squeeze %dma_wait3A_833 : memref<1x128xi32, #tpu.memory_space<vmem>> -> memref<128xi32, #tpu.memory_space<vmem>>
        %dma_wait3A_835 = arith.constant 0 : i32
        %dma_wait3A_836 = arith.constant 0 : i32
        %dma_wait3A_837 = tpu.memref_slice %arg10[%dma_wait3A_835, %dma_wait3A_836] : memref<10112x128xbf16, #tpu.memory_space<vmem_shared>> -> memref<10112x128xbf16, #tpu.memory_space<vmem_shared>>
        tpu.wait_indirect_dma semaphore(%run_scoped3A_817 : memref<!tpu.dma_semaphore, #tpu.memory_space<semaphore_mem>>) src(%dma_wait3A_831 : memref<128x128xbf16, #tpu.memory_space<vmem>>) dst(%dma_wait3A_837 : memref<10112x128xbf16, #tpu.memory_space<vmem_shared>>)
        tpu.yield
      }) : () -> ()
      %add3A_556 = arith.constant 8 : i32
      %add3A_557 = arith.addi %add3A_540, %add3A_556 : i32
      %dma_start3A_558 = arith.constant 0 : i32
      %dma_start3A_559 = arith.constant 0 : i32
      %dma_start3A_560 = arith.constant 0 : i32
      %dma_start3A_561 = arith.constant 0 : i32
      %dma_start3A_562 = tpu.memref_slice %arg9[%dma_start3A_558, %dma_start3A_560, %dma_start3A_561] : memref<8x128x128xbf16, #tpu.memory_space<vmem>> -> memref<1x128x128xbf16, #tpu.memory_space<vmem>>
      %dma_start3A_563 = tpu.memref_squeeze %dma_start3A_562 : memref<1x128x128xbf16, #tpu.memory_space<vmem>> -> memref<128x128xbf16, #tpu.memory_space<vmem>>
      %dma_start3A_564 = arith.constant 0 : i32
      %dma_start3A_565 = tpu.memref_slice %arg7[%add3A_557, %dma_start3A_564] : memref<40x128xi32, #tpu.memory_space<vmem>> -> memref<1x128xi32, #tpu.memory_space<vmem>>
      %dma_start3A_566 = tpu.memref_squeeze %dma_start3A_565 : memref<1x128xi32, #tpu.memory_space<vmem>> -> memref<128xi32, #tpu.memory_space<vmem>>
      %dma_start3A_567 = arith.constant 0 : i32
      %dma_start3A_568 = arith.constant 0 : i32
      %dma_start3A_569 = tpu.memref_slice %arg4[%dma_start3A_567, %dma_start3A_568] : memref<10000x128xbf16, #tpu.memory_space<hbm>> -> memref<10000x128xbf16, #tpu.memory_space<hbm>>
      %dma_start3A_570 = tpu.memref_slice %arg11[%dma_start3A_559] : memref<8x!tpu.dma_semaphore, #tpu.memory_space<semaphore_mem>> -> memref<1x!tpu.dma_semaphore, #tpu.memory_space<semaphore_mem>>
      %dma_start3A_571 = tpu.memref_squeeze %dma_start3A_570 : memref<1x!tpu.dma_semaphore, #tpu.memory_space<semaphore_mem>> -> memref<!tpu.dma_semaphore, #tpu.memory_space<semaphore_mem>>
      tpu.enqueue_indirect_dma source(%dma_start3A_569 : memref<10000x128xbf16, #tpu.memory_space<hbm>>) target(%dma_start3A_563 : memref<128x128xbf16, #tpu.memory_space<vmem>>) offsets(%dma_start3A_566 : memref<128xi32, #tpu.memory_space<vmem>>) semaphore(%dma_start3A_571 : memref<!tpu.dma_semaphore, #tpu.memory_space<semaphore_mem>>)
      %mul3A_572 = arith.constant 8 : i32
      %mul3A_573 = arith.muli %scan3A_536, %mul3A_572 : i32
      %add3A_574 = arith.constant 1 : i32
      %add3A_575 = arith.addi %mul3A_573, %add3A_574 : i32
      %dma_wait3A_576 = arith.constant 1 : i32
      %dma_wait3A_577 = arith.constant 1 : i32
      %dma_wait3A_578 = arith.constant 0 : i32
      %dma_wait3A_579 = arith.constant 0 : i32
      %dma_wait3A_580 = tpu.memref_slice %arg9[%dma_wait3A_576, %dma_wait3A_578, %dma_wait3A_579] : memref<8x128x128xbf16, #tpu.memory_space<vmem>> -> memref<1x128x128xbf16, #tpu.memory_space<vmem>>
      %dma_wait3A_581 = tpu.memref_squeeze %dma_wait3A_580 : memref<1x128x128xbf16, #tpu.memory_space<vmem>> -> memref<128x128xbf16, #tpu.memory_space<vmem>>
      %dma_wait3A_582 = arith.constant 0 : i32
      %dma_wait3A_583 = tpu.memref_slice %arg7[%add3A_575, %dma_wait3A_582] : memref<40x128xi32, #tpu.memory_space<vmem>> -> memref<1x128xi32, #tpu.memory_space<vmem>>
      %dma_wait3A_584 = tpu.memref_squeeze %dma_wait3A_583 : memref<1x128xi32, #tpu.memory_space<vmem>> -> memref<128xi32, #tpu.memory_space<vmem>>
      %dma_wait3A_585 = arith.constant 0 : i32
      %dma_wait3A_586 = arith.constant 0 : i32
      %dma_wait3A_587 = tpu.memref_slice %arg4[%dma_wait3A_585, %dma_wait3A_586] : memref<10000x128xbf16, #tpu.memory_space<hbm>> -> memref<10000x128xbf16, #tpu.memory_space<hbm>>
      %dma_wait3A_588 = tpu.memref_slice %arg11[%dma_wait3A_577] : memref<8x!tpu.dma_semaphore, #tpu.memory_space<semaphore_mem>> -> memref<1x!tpu.dma_semaphore, #tpu.memory_space<semaphore_mem>>
      %dma_wait3A_589 = tpu.memref_squeeze %dma_wait3A_588 : memref<1x!tpu.dma_semaphore, #tpu.memory_space<semaphore_mem>> -> memref<!tpu.dma_semaphore, #tpu.memory_space<semaphore_mem>>
      tpu.wait_indirect_dma semaphore(%dma_wait3A_589 : memref<!tpu.dma_semaphore, #tpu.memory_space<semaphore_mem>>) src(%dma_wait3A_587 : memref<10000x128xbf16, #tpu.memory_space<hbm>>) dst(%dma_wait3A_581 : memref<128x128xbf16, #tpu.memory_space<vmem>>)
      %run_scoped3A_590 = arith.constant 1 : i32
      "tpu.region"() ({
        %run_scoped3A_817 = tpu.sem_alloc : memref<!tpu.dma_semaphore, #tpu.memory_space<semaphore_mem>>
        %dma_start3A_818 = arith.constant 0 : i32
        %dma_start3A_819 = arith.constant 0 : i32
        %dma_start3A_820 = tpu.memref_slice %arg9[%run_scoped3A_590, %dma_start3A_818, %dma_start3A_819] : memref<8x128x128xbf16, #tpu.memory_space<vmem>> -> memref<1x128x128xbf16, #tpu.memory_space<vmem>>
        %dma_start3A_821 = tpu.memref_squeeze %dma_start3A_820 : memref<1x128x128xbf16, #tpu.memory_space<vmem>> -> memref<128x128xbf16, #tpu.memory_space<vmem>>
        %dma_start3A_822 = arith.constant 0 : i32
        %dma_start3A_823 = tpu.memref_slice %arg8[%add3A_575, %dma_start3A_822] : memref<40x128xi32, #tpu.memory_space<vmem>> -> memref<1x128xi32, #tpu.memory_space<vmem>>
        %dma_start3A_824 = tpu.memref_squeeze %dma_start3A_823 : memref<1x128xi32, #tpu.memory_space<vmem>> -> memref<128xi32, #tpu.memory_space<vmem>>
        %dma_start3A_825 = arith.constant 0 : i32
        %dma_start3A_826 = arith.constant 0 : i32
        %dma_start3A_827 = tpu.memref_slice %arg10[%dma_start3A_825, %dma_start3A_826] : memref<10112x128xbf16, #tpu.memory_space<vmem_shared>> -> memref<10112x128xbf16, #tpu.memory_space<vmem_shared>>
        tpu.enqueue_indirect_dma source(%dma_start3A_821 : memref<128x128xbf16, #tpu.memory_space<vmem>>) target(%dma_start3A_827 : memref<10112x128xbf16, #tpu.memory_space<vmem_shared>>) offsets(%dma_start3A_824 : memref<128xi32, #tpu.memory_space<vmem>>) semaphore(%run_scoped3A_817 : memref<!tpu.dma_semaphore, #tpu.memory_space<semaphore_mem>>) {add = true}
        %dma_wait3A_828 = arith.constant 0 : i32
        %dma_wait3A_829 = arith.constant 0 : i32
        %dma_wait3A_830 = tpu.memref_slice %arg9[%run_scoped3A_590, %dma_wait3A_828, %dma_wait3A_829] : memref<8x128x128xbf16, #tpu.memory_space<vmem>> -> memref<1x128x128xbf16, #tpu.memory_space<vmem>>
        %dma_wait3A_831 = tpu.memref_squeeze %dma_wait3A_830 : memref<1x128x128xbf16, #tpu.memory_space<vmem>> -> memref<128x128xbf16, #tpu.memory_space<vmem>>
        %dma_wait3A_832 = arith.constant 0 : i32
        %dma_wait3A_833 = tpu.memref_slice %arg8[%add3A_575, %dma_wait3A_832] : memref<40x128xi32, #tpu.memory_space<vmem>> -> memref<1x128xi32, #tpu.memory_space<vmem>>
        %dma_wait3A_834 = tpu.memref_squeeze %dma_wait3A_833 : memref<1x128xi32, #tpu.memory_space<vmem>> -> memref<128xi32, #tpu.memory_space<vmem>>
        %dma_wait3A_835 = arith.constant 0 : i32
        %dma_wait3A_836 = arith.constant 0 : i32
        %dma_wait3A_837 = tpu.memref_slice %arg10[%dma_wait3A_835, %dma_wait3A_836] : memref<10112x128xbf16, #tpu.memory_space<vmem_shared>> -> memref<10112x128xbf16, #tpu.memory_space<vmem_shared>>
        tpu.wait_indirect_dma semaphore(%run_scoped3A_817 : memref<!tpu.dma_semaphore, #tpu.memory_space<semaphore_mem>>) src(%dma_wait3A_831 : memref<128x128xbf16, #tpu.memory_space<vmem>>) dst(%dma_wait3A_837 : memref<10112x128xbf16, #tpu.memory_space<vmem_shared>>)
        tpu.yield
      }) : () -> ()
      %add3A_591 = arith.constant 8 : i32
      %add3A_592 = arith.addi %add3A_575, %add3A_591 : i32
      %dma_start3A_593 = arith.constant 1 : i32
      %dma_start3A_594 = arith.constant 1 : i32
      %dma_start3A_595 = arith.constant 0 : i32
      %dma_start3A_596 = arith.constant 0 : i32
      %dma_start3A_597 = tpu.memref_slice %arg9[%dma_start3A_593, %dma_start3A_595, %dma_start3A_596] : memref<8x128x128xbf16, #tpu.memory_space<vmem>> -> memref<1x128x128xbf16, #tpu.memory_space<vmem>>
      %dma_start3A_598 = tpu.memref_squeeze %dma_start3A_597 : memref<1x128x128xbf16, #tpu.memory_space<vmem>> -> memref<128x128xbf16, #tpu.memory_space<vmem>>
      %dma_start3A_599 = arith.constant 0 : i32
      %dma_start3A_600 = tpu.memref_slice %arg7[%add3A_592, %dma_start3A_599] : memref<40x128xi32, #tpu.memory_space<vmem>> -> memref<1x128xi32, #tpu.memory_space<vmem>>
      %dma_start3A_601 = tpu.memref_squeeze %dma_start3A_600 : memref<1x128xi32, #tpu.memory_space<vmem>> -> memref<128xi32, #tpu.memory_space<vmem>>
      %dma_start3A_602 = arith.constant 0 : i32
      %dma_start3A_603 = arith.constant 0 : i32
      %dma_start3A_604 = tpu.memref_slice %arg4[%dma_start3A_602, %dma_start3A_603] : memref<10000x128xbf16, #tpu.memory_space<hbm>> -> memref<10000x128xbf16, #tpu.memory_space<hbm>>
      %dma_start3A_605 = tpu.memref_slice %arg11[%dma_start3A_594] : memref<8x!tpu.dma_semaphore, #tpu.memory_space<semaphore_mem>> -> memref<1x!tpu.dma_semaphore, #tpu.memory_space<semaphore_mem>>
      %dma_start3A_606 = tpu.memref_squeeze %dma_start3A_605 : memref<1x!tpu.dma_semaphore, #tpu.memory_space<semaphore_mem>> -> memref<!tpu.dma_semaphore, #tpu.memory_space<semaphore_mem>>
      tpu.enqueue_indirect_dma source(%dma_start3A_604 : memref<10000x128xbf16, #tpu.memory_space<hbm>>) target(%dma_start3A_598 : memref<128x128xbf16, #tpu.memory_space<vmem>>) offsets(%dma_start3A_601 : memref<128xi32, #tpu.memory_space<vmem>>) semaphore(%dma_start3A_606 : memref<!tpu.dma_semaphore, #tpu.memory_space<semaphore_mem>>)
      %mul3A_607 = arith.constant 8 : i32
      %mul3A_608 = arith.muli %scan3A_536, %mul3A_607 : i32
      %add3A_609 = arith.constant 2 : i32
      %add3A_610 = arith.addi %mul3A_608, %add3A_609 : i32
      %dma_wait3A_611 = arith.constant 2 : i32
      %dma_wait3A_612 = arith.constant 2 : i32
      %dma_wait3A_613 = arith.constant 0 : i32
      %dma_wait3A_614 = arith.constant 0 : i32
      %dma_wait3A_615 = tpu.memref_slice %arg9[%dma_wait3A_611, %dma_wait3A_613, %dma_wait3A_614] : memref<8x128x128xbf16, #tpu.memory_space<vmem>> -> memref<1x128x128xbf16, #tpu.memory_space<vmem>>
      %dma_wait3A_616 = tpu.memref_squeeze %dma_wait3A_615 : memref<1x128x128xbf16, #tpu.memory_space<vmem>> -> memref<128x128xbf16, #tpu.memory_space<vmem>>
      %dma_wait3A_617 = arith.constant 0 : i32
      %dma_wait3A_618 = tpu.memref_slice %arg7[%add3A_610, %dma_wait3A_617] : memref<40x128xi32, #tpu.memory_space<vmem>> -> memref<1x128xi32, #tpu.memory_space<vmem>>
      %dma_wait3A_619 = tpu.memref_squeeze %dma_wait3A_618 : memref<1x128xi32, #tpu.memory_space<vmem>> -> memref<128xi32, #tpu.memory_space<vmem>>
      %dma_wait3A_620 = arith.constant 0 : i32
      %dma_wait3A_621 = arith.constant 0 : i32
      %dma_wait3A_622 = tpu.memref_slice %arg4[%dma_wait3A_620, %dma_wait3A_621] : memref<10000x128xbf16, #tpu.memory_space<hbm>> -> memref<10000x128xbf16, #tpu.memory_space<hbm>>
      %dma_wait3A_623 = tpu.memref_slice %arg11[%dma_wait3A_612] : memref<8x!tpu.dma_semaphore, #tpu.memory_space<semaphore_mem>> -> memref<1x!tpu.dma_semaphore, #tpu.memory_space<semaphore_mem>>
      %dma_wait3A_624 = tpu.memref_squeeze %dma_wait3A_623 : memref<1x!tpu.dma_semaphore, #tpu.memory_space<semaphore_mem>> -> memref<!tpu.dma_semaphore, #tpu.memory_space<semaphore_mem>>
      tpu.wait_indirect_dma semaphore(%dma_wait3A_624 : memref<!tpu.dma_semaphore, #tpu.memory_space<semaphore_mem>>) src(%dma_wait3A_622 : memref<10000x128xbf16, #tpu.memory_space<hbm>>) dst(%dma_wait3A_616 : memref<128x128xbf16, #tpu.memory_space<vmem>>)
      %run_scoped3A_625 = arith.constant 2 : i32
      "tpu.region"() ({
        %run_scoped3A_817 = tpu.sem_alloc : memref<!tpu.dma_semaphore, #tpu.memory_space<semaphore_mem>>
        %dma_start3A_818 = arith.constant 0 : i32
        %dma_start3A_819 = arith.constant 0 : i32
        %dma_start3A_820 = tpu.memref_slice %arg9[%run_scoped3A_625, %dma_start3A_818, %dma_start3A_819] : memref<8x128x128xbf16, #tpu.memory_space<vmem>> -> memref<1x128x128xbf16, #tpu.memory_space<vmem>>
        %dma_start3A_821 = tpu.memref_squeeze %dma_start3A_820 : memref<1x128x128xbf16, #tpu.memory_space<vmem>> -> memref<128x128xbf16, #tpu.memory_space<vmem>>
        %dma_start3A_822 = arith.constant 0 : i32
        %dma_start3A_823 = tpu.memref_slice %arg8[%add3A_610, %dma_start3A_822] : memref<40x128xi32, #tpu.memory_space<vmem>> -> memref<1x128xi32, #tpu.memory_space<vmem>>
        %dma_start3A_824 = tpu.memref_squeeze %dma_start3A_823 : memref<1x128xi32, #tpu.memory_space<vmem>> -> memref<128xi32, #tpu.memory_space<vmem>>
        %dma_start3A_825 = arith.constant 0 : i32
        %dma_start3A_826 = arith.constant 0 : i32
        %dma_start3A_827 = tpu.memref_slice %arg10[%dma_start3A_825, %dma_start3A_826] : memref<10112x128xbf16, #tpu.memory_space<vmem_shared>> -> memref<10112x128xbf16, #tpu.memory_space<vmem_shared>>
        tpu.enqueue_indirect_dma source(%dma_start3A_821 : memref<128x128xbf16, #tpu.memory_space<vmem>>) target(%dma_start3A_827 : memref<10112x128xbf16, #tpu.memory_space<vmem_shared>>) offsets(%dma_start3A_824 : memref<128xi32, #tpu.memory_space<vmem>>) semaphore(%run_scoped3A_817 : memref<!tpu.dma_semaphore, #tpu.memory_space<semaphore_mem>>) {add = true}
        %dma_wait3A_828 = arith.constant 0 : i32
        %dma_wait3A_829 = arith.constant 0 : i32
        %dma_wait3A_830 = tpu.memref_slice %arg9[%run_scoped3A_625, %dma_wait3A_828, %dma_wait3A_829] : memref<8x128x128xbf16, #tpu.memory_space<vmem>> -> memref<1x128x128xbf16, #tpu.memory_space<vmem>>
        %dma_wait3A_831 = tpu.memref_squeeze %dma_wait3A_830 : memref<1x128x128xbf16, #tpu.memory_space<vmem>> -> memref<128x128xbf16, #tpu.memory_space<vmem>>
        %dma_wait3A_832 = arith.constant 0 : i32
        %dma_wait3A_833 = tpu.memref_slice %arg8[%add3A_610, %dma_wait3A_832] : memref<40x128xi32, #tpu.memory_space<vmem>> -> memref<1x128xi32, #tpu.memory_space<vmem>>
        %dma_wait3A_834 = tpu.memref_squeeze %dma_wait3A_833 : memref<1x128xi32, #tpu.memory_space<vmem>> -> memref<128xi32, #tpu.memory_space<vmem>>
        %dma_wait3A_835 = arith.constant 0 : i32
        %dma_wait3A_836 = arith.constant 0 : i32
        %dma_wait3A_837 = tpu.memref_slice %arg10[%dma_wait3A_835, %dma_wait3A_836] : memref<10112x128xbf16, #tpu.memory_space<vmem_shared>> -> memref<10112x128xbf16, #tpu.memory_space<vmem_shared>>
        tpu.wait_indirect_dma semaphore(%run_scoped3A_817 : memref<!tpu.dma_semaphore, #tpu.memory_space<semaphore_mem>>) src(%dma_wait3A_831 : memref<128x128xbf16, #tpu.memory_space<vmem>>) dst(%dma_wait3A_837 : memref<10112x128xbf16, #tpu.memory_space<vmem_shared>>)
        tpu.yield
      }) : () -> ()
      %add3A_626 = arith.constant 8 : i32
      %add3A_627 = arith.addi %add3A_610, %add3A_626 : i32
      %dma_start3A_628 = arith.constant 2 : i32
      %dma_start3A_629 = arith.constant 2 : i32
      %dma_start3A_630 = arith.constant 0 : i32
      %dma_start3A_631 = arith.constant 0 : i32
      %dma_start3A_632 = tpu.memref_slice %arg9[%dma_start3A_628, %dma_start3A_630, %dma_start3A_631] : memref<8x128x128xbf16, #tpu.memory_space<vmem>> -> memref<1x128x128xbf16, #tpu.memory_space<vmem>>
      %dma_start3A_633 = tpu.memref_squeeze %dma_start3A_632 : memref<1x128x128xbf16, #tpu.memory_space<vmem>> -> memref<128x128xbf16, #tpu.memory_space<vmem>>
      %dma_start3A_634 = arith.constant 0 : i32
      %dma_start3A_635 = tpu.memref_slice %arg7[%add3A_627, %dma_start3A_634] : memref<40x128xi32, #tpu.memory_space<vmem>> -> memref<1x128xi32, #tpu.memory_space<vmem>>
      %dma_start3A_636 = tpu.memref_squeeze %dma_start3A_635 : memref<1x128xi32, #tpu.memory_space<vmem>> -> memref<128xi32, #tpu.memory_space<vmem>>
      %dma_start3A_637 = arith.constant 0 : i32
      %dma_start3A_638 = arith.constant 0 : i32
      %dma_start3A_639 = tpu.memref_slice %arg4[%dma_start3A_637, %dma_start3A_638] : memref<10000x128xbf16, #tpu.memory_space<hbm>> -> memref<10000x128xbf16, #tpu.memory_space<hbm>>
      %dma_start3A_640 = tpu.memref_slice %arg11[%dma_start3A_629] : memref<8x!tpu.dma_semaphore, #tpu.memory_space<semaphore_mem>> -> memref<1x!tpu.dma_semaphore, #tpu.memory_space<semaphore_mem>>
      %dma_start3A_641 = tpu.memref_squeeze %dma_start3A_640 : memref<1x!tpu.dma_semaphore, #tpu.memory_space<semaphore_mem>> -> memref<!tpu.dma_semaphore, #tpu.memory_space<semaphore_mem>>
      tpu.enqueue_indirect_dma source(%dma_start3A_639 : memref<10000x128xbf16, #tpu.memory_space<hbm>>) target(%dma_start3A_633 : memref<128x128xbf16, #tpu.memory_space<vmem>>) offsets(%dma_start3A_636 : memref<128xi32, #tpu.memory_space<vmem>>) semaphore(%dma_start3A_641 : memref<!tpu.dma_semaphore, #tpu.memory_space<semaphore_mem>>)
      %mul3A_642 = arith.constant 8 : i32
      %mul3A_643 = arith.muli %scan3A_536, %mul3A_642 : i32
      %add3A_644 = arith.constant 3 : i32
      %add3A_645 = arith.addi %mul3A_643, %add3A_644 : i32
      %dma_wait3A_646 = arith.constant 3 : i32
      %dma_wait3A_647 = arith.constant 3 : i32
      %dma_wait3A_648 = arith.constant 0 : i32
      %dma_wait3A_649 = arith.constant 0 : i32
      %dma_wait3A_650 = tpu.memref_slice %arg9[%dma_wait3A_646, %dma_wait3A_648, %dma_wait3A_649] : memref<8x128x128xbf16, #tpu.memory_space<vmem>> -> memref<1x128x128xbf16, #tpu.memory_space<vmem>>
      %dma_wait3A_651 = tpu.memref_squeeze %dma_wait3A_650 : memref<1x128x128xbf16, #tpu.memory_space<vmem>> -> memref<128x128xbf16, #tpu.memory_space<vmem>>
      %dma_wait3A_652 = arith.constant 0 : i32
      %dma_wait3A_653 = tpu.memref_slice %arg7[%add3A_645, %dma_wait3A_652] : memref<40x128xi32, #tpu.memory_space<vmem>> -> memref<1x128xi32, #tpu.memory_space<vmem>>
      %dma_wait3A_654 = tpu.memref_squeeze %dma_wait3A_653 : memref<1x128xi32, #tpu.memory_space<vmem>> -> memref<128xi32, #tpu.memory_space<vmem>>
      %dma_wait3A_655 = arith.constant 0 : i32
      %dma_wait3A_656 = arith.constant 0 : i32
      %dma_wait3A_657 = tpu.memref_slice %arg4[%dma_wait3A_655, %dma_wait3A_656] : memref<10000x128xbf16, #tpu.memory_space<hbm>> -> memref<10000x128xbf16, #tpu.memory_space<hbm>>
      %dma_wait3A_658 = tpu.memref_slice %arg11[%dma_wait3A_647] : memref<8x!tpu.dma_semaphore, #tpu.memory_space<semaphore_mem>> -> memref<1x!tpu.dma_semaphore, #tpu.memory_space<semaphore_mem>>
      %dma_wait3A_659 = tpu.memref_squeeze %dma_wait3A_658 : memref<1x!tpu.dma_semaphore, #tpu.memory_space<semaphore_mem>> -> memref<!tpu.dma_semaphore, #tpu.memory_space<semaphore_mem>>
      tpu.wait_indirect_dma semaphore(%dma_wait3A_659 : memref<!tpu.dma_semaphore, #tpu.memory_space<semaphore_mem>>) src(%dma_wait3A_657 : memref<10000x128xbf16, #tpu.memory_space<hbm>>) dst(%dma_wait3A_651 : memref<128x128xbf16, #tpu.memory_space<vmem>>)
      %run_scoped3A_660 = arith.constant 3 : i32
      "tpu.region"() ({
        %run_scoped3A_817 = tpu.sem_alloc : memref<!tpu.dma_semaphore, #tpu.memory_space<semaphore_mem>>
        %dma_start3A_818 = arith.constant 0 : i32
        %dma_start3A_819 = arith.constant 0 : i32
        %dma_start3A_820 = tpu.memref_slice %arg9[%run_scoped3A_660, %dma_start3A_818, %dma_start3A_819] : memref<8x128x128xbf16, #tpu.memory_space<vmem>> -> memref<1x128x128xbf16, #tpu.memory_space<vmem>>
        %dma_start3A_821 = tpu.memref_squeeze %dma_start3A_820 : memref<1x128x128xbf16, #tpu.memory_space<vmem>> -> memref<128x128xbf16, #tpu.memory_space<vmem>>
        %dma_start3A_822 = arith.constant 0 : i32
        %dma_start3A_823 = tpu.memref_slice %arg8[%add3A_645, %dma_start3A_822] : memref<40x128xi32, #tpu.memory_space<vmem>> -> memref<1x128xi32, #tpu.memory_space<vmem>>
        %dma_start3A_824 = tpu.memref_squeeze %dma_start3A_823 : memref<1x128xi32, #tpu.memory_space<vmem>> -> memref<128xi32, #tpu.memory_space<vmem>>
        %dma_start3A_825 = arith.constant 0 : i32
        %dma_start3A_826 = arith.constant 0 : i32
        %dma_start3A_827 = tpu.memref_slice %arg10[%dma_start3A_825, %dma_start3A_826] : memref<10112x128xbf16, #tpu.memory_space<vmem_shared>> -> memref<10112x128xbf16, #tpu.memory_space<vmem_shared>>
        tpu.enqueue_indirect_dma source(%dma_start3A_821 : memref<128x128xbf16, #tpu.memory_space<vmem>>) target(%dma_start3A_827 : memref<10112x128xbf16, #tpu.memory_space<vmem_shared>>) offsets(%dma_start3A_824 : memref<128xi32, #tpu.memory_space<vmem>>) semaphore(%run_scoped3A_817 : memref<!tpu.dma_semaphore, #tpu.memory_space<semaphore_mem>>) {add = true}
        %dma_wait3A_828 = arith.constant 0 : i32
        %dma_wait3A_829 = arith.constant 0 : i32
        %dma_wait3A_830 = tpu.memref_slice %arg9[%run_scoped3A_660, %dma_wait3A_828, %dma_wait3A_829] : memref<8x128x128xbf16, #tpu.memory_space<vmem>> -> memref<1x128x128xbf16, #tpu.memory_space<vmem>>
        %dma_wait3A_831 = tpu.memref_squeeze %dma_wait3A_830 : memref<1x128x128xbf16, #tpu.memory_space<vmem>> -> memref<128x128xbf16, #tpu.memory_space<vmem>>
        %dma_wait3A_832 = arith.constant 0 : i32
        %dma_wait3A_833 = tpu.memref_slice %arg8[%add3A_645, %dma_wait3A_832] : memref<40x128xi32, #tpu.memory_space<vmem>> -> memref<1x128xi32, #tpu.memory_space<vmem>>
        %dma_wait3A_834 = tpu.memref_squeeze %dma_wait3A_833 : memref<1x128xi32, #tpu.memory_space<vmem>> -> memref<128xi32, #tpu.memory_space<vmem>>
        %dma_wait3A_835 = arith.constant 0 : i32
        %dma_wait3A_836 = arith.constant 0 : i32
        %dma_wait3A_837 = tpu.memref_slice %arg10[%dma_wait3A_835, %dma_wait3A_836] : memref<10112x128xbf16, #tpu.memory_space<vmem_shared>> -> memref<10112x128xbf16, #tpu.memory_space<vmem_shared>>
        tpu.wait_indirect_dma semaphore(%run_scoped3A_817 : memref<!tpu.dma_semaphore, #tpu.memory_space<semaphore_mem>>) src(%dma_wait3A_831 : memref<128x128xbf16, #tpu.memory_space<vmem>>) dst(%dma_wait3A_837 : memref<10112x128xbf16, #tpu.memory_space<vmem_shared>>)
        tpu.yield
      }) : () -> ()
      %add3A_661 = arith.constant 8 : i32
      %add3A_662 = arith.addi %add3A_645, %add3A_661 : i32
      %dma_start3A_663 = arith.constant 3 : i32
      %dma_start3A_664 = arith.constant 3 : i32
      %dma_start3A_665 = arith.constant 0 : i32
      %dma_start3A_666 = arith.constant 0 : i32
      %dma_start3A_667 = tpu.memref_slice %arg9[%dma_start3A_663, %dma_start3A_665, %dma_start3A_666] : memref<8x128x128xbf16, #tpu.memory_space<vmem>> -> memref<1x128x128xbf16, #tpu.memory_space<vmem>>
      %dma_start3A_668 = tpu.memref_squeeze %dma_start3A_667 : memref<1x128x128xbf16, #tpu.memory_space<vmem>> -> memref<128x128xbf16, #tpu.memory_space<vmem>>
      %dma_start3A_669 = arith.constant 0 : i32
      %dma_start3A_670 = tpu.memref_slice %arg7[%add3A_662, %dma_start3A_669] : memref<40x128xi32, #tpu.memory_space<vmem>> -> memref<1x128xi32, #tpu.memory_space<vmem>>
      %dma_start3A_671 = tpu.memref_squeeze %dma_start3A_670 : memref<1x128xi32, #tpu.memory_space<vmem>> -> memref<128xi32, #tpu.memory_space<vmem>>
      %dma_start3A_672 = arith.constant 0 : i32
      %dma_start3A_673 = arith.constant 0 : i32
      %dma_start3A_674 = tpu.memref_slice %arg4[%dma_start3A_672, %dma_start3A_673] : memref<10000x128xbf16, #tpu.memory_space<hbm>> -> memref<10000x128xbf16, #tpu.memory_space<hbm>>
      %dma_start3A_675 = tpu.memref_slice %arg11[%dma_start3A_664] : memref<8x!tpu.dma_semaphore, #tpu.memory_space<semaphore_mem>> -> memref<1x!tpu.dma_semaphore, #tpu.memory_space<semaphore_mem>>
      %dma_start3A_676 = tpu.memref_squeeze %dma_start3A_675 : memref<1x!tpu.dma_semaphore, #tpu.memory_space<semaphore_mem>> -> memref<!tpu.dma_semaphore, #tpu.memory_space<semaphore_mem>>
      tpu.enqueue_indirect_dma source(%dma_start3A_674 : memref<10000x128xbf16, #tpu.memory_space<hbm>>) target(%dma_start3A_668 : memref<128x128xbf16, #tpu.memory_space<vmem>>) offsets(%dma_start3A_671 : memref<128xi32, #tpu.memory_space<vmem>>) semaphore(%dma_start3A_676 : memref<!tpu.dma_semaphore, #tpu.memory_space<semaphore_mem>>)
      %mul3A_677 = arith.constant 8 : i32
      %mul3A_678 = arith.muli %scan3A_536, %mul3A_677 : i32
      %add3A_679 = arith.constant 4 : i32
      %add3A_680 = arith.addi %mul3A_678, %add3A_679 : i32
      %dma_wait3A_681 = arith.constant 4 : i32
      %dma_wait3A_682 = arith.constant 4 : i32
      %dma_wait3A_683 = arith.constant 0 : i32
      %dma_wait3A_684 = arith.constant 0 : i32
      %dma_wait3A_685 = tpu.memref_slice %arg9[%dma_wait3A_681, %dma_wait3A_683, %dma_wait3A_684] : memref<8x128x128xbf16, #tpu.memory_space<vmem>> -> memref<1x128x128xbf16, #tpu.memory_space<vmem>>
      %dma_wait3A_686 = tpu.memref_squeeze %dma_wait3A_685 : memref<1x128x128xbf16, #tpu.memory_space<vmem>> -> memref<128x128xbf16, #tpu.memory_space<vmem>>
      %dma_wait3A_687 = arith.constant 0 : i32
      %dma_wait3A_688 = tpu.memref_slice %arg7[%add3A_680, %dma_wait3A_687] : memref<40x128xi32, #tpu.memory_space<vmem>> -> memref<1x128xi32, #tpu.memory_space<vmem>>
      %dma_wait3A_689 = tpu.memref_squeeze %dma_wait3A_688 : memref<1x128xi32, #tpu.memory_space<vmem>> -> memref<128xi32, #tpu.memory_space<vmem>>
      %dma_wait3A_690 = arith.constant 0 : i32
      %dma_wait3A_691 = arith.constant 0 : i32
      %dma_wait3A_692 = tpu.memref_slice %arg4[%dma_wait3A_690, %dma_wait3A_691] : memref<10000x128xbf16, #tpu.memory_space<hbm>> -> memref<10000x128xbf16, #tpu.memory_space<hbm>>
      %dma_wait3A_693 = tpu.memref_slice %arg11[%dma_wait3A_682] : memref<8x!tpu.dma_semaphore, #tpu.memory_space<semaphore_mem>> -> memref<1x!tpu.dma_semaphore, #tpu.memory_space<semaphore_mem>>
      %dma_wait3A_694 = tpu.memref_squeeze %dma_wait3A_693 : memref<1x!tpu.dma_semaphore, #tpu.memory_space<semaphore_mem>> -> memref<!tpu.dma_semaphore, #tpu.memory_space<semaphore_mem>>
      tpu.wait_indirect_dma semaphore(%dma_wait3A_694 : memref<!tpu.dma_semaphore, #tpu.memory_space<semaphore_mem>>) src(%dma_wait3A_692 : memref<10000x128xbf16, #tpu.memory_space<hbm>>) dst(%dma_wait3A_686 : memref<128x128xbf16, #tpu.memory_space<vmem>>)
      %run_scoped3A_695 = arith.constant 4 : i32
      "tpu.region"() ({
        %run_scoped3A_817 = tpu.sem_alloc : memref<!tpu.dma_semaphore, #tpu.memory_space<semaphore_mem>>
        %dma_start3A_818 = arith.constant 0 : i32
        %dma_start3A_819 = arith.constant 0 : i32
        %dma_start3A_820 = tpu.memref_slice %arg9[%run_scoped3A_695, %dma_start3A_818, %dma_start3A_819] : memref<8x128x128xbf16, #tpu.memory_space<vmem>> -> memref<1x128x128xbf16, #tpu.memory_space<vmem>>
        %dma_start3A_821 = tpu.memref_squeeze %dma_start3A_820 : memref<1x128x128xbf16, #tpu.memory_space<vmem>> -> memref<128x128xbf16, #tpu.memory_space<vmem>>
        %dma_start3A_822 = arith.constant 0 : i32
        %dma_start3A_823 = tpu.memref_slice %arg8[%add3A_680, %dma_start3A_822] : memref<40x128xi32, #tpu.memory_space<vmem>> -> memref<1x128xi32, #tpu.memory_space<vmem>>
        %dma_start3A_824 = tpu.memref_squeeze %dma_start3A_823 : memref<1x128xi32, #tpu.memory_space<vmem>> -> memref<128xi32, #tpu.memory_space<vmem>>
        %dma_start3A_825 = arith.constant 0 : i32
        %dma_start3A_826 = arith.constant 0 : i32
        %dma_start3A_827 = tpu.memref_slice %arg10[%dma_start3A_825, %dma_start3A_826] : memref<10112x128xbf16, #tpu.memory_space<vmem_shared>> -> memref<10112x128xbf16, #tpu.memory_space<vmem_shared>>
        tpu.enqueue_indirect_dma source(%dma_start3A_821 : memref<128x128xbf16, #tpu.memory_space<vmem>>) target(%dma_start3A_827 : memref<10112x128xbf16, #tpu.memory_space<vmem_shared>>) offsets(%dma_start3A_824 : memref<128xi32, #tpu.memory_space<vmem>>) semaphore(%run_scoped3A_817 : memref<!tpu.dma_semaphore, #tpu.memory_space<semaphore_mem>>) {add = true}
        %dma_wait3A_828 = arith.constant 0 : i32
        %dma_wait3A_829 = arith.constant 0 : i32
        %dma_wait3A_830 = tpu.memref_slice %arg9[%run_scoped3A_695, %dma_wait3A_828, %dma_wait3A_829] : memref<8x128x128xbf16, #tpu.memory_space<vmem>> -> memref<1x128x128xbf16, #tpu.memory_space<vmem>>
        %dma_wait3A_831 = tpu.memref_squeeze %dma_wait3A_830 : memref<1x128x128xbf16, #tpu.memory_space<vmem>> -> memref<128x128xbf16, #tpu.memory_space<vmem>>
        %dma_wait3A_832 = arith.constant 0 : i32
        %dma_wait3A_833 = tpu.memref_slice %arg8[%add3A_680, %dma_wait3A_832] : memref<40x128xi32, #tpu.memory_space<vmem>> -> memref<1x128xi32, #tpu.memory_space<vmem>>
        %dma_wait3A_834 = tpu.memref_squeeze %dma_wait3A_833 : memref<1x128xi32, #tpu.memory_space<vmem>> -> memref<128xi32, #tpu.memory_space<vmem>>
        %dma_wait3A_835 = arith.constant 0 : i32
        %dma_wait3A_836 = arith.constant 0 : i32
        %dma_wait3A_837 = tpu.memref_slice %arg10[%dma_wait3A_835, %dma_wait3A_836] : memref<10112x128xbf16, #tpu.memory_space<vmem_shared>> -> memref<10112x128xbf16, #tpu.memory_space<vmem_shared>>
        tpu.wait_indirect_dma semaphore(%run_scoped3A_817 : memref<!tpu.dma_semaphore, #tpu.memory_space<semaphore_mem>>) src(%dma_wait3A_831 : memref<128x128xbf16, #tpu.memory_space<vmem>>) dst(%dma_wait3A_837 : memref<10112x128xbf16, #tpu.memory_space<vmem_shared>>)
        tpu.yield
      }) : () -> ()
      %add3A_696 = arith.constant 8 : i32
      %add3A_697 = arith.addi %add3A_680, %add3A_696 : i32
      %dma_start3A_698 = arith.constant 4 : i32
      %dma_start3A_699 = arith.constant 4 : i32
      %dma_start3A_700 = arith.constant 0 : i32
      %dma_start3A_701 = arith.constant 0 : i32
      %dma_start3A_702 = tpu.memref_slice %arg9[%dma_start3A_698, %dma_start3A_700, %dma_start3A_701] : memref<8x128x128xbf16, #tpu.memory_space<vmem>> -> memref<1x128x128xbf16, #tpu.memory_space<vmem>>
      %dma_start3A_703 = tpu.memref_squeeze %dma_start3A_702 : memref<1x128x128xbf16, #tpu.memory_space<vmem>> -> memref<128x128xbf16, #tpu.memory_space<vmem>>
      %dma_start3A_704 = arith.constant 0 : i32
      %dma_start3A_705 = tpu.memref_slice %arg7[%add3A_697, %dma_start3A_704] : memref<40x128xi32, #tpu.memory_space<vmem>> -> memref<1x128xi32, #tpu.memory_space<vmem>>
      %dma_start3A_706 = tpu.memref_squeeze %dma_start3A_705 : memref<1x128xi32, #tpu.memory_space<vmem>> -> memref<128xi32, #tpu.memory_space<vmem>>
      %dma_start3A_707 = arith.constant 0 : i32
      %dma_start3A_708 = arith.constant 0 : i32
      %dma_start3A_709 = tpu.memref_slice %arg4[%dma_start3A_707, %dma_start3A_708] : memref<10000x128xbf16, #tpu.memory_space<hbm>> -> memref<10000x128xbf16, #tpu.memory_space<hbm>>
      %dma_start3A_710 = tpu.memref_slice %arg11[%dma_start3A_699] : memref<8x!tpu.dma_semaphore, #tpu.memory_space<semaphore_mem>> -> memref<1x!tpu.dma_semaphore, #tpu.memory_space<semaphore_mem>>
      %dma_start3A_711 = tpu.memref_squeeze %dma_start3A_710 : memref<1x!tpu.dma_semaphore, #tpu.memory_space<semaphore_mem>> -> memref<!tpu.dma_semaphore, #tpu.memory_space<semaphore_mem>>
      tpu.enqueue_indirect_dma source(%dma_start3A_709 : memref<10000x128xbf16, #tpu.memory_space<hbm>>) target(%dma_start3A_703 : memref<128x128xbf16, #tpu.memory_space<vmem>>) offsets(%dma_start3A_706 : memref<128xi32, #tpu.memory_space<vmem>>) semaphore(%dma_start3A_711 : memref<!tpu.dma_semaphore, #tpu.memory_space<semaphore_mem>>)
      %mul3A_712 = arith.constant 8 : i32
      %mul3A_713 = arith.muli %scan3A_536, %mul3A_712 : i32
      %add3A_714 = arith.constant 5 : i32
      %add3A_715 = arith.addi %mul3A_713, %add3A_714 : i32
      %dma_wait3A_716 = arith.constant 5 : i32
      %dma_wait3A_717 = arith.constant 5 : i32
      %dma_wait3A_718 = arith.constant 0 : i32
      %dma_wait3A_719 = arith.constant 0 : i32
      %dma_wait3A_720 = tpu.memref_slice %arg9[%dma_wait3A_716, %dma_wait3A_718, %dma_wait3A_719] : memref<8x128x128xbf16, #tpu.memory_space<vmem>> -> memref<1x128x128xbf16, #tpu.memory_space<vmem>>
      %dma_wait3A_721 = tpu.memref_squeeze %dma_wait3A_720 : memref<1x128x128xbf16, #tpu.memory_space<vmem>> -> memref<128x128xbf16, #tpu.memory_space<vmem>>
      %dma_wait3A_722 = arith.constant 0 : i32
      %dma_wait3A_723 = tpu.memref_slice %arg7[%add3A_715, %dma_wait3A_722] : memref<40x128xi32, #tpu.memory_space<vmem>> -> memref<1x128xi32, #tpu.memory_space<vmem>>
      %dma_wait3A_724 = tpu.memref_squeeze %dma_wait3A_723 : memref<1x128xi32, #tpu.memory_space<vmem>> -> memref<128xi32, #tpu.memory_space<vmem>>
      %dma_wait3A_725 = arith.constant 0 : i32
      %dma_wait3A_726 = arith.constant 0 : i32
      %dma_wait3A_727 = tpu.memref_slice %arg4[%dma_wait3A_725, %dma_wait3A_726] : memref<10000x128xbf16, #tpu.memory_space<hbm>> -> memref<10000x128xbf16, #tpu.memory_space<hbm>>
      %dma_wait3A_728 = tpu.memref_slice %arg11[%dma_wait3A_717] : memref<8x!tpu.dma_semaphore, #tpu.memory_space<semaphore_mem>> -> memref<1x!tpu.dma_semaphore, #tpu.memory_space<semaphore_mem>>
      %dma_wait3A_729 = tpu.memref_squeeze %dma_wait3A_728 : memref<1x!tpu.dma_semaphore, #tpu.memory_space<semaphore_mem>> -> memref<!tpu.dma_semaphore, #tpu.memory_space<semaphore_mem>>
      tpu.wait_indirect_dma semaphore(%dma_wait3A_729 : memref<!tpu.dma_semaphore, #tpu.memory_space<semaphore_mem>>) src(%dma_wait3A_727 : memref<10000x128xbf16, #tpu.memory_space<hbm>>) dst(%dma_wait3A_721 : memref<128x128xbf16, #tpu.memory_space<vmem>>)
      %run_scoped3A_730 = arith.constant 5 : i32
      "tpu.region"() ({
        %run_scoped3A_817 = tpu.sem_alloc : memref<!tpu.dma_semaphore, #tpu.memory_space<semaphore_mem>>
        %dma_start3A_818 = arith.constant 0 : i32
        %dma_start3A_819 = arith.constant 0 : i32
        %dma_start3A_820 = tpu.memref_slice %arg9[%run_scoped3A_730, %dma_start3A_818, %dma_start3A_819] : memref<8x128x128xbf16, #tpu.memory_space<vmem>> -> memref<1x128x128xbf16, #tpu.memory_space<vmem>>
        %dma_start3A_821 = tpu.memref_squeeze %dma_start3A_820 : memref<1x128x128xbf16, #tpu.memory_space<vmem>> -> memref<128x128xbf16, #tpu.memory_space<vmem>>
        %dma_start3A_822 = arith.constant 0 : i32
        %dma_start3A_823 = tpu.memref_slice %arg8[%add3A_715, %dma_start3A_822] : memref<40x128xi32, #tpu.memory_space<vmem>> -> memref<1x128xi32, #tpu.memory_space<vmem>>
        %dma_start3A_824 = tpu.memref_squeeze %dma_start3A_823 : memref<1x128xi32, #tpu.memory_space<vmem>> -> memref<128xi32, #tpu.memory_space<vmem>>
        %dma_start3A_825 = arith.constant 0 : i32
        %dma_start3A_826 = arith.constant 0 : i32
        %dma_start3A_827 = tpu.memref_slice %arg10[%dma_start3A_825, %dma_start3A_826] : memref<10112x128xbf16, #tpu.memory_space<vmem_shared>> -> memref<10112x128xbf16, #tpu.memory_space<vmem_shared>>
        tpu.enqueue_indirect_dma source(%dma_start3A_821 : memref<128x128xbf16, #tpu.memory_space<vmem>>) target(%dma_start3A_827 : memref<10112x128xbf16, #tpu.memory_space<vmem_shared>>) offsets(%dma_start3A_824 : memref<128xi32, #tpu.memory_space<vmem>>) semaphore(%run_scoped3A_817 : memref<!tpu.dma_semaphore, #tpu.memory_space<semaphore_mem>>) {add = true}
        %dma_wait3A_828 = arith.constant 0 : i32
        %dma_wait3A_829 = arith.constant 0 : i32
        %dma_wait3A_830 = tpu.memref_slice %arg9[%run_scoped3A_730, %dma_wait3A_828, %dma_wait3A_829] : memref<8x128x128xbf16, #tpu.memory_space<vmem>> -> memref<1x128x128xbf16, #tpu.memory_space<vmem>>
        %dma_wait3A_831 = tpu.memref_squeeze %dma_wait3A_830 : memref<1x128x128xbf16, #tpu.memory_space<vmem>> -> memref<128x128xbf16, #tpu.memory_space<vmem>>
        %dma_wait3A_832 = arith.constant 0 : i32
        %dma_wait3A_833 = tpu.memref_slice %arg8[%add3A_715, %dma_wait3A_832] : memref<40x128xi32, #tpu.memory_space<vmem>> -> memref<1x128xi32, #tpu.memory_space<vmem>>
        %dma_wait3A_834 = tpu.memref_squeeze %dma_wait3A_833 : memref<1x128xi32, #tpu.memory_space<vmem>> -> memref<128xi32, #tpu.memory_space<vmem>>
        %dma_wait3A_835 = arith.constant 0 : i32
        %dma_wait3A_836 = arith.constant 0 : i32
        %dma_wait3A_837 = tpu.memref_slice %arg10[%dma_wait3A_835, %dma_wait3A_836] : memref<10112x128xbf16, #tpu.memory_space<vmem_shared>> -> memref<10112x128xbf16, #tpu.memory_space<vmem_shared>>
        tpu.wait_indirect_dma semaphore(%run_scoped3A_817 : memref<!tpu.dma_semaphore, #tpu.memory_space<semaphore_mem>>) src(%dma_wait3A_831 : memref<128x128xbf16, #tpu.memory_space<vmem>>) dst(%dma_wait3A_837 : memref<10112x128xbf16, #tpu.memory_space<vmem_shared>>)
        tpu.yield
      }) : () -> ()
      %add3A_731 = arith.constant 8 : i32
      %add3A_732 = arith.addi %add3A_715, %add3A_731 : i32
      %dma_start3A_733 = arith.constant 5 : i32
      %dma_start3A_734 = arith.constant 5 : i32
      %dma_start3A_735 = arith.constant 0 : i32
      %dma_start3A_736 = arith.constant 0 : i32
      %dma_start3A_737 = tpu.memref_slice %arg9[%dma_start3A_733, %dma_start3A_735, %dma_start3A_736] : memref<8x128x128xbf16, #tpu.memory_space<vmem>> -> memref<1x128x128xbf16, #tpu.memory_space<vmem>>
      %dma_start3A_738 = tpu.memref_squeeze %dma_start3A_737 : memref<1x128x128xbf16, #tpu.memory_space<vmem>> -> memref<128x128xbf16, #tpu.memory_space<vmem>>
      %dma_start3A_739 = arith.constant 0 : i32
      %dma_start3A_740 = tpu.memref_slice %arg7[%add3A_732, %dma_start3A_739] : memref<40x128xi32, #tpu.memory_space<vmem>> -> memref<1x128xi32, #tpu.memory_space<vmem>>
      %dma_start3A_741 = tpu.memref_squeeze %dma_start3A_740 : memref<1x128xi32, #tpu.memory_space<vmem>> -> memref<128xi32, #tpu.memory_space<vmem>>
      %dma_start3A_742 = arith.constant 0 : i32
      %dma_start3A_743 = arith.constant 0 : i32
      %dma_start3A_744 = tpu.memref_slice %arg4[%dma_start3A_742, %dma_start3A_743] : memref<10000x128xbf16, #tpu.memory_space<hbm>> -> memref<10000x128xbf16, #tpu.memory_space<hbm>>
      %dma_start3A_745 = tpu.memref_slice %arg11[%dma_start3A_734] : memref<8x!tpu.dma_semaphore, #tpu.memory_space<semaphore_mem>> -> memref<1x!tpu.dma_semaphore, #tpu.memory_space<semaphore_mem>>
      %dma_start3A_746 = tpu.memref_squeeze %dma_start3A_745 : memref<1x!tpu.dma_semaphore, #tpu.memory_space<semaphore_mem>> -> memref<!tpu.dma_semaphore, #tpu.memory_space<semaphore_mem>>
      tpu.enqueue_indirect_dma source(%dma_start3A_744 : memref<10000x128xbf16, #tpu.memory_space<hbm>>) target(%dma_start3A_738 : memref<128x128xbf16, #tpu.memory_space<vmem>>) offsets(%dma_start3A_741 : memref<128xi32, #tpu.memory_space<vmem>>) semaphore(%dma_start3A_746 : memref<!tpu.dma_semaphore, #tpu.memory_space<semaphore_mem>>)
      %mul3A_747 = arith.constant 8 : i32
      %mul3A_748 = arith.muli %scan3A_536, %mul3A_747 : i32
      %add3A_749 = arith.constant 6 : i32
      %add3A_750 = arith.addi %mul3A_748, %add3A_749 : i32
      %dma_wait3A_751 = arith.constant 6 : i32
      %dma_wait3A_752 = arith.constant 6 : i32
      %dma_wait3A_753 = arith.constant 0 : i32
      %dma_wait3A_754 = arith.constant 0 : i32
      %dma_wait3A_755 = tpu.memref_slice %arg9[%dma_wait3A_751, %dma_wait3A_753, %dma_wait3A_754] : memref<8x128x128xbf16, #tpu.memory_space<vmem>> -> memref<1x128x128xbf16, #tpu.memory_space<vmem>>
      %dma_wait3A_756 = tpu.memref_squeeze %dma_wait3A_755 : memref<1x128x128xbf16, #tpu.memory_space<vmem>> -> memref<128x128xbf16, #tpu.memory_space<vmem>>
      %dma_wait3A_757 = arith.constant 0 : i32
      %dma_wait3A_758 = tpu.memref_slice %arg7[%add3A_750, %dma_wait3A_757] : memref<40x128xi32, #tpu.memory_space<vmem>> -> memref<1x128xi32, #tpu.memory_space<vmem>>
      %dma_wait3A_759 = tpu.memref_squeeze %dma_wait3A_758 : memref<1x128xi32, #tpu.memory_space<vmem>> -> memref<128xi32, #tpu.memory_space<vmem>>
      %dma_wait3A_760 = arith.constant 0 : i32
      %dma_wait3A_761 = arith.constant 0 : i32
      %dma_wait3A_762 = tpu.memref_slice %arg4[%dma_wait3A_760, %dma_wait3A_761] : memref<10000x128xbf16, #tpu.memory_space<hbm>> -> memref<10000x128xbf16, #tpu.memory_space<hbm>>
      %dma_wait3A_763 = tpu.memref_slice %arg11[%dma_wait3A_752] : memref<8x!tpu.dma_semaphore, #tpu.memory_space<semaphore_mem>> -> memref<1x!tpu.dma_semaphore, #tpu.memory_space<semaphore_mem>>
      %dma_wait3A_764 = tpu.memref_squeeze %dma_wait3A_763 : memref<1x!tpu.dma_semaphore, #tpu.memory_space<semaphore_mem>> -> memref<!tpu.dma_semaphore, #tpu.memory_space<semaphore_mem>>
      tpu.wait_indirect_dma semaphore(%dma_wait3A_764 : memref<!tpu.dma_semaphore, #tpu.memory_space<semaphore_mem>>) src(%dma_wait3A_762 : memref<10000x128xbf16, #tpu.memory_space<hbm>>) dst(%dma_wait3A_756 : memref<128x128xbf16, #tpu.memory_space<vmem>>)
      %run_scoped3A_765 = arith.constant 6 : i32
      "tpu.region"() ({
        %run_scoped3A_817 = tpu.sem_alloc : memref<!tpu.dma_semaphore, #tpu.memory_space<semaphore_mem>>
        %dma_start3A_818 = arith.constant 0 : i32
        %dma_start3A_819 = arith.constant 0 : i32
        %dma_start3A_820 = tpu.memref_slice %arg9[%run_scoped3A_765, %dma_start3A_818, %dma_start3A_819] : memref<8x128x128xbf16, #tpu.memory_space<vmem>> -> memref<1x128x128xbf16, #tpu.memory_space<vmem>>
        %dma_start3A_821 = tpu.memref_squeeze %dma_start3A_820 : memref<1x128x128xbf16, #tpu.memory_space<vmem>> -> memref<128x128xbf16, #tpu.memory_space<vmem>>
        %dma_start3A_822 = arith.constant 0 : i32
        %dma_start3A_823 = tpu.memref_slice %arg8[%add3A_750, %dma_start3A_822] : memref<40x128xi32, #tpu.memory_space<vmem>> -> memref<1x128xi32, #tpu.memory_space<vmem>>
        %dma_start3A_824 = tpu.memref_squeeze %dma_start3A_823 : memref<1x128xi32, #tpu.memory_space<vmem>> -> memref<128xi32, #tpu.memory_space<vmem>>
        %dma_start3A_825 = arith.constant 0 : i32
        %dma_start3A_826 = arith.constant 0 : i32
        %dma_start3A_827 = tpu.memref_slice %arg10[%dma_start3A_825, %dma_start3A_826] : memref<10112x128xbf16, #tpu.memory_space<vmem_shared>> -> memref<10112x128xbf16, #tpu.memory_space<vmem_shared>>
        tpu.enqueue_indirect_dma source(%dma_start3A_821 : memref<128x128xbf16, #tpu.memory_space<vmem>>) target(%dma_start3A_827 : memref<10112x128xbf16, #tpu.memory_space<vmem_shared>>) offsets(%dma_start3A_824 : memref<128xi32, #tpu.memory_space<vmem>>) semaphore(%run_scoped3A_817 : memref<!tpu.dma_semaphore, #tpu.memory_space<semaphore_mem>>) {add = true}
        %dma_wait3A_828 = arith.constant 0 : i32
        %dma_wait3A_829 = arith.constant 0 : i32
        %dma_wait3A_830 = tpu.memref_slice %arg9[%run_scoped3A_765, %dma_wait3A_828, %dma_wait3A_829] : memref<8x128x128xbf16, #tpu.memory_space<vmem>> -> memref<1x128x128xbf16, #tpu.memory_space<vmem>>
        %dma_wait3A_831 = tpu.memref_squeeze %dma_wait3A_830 : memref<1x128x128xbf16, #tpu.memory_space<vmem>> -> memref<128x128xbf16, #tpu.memory_space<vmem>>
        %dma_wait3A_832 = arith.constant 0 : i32
        %dma_wait3A_833 = tpu.memref_slice %arg8[%add3A_750, %dma_wait3A_832] : memref<40x128xi32, #tpu.memory_space<vmem>> -> memref<1x128xi32, #tpu.memory_space<vmem>>
        %dma_wait3A_834 = tpu.memref_squeeze %dma_wait3A_833 : memref<1x128xi32, #tpu.memory_space<vmem>> -> memref<128xi32, #tpu.memory_space<vmem>>
        %dma_wait3A_835 = arith.constant 0 : i32
        %dma_wait3A_836 = arith.constant 0 : i32
        %dma_wait3A_837 = tpu.memref_slice %arg10[%dma_wait3A_835, %dma_wait3A_836] : memref<10112x128xbf16, #tpu.memory_space<vmem_shared>> -> memref<10112x128xbf16, #tpu.memory_space<vmem_shared>>
        tpu.wait_indirect_dma semaphore(%run_scoped3A_817 : memref<!tpu.dma_semaphore, #tpu.memory_space<semaphore_mem>>) src(%dma_wait3A_831 : memref<128x128xbf16, #tpu.memory_space<vmem>>) dst(%dma_wait3A_837 : memref<10112x128xbf16, #tpu.memory_space<vmem_shared>>)
        tpu.yield
      }) : () -> ()
      %add3A_766 = arith.constant 8 : i32
      %add3A_767 = arith.addi %add3A_750, %add3A_766 : i32
      %dma_start3A_768 = arith.constant 6 : i32
      %dma_start3A_769 = arith.constant 6 : i32
      %dma_start3A_770 = arith.constant 0 : i32
      %dma_start3A_771 = arith.constant 0 : i32
      %dma_start3A_772 = tpu.memref_slice %arg9[%dma_start3A_768, %dma_start3A_770, %dma_start3A_771] : memref<8x128x128xbf16, #tpu.memory_space<vmem>> -> memref<1x128x128xbf16, #tpu.memory_space<vmem>>
      %dma_start3A_773 = tpu.memref_squeeze %dma_start3A_772 : memref<1x128x128xbf16, #tpu.memory_space<vmem>> -> memref<128x128xbf16, #tpu.memory_space<vmem>>
      %dma_start3A_774 = arith.constant 0 : i32
      %dma_start3A_775 = tpu.memref_slice %arg7[%add3A_767, %dma_start3A_774] : memref<40x128xi32, #tpu.memory_space<vmem>> -> memref<1x128xi32, #tpu.memory_space<vmem>>
      %dma_start3A_776 = tpu.memref_squeeze %dma_start3A_775 : memref<1x128xi32, #tpu.memory_space<vmem>> -> memref<128xi32, #tpu.memory_space<vmem>>
      %dma_start3A_777 = arith.constant 0 : i32
      %dma_start3A_778 = arith.constant 0 : i32
      %dma_start3A_779 = tpu.memref_slice %arg4[%dma_start3A_777, %dma_start3A_778] : memref<10000x128xbf16, #tpu.memory_space<hbm>> -> memref<10000x128xbf16, #tpu.memory_space<hbm>>
      %dma_start3A_780 = tpu.memref_slice %arg11[%dma_start3A_769] : memref<8x!tpu.dma_semaphore, #tpu.memory_space<semaphore_mem>> -> memref<1x!tpu.dma_semaphore, #tpu.memory_space<semaphore_mem>>
      %dma_start3A_781 = tpu.memref_squeeze %dma_start3A_780 : memref<1x!tpu.dma_semaphore, #tpu.memory_space<semaphore_mem>> -> memref<!tpu.dma_semaphore, #tpu.memory_space<semaphore_mem>>
      tpu.enqueue_indirect_dma source(%dma_start3A_779 : memref<10000x128xbf16, #tpu.memory_space<hbm>>) target(%dma_start3A_773 : memref<128x128xbf16, #tpu.memory_space<vmem>>) offsets(%dma_start3A_776 : memref<128xi32, #tpu.memory_space<vmem>>) semaphore(%dma_start3A_781 : memref<!tpu.dma_semaphore, #tpu.memory_space<semaphore_mem>>)
      %mul3A_782 = arith.constant 8 : i32
      %mul3A_783 = arith.muli %scan3A_536, %mul3A_782 : i32
      %add3A_784 = arith.constant 7 : i32
      %add3A_785 = arith.addi %mul3A_783, %add3A_784 : i32
      %dma_wait3A_786 = arith.constant 7 : i32
      %dma_wait3A_787 = arith.constant 7 : i32
      %dma_wait3A_788 = arith.constant 0 : i32
      %dma_wait3A_789 = arith.constant 0 : i32
      %dma_wait3A_790 = tpu.memref_slice %arg9[%dma_wait3A_786, %dma_wait3A_788, %dma_wait3A_789] : memref<8x128x128xbf16, #tpu.memory_space<vmem>> -> memref<1x128x128xbf16, #tpu.memory_space<vmem>>
      %dma_wait3A_791 = tpu.memref_squeeze %dma_wait3A_790 : memref<1x128x128xbf16, #tpu.memory_space<vmem>> -> memref<128x128xbf16, #tpu.memory_space<vmem>>
      %dma_wait3A_792 = arith.constant 0 : i32
      %dma_wait3A_793 = tpu.memref_slice %arg7[%add3A_785, %dma_wait3A_792] : memref<40x128xi32, #tpu.memory_space<vmem>> -> memref<1x128xi32, #tpu.memory_space<vmem>>
      %dma_wait3A_794 = tpu.memref_squeeze %dma_wait3A_793 : memref<1x128xi32, #tpu.memory_space<vmem>> -> memref<128xi32, #tpu.memory_space<vmem>>
      %dma_wait3A_795 = arith.constant 0 : i32
      %dma_wait3A_796 = arith.constant 0 : i32
      %dma_wait3A_797 = tpu.memref_slice %arg4[%dma_wait3A_795, %dma_wait3A_796] : memref<10000x128xbf16, #tpu.memory_space<hbm>> -> memref<10000x128xbf16, #tpu.memory_space<hbm>>
      %dma_wait3A_798 = tpu.memref_slice %arg11[%dma_wait3A_787] : memref<8x!tpu.dma_semaphore, #tpu.memory_space<semaphore_mem>> -> memref<1x!tpu.dma_semaphore, #tpu.memory_space<semaphore_mem>>
      %dma_wait3A_799 = tpu.memref_squeeze %dma_wait3A_798 : memref<1x!tpu.dma_semaphore, #tpu.memory_space<semaphore_mem>> -> memref<!tpu.dma_semaphore, #tpu.memory_space<semaphore_mem>>
      tpu.wait_indirect_dma semaphore(%dma_wait3A_799 : memref<!tpu.dma_semaphore, #tpu.memory_space<semaphore_mem>>) src(%dma_wait3A_797 : memref<10000x128xbf16, #tpu.memory_space<hbm>>) dst(%dma_wait3A_791 : memref<128x128xbf16, #tpu.memory_space<vmem>>)
      %run_scoped3A_800 = arith.constant 7 : i32
      "tpu.region"() ({
        %run_scoped3A_817 = tpu.sem_alloc : memref<!tpu.dma_semaphore, #tpu.memory_space<semaphore_mem>>
        %dma_start3A_818 = arith.constant 0 : i32
        %dma_start3A_819 = arith.constant 0 : i32
        %dma_start3A_820 = tpu.memref_slice %arg9[%run_scoped3A_800, %dma_start3A_818, %dma_start3A_819] : memref<8x128x128xbf16, #tpu.memory_space<vmem>> -> memref<1x128x128xbf16, #tpu.memory_space<vmem>>
        %dma_start3A_821 = tpu.memref_squeeze %dma_start3A_820 : memref<1x128x128xbf16, #tpu.memory_space<vmem>> -> memref<128x128xbf16, #tpu.memory_space<vmem>>
        %dma_start3A_822 = arith.constant 0 : i32
        %dma_start3A_823 = tpu.memref_slice %arg8[%add3A_785, %dma_start3A_822] : memref<40x128xi32, #tpu.memory_space<vmem>> -> memref<1x128xi32, #tpu.memory_space<vmem>>
        %dma_start3A_824 = tpu.memref_squeeze %dma_start3A_823 : memref<1x128xi32, #tpu.memory_space<vmem>> -> memref<128xi32, #tpu.memory_space<vmem>>
        %dma_start3A_825 = arith.constant 0 : i32
        %dma_start3A_826 = arith.constant 0 : i32
        %dma_start3A_827 = tpu.memref_slice %arg10[%dma_start3A_825, %dma_start3A_826] : memref<10112x128xbf16, #tpu.memory_space<vmem_shared>> -> memref<10112x128xbf16, #tpu.memory_space<vmem_shared>>
        tpu.enqueue_indirect_dma source(%dma_start3A_821 : memref<128x128xbf16, #tpu.memory_space<vmem>>) target(%dma_start3A_827 : memref<10112x128xbf16, #tpu.memory_space<vmem_shared>>) offsets(%dma_start3A_824 : memref<128xi32, #tpu.memory_space<vmem>>) semaphore(%run_scoped3A_817 : memref<!tpu.dma_semaphore, #tpu.memory_space<semaphore_mem>>) {add = true}
        %dma_wait3A_828 = arith.constant 0 : i32
        %dma_wait3A_829 = arith.constant 0 : i32
        %dma_wait3A_830 = tpu.memref_slice %arg9[%run_scoped3A_800, %dma_wait3A_828, %dma_wait3A_829] : memref<8x128x128xbf16, #tpu.memory_space<vmem>> -> memref<1x128x128xbf16, #tpu.memory_space<vmem>>
        %dma_wait3A_831 = tpu.memref_squeeze %dma_wait3A_830 : memref<1x128x128xbf16, #tpu.memory_space<vmem>> -> memref<128x128xbf16, #tpu.memory_space<vmem>>
        %dma_wait3A_832 = arith.constant 0 : i32
        %dma_wait3A_833 = tpu.memref_slice %arg8[%add3A_785, %dma_wait3A_832] : memref<40x128xi32, #tpu.memory_space<vmem>> -> memref<1x128xi32, #tpu.memory_space<vmem>>
        %dma_wait3A_834 = tpu.memref_squeeze %dma_wait3A_833 : memref<1x128xi32, #tpu.memory_space<vmem>> -> memref<128xi32, #tpu.memory_space<vmem>>
        %dma_wait3A_835 = arith.constant 0 : i32
        %dma_wait3A_836 = arith.constant 0 : i32
        %dma_wait3A_837 = tpu.memref_slice %arg10[%dma_wait3A_835, %dma_wait3A_836] : memref<10112x128xbf16, #tpu.memory_space<vmem_shared>> -> memref<10112x128xbf16, #tpu.memory_space<vmem_shared>>
        tpu.wait_indirect_dma semaphore(%run_scoped3A_817 : memref<!tpu.dma_semaphore, #tpu.memory_space<semaphore_mem>>) src(%dma_wait3A_831 : memref<128x128xbf16, #tpu.memory_space<vmem>>) dst(%dma_wait3A_837 : memref<10112x128xbf16, #tpu.memory_space<vmem_shared>>)
        tpu.yield
      }) : () -> ()
      %add3A_801 = arith.constant 8 : i32
      %add3A_802 = arith.addi %add3A_785, %add3A_801 : i32
      %dma_start3A_803 = arith.constant 7 : i32
      %dma_start3A_804 = arith.constant 7 : i32
      %dma_start3A_805 = arith.constant 0 : i32
      %dma_start3A_806 = arith.constant 0 : i32
      %dma_start3A_807 = tpu.memref_slice %arg9[%dma_start3A_803, %dma_start3A_805, %dma_start3A_806] : memref<8x128x128xbf16, #tpu.memory_space<vmem>> -> memref<1x128x128xbf16, #tpu.memory_space<vmem>>
      %dma_start3A_808 = tpu.memref_squeeze %dma_start3A_807 : memref<1x128x128xbf16, #tpu.memory_space<vmem>> -> memref<128x128xbf16, #tpu.memory_space<vmem>>
      %dma_start3A_809 = arith.constant 0 : i32
      %dma_start3A_810 = tpu.memref_slice %arg7[%add3A_802, %dma_start3A_809] : memref<40x128xi32, #tpu.memory_space<vmem>> -> memref<1x128xi32, #tpu.memory_space<vmem>>
      %dma_start3A_811 = tpu.memref_squeeze %dma_start3A_810 : memref<1x128xi32, #tpu.memory_space<vmem>> -> memref<128xi32, #tpu.memory_space<vmem>>
      %dma_start3A_812 = arith.constant 0 : i32
      %dma_start3A_813 = arith.constant 0 : i32
      %dma_start3A_814 = tpu.memref_slice %arg4[%dma_start3A_812, %dma_start3A_813] : memref<10000x128xbf16, #tpu.memory_space<hbm>> -> memref<10000x128xbf16, #tpu.memory_space<hbm>>
      %dma_start3A_815 = tpu.memref_slice %arg11[%dma_start3A_804] : memref<8x!tpu.dma_semaphore, #tpu.memory_space<semaphore_mem>> -> memref<1x!tpu.dma_semaphore, #tpu.memory_space<semaphore_mem>>
      %dma_start3A_816 = tpu.memref_squeeze %dma_start3A_815 : memref<1x!tpu.dma_semaphore, #tpu.memory_space<semaphore_mem>> -> memref<!tpu.dma_semaphore, #tpu.memory_space<semaphore_mem>>
      tpu.enqueue_indirect_dma source(%dma_start3A_814 : memref<10000x128xbf16, #tpu.memory_space<hbm>>) target(%dma_start3A_808 : memref<128x128xbf16, #tpu.memory_space<vmem>>) offsets(%dma_start3A_811 : memref<128xi32, #tpu.memory_space<vmem>>) semaphore(%dma_start3A_816 : memref<!tpu.dma_semaphore, #tpu.memory_space<semaphore_mem>>)
    }
    %scan3A_394 = arith.constant 4 : i32
    %dma_wait3A_395 = arith.constant 32 : i32
    %dma_wait3A_396 = arith.constant 0 : i32
    %dma_wait3A_397 = arith.constant 0 : i32
    %dma_wait3A_398 = arith.constant 0 : i32
    %dma_wait3A_399 = arith.constant 0 : i32
    %dma_wait3A_400 = tpu.memref_slice %arg9[%dma_wait3A_396, %dma_wait3A_398, %dma_wait3A_399] : memref<8x128x128xbf16, #tpu.memory_space<vmem>> -> memref<1x128x128xbf16, #tpu.memory_space<vmem>>
    %dma_wait3A_401 = tpu.memref_squeeze %dma_wait3A_400 : memref<1x128x128xbf16, #tpu.memory_space<vmem>> -> memref<128x128xbf16, #tpu.memory_space<vmem>>
    %dma_wait3A_402 = arith.constant 0 : i32
    %dma_wait3A_403 = tpu.memref_slice %arg7[%dma_wait3A_395, %dma_wait3A_402] : memref<40x128xi32, #tpu.memory_space<vmem>> -> memref<1x128xi32, #tpu.memory_space<vmem>>
    %dma_wait3A_404 = tpu.memref_squeeze %dma_wait3A_403 : memref<1x128xi32, #tpu.memory_space<vmem>> -> memref<128xi32, #tpu.memory_space<vmem>>
    %dma_wait3A_405 = arith.constant 0 : i32
    %dma_wait3A_406 = arith.constant 0 : i32
    %dma_wait3A_407 = tpu.memref_slice %arg4[%dma_wait3A_405, %dma_wait3A_406] : memref<10000x128xbf16, #tpu.memory_space<hbm>> -> memref<10000x128xbf16, #tpu.memory_space<hbm>>
    %dma_wait3A_408 = tpu.memref_slice %arg11[%dma_wait3A_397] : memref<8x!tpu.dma_semaphore, #tpu.memory_space<semaphore_mem>> -> memref<1x!tpu.dma_semaphore, #tpu.memory_space<semaphore_mem>>
    %dma_wait3A_409 = tpu.memref_squeeze %dma_wait3A_408 : memref<1x!tpu.dma_semaphore, #tpu.memory_space<semaphore_mem>> -> memref<!tpu.dma_semaphore, #tpu.memory_space<semaphore_mem>>
    tpu.wait_indirect_dma semaphore(%dma_wait3A_409 : memref<!tpu.dma_semaphore, #tpu.memory_space<semaphore_mem>>) src(%dma_wait3A_407 : memref<10000x128xbf16, #tpu.memory_space<hbm>>) dst(%dma_wait3A_401 : memref<128x128xbf16, #tpu.memory_space<vmem>>)
    %run_scoped3A_410 = arith.constant 0 : i32
    %run_scoped3A_411 = arith.constant 32 : i32
    "tpu.region"() ({
      %run_scoped3A_536 = tpu.sem_alloc : memref<!tpu.dma_semaphore, #tpu.memory_space<semaphore_mem>>
      %dma_start3A_537 = arith.constant 0 : i32
      %dma_start3A_538 = arith.constant 0 : i32
      %dma_start3A_539 = tpu.memref_slice %arg9[%run_scoped3A_410, %dma_start3A_537, %dma_start3A_538] : memref<8x128x128xbf16, #tpu.memory_space<vmem>> -> memref<1x128x128xbf16, #tpu.memory_space<vmem>>
      %dma_start3A_540 = tpu.memref_squeeze %dma_start3A_539 : memref<1x128x128xbf16, #tpu.memory_space<vmem>> -> memref<128x128xbf16, #tpu.memory_space<vmem>>
      %dma_start3A_541 = arith.constant 0 : i32
      %dma_start3A_542 = tpu.memref_slice %arg8[%run_scoped3A_411, %dma_start3A_541] : memref<40x128xi32, #tpu.memory_space<vmem>> -> memref<1x128xi32, #tpu.memory_space<vmem>>
      %dma_start3A_543 = tpu.memref_squeeze %dma_start3A_542 : memref<1x128xi32, #tpu.memory_space<vmem>> -> memref<128xi32, #tpu.memory_space<vmem>>
      %dma_start3A_544 = arith.constant 0 : i32
      %dma_start3A_545 = arith.constant 0 : i32
      %dma_start3A_546 = tpu.memref_slice %arg10[%dma_start3A_544, %dma_start3A_545] : memref<10112x128xbf16, #tpu.memory_space<vmem_shared>> -> memref<10112x128xbf16, #tpu.memory_space<vmem_shared>>
      tpu.enqueue_indirect_dma source(%dma_start3A_540 : memref<128x128xbf16, #tpu.memory_space<vmem>>) target(%dma_start3A_546 : memref<10112x128xbf16, #tpu.memory_space<vmem_shared>>) offsets(%dma_start3A_543 : memref<128xi32, #tpu.memory_space<vmem>>) semaphore(%run_scoped3A_536 : memref<!tpu.dma_semaphore, #tpu.memory_space<semaphore_mem>>) {add = true}
      %dma_wait3A_547 = arith.constant 0 : i32
      %dma_wait3A_548 = arith.constant 0 : i32
      %dma_wait3A_549 = tpu.memref_slice %arg9[%run_scoped3A_410, %dma_wait3A_547, %dma_wait3A_548] : memref<8x128x128xbf16, #tpu.memory_space<vmem>> -> memref<1x128x128xbf16, #tpu.memory_space<vmem>>
      %dma_wait3A_550 = tpu.memref_squeeze %dma_wait3A_549 : memref<1x128x128xbf16, #tpu.memory_space<vmem>> -> memref<128x128xbf16, #tpu.memory_space<vmem>>
      %dma_wait3A_551 = arith.constant 0 : i32
      %dma_wait3A_552 = tpu.memref_slice %arg8[%run_scoped3A_411, %dma_wait3A_551] : memref<40x128xi32, #tpu.memory_space<vmem>> -> memref<1x128xi32, #tpu.memory_space<vmem>>
      %dma_wait3A_553 = tpu.memref_squeeze %dma_wait3A_552 : memref<1x128xi32, #tpu.memory_space<vmem>> -> memref<128xi32, #tpu.memory_space<vmem>>
      %dma_wait3A_554 = arith.constant 0 : i32
      %dma_wait3A_555 = arith.constant 0 : i32
      %dma_wait3A_556 = tpu.memref_slice %arg10[%dma_wait3A_554, %dma_wait3A_555] : memref<10112x128xbf16, #tpu.memory_space<vmem_shared>> -> memref<10112x128xbf16, #tpu.memory_space<vmem_shared>>
      tpu.wait_indirect_dma semaphore(%run_scoped3A_536 : memref<!tpu.dma_semaphore, #tpu.memory_space<semaphore_mem>>) src(%dma_wait3A_550 : memref<128x128xbf16, #tpu.memory_space<vmem>>) dst(%dma_wait3A_556 : memref<10112x128xbf16, #tpu.memory_space<vmem_shared>>)
      tpu.yield
    }) : () -> ()
    %dma_wait3A_412 = arith.constant 33 : i32
    %dma_wait3A_413 = arith.constant 1 : i32
    %dma_wait3A_414 = arith.constant 1 : i32
    %dma_wait3A_415 = arith.constant 0 : i32
    %dma_wait3A_416 = arith.constant 0 : i32
    %dma_wait3A_417 = tpu.memref_slice %arg9[%dma_wait3A_413, %dma_wait3A_415, %dma_wait3A_416] : memref<8x128x128xbf16, #tpu.memory_space<vmem>> -> memref<1x128x128xbf16, #tpu.memory_space<vmem>>
    %dma_wait3A_418 = tpu.memref_squeeze %dma_wait3A_417 : memref<1x128x128xbf16, #tpu.memory_space<vmem>> -> memref<128x128xbf16, #tpu.memory_space<vmem>>
    %dma_wait3A_419 = arith.constant 0 : i32
    %dma_wait3A_420 = tpu.memref_slice %arg7[%dma_wait3A_412, %dma_wait3A_419] : memref<40x128xi32, #tpu.memory_space<vmem>> -> memref<1x128xi32, #tpu.memory_space<vmem>>
    %dma_wait3A_421 = tpu.memref_squeeze %dma_wait3A_420 : memref<1x128xi32, #tpu.memory_space<vmem>> -> memref<128xi32, #tpu.memory_space<vmem>>
    %dma_wait3A_422 = arith.constant 0 : i32
    %dma_wait3A_423 = arith.constant 0 : i32
    %dma_wait3A_424 = tpu.memref_slice %arg4[%dma_wait3A_422, %dma_wait3A_423] : memref<10000x128xbf16, #tpu.memory_space<hbm>> -> memref<10000x128xbf16, #tpu.memory_space<hbm>>
    %dma_wait3A_425 = tpu.memref_slice %arg11[%dma_wait3A_414] : memref<8x!tpu.dma_semaphore, #tpu.memory_space<semaphore_mem>> -> memref<1x!tpu.dma_semaphore, #tpu.memory_space<semaphore_mem>>
    %dma_wait3A_426 = tpu.memref_squeeze %dma_wait3A_425 : memref<1x!tpu.dma_semaphore, #tpu.memory_space<semaphore_mem>> -> memref<!tpu.dma_semaphore, #tpu.memory_space<semaphore_mem>>
    tpu.wait_indirect_dma semaphore(%dma_wait3A_426 : memref<!tpu.dma_semaphore, #tpu.memory_space<semaphore_mem>>) src(%dma_wait3A_424 : memref<10000x128xbf16, #tpu.memory_space<hbm>>) dst(%dma_wait3A_418 : memref<128x128xbf16, #tpu.memory_space<vmem>>)
    %run_scoped3A_427 = arith.constant 1 : i32
    %run_scoped3A_428 = arith.constant 33 : i32
    "tpu.region"() ({
      %run_scoped3A_536 = tpu.sem_alloc : memref<!tpu.dma_semaphore, #tpu.memory_space<semaphore_mem>>
      %dma_start3A_537 = arith.constant 0 : i32
      %dma_start3A_538 = arith.constant 0 : i32
      %dma_start3A_539 = tpu.memref_slice %arg9[%run_scoped3A_427, %dma_start3A_537, %dma_start3A_538] : memref<8x128x128xbf16, #tpu.memory_space<vmem>> -> memref<1x128x128xbf16, #tpu.memory_space<vmem>>
      %dma_start3A_540 = tpu.memref_squeeze %dma_start3A_539 : memref<1x128x128xbf16, #tpu.memory_space<vmem>> -> memref<128x128xbf16, #tpu.memory_space<vmem>>
      %dma_start3A_541 = arith.constant 0 : i32
      %dma_start3A_542 = tpu.memref_slice %arg8[%run_scoped3A_428, %dma_start3A_541] : memref<40x128xi32, #tpu.memory_space<vmem>> -> memref<1x128xi32, #tpu.memory_space<vmem>>
      %dma_start3A_543 = tpu.memref_squeeze %dma_start3A_542 : memref<1x128xi32, #tpu.memory_space<vmem>> -> memref<128xi32, #tpu.memory_space<vmem>>
      %dma_start3A_544 = arith.constant 0 : i32
      %dma_start3A_545 = arith.constant 0 : i32
      %dma_start3A_546 = tpu.memref_slice %arg10[%dma_start3A_544, %dma_start3A_545] : memref<10112x128xbf16, #tpu.memory_space<vmem_shared>> -> memref<10112x128xbf16, #tpu.memory_space<vmem_shared>>
      tpu.enqueue_indirect_dma source(%dma_start3A_540 : memref<128x128xbf16, #tpu.memory_space<vmem>>) target(%dma_start3A_546 : memref<10112x128xbf16, #tpu.memory_space<vmem_shared>>) offsets(%dma_start3A_543 : memref<128xi32, #tpu.memory_space<vmem>>) semaphore(%run_scoped3A_536 : memref<!tpu.dma_semaphore, #tpu.memory_space<semaphore_mem>>) {add = true}
      %dma_wait3A_547 = arith.constant 0 : i32
      %dma_wait3A_548 = arith.constant 0 : i32
      %dma_wait3A_549 = tpu.memref_slice %arg9[%run_scoped3A_427, %dma_wait3A_547, %dma_wait3A_548] : memref<8x128x128xbf16, #tpu.memory_space<vmem>> -> memref<1x128x128xbf16, #tpu.memory_space<vmem>>
      %dma_wait3A_550 = tpu.memref_squeeze %dma_wait3A_549 : memref<1x128x128xbf16, #tpu.memory_space<vmem>> -> memref<128x128xbf16, #tpu.memory_space<vmem>>
      %dma_wait3A_551 = arith.constant 0 : i32
      %dma_wait3A_552 = tpu.memref_slice %arg8[%run_scoped3A_428, %dma_wait3A_551] : memref<40x128xi32, #tpu.memory_space<vmem>> -> memref<1x128xi32, #tpu.memory_space<vmem>>
      %dma_wait3A_553 = tpu.memref_squeeze %dma_wait3A_552 : memref<1x128xi32, #tpu.memory_space<vmem>> -> memref<128xi32, #tpu.memory_space<vmem>>
      %dma_wait3A_554 = arith.constant 0 : i32
      %dma_wait3A_555 = arith.constant 0 : i32
      %dma_wait3A_556 = tpu.memref_slice %arg10[%dma_wait3A_554, %dma_wait3A_555] : memref<10112x128xbf16, #tpu.memory_space<vmem_shared>> -> memref<10112x128xbf16, #tpu.memory_space<vmem_shared>>
      tpu.wait_indirect_dma semaphore(%run_scoped3A_536 : memref<!tpu.dma_semaphore, #tpu.memory_space<semaphore_mem>>) src(%dma_wait3A_550 : memref<128x128xbf16, #tpu.memory_space<vmem>>) dst(%dma_wait3A_556 : memref<10112x128xbf16, #tpu.memory_space<vmem_shared>>)
      tpu.yield
    }) : () -> ()
    %dma_wait3A_429 = arith.constant 34 : i32
    %dma_wait3A_430 = arith.constant 2 : i32
    %dma_wait3A_431 = arith.constant 2 : i32
    %dma_wait3A_432 = arith.constant 0 : i32
    %dma_wait3A_433 = arith.constant 0 : i32
    %dma_wait3A_434 = tpu.memref_slice %arg9[%dma_wait3A_430, %dma_wait3A_432, %dma_wait3A_433] : memref<8x128x128xbf16, #tpu.memory_space<vmem>> -> memref<1x128x128xbf16, #tpu.memory_space<vmem>>
    %dma_wait3A_435 = tpu.memref_squeeze %dma_wait3A_434 : memref<1x128x128xbf16, #tpu.memory_space<vmem>> -> memref<128x128xbf16, #tpu.memory_space<vmem>>
    %dma_wait3A_436 = arith.constant 0 : i32
    %dma_wait3A_437 = tpu.memref_slice %arg7[%dma_wait3A_429, %dma_wait3A_436] : memref<40x128xi32, #tpu.memory_space<vmem>> -> memref<1x128xi32, #tpu.memory_space<vmem>>
    %dma_wait3A_438 = tpu.memref_squeeze %dma_wait3A_437 : memref<1x128xi32, #tpu.memory_space<vmem>> -> memref<128xi32, #tpu.memory_space<vmem>>
    %dma_wait3A_439 = arith.constant 0 : i32
    %dma_wait3A_440 = arith.constant 0 : i32
    %dma_wait3A_441 = tpu.memref_slice %arg4[%dma_wait3A_439, %dma_wait3A_440] : memref<10000x128xbf16, #tpu.memory_space<hbm>> -> memref<10000x128xbf16, #tpu.memory_space<hbm>>
    %dma_wait3A_442 = tpu.memref_slice %arg11[%dma_wait3A_431] : memref<8x!tpu.dma_semaphore, #tpu.memory_space<semaphore_mem>> -> memref<1x!tpu.dma_semaphore, #tpu.memory_space<semaphore_mem>>
    %dma_wait3A_443 = tpu.memref_squeeze %dma_wait3A_442 : memref<1x!tpu.dma_semaphore, #tpu.memory_space<semaphore_mem>> -> memref<!tpu.dma_semaphore, #tpu.memory_space<semaphore_mem>>
    tpu.wait_indirect_dma semaphore(%dma_wait3A_443 : memref<!tpu.dma_semaphore, #tpu.memory_space<semaphore_mem>>) src(%dma_wait3A_441 : memref<10000x128xbf16, #tpu.memory_space<hbm>>) dst(%dma_wait3A_435 : memref<128x128xbf16, #tpu.memory_space<vmem>>)
    %run_scoped3A_444 = arith.constant 2 : i32
    %run_scoped3A_445 = arith.constant 34 : i32
    "tpu.region"() ({
      %run_scoped3A_536 = tpu.sem_alloc : memref<!tpu.dma_semaphore, #tpu.memory_space<semaphore_mem>>
      %dma_start3A_537 = arith.constant 0 : i32
      %dma_start3A_538 = arith.constant 0 : i32
      %dma_start3A_539 = tpu.memref_slice %arg9[%run_scoped3A_444, %dma_start3A_537, %dma_start3A_538] : memref<8x128x128xbf16, #tpu.memory_space<vmem>> -> memref<1x128x128xbf16, #tpu.memory_space<vmem>>
      %dma_start3A_540 = tpu.memref_squeeze %dma_start3A_539 : memref<1x128x128xbf16, #tpu.memory_space<vmem>> -> memref<128x128xbf16, #tpu.memory_space<vmem>>
      %dma_start3A_541 = arith.constant 0 : i32
      %dma_start3A_542 = tpu.memref_slice %arg8[%run_scoped3A_445, %dma_start3A_541] : memref<40x128xi32, #tpu.memory_space<vmem>> -> memref<1x128xi32, #tpu.memory_space<vmem>>
      %dma_start3A_543 = tpu.memref_squeeze %dma_start3A_542 : memref<1x128xi32, #tpu.memory_space<vmem>> -> memref<128xi32, #tpu.memory_space<vmem>>
      %dma_start3A_544 = arith.constant 0 : i32
      %dma_start3A_545 = arith.constant 0 : i32
      %dma_start3A_546 = tpu.memref_slice %arg10[%dma_start3A_544, %dma_start3A_545] : memref<10112x128xbf16, #tpu.memory_space<vmem_shared>> -> memref<10112x128xbf16, #tpu.memory_space<vmem_shared>>
      tpu.enqueue_indirect_dma source(%dma_start3A_540 : memref<128x128xbf16, #tpu.memory_space<vmem>>) target(%dma_start3A_546 : memref<10112x128xbf16, #tpu.memory_space<vmem_shared>>) offsets(%dma_start3A_543 : memref<128xi32, #tpu.memory_space<vmem>>) semaphore(%run_scoped3A_536 : memref<!tpu.dma_semaphore, #tpu.memory_space<semaphore_mem>>) {add = true}
      %dma_wait3A_547 = arith.constant 0 : i32
      %dma_wait3A_548 = arith.constant 0 : i32
      %dma_wait3A_549 = tpu.memref_slice %arg9[%run_scoped3A_444, %dma_wait3A_547, %dma_wait3A_548] : memref<8x128x128xbf16, #tpu.memory_space<vmem>> -> memref<1x128x128xbf16, #tpu.memory_space<vmem>>
      %dma_wait3A_550 = tpu.memref_squeeze %dma_wait3A_549 : memref<1x128x128xbf16, #tpu.memory_space<vmem>> -> memref<128x128xbf16, #tpu.memory_space<vmem>>
      %dma_wait3A_551 = arith.constant 0 : i32
      %dma_wait3A_552 = tpu.memref_slice %arg8[%run_scoped3A_445, %dma_wait3A_551] : memref<40x128xi32, #tpu.memory_space<vmem>> -> memref<1x128xi32, #tpu.memory_space<vmem>>
      %dma_wait3A_553 = tpu.memref_squeeze %dma_wait3A_552 : memref<1x128xi32, #tpu.memory_space<vmem>> -> memref<128xi32, #tpu.memory_space<vmem>>
      %dma_wait3A_554 = arith.constant 0 : i32
      %dma_wait3A_555 = arith.constant 0 : i32
      %dma_wait3A_556 = tpu.memref_slice %arg10[%dma_wait3A_554, %dma_wait3A_555] : memref<10112x128xbf16, #tpu.memory_space<vmem_shared>> -> memref<10112x128xbf16, #tpu.memory_space<vmem_shared>>
      tpu.wait_indirect_dma semaphore(%run_scoped3A_536 : memref<!tpu.dma_semaphore, #tpu.memory_space<semaphore_mem>>) src(%dma_wait3A_550 : memref<128x128xbf16, #tpu.memory_space<vmem>>) dst(%dma_wait3A_556 : memref<10112x128xbf16, #tpu.memory_space<vmem_shared>>)
      tpu.yield
    }) : () -> ()
    %dma_wait3A_446 = arith.constant 35 : i32
    %dma_wait3A_447 = arith.constant 3 : i32
    %dma_wait3A_448 = arith.constant 3 : i32
    %dma_wait3A_449 = arith.constant 0 : i32
    %dma_wait3A_450 = arith.constant 0 : i32
    %dma_wait3A_451 = tpu.memref_slice %arg9[%dma_wait3A_447, %dma_wait3A_449, %dma_wait3A_450] : memref<8x128x128xbf16, #tpu.memory_space<vmem>> -> memref<1x128x128xbf16, #tpu.memory_space<vmem>>
    %dma_wait3A_452 = tpu.memref_squeeze %dma_wait3A_451 : memref<1x128x128xbf16, #tpu.memory_space<vmem>> -> memref<128x128xbf16, #tpu.memory_space<vmem>>
    %dma_wait3A_453 = arith.constant 0 : i32
    %dma_wait3A_454 = tpu.memref_slice %arg7[%dma_wait3A_446, %dma_wait3A_453] : memref<40x128xi32, #tpu.memory_space<vmem>> -> memref<1x128xi32, #tpu.memory_space<vmem>>
    %dma_wait3A_455 = tpu.memref_squeeze %dma_wait3A_454 : memref<1x128xi32, #tpu.memory_space<vmem>> -> memref<128xi32, #tpu.memory_space<vmem>>
    %dma_wait3A_456 = arith.constant 0 : i32
    %dma_wait3A_457 = arith.constant 0 : i32
    %dma_wait3A_458 = tpu.memref_slice %arg4[%dma_wait3A_456, %dma_wait3A_457] : memref<10000x128xbf16, #tpu.memory_space<hbm>> -> memref<10000x128xbf16, #tpu.memory_space<hbm>>
    %dma_wait3A_459 = tpu.memref_slice %arg11[%dma_wait3A_448] : memref<8x!tpu.dma_semaphore, #tpu.memory_space<semaphore_mem>> -> memref<1x!tpu.dma_semaphore, #tpu.memory_space<semaphore_mem>>
    %dma_wait3A_460 = tpu.memref_squeeze %dma_wait3A_459 : memref<1x!tpu.dma_semaphore, #tpu.memory_space<semaphore_mem>> -> memref<!tpu.dma_semaphore, #tpu.memory_space<semaphore_mem>>
    tpu.wait_indirect_dma semaphore(%dma_wait3A_460 : memref<!tpu.dma_semaphore, #tpu.memory_space<semaphore_mem>>) src(%dma_wait3A_458 : memref<10000x128xbf16, #tpu.memory_space<hbm>>) dst(%dma_wait3A_452 : memref<128x128xbf16, #tpu.memory_space<vmem>>)
    %run_scoped3A_461 = arith.constant 3 : i32
    %run_scoped3A_462 = arith.constant 35 : i32
    "tpu.region"() ({
      %run_scoped3A_536 = tpu.sem_alloc : memref<!tpu.dma_semaphore, #tpu.memory_space<semaphore_mem>>
      %dma_start3A_537 = arith.constant 0 : i32
      %dma_start3A_538 = arith.constant 0 : i32
      %dma_start3A_539 = tpu.memref_slice %arg9[%run_scoped3A_461, %dma_start3A_537, %dma_start3A_538] : memref<8x128x128xbf16, #tpu.memory_space<vmem>> -> memref<1x128x128xbf16, #tpu.memory_space<vmem>>
      %dma_start3A_540 = tpu.memref_squeeze %dma_start3A_539 : memref<1x128x128xbf16, #tpu.memory_space<vmem>> -> memref<128x128xbf16, #tpu.memory_space<vmem>>
      %dma_start3A_541 = arith.constant 0 : i32
      %dma_start3A_542 = tpu.memref_slice %arg8[%run_scoped3A_462, %dma_start3A_541] : memref<40x128xi32, #tpu.memory_space<vmem>> -> memref<1x128xi32, #tpu.memory_space<vmem>>
      %dma_start3A_543 = tpu.memref_squeeze %dma_start3A_542 : memref<1x128xi32, #tpu.memory_space<vmem>> -> memref<128xi32, #tpu.memory_space<vmem>>
      %dma_start3A_544 = arith.constant 0 : i32
      %dma_start3A_545 = arith.constant 0 : i32
      %dma_start3A_546 = tpu.memref_slice %arg10[%dma_start3A_544, %dma_start3A_545] : memref<10112x128xbf16, #tpu.memory_space<vmem_shared>> -> memref<10112x128xbf16, #tpu.memory_space<vmem_shared>>
      tpu.enqueue_indirect_dma source(%dma_start3A_540 : memref<128x128xbf16, #tpu.memory_space<vmem>>) target(%dma_start3A_546 : memref<10112x128xbf16, #tpu.memory_space<vmem_shared>>) offsets(%dma_start3A_543 : memref<128xi32, #tpu.memory_space<vmem>>) semaphore(%run_scoped3A_536 : memref<!tpu.dma_semaphore, #tpu.memory_space<semaphore_mem>>) {add = true}
      %dma_wait3A_547 = arith.constant 0 : i32
      %dma_wait3A_548 = arith.constant 0 : i32
      %dma_wait3A_549 = tpu.memref_slice %arg9[%run_scoped3A_461, %dma_wait3A_547, %dma_wait3A_548] : memref<8x128x128xbf16, #tpu.memory_space<vmem>> -> memref<1x128x128xbf16, #tpu.memory_space<vmem>>
      %dma_wait3A_550 = tpu.memref_squeeze %dma_wait3A_549 : memref<1x128x128xbf16, #tpu.memory_space<vmem>> -> memref<128x128xbf16, #tpu.memory_space<vmem>>
      %dma_wait3A_551 = arith.constant 0 : i32
      %dma_wait3A_552 = tpu.memref_slice %arg8[%run_scoped3A_462, %dma_wait3A_551] : memref<40x128xi32, #tpu.memory_space<vmem>> -> memref<1x128xi32, #tpu.memory_space<vmem>>
      %dma_wait3A_553 = tpu.memref_squeeze %dma_wait3A_552 : memref<1x128xi32, #tpu.memory_space<vmem>> -> memref<128xi32, #tpu.memory_space<vmem>>
      %dma_wait3A_554 = arith.constant 0 : i32
      %dma_wait3A_555 = arith.constant 0 : i32
      %dma_wait3A_556 = tpu.memref_slice %arg10[%dma_wait3A_554, %dma_wait3A_555] : memref<10112x128xbf16, #tpu.memory_space<vmem_shared>> -> memref<10112x128xbf16, #tpu.memory_space<vmem_shared>>
      tpu.wait_indirect_dma semaphore(%run_scoped3A_536 : memref<!tpu.dma_semaphore, #tpu.memory_space<semaphore_mem>>) src(%dma_wait3A_550 : memref<128x128xbf16, #tpu.memory_space<vmem>>) dst(%dma_wait3A_556 : memref<10112x128xbf16, #tpu.memory_space<vmem_shared>>)
      tpu.yield
    }) : () -> ()
    %dma_wait3A_463 = arith.constant 36 : i32
    %dma_wait3A_464 = arith.constant 4 : i32
    %dma_wait3A_465 = arith.constant 4 : i32
    %dma_wait3A_466 = arith.constant 0 : i32
    %dma_wait3A_467 = arith.constant 0 : i32
    %dma_wait3A_468 = tpu.memref_slice %arg9[%dma_wait3A_464, %dma_wait3A_466, %dma_wait3A_467] : memref<8x128x128xbf16, #tpu.memory_space<vmem>> -> memref<1x128x128xbf16, #tpu.memory_space<vmem>>
    %dma_wait3A_469 = tpu.memref_squeeze %dma_wait3A_468 : memref<1x128x128xbf16, #tpu.memory_space<vmem>> -> memref<128x128xbf16, #tpu.memory_space<vmem>>
    %dma_wait3A_470 = arith.constant 0 : i32
    %dma_wait3A_471 = tpu.memref_slice %arg7[%dma_wait3A_463, %dma_wait3A_470] : memref<40x128xi32, #tpu.memory_space<vmem>> -> memref<1x128xi32, #tpu.memory_space<vmem>>
    %dma_wait3A_472 = tpu.memref_squeeze %dma_wait3A_471 : memref<1x128xi32, #tpu.memory_space<vmem>> -> memref<128xi32, #tpu.memory_space<vmem>>
    %dma_wait3A_473 = arith.constant 0 : i32
    %dma_wait3A_474 = arith.constant 0 : i32
    %dma_wait3A_475 = tpu.memref_slice %arg4[%dma_wait3A_473, %dma_wait3A_474] : memref<10000x128xbf16, #tpu.memory_space<hbm>> -> memref<10000x128xbf16, #tpu.memory_space<hbm>>
    %dma_wait3A_476 = tpu.memref_slice %arg11[%dma_wait3A_465] : memref<8x!tpu.dma_semaphore, #tpu.memory_space<semaphore_mem>> -> memref<1x!tpu.dma_semaphore, #tpu.memory_space<semaphore_mem>>
    %dma_wait3A_477 = tpu.memref_squeeze %dma_wait3A_476 : memref<1x!tpu.dma_semaphore, #tpu.memory_space<semaphore_mem>> -> memref<!tpu.dma_semaphore, #tpu.memory_space<semaphore_mem>>
    tpu.wait_indirect_dma semaphore(%dma_wait3A_477 : memref<!tpu.dma_semaphore, #tpu.memory_space<semaphore_mem>>) src(%dma_wait3A_475 : memref<10000x128xbf16, #tpu.memory_space<hbm>>) dst(%dma_wait3A_469 : memref<128x128xbf16, #tpu.memory_space<vmem>>)
    %run_scoped3A_478 = arith.constant 4 : i32
    %run_scoped3A_479 = arith.constant 36 : i32
    "tpu.region"() ({
      %run_scoped3A_536 = tpu.sem_alloc : memref<!tpu.dma_semaphore, #tpu.memory_space<semaphore_mem>>
      %dma_start3A_537 = arith.constant 0 : i32
      %dma_start3A_538 = arith.constant 0 : i32
      %dma_start3A_539 = tpu.memref_slice %arg9[%run_scoped3A_478, %dma_start3A_537, %dma_start3A_538] : memref<8x128x128xbf16, #tpu.memory_space<vmem>> -> memref<1x128x128xbf16, #tpu.memory_space<vmem>>
      %dma_start3A_540 = tpu.memref_squeeze %dma_start3A_539 : memref<1x128x128xbf16, #tpu.memory_space<vmem>> -> memref<128x128xbf16, #tpu.memory_space<vmem>>
      %dma_start3A_541 = arith.constant 0 : i32
      %dma_start3A_542 = tpu.memref_slice %arg8[%run_scoped3A_479, %dma_start3A_541] : memref<40x128xi32, #tpu.memory_space<vmem>> -> memref<1x128xi32, #tpu.memory_space<vmem>>
      %dma_start3A_543 = tpu.memref_squeeze %dma_start3A_542 : memref<1x128xi32, #tpu.memory_space<vmem>> -> memref<128xi32, #tpu.memory_space<vmem>>
      %dma_start3A_544 = arith.constant 0 : i32
      %dma_start3A_545 = arith.constant 0 : i32
      %dma_start3A_546 = tpu.memref_slice %arg10[%dma_start3A_544, %dma_start3A_545] : memref<10112x128xbf16, #tpu.memory_space<vmem_shared>> -> memref<10112x128xbf16, #tpu.memory_space<vmem_shared>>
      tpu.enqueue_indirect_dma source(%dma_start3A_540 : memref<128x128xbf16, #tpu.memory_space<vmem>>) target(%dma_start3A_546 : memref<10112x128xbf16, #tpu.memory_space<vmem_shared>>) offsets(%dma_start3A_543 : memref<128xi32, #tpu.memory_space<vmem>>) semaphore(%run_scoped3A_536 : memref<!tpu.dma_semaphore, #tpu.memory_space<semaphore_mem>>) {add = true}
      %dma_wait3A_547 = arith.constant 0 : i32
      %dma_wait3A_548 = arith.constant 0 : i32
      %dma_wait3A_549 = tpu.memref_slice %arg9[%run_scoped3A_478, %dma_wait3A_547, %dma_wait3A_548] : memref<8x128x128xbf16, #tpu.memory_space<vmem>> -> memref<1x128x128xbf16, #tpu.memory_space<vmem>>
      %dma_wait3A_550 = tpu.memref_squeeze %dma_wait3A_549 : memref<1x128x128xbf16, #tpu.memory_space<vmem>> -> memref<128x128xbf16, #tpu.memory_space<vmem>>
      %dma_wait3A_551 = arith.constant 0 : i32
      %dma_wait3A_552 = tpu.memref_slice %arg8[%run_scoped3A_479, %dma_wait3A_551] : memref<40x128xi32, #tpu.memory_space<vmem>> -> memref<1x128xi32, #tpu.memory_space<vmem>>
      %dma_wait3A_553 = tpu.memref_squeeze %dma_wait3A_552 : memref<1x128xi32, #tpu.memory_space<vmem>> -> memref<128xi32, #tpu.memory_space<vmem>>
      %dma_wait3A_554 = arith.constant 0 : i32
      %dma_wait3A_555 = arith.constant 0 : i32
      %dma_wait3A_556 = tpu.memref_slice %arg10[%dma_wait3A_554, %dma_wait3A_555] : memref<10112x128xbf16, #tpu.memory_space<vmem_shared>> -> memref<10112x128xbf16, #tpu.memory_space<vmem_shared>>
      tpu.wait_indirect_dma semaphore(%run_scoped3A_536 : memref<!tpu.dma_semaphore, #tpu.memory_space<semaphore_mem>>) src(%dma_wait3A_550 : memref<128x128xbf16, #tpu.memory_space<vmem>>) dst(%dma_wait3A_556 : memref<10112x128xbf16, #tpu.memory_space<vmem_shared>>)
      tpu.yield
    }) : () -> ()
    %dma_wait3A_480 = arith.constant 37 : i32
    %dma_wait3A_481 = arith.constant 5 : i32
    %dma_wait3A_482 = arith.constant 5 : i32
    %dma_wait3A_483 = arith.constant 0 : i32
    %dma_wait3A_484 = arith.constant 0 : i32
    %dma_wait3A_485 = tpu.memref_slice %arg9[%dma_wait3A_481, %dma_wait3A_483, %dma_wait3A_484] : memref<8x128x128xbf16, #tpu.memory_space<vmem>> -> memref<1x128x128xbf16, #tpu.memory_space<vmem>>
    %dma_wait3A_486 = tpu.memref_squeeze %dma_wait3A_485 : memref<1x128x128xbf16, #tpu.memory_space<vmem>> -> memref<128x128xbf16, #tpu.memory_space<vmem>>
    %dma_wait3A_487 = arith.constant 0 : i32
    %dma_wait3A_488 = tpu.memref_slice %arg7[%dma_wait3A_480, %dma_wait3A_487] : memref<40x128xi32, #tpu.memory_space<vmem>> -> memref<1x128xi32, #tpu.memory_space<vmem>>
    %dma_wait3A_489 = tpu.memref_squeeze %dma_wait3A_488 : memref<1x128xi32, #tpu.memory_space<vmem>> -> memref<128xi32, #tpu.memory_space<vmem>>
    %dma_wait3A_490 = arith.constant 0 : i32
    %dma_wait3A_491 = arith.constant 0 : i32
    %dma_wait3A_492 = tpu.memref_slice %arg4[%dma_wait3A_490, %dma_wait3A_491] : memref<10000x128xbf16, #tpu.memory_space<hbm>> -> memref<10000x128xbf16, #tpu.memory_space<hbm>>
    %dma_wait3A_493 = tpu.memref_slice %arg11[%dma_wait3A_482] : memref<8x!tpu.dma_semaphore, #tpu.memory_space<semaphore_mem>> -> memref<1x!tpu.dma_semaphore, #tpu.memory_space<semaphore_mem>>
    %dma_wait3A_494 = tpu.memref_squeeze %dma_wait3A_493 : memref<1x!tpu.dma_semaphore, #tpu.memory_space<semaphore_mem>> -> memref<!tpu.dma_semaphore, #tpu.memory_space<semaphore_mem>>
    tpu.wait_indirect_dma semaphore(%dma_wait3A_494 : memref<!tpu.dma_semaphore, #tpu.memory_space<semaphore_mem>>) src(%dma_wait3A_492 : memref<10000x128xbf16, #tpu.memory_space<hbm>>) dst(%dma_wait3A_486 : memref<128x128xbf16, #tpu.memory_space<vmem>>)
    %run_scoped3A_495 = arith.constant 5 : i32
    %run_scoped3A_496 = arith.constant 37 : i32
    "tpu.region"() ({
      %run_scoped3A_536 = tpu.sem_alloc : memref<!tpu.dma_semaphore, #tpu.memory_space<semaphore_mem>>
      %dma_start3A_537 = arith.constant 0 : i32
      %dma_start3A_538 = arith.constant 0 : i32
      %dma_start3A_539 = tpu.memref_slice %arg9[%run_scoped3A_495, %dma_start3A_537, %dma_start3A_538] : memref<8x128x128xbf16, #tpu.memory_space<vmem>> -> memref<1x128x128xbf16, #tpu.memory_space<vmem>>
      %dma_start3A_540 = tpu.memref_squeeze %dma_start3A_539 : memref<1x128x128xbf16, #tpu.memory_space<vmem>> -> memref<128x128xbf16, #tpu.memory_space<vmem>>
      %dma_start3A_541 = arith.constant 0 : i32
      %dma_start3A_542 = tpu.memref_slice %arg8[%run_scoped3A_496, %dma_start3A_541] : memref<40x128xi32, #tpu.memory_space<vmem>> -> memref<1x128xi32, #tpu.memory_space<vmem>>
      %dma_start3A_543 = tpu.memref_squeeze %dma_start3A_542 : memref<1x128xi32, #tpu.memory_space<vmem>> -> memref<128xi32, #tpu.memory_space<vmem>>
      %dma_start3A_544 = arith.constant 0 : i32
      %dma_start3A_545 = arith.constant 0 : i32
      %dma_start3A_546 = tpu.memref_slice %arg10[%dma_start3A_544, %dma_start3A_545] : memref<10112x128xbf16, #tpu.memory_space<vmem_shared>> -> memref<10112x128xbf16, #tpu.memory_space<vmem_shared>>
      tpu.enqueue_indirect_dma source(%dma_start3A_540 : memref<128x128xbf16, #tpu.memory_space<vmem>>) target(%dma_start3A_546 : memref<10112x128xbf16, #tpu.memory_space<vmem_shared>>) offsets(%dma_start3A_543 : memref<128xi32, #tpu.memory_space<vmem>>) semaphore(%run_scoped3A_536 : memref<!tpu.dma_semaphore, #tpu.memory_space<semaphore_mem>>) {add = true}
      %dma_wait3A_547 = arith.constant 0 : i32
      %dma_wait3A_548 = arith.constant 0 : i32
      %dma_wait3A_549 = tpu.memref_slice %arg9[%run_scoped3A_495, %dma_wait3A_547, %dma_wait3A_548] : memref<8x128x128xbf16, #tpu.memory_space<vmem>> -> memref<1x128x128xbf16, #tpu.memory_space<vmem>>
      %dma_wait3A_550 = tpu.memref_squeeze %dma_wait3A_549 : memref<1x128x128xbf16, #tpu.memory_space<vmem>> -> memref<128x128xbf16, #tpu.memory_space<vmem>>
      %dma_wait3A_551 = arith.constant 0 : i32
      %dma_wait3A_552 = tpu.memref_slice %arg8[%run_scoped3A_496, %dma_wait3A_551] : memref<40x128xi32, #tpu.memory_space<vmem>> -> memref<1x128xi32, #tpu.memory_space<vmem>>
      %dma_wait3A_553 = tpu.memref_squeeze %dma_wait3A_552 : memref<1x128xi32, #tpu.memory_space<vmem>> -> memref<128xi32, #tpu.memory_space<vmem>>
      %dma_wait3A_554 = arith.constant 0 : i32
      %dma_wait3A_555 = arith.constant 0 : i32
      %dma_wait3A_556 = tpu.memref_slice %arg10[%dma_wait3A_554, %dma_wait3A_555] : memref<10112x128xbf16, #tpu.memory_space<vmem_shared>> -> memref<10112x128xbf16, #tpu.memory_space<vmem_shared>>
      tpu.wait_indirect_dma semaphore(%run_scoped3A_536 : memref<!tpu.dma_semaphore, #tpu.memory_space<semaphore_mem>>) src(%dma_wait3A_550 : memref<128x128xbf16, #tpu.memory_space<vmem>>) dst(%dma_wait3A_556 : memref<10112x128xbf16, #tpu.memory_space<vmem_shared>>)
      tpu.yield
    }) : () -> ()
    %dma_wait3A_497 = arith.constant 38 : i32
    %dma_wait3A_498 = arith.constant 6 : i32
    %dma_wait3A_499 = arith.constant 6 : i32
    %dma_wait3A_500 = arith.constant 0 : i32
    %dma_wait3A_501 = arith.constant 0 : i32
    %dma_wait3A_502 = tpu.memref_slice %arg9[%dma_wait3A_498, %dma_wait3A_500, %dma_wait3A_501] : memref<8x128x128xbf16, #tpu.memory_space<vmem>> -> memref<1x128x128xbf16, #tpu.memory_space<vmem>>
    %dma_wait3A_503 = tpu.memref_squeeze %dma_wait3A_502 : memref<1x128x128xbf16, #tpu.memory_space<vmem>> -> memref<128x128xbf16, #tpu.memory_space<vmem>>
    %dma_wait3A_504 = arith.constant 0 : i32
    %dma_wait3A_505 = tpu.memref_slice %arg7[%dma_wait3A_497, %dma_wait3A_504] : memref<40x128xi32, #tpu.memory_space<vmem>> -> memref<1x128xi32, #tpu.memory_space<vmem>>
    %dma_wait3A_506 = tpu.memref_squeeze %dma_wait3A_505 : memref<1x128xi32, #tpu.memory_space<vmem>> -> memref<128xi32, #tpu.memory_space<vmem>>
    %dma_wait3A_507 = arith.constant 0 : i32
    %dma_wait3A_508 = arith.constant 0 : i32
    %dma_wait3A_509 = tpu.memref_slice %arg4[%dma_wait3A_507, %dma_wait3A_508] : memref<10000x128xbf16, #tpu.memory_space<hbm>> -> memref<10000x128xbf16, #tpu.memory_space<hbm>>
    %dma_wait3A_510 = tpu.memref_slice %arg11[%dma_wait3A_499] : memref<8x!tpu.dma_semaphore, #tpu.memory_space<semaphore_mem>> -> memref<1x!tpu.dma_semaphore, #tpu.memory_space<semaphore_mem>>
    %dma_wait3A_511 = tpu.memref_squeeze %dma_wait3A_510 : memref<1x!tpu.dma_semaphore, #tpu.memory_space<semaphore_mem>> -> memref<!tpu.dma_semaphore, #tpu.memory_space<semaphore_mem>>
    tpu.wait_indirect_dma semaphore(%dma_wait3A_511 : memref<!tpu.dma_semaphore, #tpu.memory_space<semaphore_mem>>) src(%dma_wait3A_509 : memref<10000x128xbf16, #tpu.memory_space<hbm>>) dst(%dma_wait3A_503 : memref<128x128xbf16, #tpu.memory_space<vmem>>)
    %run_scoped3A_512 = arith.constant 6 : i32
    %run_scoped3A_513 = arith.constant 38 : i32
    "tpu.region"() ({
      %run_scoped3A_536 = tpu.sem_alloc : memref<!tpu.dma_semaphore, #tpu.memory_space<semaphore_mem>>
      %dma_start3A_537 = arith.constant 0 : i32
      %dma_start3A_538 = arith.constant 0 : i32
      %dma_start3A_539 = tpu.memref_slice %arg9[%run_scoped3A_512, %dma_start3A_537, %dma_start3A_538] : memref<8x128x128xbf16, #tpu.memory_space<vmem>> -> memref<1x128x128xbf16, #tpu.memory_space<vmem>>
      %dma_start3A_540 = tpu.memref_squeeze %dma_start3A_539 : memref<1x128x128xbf16, #tpu.memory_space<vmem>> -> memref<128x128xbf16, #tpu.memory_space<vmem>>
      %dma_start3A_541 = arith.constant 0 : i32
      %dma_start3A_542 = tpu.memref_slice %arg8[%run_scoped3A_513, %dma_start3A_541] : memref<40x128xi32, #tpu.memory_space<vmem>> -> memref<1x128xi32, #tpu.memory_space<vmem>>
      %dma_start3A_543 = tpu.memref_squeeze %dma_start3A_542 : memref<1x128xi32, #tpu.memory_space<vmem>> -> memref<128xi32, #tpu.memory_space<vmem>>
      %dma_start3A_544 = arith.constant 0 : i32
      %dma_start3A_545 = arith.constant 0 : i32
      %dma_start3A_546 = tpu.memref_slice %arg10[%dma_start3A_544, %dma_start3A_545] : memref<10112x128xbf16, #tpu.memory_space<vmem_shared>> -> memref<10112x128xbf16, #tpu.memory_space<vmem_shared>>
      tpu.enqueue_indirect_dma source(%dma_start3A_540 : memref<128x128xbf16, #tpu.memory_space<vmem>>) target(%dma_start3A_546 : memref<10112x128xbf16, #tpu.memory_space<vmem_shared>>) offsets(%dma_start3A_543 : memref<128xi32, #tpu.memory_space<vmem>>) semaphore(%run_scoped3A_536 : memref<!tpu.dma_semaphore, #tpu.memory_space<semaphore_mem>>) {add = true}
      %dma_wait3A_547 = arith.constant 0 : i32
      %dma_wait3A_548 = arith.constant 0 : i32
      %dma_wait3A_549 = tpu.memref_slice %arg9[%run_scoped3A_512, %dma_wait3A_547, %dma_wait3A_548] : memref<8x128x128xbf16, #tpu.memory_space<vmem>> -> memref<1x128x128xbf16, #tpu.memory_space<vmem>>
      %dma_wait3A_550 = tpu.memref_squeeze %dma_wait3A_549 : memref<1x128x128xbf16, #tpu.memory_space<vmem>> -> memref<128x128xbf16, #tpu.memory_space<vmem>>
      %dma_wait3A_551 = arith.constant 0 : i32
      %dma_wait3A_552 = tpu.memref_slice %arg8[%run_scoped3A_513, %dma_wait3A_551] : memref<40x128xi32, #tpu.memory_space<vmem>> -> memref<1x128xi32, #tpu.memory_space<vmem>>
      %dma_wait3A_553 = tpu.memref_squeeze %dma_wait3A_552 : memref<1x128xi32, #tpu.memory_space<vmem>> -> memref<128xi32, #tpu.memory_space<vmem>>
      %dma_wait3A_554 = arith.constant 0 : i32
      %dma_wait3A_555 = arith.constant 0 : i32
      %dma_wait3A_556 = tpu.memref_slice %arg10[%dma_wait3A_554, %dma_wait3A_555] : memref<10112x128xbf16, #tpu.memory_space<vmem_shared>> -> memref<10112x128xbf16, #tpu.memory_space<vmem_shared>>
      tpu.wait_indirect_dma semaphore(%run_scoped3A_536 : memref<!tpu.dma_semaphore, #tpu.memory_space<semaphore_mem>>) src(%dma_wait3A_550 : memref<128x128xbf16, #tpu.memory_space<vmem>>) dst(%dma_wait3A_556 : memref<10112x128xbf16, #tpu.memory_space<vmem_shared>>)
      tpu.yield
    }) : () -> ()
    %dma_wait3A_514 = arith.constant 39 : i32
    %dma_wait3A_515 = arith.constant 7 : i32
    %dma_wait3A_516 = arith.constant 7 : i32
    %dma_wait3A_517 = arith.constant 0 : i32
    %dma_wait3A_518 = arith.constant 0 : i32
    %dma_wait3A_519 = tpu.memref_slice %arg9[%dma_wait3A_515, %dma_wait3A_517, %dma_wait3A_518] : memref<8x128x128xbf16, #tpu.memory_space<vmem>> -> memref<1x128x128xbf16, #tpu.memory_space<vmem>>
    %dma_wait3A_520 = tpu.memref_squeeze %dma_wait3A_519 : memref<1x128x128xbf16, #tpu.memory_space<vmem>> -> memref<128x128xbf16, #tpu.memory_space<vmem>>
    %dma_wait3A_521 = arith.constant 0 : i32
    %dma_wait3A_522 = tpu.memref_slice %arg7[%dma_wait3A_514, %dma_wait3A_521] : memref<40x128xi32, #tpu.memory_space<vmem>> -> memref<1x128xi32, #tpu.memory_space<vmem>>
    %dma_wait3A_523 = tpu.memref_squeeze %dma_wait3A_522 : memref<1x128xi32, #tpu.memory_space<vmem>> -> memref<128xi32, #tpu.memory_space<vmem>>
    %dma_wait3A_524 = arith.constant 0 : i32
    %dma_wait3A_525 = arith.constant 0 : i32
    %dma_wait3A_526 = tpu.memref_slice %arg4[%dma_wait3A_524, %dma_wait3A_525] : memref<10000x128xbf16, #tpu.memory_space<hbm>> -> memref<10000x128xbf16, #tpu.memory_space<hbm>>
    %dma_wait3A_527 = tpu.memref_slice %arg11[%dma_wait3A_516] : memref<8x!tpu.dma_semaphore, #tpu.memory_space<semaphore_mem>> -> memref<1x!tpu.dma_semaphore, #tpu.memory_space<semaphore_mem>>
    %dma_wait3A_528 = tpu.memref_squeeze %dma_wait3A_527 : memref<1x!tpu.dma_semaphore, #tpu.memory_space<semaphore_mem>> -> memref<!tpu.dma_semaphore, #tpu.memory_space<semaphore_mem>>
    tpu.wait_indirect_dma semaphore(%dma_wait3A_528 : memref<!tpu.dma_semaphore, #tpu.memory_space<semaphore_mem>>) src(%dma_wait3A_526 : memref<10000x128xbf16, #tpu.memory_space<hbm>>) dst(%dma_wait3A_520 : memref<128x128xbf16, #tpu.memory_space<vmem>>)
    %run_scoped3A_529 = arith.constant 7 : i32
    %run_scoped3A_530 = arith.constant 39 : i32
    "tpu.region"() ({
      %run_scoped3A_536 = tpu.sem_alloc : memref<!tpu.dma_semaphore, #tpu.memory_space<semaphore_mem>>
      %dma_start3A_537 = arith.constant 0 : i32
      %dma_start3A_538 = arith.constant 0 : i32
      %dma_start3A_539 = tpu.memref_slice %arg9[%run_scoped3A_529, %dma_start3A_537, %dma_start3A_538] : memref<8x128x128xbf16, #tpu.memory_space<vmem>> -> memref<1x128x128xbf16, #tpu.memory_space<vmem>>
      %dma_start3A_540 = tpu.memref_squeeze %dma_start3A_539 : memref<1x128x128xbf16, #tpu.memory_space<vmem>> -> memref<128x128xbf16, #tpu.memory_space<vmem>>
      %dma_start3A_541 = arith.constant 0 : i32
      %dma_start3A_542 = tpu.memref_slice %arg8[%run_scoped3A_530, %dma_start3A_541] : memref<40x128xi32, #tpu.memory_space<vmem>> -> memref<1x128xi32, #tpu.memory_space<vmem>>
      %dma_start3A_543 = tpu.memref_squeeze %dma_start3A_542 : memref<1x128xi32, #tpu.memory_space<vmem>> -> memref<128xi32, #tpu.memory_space<vmem>>
      %dma_start3A_544 = arith.constant 0 : i32
      %dma_start3A_545 = arith.constant 0 : i32
      %dma_start3A_546 = tpu.memref_slice %arg10[%dma_start3A_544, %dma_start3A_545] : memref<10112x128xbf16, #tpu.memory_space<vmem_shared>> -> memref<10112x128xbf16, #tpu.memory_space<vmem_shared>>
      tpu.enqueue_indirect_dma source(%dma_start3A_540 : memref<128x128xbf16, #tpu.memory_space<vmem>>) target(%dma_start3A_546 : memref<10112x128xbf16, #tpu.memory_space<vmem_shared>>) offsets(%dma_start3A_543 : memref<128xi32, #tpu.memory_space<vmem>>) semaphore(%run_scoped3A_536 : memref<!tpu.dma_semaphore, #tpu.memory_space<semaphore_mem>>) {add = true}
      %dma_wait3A_547 = arith.constant 0 : i32
      %dma_wait3A_548 = arith.constant 0 : i32
      %dma_wait3A_549 = tpu.memref_slice %arg9[%run_scoped3A_529, %dma_wait3A_547, %dma_wait3A_548] : memref<8x128x128xbf16, #tpu.memory_space<vmem>> -> memref<1x128x128xbf16, #tpu.memory_space<vmem>>
      %dma_wait3A_550 = tpu.memref_squeeze %dma_wait3A_549 : memref<1x128x128xbf16, #tpu.memory_space<vmem>> -> memref<128x128xbf16, #tpu.memory_space<vmem>>
      %dma_wait3A_551 = arith.constant 0 : i32
      %dma_wait3A_552 = tpu.memref_slice %arg8[%run_scoped3A_530, %dma_wait3A_551] : memref<40x128xi32, #tpu.memory_space<vmem>> -> memref<1x128xi32, #tpu.memory_space<vmem>>
      %dma_wait3A_553 = tpu.memref_squeeze %dma_wait3A_552 : memref<1x128xi32, #tpu.memory_space<vmem>> -> memref<128xi32, #tpu.memory_space<vmem>>
      %dma_wait3A_554 = arith.constant 0 : i32
      %dma_wait3A_555 = arith.constant 0 : i32
      %dma_wait3A_556 = tpu.memref_slice %arg10[%dma_wait3A_554, %dma_wait3A_555] : memref<10112x128xbf16, #tpu.memory_space<vmem_shared>> -> memref<10112x128xbf16, #tpu.memory_space<vmem_shared>>
      tpu.wait_indirect_dma semaphore(%run_scoped3A_536 : memref<!tpu.dma_semaphore, #tpu.memory_space<semaphore_mem>>) src(%dma_wait3A_550 : memref<128x128xbf16, #tpu.memory_space<vmem>>) dst(%dma_wait3A_556 : memref<10112x128xbf16, #tpu.memory_space<vmem_shared>>)
      tpu.yield
    }) : () -> ()
    %barrier3A_531 = arith.constant 0 : index
    tpu.barrier barrier_id(%barrier3A_531)
    %mul3A_532 = arith.constant 632 : i32
    %mul3A_533 = arith.muli %arg1, %mul3A_532 : i32
    %mul3A_534 = arith.constant 632 : i32
    %mul3A_535 = arith.muli %arg1, %mul3A_534 : i32
    "tpu.region"() ({
      %run_scoped3A_536 = tpu.sem_alloc : memref<!tpu.dma_semaphore, #tpu.memory_space<semaphore_mem>>
      %dma_start3A_537 = arith.constant 0 : i32
      %dma_start3A_538 = tpu.memref_slice %arg6[%arg0, %mul3A_535, %dma_start3A_537] : memref<2x10112x128xbf16, #tpu.memory_space<hbm>> -> memref<1x632x128xbf16, #tpu.memory_space<hbm>>
      %dma_start3A_539 = tpu.memref_squeeze %dma_start3A_538 : memref<1x632x128xbf16, #tpu.memory_space<hbm>> -> memref<632x128xbf16, #tpu.memory_space<hbm>>
      %dma_start3A_540 = arith.constant 0 : i32
      %dma_start3A_541 = tpu.memref_slice %arg10[%mul3A_533, %dma_start3A_540] : memref<10112x128xbf16, #tpu.memory_space<vmem_shared>> -> memref<632x128xbf16, #tpu.memory_space<vmem_shared>>
      tpu.enqueue_dma source(%dma_start3A_541 : memref<632x128xbf16, #tpu.memory_space<vmem_shared>>) target(%dma_start3A_539 : memref<632x128xbf16, #tpu.memory_space<hbm>>) target_semaphore(%run_scoped3A_536 : memref<!tpu.dma_semaphore, #tpu.memory_space<semaphore_mem>>)
      %dma_wait3A_542 = arith.constant 0 : i32
      %dma_wait3A_543 = tpu.memref_slice %arg6[%arg0, %mul3A_535, %dma_wait3A_542] : memref<2x10112x128xbf16, #tpu.memory_space<hbm>> -> memref<1x632x128xbf16, #tpu.memory_space<hbm>>
      %dma_wait3A_544 = tpu.memref_squeeze %dma_wait3A_543 : memref<1x632x128xbf16, #tpu.memory_space<hbm>> -> memref<632x128xbf16, #tpu.memory_space<hbm>>
      %dma_wait3A_545 = arith.constant 0 : i32
      %dma_wait3A_546 = tpu.memref_slice %arg10[%mul3A_533, %dma_wait3A_545] : memref<10112x128xbf16, #tpu.memory_space<vmem_shared>> -> memref<632x128xbf16, #tpu.memory_space<vmem_shared>>
      tpu.wait_dma2 semaphore(%run_scoped3A_536 : memref<!tpu.dma_semaphore, #tpu.memory_space<semaphore_mem>>) src(%dma_wait3A_546 : memref<632x128xbf16, #tpu.memory_space<vmem_shared>>) dst(%dma_wait3A_544 : memref<632x128xbf16, #tpu.memory_space<hbm>>)
      tpu.yield
    }) : () -> ()
    return
  }
}

#map = affine_map<(d0, d1) -> (0, 0)>
#map1 = affine_map<(d0, d1) -> (0, 0, 0)>
module attributes {stable_mosaic.version = 14 : i64} {
  func.func @_agg_body(%arg0: i32, %arg1: i32, %arg2: memref<2560x128xi32, #tpu.memory_space<hbm>>, %arg3: memref<2560x128xi32, #tpu.memory_space<hbm>>, %arg4: memref<10000x64xbf16, #tpu.memory_space<hbm>>, %arg5: memref<632x64xbf16, #tpu.memory_space<hbm>>, %arg6: memref<2x10112x64xbf16, #tpu.memory_space<hbm>>, %arg7: memref<80x128xi32, #tpu.memory_space<vmem>>, %arg8: memref<80x128xi32, #tpu.memory_space<vmem>>, %arg9: memref<8x128x64xbf16, #tpu.memory_space<vmem>>, %arg10: memref<10112x64xbf16, #tpu.memory_space<vmem_shared>>, %arg11: memref<8x!tpu.dma_semaphore, #tpu.memory_space<semaphore_mem>>) attributes {dimension_semantics = [#tpu.dimension_semantics<core_parallel>, #tpu.dimension_semantics<subcore_parallel>], iteration_bounds = array<i64: 2, 16>, scalar_prefetch = 0 : i64, scratch_operands = 5 : i64, tpu.core_type = #tpu.core_type<sc_vector_subcore>, window_params = [{transform_indices = #map}, {transform_indices = #map}, {transform_indices = #map}, {transform_indices = #map}, {transform_indices = #map1}]} {
    %mul3A = arith.constant 2 : i32
    %mul3A_0 = arith.muli %arg1, %mul3A : i32
    %add3A = arith.addi %mul3A_0, %arg0 : i32
    %mul3A_1 = arith.constant 632 : i32
    %mul3A_2 = arith.muli %arg1, %mul3A_1 : i32
    "tpu.region"() ({
      %run_scoped3A_270 = tpu.sem_alloc : memref<!tpu.dma_semaphore, #tpu.memory_space<semaphore_mem>>
      %dma_start3A_271 = arith.constant 0 : i32
      %dma_start3A_272 = tpu.memref_slice %arg10[%mul3A_2, %dma_start3A_271] : memref<10112x64xbf16, #tpu.memory_space<vmem_shared>> -> memref<632x64xbf16, #tpu.memory_space<vmem_shared>>
      tpu.enqueue_dma source(%arg5 : memref<632x64xbf16, #tpu.memory_space<hbm>>) target(%dma_start3A_272 : memref<632x64xbf16, #tpu.memory_space<vmem_shared>>) target_semaphore(%run_scoped3A_270 : memref<!tpu.dma_semaphore, #tpu.memory_space<semaphore_mem>>)
      %dma_wait3A_273 = arith.constant 0 : i32
      %dma_wait3A_274 = tpu.memref_slice %arg10[%mul3A_2, %dma_wait3A_273] : memref<10112x64xbf16, #tpu.memory_space<vmem_shared>> -> memref<632x64xbf16, #tpu.memory_space<vmem_shared>>
      tpu.wait_dma2 semaphore(%run_scoped3A_270 : memref<!tpu.dma_semaphore, #tpu.memory_space<semaphore_mem>>) src(%arg5 : memref<632x64xbf16, #tpu.memory_space<hbm>>) dst(%dma_wait3A_274 : memref<632x64xbf16, #tpu.memory_space<vmem_shared>>)
      tpu.yield
    }) : () -> ()
    %barrier3A = arith.constant 0 : index
    tpu.barrier barrier_id(%barrier3A)
    %mul3A_3 = arith.constant 80 : i32
    %mul3A_4 = arith.muli %add3A, %mul3A_3 : i32
    %add3A_5 = arith.constant 0 : i32
    %add3A_6 = arith.addi %mul3A_4, %add3A_5 : i32
    "tpu.region"() ({
      %run_scoped3A_270 = tpu.sem_alloc : memref<!tpu.dma_semaphore, #tpu.memory_space<semaphore_mem>>
      %dma_start3A_271 = arith.constant 0 : i32
      %dma_start3A_272 = tpu.memref_slice %arg2[%add3A_6, %dma_start3A_271] : memref<2560x128xi32, #tpu.memory_space<hbm>> -> memref<80x128xi32, #tpu.memory_space<hbm>>
      %dma_start3A_273 = arith.constant 0 : i32
      %dma_start3A_274 = tpu.memref_slice %arg2[%add3A_6, %dma_start3A_273] : memref<2560x128xi32, #tpu.memory_space<hbm>> -> memref<80x128xi32, #tpu.memory_space<hbm>>
      tpu.enqueue_dma source(%dma_start3A_274 : memref<80x128xi32, #tpu.memory_space<hbm>>) target(%arg7 : memref<80x128xi32, #tpu.memory_space<vmem>>) target_semaphore(%run_scoped3A_270 : memref<!tpu.dma_semaphore, #tpu.memory_space<semaphore_mem>>)
      %dma_wait3A_275 = arith.constant 0 : i32
      %dma_wait3A_276 = tpu.memref_slice %arg2[%add3A_6, %dma_wait3A_275] : memref<2560x128xi32, #tpu.memory_space<hbm>> -> memref<80x128xi32, #tpu.memory_space<hbm>>
      %dma_wait3A_277 = arith.constant 0 : i32
      %dma_wait3A_278 = tpu.memref_slice %arg2[%add3A_6, %dma_wait3A_277] : memref<2560x128xi32, #tpu.memory_space<hbm>> -> memref<80x128xi32, #tpu.memory_space<hbm>>
      tpu.wait_dma2 semaphore(%run_scoped3A_270 : memref<!tpu.dma_semaphore, #tpu.memory_space<semaphore_mem>>) src(%dma_wait3A_278 : memref<80x128xi32, #tpu.memory_space<hbm>>) dst(%arg7 : memref<80x128xi32, #tpu.memory_space<vmem>>)
      tpu.yield
    }) : () -> ()
    "tpu.region"() ({
      %run_scoped3A_270 = tpu.sem_alloc : memref<!tpu.dma_semaphore, #tpu.memory_space<semaphore_mem>>
      %dma_start3A_271 = arith.constant 0 : i32
      %dma_start3A_272 = tpu.memref_slice %arg3[%add3A_6, %dma_start3A_271] : memref<2560x128xi32, #tpu.memory_space<hbm>> -> memref<80x128xi32, #tpu.memory_space<hbm>>
      %dma_start3A_273 = arith.constant 0 : i32
      %dma_start3A_274 = tpu.memref_slice %arg3[%add3A_6, %dma_start3A_273] : memref<2560x128xi32, #tpu.memory_space<hbm>> -> memref<80x128xi32, #tpu.memory_space<hbm>>
      tpu.enqueue_dma source(%dma_start3A_274 : memref<80x128xi32, #tpu.memory_space<hbm>>) target(%arg8 : memref<80x128xi32, #tpu.memory_space<vmem>>) target_semaphore(%run_scoped3A_270 : memref<!tpu.dma_semaphore, #tpu.memory_space<semaphore_mem>>)
      %dma_wait3A_275 = arith.constant 0 : i32
      %dma_wait3A_276 = tpu.memref_slice %arg3[%add3A_6, %dma_wait3A_275] : memref<2560x128xi32, #tpu.memory_space<hbm>> -> memref<80x128xi32, #tpu.memory_space<hbm>>
      %dma_wait3A_277 = arith.constant 0 : i32
      %dma_wait3A_278 = tpu.memref_slice %arg3[%add3A_6, %dma_wait3A_277] : memref<2560x128xi32, #tpu.memory_space<hbm>> -> memref<80x128xi32, #tpu.memory_space<hbm>>
      tpu.wait_dma2 semaphore(%run_scoped3A_270 : memref<!tpu.dma_semaphore, #tpu.memory_space<semaphore_mem>>) src(%dma_wait3A_278 : memref<80x128xi32, #tpu.memory_space<hbm>>) dst(%arg8 : memref<80x128xi32, #tpu.memory_space<vmem>>)
      tpu.yield
    }) : () -> ()
    %dma_start3A = arith.constant 0 : i32
    %dma_start3A_7 = arith.constant 0 : i32
    %dma_start3A_8 = arith.constant 0 : i32
    %dma_start3A_9 = arith.constant 0 : i32
    %dma_start3A_10 = arith.constant 0 : i32
    %dma_start3A_11 = tpu.memref_slice %arg9[%dma_start3A_7, %dma_start3A_9, %dma_start3A_10] : memref<8x128x64xbf16, #tpu.memory_space<vmem>> -> memref<1x128x64xbf16, #tpu.memory_space<vmem>>
    %dma_start3A_12 = tpu.memref_squeeze %dma_start3A_11 : memref<1x128x64xbf16, #tpu.memory_space<vmem>> -> memref<128x64xbf16, #tpu.memory_space<vmem>>
    %dma_start3A_13 = arith.constant 0 : i32
    %dma_start3A_14 = tpu.memref_slice %arg7[%dma_start3A, %dma_start3A_13] : memref<80x128xi32, #tpu.memory_space<vmem>> -> memref<1x128xi32, #tpu.memory_space<vmem>>
    %dma_start3A_15 = tpu.memref_squeeze %dma_start3A_14 : memref<1x128xi32, #tpu.memory_space<vmem>> -> memref<128xi32, #tpu.memory_space<vmem>>
    %dma_start3A_16 = arith.constant 0 : i32
    %dma_start3A_17 = arith.constant 0 : i32
    %dma_start3A_18 = tpu.memref_slice %arg4[%dma_start3A_16, %dma_start3A_17] : memref<10000x64xbf16, #tpu.memory_space<hbm>> -> memref<10000x64xbf16, #tpu.memory_space<hbm>>
    %dma_start3A_19 = tpu.memref_slice %arg11[%dma_start3A_8] : memref<8x!tpu.dma_semaphore, #tpu.memory_space<semaphore_mem>> -> memref<1x!tpu.dma_semaphore, #tpu.memory_space<semaphore_mem>>
    %dma_start3A_20 = tpu.memref_squeeze %dma_start3A_19 : memref<1x!tpu.dma_semaphore, #tpu.memory_space<semaphore_mem>> -> memref<!tpu.dma_semaphore, #tpu.memory_space<semaphore_mem>>
    tpu.enqueue_indirect_dma source(%dma_start3A_18 : memref<10000x64xbf16, #tpu.memory_space<hbm>>) target(%dma_start3A_12 : memref<128x64xbf16, #tpu.memory_space<vmem>>) offsets(%dma_start3A_15 : memref<128xi32, #tpu.memory_space<vmem>>) semaphore(%dma_start3A_20 : memref<!tpu.dma_semaphore, #tpu.memory_space<semaphore_mem>>)
    %dma_start3A_21 = arith.constant 1 : i32
    %dma_start3A_22 = arith.constant 1 : i32
    %dma_start3A_23 = arith.constant 1 : i32
    %dma_start3A_24 = arith.constant 0 : i32
    %dma_start3A_25 = arith.constant 0 : i32
    %dma_start3A_26 = tpu.memref_slice %arg9[%dma_start3A_22, %dma_start3A_24, %dma_start3A_25] : memref<8x128x64xbf16, #tpu.memory_space<vmem>> -> memref<1x128x64xbf16, #tpu.memory_space<vmem>>
    %dma_start3A_27 = tpu.memref_squeeze %dma_start3A_26 : memref<1x128x64xbf16, #tpu.memory_space<vmem>> -> memref<128x64xbf16, #tpu.memory_space<vmem>>
    %dma_start3A_28 = arith.constant 0 : i32
    %dma_start3A_29 = tpu.memref_slice %arg7[%dma_start3A_21, %dma_start3A_28] : memref<80x128xi32, #tpu.memory_space<vmem>> -> memref<1x128xi32, #tpu.memory_space<vmem>>
    %dma_start3A_30 = tpu.memref_squeeze %dma_start3A_29 : memref<1x128xi32, #tpu.memory_space<vmem>> -> memref<128xi32, #tpu.memory_space<vmem>>
    %dma_start3A_31 = arith.constant 0 : i32
    %dma_start3A_32 = arith.constant 0 : i32
    %dma_start3A_33 = tpu.memref_slice %arg4[%dma_start3A_31, %dma_start3A_32] : memref<10000x64xbf16, #tpu.memory_space<hbm>> -> memref<10000x64xbf16, #tpu.memory_space<hbm>>
    %dma_start3A_34 = tpu.memref_slice %arg11[%dma_start3A_23] : memref<8x!tpu.dma_semaphore, #tpu.memory_space<semaphore_mem>> -> memref<1x!tpu.dma_semaphore, #tpu.memory_space<semaphore_mem>>
    %dma_start3A_35 = tpu.memref_squeeze %dma_start3A_34 : memref<1x!tpu.dma_semaphore, #tpu.memory_space<semaphore_mem>> -> memref<!tpu.dma_semaphore, #tpu.memory_space<semaphore_mem>>
    tpu.enqueue_indirect_dma source(%dma_start3A_33 : memref<10000x64xbf16, #tpu.memory_space<hbm>>) target(%dma_start3A_27 : memref<128x64xbf16, #tpu.memory_space<vmem>>) offsets(%dma_start3A_30 : memref<128xi32, #tpu.memory_space<vmem>>) semaphore(%dma_start3A_35 : memref<!tpu.dma_semaphore, #tpu.memory_space<semaphore_mem>>)
    %dma_start3A_36 = arith.constant 2 : i32
    %dma_start3A_37 = arith.constant 2 : i32
    %dma_start3A_38 = arith.constant 2 : i32
    %dma_start3A_39 = arith.constant 0 : i32
    %dma_start3A_40 = arith.constant 0 : i32
    %dma_start3A_41 = tpu.memref_slice %arg9[%dma_start3A_37, %dma_start3A_39, %dma_start3A_40] : memref<8x128x64xbf16, #tpu.memory_space<vmem>> -> memref<1x128x64xbf16, #tpu.memory_space<vmem>>
    %dma_start3A_42 = tpu.memref_squeeze %dma_start3A_41 : memref<1x128x64xbf16, #tpu.memory_space<vmem>> -> memref<128x64xbf16, #tpu.memory_space<vmem>>
    %dma_start3A_43 = arith.constant 0 : i32
    %dma_start3A_44 = tpu.memref_slice %arg7[%dma_start3A_36, %dma_start3A_43] : memref<80x128xi32, #tpu.memory_space<vmem>> -> memref<1x128xi32, #tpu.memory_space<vmem>>
    %dma_start3A_45 = tpu.memref_squeeze %dma_start3A_44 : memref<1x128xi32, #tpu.memory_space<vmem>> -> memref<128xi32, #tpu.memory_space<vmem>>
    %dma_start3A_46 = arith.constant 0 : i32
    %dma_start3A_47 = arith.constant 0 : i32
    %dma_start3A_48 = tpu.memref_slice %arg4[%dma_start3A_46, %dma_start3A_47] : memref<10000x64xbf16, #tpu.memory_space<hbm>> -> memref<10000x64xbf16, #tpu.memory_space<hbm>>
    %dma_start3A_49 = tpu.memref_slice %arg11[%dma_start3A_38] : memref<8x!tpu.dma_semaphore, #tpu.memory_space<semaphore_mem>> -> memref<1x!tpu.dma_semaphore, #tpu.memory_space<semaphore_mem>>
    %dma_start3A_50 = tpu.memref_squeeze %dma_start3A_49 : memref<1x!tpu.dma_semaphore, #tpu.memory_space<semaphore_mem>> -> memref<!tpu.dma_semaphore, #tpu.memory_space<semaphore_mem>>
    tpu.enqueue_indirect_dma source(%dma_start3A_48 : memref<10000x64xbf16, #tpu.memory_space<hbm>>) target(%dma_start3A_42 : memref<128x64xbf16, #tpu.memory_space<vmem>>) offsets(%dma_start3A_45 : memref<128xi32, #tpu.memory_space<vmem>>) semaphore(%dma_start3A_50 : memref<!tpu.dma_semaphore, #tpu.memory_space<semaphore_mem>>)
    %dma_start3A_51 = arith.constant 3 : i32
    %dma_start3A_52 = arith.constant 3 : i32
    %dma_start3A_53 = arith.constant 3 : i32
    %dma_start3A_54 = arith.constant 0 : i32
    %dma_start3A_55 = arith.constant 0 : i32
    %dma_start3A_56 = tpu.memref_slice %arg9[%dma_start3A_52, %dma_start3A_54, %dma_start3A_55] : memref<8x128x64xbf16, #tpu.memory_space<vmem>> -> memref<1x128x64xbf16, #tpu.memory_space<vmem>>
    %dma_start3A_57 = tpu.memref_squeeze %dma_start3A_56 : memref<1x128x64xbf16, #tpu.memory_space<vmem>> -> memref<128x64xbf16, #tpu.memory_space<vmem>>
    %dma_start3A_58 = arith.constant 0 : i32
    %dma_start3A_59 = tpu.memref_slice %arg7[%dma_start3A_51, %dma_start3A_58] : memref<80x128xi32, #tpu.memory_space<vmem>> -> memref<1x128xi32, #tpu.memory_space<vmem>>
    %dma_start3A_60 = tpu.memref_squeeze %dma_start3A_59 : memref<1x128xi32, #tpu.memory_space<vmem>> -> memref<128xi32, #tpu.memory_space<vmem>>
    %dma_start3A_61 = arith.constant 0 : i32
    %dma_start3A_62 = arith.constant 0 : i32
    %dma_start3A_63 = tpu.memref_slice %arg4[%dma_start3A_61, %dma_start3A_62] : memref<10000x64xbf16, #tpu.memory_space<hbm>> -> memref<10000x64xbf16, #tpu.memory_space<hbm>>
    %dma_start3A_64 = tpu.memref_slice %arg11[%dma_start3A_53] : memref<8x!tpu.dma_semaphore, #tpu.memory_space<semaphore_mem>> -> memref<1x!tpu.dma_semaphore, #tpu.memory_space<semaphore_mem>>
    %dma_start3A_65 = tpu.memref_squeeze %dma_start3A_64 : memref<1x!tpu.dma_semaphore, #tpu.memory_space<semaphore_mem>> -> memref<!tpu.dma_semaphore, #tpu.memory_space<semaphore_mem>>
    tpu.enqueue_indirect_dma source(%dma_start3A_63 : memref<10000x64xbf16, #tpu.memory_space<hbm>>) target(%dma_start3A_57 : memref<128x64xbf16, #tpu.memory_space<vmem>>) offsets(%dma_start3A_60 : memref<128xi32, #tpu.memory_space<vmem>>) semaphore(%dma_start3A_65 : memref<!tpu.dma_semaphore, #tpu.memory_space<semaphore_mem>>)
    %dma_start3A_66 = arith.constant 4 : i32
    %dma_start3A_67 = arith.constant 4 : i32
    %dma_start3A_68 = arith.constant 4 : i32
    %dma_start3A_69 = arith.constant 0 : i32
    %dma_start3A_70 = arith.constant 0 : i32
    %dma_start3A_71 = tpu.memref_slice %arg9[%dma_start3A_67, %dma_start3A_69, %dma_start3A_70] : memref<8x128x64xbf16, #tpu.memory_space<vmem>> -> memref<1x128x64xbf16, #tpu.memory_space<vmem>>
    %dma_start3A_72 = tpu.memref_squeeze %dma_start3A_71 : memref<1x128x64xbf16, #tpu.memory_space<vmem>> -> memref<128x64xbf16, #tpu.memory_space<vmem>>
    %dma_start3A_73 = arith.constant 0 : i32
    %dma_start3A_74 = tpu.memref_slice %arg7[%dma_start3A_66, %dma_start3A_73] : memref<80x128xi32, #tpu.memory_space<vmem>> -> memref<1x128xi32, #tpu.memory_space<vmem>>
    %dma_start3A_75 = tpu.memref_squeeze %dma_start3A_74 : memref<1x128xi32, #tpu.memory_space<vmem>> -> memref<128xi32, #tpu.memory_space<vmem>>
    %dma_start3A_76 = arith.constant 0 : i32
    %dma_start3A_77 = arith.constant 0 : i32
    %dma_start3A_78 = tpu.memref_slice %arg4[%dma_start3A_76, %dma_start3A_77] : memref<10000x64xbf16, #tpu.memory_space<hbm>> -> memref<10000x64xbf16, #tpu.memory_space<hbm>>
    %dma_start3A_79 = tpu.memref_slice %arg11[%dma_start3A_68] : memref<8x!tpu.dma_semaphore, #tpu.memory_space<semaphore_mem>> -> memref<1x!tpu.dma_semaphore, #tpu.memory_space<semaphore_mem>>
    %dma_start3A_80 = tpu.memref_squeeze %dma_start3A_79 : memref<1x!tpu.dma_semaphore, #tpu.memory_space<semaphore_mem>> -> memref<!tpu.dma_semaphore, #tpu.memory_space<semaphore_mem>>
    tpu.enqueue_indirect_dma source(%dma_start3A_78 : memref<10000x64xbf16, #tpu.memory_space<hbm>>) target(%dma_start3A_72 : memref<128x64xbf16, #tpu.memory_space<vmem>>) offsets(%dma_start3A_75 : memref<128xi32, #tpu.memory_space<vmem>>) semaphore(%dma_start3A_80 : memref<!tpu.dma_semaphore, #tpu.memory_space<semaphore_mem>>)
    %dma_start3A_81 = arith.constant 5 : i32
    %dma_start3A_82 = arith.constant 5 : i32
    %dma_start3A_83 = arith.constant 5 : i32
    %dma_start3A_84 = arith.constant 0 : i32
    %dma_start3A_85 = arith.constant 0 : i32
    %dma_start3A_86 = tpu.memref_slice %arg9[%dma_start3A_82, %dma_start3A_84, %dma_start3A_85] : memref<8x128x64xbf16, #tpu.memory_space<vmem>> -> memref<1x128x64xbf16, #tpu.memory_space<vmem>>
    %dma_start3A_87 = tpu.memref_squeeze %dma_start3A_86 : memref<1x128x64xbf16, #tpu.memory_space<vmem>> -> memref<128x64xbf16, #tpu.memory_space<vmem>>
    %dma_start3A_88 = arith.constant 0 : i32
    %dma_start3A_89 = tpu.memref_slice %arg7[%dma_start3A_81, %dma_start3A_88] : memref<80x128xi32, #tpu.memory_space<vmem>> -> memref<1x128xi32, #tpu.memory_space<vmem>>
    %dma_start3A_90 = tpu.memref_squeeze %dma_start3A_89 : memref<1x128xi32, #tpu.memory_space<vmem>> -> memref<128xi32, #tpu.memory_space<vmem>>
    %dma_start3A_91 = arith.constant 0 : i32
    %dma_start3A_92 = arith.constant 0 : i32
    %dma_start3A_93 = tpu.memref_slice %arg4[%dma_start3A_91, %dma_start3A_92] : memref<10000x64xbf16, #tpu.memory_space<hbm>> -> memref<10000x64xbf16, #tpu.memory_space<hbm>>
    %dma_start3A_94 = tpu.memref_slice %arg11[%dma_start3A_83] : memref<8x!tpu.dma_semaphore, #tpu.memory_space<semaphore_mem>> -> memref<1x!tpu.dma_semaphore, #tpu.memory_space<semaphore_mem>>
    %dma_start3A_95 = tpu.memref_squeeze %dma_start3A_94 : memref<1x!tpu.dma_semaphore, #tpu.memory_space<semaphore_mem>> -> memref<!tpu.dma_semaphore, #tpu.memory_space<semaphore_mem>>
    tpu.enqueue_indirect_dma source(%dma_start3A_93 : memref<10000x64xbf16, #tpu.memory_space<hbm>>) target(%dma_start3A_87 : memref<128x64xbf16, #tpu.memory_space<vmem>>) offsets(%dma_start3A_90 : memref<128xi32, #tpu.memory_space<vmem>>) semaphore(%dma_start3A_95 : memref<!tpu.dma_semaphore, #tpu.memory_space<semaphore_mem>>)
    %dma_start3A_96 = arith.constant 6 : i32
    %dma_start3A_97 = arith.constant 6 : i32
    %dma_start3A_98 = arith.constant 6 : i32
    %dma_start3A_99 = arith.constant 0 : i32
    %dma_start3A_100 = arith.constant 0 : i32
    %dma_start3A_101 = tpu.memref_slice %arg9[%dma_start3A_97, %dma_start3A_99, %dma_start3A_100] : memref<8x128x64xbf16, #tpu.memory_space<vmem>> -> memref<1x128x64xbf16, #tpu.memory_space<vmem>>
    %dma_start3A_102 = tpu.memref_squeeze %dma_start3A_101 : memref<1x128x64xbf16, #tpu.memory_space<vmem>> -> memref<128x64xbf16, #tpu.memory_space<vmem>>
    %dma_start3A_103 = arith.constant 0 : i32
    %dma_start3A_104 = tpu.memref_slice %arg7[%dma_start3A_96, %dma_start3A_103] : memref<80x128xi32, #tpu.memory_space<vmem>> -> memref<1x128xi32, #tpu.memory_space<vmem>>
    %dma_start3A_105 = tpu.memref_squeeze %dma_start3A_104 : memref<1x128xi32, #tpu.memory_space<vmem>> -> memref<128xi32, #tpu.memory_space<vmem>>
    %dma_start3A_106 = arith.constant 0 : i32
    %dma_start3A_107 = arith.constant 0 : i32
    %dma_start3A_108 = tpu.memref_slice %arg4[%dma_start3A_106, %dma_start3A_107] : memref<10000x64xbf16, #tpu.memory_space<hbm>> -> memref<10000x64xbf16, #tpu.memory_space<hbm>>
    %dma_start3A_109 = tpu.memref_slice %arg11[%dma_start3A_98] : memref<8x!tpu.dma_semaphore, #tpu.memory_space<semaphore_mem>> -> memref<1x!tpu.dma_semaphore, #tpu.memory_space<semaphore_mem>>
    %dma_start3A_110 = tpu.memref_squeeze %dma_start3A_109 : memref<1x!tpu.dma_semaphore, #tpu.memory_space<semaphore_mem>> -> memref<!tpu.dma_semaphore, #tpu.memory_space<semaphore_mem>>
    tpu.enqueue_indirect_dma source(%dma_start3A_108 : memref<10000x64xbf16, #tpu.memory_space<hbm>>) target(%dma_start3A_102 : memref<128x64xbf16, #tpu.memory_space<vmem>>) offsets(%dma_start3A_105 : memref<128xi32, #tpu.memory_space<vmem>>) semaphore(%dma_start3A_110 : memref<!tpu.dma_semaphore, #tpu.memory_space<semaphore_mem>>)
    %dma_start3A_111 = arith.constant 7 : i32
    %dma_start3A_112 = arith.constant 7 : i32
    %dma_start3A_113 = arith.constant 7 : i32
    %dma_start3A_114 = arith.constant 0 : i32
    %dma_start3A_115 = arith.constant 0 : i32
    %dma_start3A_116 = tpu.memref_slice %arg9[%dma_start3A_112, %dma_start3A_114, %dma_start3A_115] : memref<8x128x64xbf16, #tpu.memory_space<vmem>> -> memref<1x128x64xbf16, #tpu.memory_space<vmem>>
    %dma_start3A_117 = tpu.memref_squeeze %dma_start3A_116 : memref<1x128x64xbf16, #tpu.memory_space<vmem>> -> memref<128x64xbf16, #tpu.memory_space<vmem>>
    %dma_start3A_118 = arith.constant 0 : i32
    %dma_start3A_119 = tpu.memref_slice %arg7[%dma_start3A_111, %dma_start3A_118] : memref<80x128xi32, #tpu.memory_space<vmem>> -> memref<1x128xi32, #tpu.memory_space<vmem>>
    %dma_start3A_120 = tpu.memref_squeeze %dma_start3A_119 : memref<1x128xi32, #tpu.memory_space<vmem>> -> memref<128xi32, #tpu.memory_space<vmem>>
    %dma_start3A_121 = arith.constant 0 : i32
    %dma_start3A_122 = arith.constant 0 : i32
    %dma_start3A_123 = tpu.memref_slice %arg4[%dma_start3A_121, %dma_start3A_122] : memref<10000x64xbf16, #tpu.memory_space<hbm>> -> memref<10000x64xbf16, #tpu.memory_space<hbm>>
    %dma_start3A_124 = tpu.memref_slice %arg11[%dma_start3A_113] : memref<8x!tpu.dma_semaphore, #tpu.memory_space<semaphore_mem>> -> memref<1x!tpu.dma_semaphore, #tpu.memory_space<semaphore_mem>>
    %dma_start3A_125 = tpu.memref_squeeze %dma_start3A_124 : memref<1x!tpu.dma_semaphore, #tpu.memory_space<semaphore_mem>> -> memref<!tpu.dma_semaphore, #tpu.memory_space<semaphore_mem>>
    tpu.enqueue_indirect_dma source(%dma_start3A_123 : memref<10000x64xbf16, #tpu.memory_space<hbm>>) target(%dma_start3A_117 : memref<128x64xbf16, #tpu.memory_space<vmem>>) offsets(%dma_start3A_120 : memref<128xi32, #tpu.memory_space<vmem>>) semaphore(%dma_start3A_125 : memref<!tpu.dma_semaphore, #tpu.memory_space<semaphore_mem>>)
    %scan3A = arith.constant 0 : i32
    %scan3A_126 = arith.constant 0 : i32
    %scan3A_127 = arith.constant 9 : i32
    %scan3A_128 = arith.addi %scan3A_126, %scan3A_127 : i32
    %scan3A_129 = arith.constant 1 : i32
    scf.for %scan3A_270 = %scan3A_126 to %scan3A_128 step %scan3A_129  : i32 {
      %mul3A_271 = arith.constant 8 : i32
      %mul3A_272 = arith.muli %scan3A_270, %mul3A_271 : i32
      %add3A_273 = arith.constant 0 : i32
      %add3A_274 = arith.addi %mul3A_272, %add3A_273 : i32
      %dma_wait3A_275 = arith.constant 0 : i32
      %dma_wait3A_276 = arith.constant 0 : i32
      %dma_wait3A_277 = arith.constant 0 : i32
      %dma_wait3A_278 = arith.constant 0 : i32
      %dma_wait3A_279 = tpu.memref_slice %arg9[%dma_wait3A_275, %dma_wait3A_277, %dma_wait3A_278] : memref<8x128x64xbf16, #tpu.memory_space<vmem>> -> memref<1x128x64xbf16, #tpu.memory_space<vmem>>
      %dma_wait3A_280 = tpu.memref_squeeze %dma_wait3A_279 : memref<1x128x64xbf16, #tpu.memory_space<vmem>> -> memref<128x64xbf16, #tpu.memory_space<vmem>>
      %dma_wait3A_281 = arith.constant 0 : i32
      %dma_wait3A_282 = tpu.memref_slice %arg7[%add3A_274, %dma_wait3A_281] : memref<80x128xi32, #tpu.memory_space<vmem>> -> memref<1x128xi32, #tpu.memory_space<vmem>>
      %dma_wait3A_283 = tpu.memref_squeeze %dma_wait3A_282 : memref<1x128xi32, #tpu.memory_space<vmem>> -> memref<128xi32, #tpu.memory_space<vmem>>
      %dma_wait3A_284 = arith.constant 0 : i32
      %dma_wait3A_285 = arith.constant 0 : i32
      %dma_wait3A_286 = tpu.memref_slice %arg4[%dma_wait3A_284, %dma_wait3A_285] : memref<10000x64xbf16, #tpu.memory_space<hbm>> -> memref<10000x64xbf16, #tpu.memory_space<hbm>>
      %dma_wait3A_287 = tpu.memref_slice %arg11[%dma_wait3A_276] : memref<8x!tpu.dma_semaphore, #tpu.memory_space<semaphore_mem>> -> memref<1x!tpu.dma_semaphore, #tpu.memory_space<semaphore_mem>>
      %dma_wait3A_288 = tpu.memref_squeeze %dma_wait3A_287 : memref<1x!tpu.dma_semaphore, #tpu.memory_space<semaphore_mem>> -> memref<!tpu.dma_semaphore, #tpu.memory_space<semaphore_mem>>
      tpu.wait_indirect_dma semaphore(%dma_wait3A_288 : memref<!tpu.dma_semaphore, #tpu.memory_space<semaphore_mem>>) src(%dma_wait3A_286 : memref<10000x64xbf16, #tpu.memory_space<hbm>>) dst(%dma_wait3A_280 : memref<128x64xbf16, #tpu.memory_space<vmem>>)
      %run_scoped3A_289 = arith.constant 0 : i32
      "tpu.region"() ({
        %run_scoped3A_551 = tpu.sem_alloc : memref<!tpu.dma_semaphore, #tpu.memory_space<semaphore_mem>>
        %dma_start3A_552 = arith.constant 0 : i32
        %dma_start3A_553 = arith.constant 0 : i32
        %dma_start3A_554 = tpu.memref_slice %arg9[%run_scoped3A_289, %dma_start3A_552, %dma_start3A_553] : memref<8x128x64xbf16, #tpu.memory_space<vmem>> -> memref<1x128x64xbf16, #tpu.memory_space<vmem>>
        %dma_start3A_555 = tpu.memref_squeeze %dma_start3A_554 : memref<1x128x64xbf16, #tpu.memory_space<vmem>> -> memref<128x64xbf16, #tpu.memory_space<vmem>>
        %dma_start3A_556 = arith.constant 0 : i32
        %dma_start3A_557 = tpu.memref_slice %arg8[%add3A_274, %dma_start3A_556] : memref<80x128xi32, #tpu.memory_space<vmem>> -> memref<1x128xi32, #tpu.memory_space<vmem>>
        %dma_start3A_558 = tpu.memref_squeeze %dma_start3A_557 : memref<1x128xi32, #tpu.memory_space<vmem>> -> memref<128xi32, #tpu.memory_space<vmem>>
        %dma_start3A_559 = arith.constant 0 : i32
        %dma_start3A_560 = arith.constant 0 : i32
        %dma_start3A_561 = tpu.memref_slice %arg10[%dma_start3A_559, %dma_start3A_560] : memref<10112x64xbf16, #tpu.memory_space<vmem_shared>> -> memref<10112x64xbf16, #tpu.memory_space<vmem_shared>>
        tpu.enqueue_indirect_dma source(%dma_start3A_555 : memref<128x64xbf16, #tpu.memory_space<vmem>>) target(%dma_start3A_561 : memref<10112x64xbf16, #tpu.memory_space<vmem_shared>>) offsets(%dma_start3A_558 : memref<128xi32, #tpu.memory_space<vmem>>) semaphore(%run_scoped3A_551 : memref<!tpu.dma_semaphore, #tpu.memory_space<semaphore_mem>>) {add = true}
        %dma_wait3A_562 = arith.constant 0 : i32
        %dma_wait3A_563 = arith.constant 0 : i32
        %dma_wait3A_564 = tpu.memref_slice %arg9[%run_scoped3A_289, %dma_wait3A_562, %dma_wait3A_563] : memref<8x128x64xbf16, #tpu.memory_space<vmem>> -> memref<1x128x64xbf16, #tpu.memory_space<vmem>>
        %dma_wait3A_565 = tpu.memref_squeeze %dma_wait3A_564 : memref<1x128x64xbf16, #tpu.memory_space<vmem>> -> memref<128x64xbf16, #tpu.memory_space<vmem>>
        %dma_wait3A_566 = arith.constant 0 : i32
        %dma_wait3A_567 = tpu.memref_slice %arg8[%add3A_274, %dma_wait3A_566] : memref<80x128xi32, #tpu.memory_space<vmem>> -> memref<1x128xi32, #tpu.memory_space<vmem>>
        %dma_wait3A_568 = tpu.memref_squeeze %dma_wait3A_567 : memref<1x128xi32, #tpu.memory_space<vmem>> -> memref<128xi32, #tpu.memory_space<vmem>>
        %dma_wait3A_569 = arith.constant 0 : i32
        %dma_wait3A_570 = arith.constant 0 : i32
        %dma_wait3A_571 = tpu.memref_slice %arg10[%dma_wait3A_569, %dma_wait3A_570] : memref<10112x64xbf16, #tpu.memory_space<vmem_shared>> -> memref<10112x64xbf16, #tpu.memory_space<vmem_shared>>
        tpu.wait_indirect_dma semaphore(%run_scoped3A_551 : memref<!tpu.dma_semaphore, #tpu.memory_space<semaphore_mem>>) src(%dma_wait3A_565 : memref<128x64xbf16, #tpu.memory_space<vmem>>) dst(%dma_wait3A_571 : memref<10112x64xbf16, #tpu.memory_space<vmem_shared>>)
        tpu.yield
      }) : () -> ()
      %add3A_290 = arith.constant 8 : i32
      %add3A_291 = arith.addi %add3A_274, %add3A_290 : i32
      %dma_start3A_292 = arith.constant 0 : i32
      %dma_start3A_293 = arith.constant 0 : i32
      %dma_start3A_294 = arith.constant 0 : i32
      %dma_start3A_295 = arith.constant 0 : i32
      %dma_start3A_296 = tpu.memref_slice %arg9[%dma_start3A_292, %dma_start3A_294, %dma_start3A_295] : memref<8x128x64xbf16, #tpu.memory_space<vmem>> -> memref<1x128x64xbf16, #tpu.memory_space<vmem>>
      %dma_start3A_297 = tpu.memref_squeeze %dma_start3A_296 : memref<1x128x64xbf16, #tpu.memory_space<vmem>> -> memref<128x64xbf16, #tpu.memory_space<vmem>>
      %dma_start3A_298 = arith.constant 0 : i32
      %dma_start3A_299 = tpu.memref_slice %arg7[%add3A_291, %dma_start3A_298] : memref<80x128xi32, #tpu.memory_space<vmem>> -> memref<1x128xi32, #tpu.memory_space<vmem>>
      %dma_start3A_300 = tpu.memref_squeeze %dma_start3A_299 : memref<1x128xi32, #tpu.memory_space<vmem>> -> memref<128xi32, #tpu.memory_space<vmem>>
      %dma_start3A_301 = arith.constant 0 : i32
      %dma_start3A_302 = arith.constant 0 : i32
      %dma_start3A_303 = tpu.memref_slice %arg4[%dma_start3A_301, %dma_start3A_302] : memref<10000x64xbf16, #tpu.memory_space<hbm>> -> memref<10000x64xbf16, #tpu.memory_space<hbm>>
      %dma_start3A_304 = tpu.memref_slice %arg11[%dma_start3A_293] : memref<8x!tpu.dma_semaphore, #tpu.memory_space<semaphore_mem>> -> memref<1x!tpu.dma_semaphore, #tpu.memory_space<semaphore_mem>>
      %dma_start3A_305 = tpu.memref_squeeze %dma_start3A_304 : memref<1x!tpu.dma_semaphore, #tpu.memory_space<semaphore_mem>> -> memref<!tpu.dma_semaphore, #tpu.memory_space<semaphore_mem>>
      tpu.enqueue_indirect_dma source(%dma_start3A_303 : memref<10000x64xbf16, #tpu.memory_space<hbm>>) target(%dma_start3A_297 : memref<128x64xbf16, #tpu.memory_space<vmem>>) offsets(%dma_start3A_300 : memref<128xi32, #tpu.memory_space<vmem>>) semaphore(%dma_start3A_305 : memref<!tpu.dma_semaphore, #tpu.memory_space<semaphore_mem>>)
      %mul3A_306 = arith.constant 8 : i32
      %mul3A_307 = arith.muli %scan3A_270, %mul3A_306 : i32
      %add3A_308 = arith.constant 1 : i32
      %add3A_309 = arith.addi %mul3A_307, %add3A_308 : i32
      %dma_wait3A_310 = arith.constant 1 : i32
      %dma_wait3A_311 = arith.constant 1 : i32
      %dma_wait3A_312 = arith.constant 0 : i32
      %dma_wait3A_313 = arith.constant 0 : i32
      %dma_wait3A_314 = tpu.memref_slice %arg9[%dma_wait3A_310, %dma_wait3A_312, %dma_wait3A_313] : memref<8x128x64xbf16, #tpu.memory_space<vmem>> -> memref<1x128x64xbf16, #tpu.memory_space<vmem>>
      %dma_wait3A_315 = tpu.memref_squeeze %dma_wait3A_314 : memref<1x128x64xbf16, #tpu.memory_space<vmem>> -> memref<128x64xbf16, #tpu.memory_space<vmem>>
      %dma_wait3A_316 = arith.constant 0 : i32
      %dma_wait3A_317 = tpu.memref_slice %arg7[%add3A_309, %dma_wait3A_316] : memref<80x128xi32, #tpu.memory_space<vmem>> -> memref<1x128xi32, #tpu.memory_space<vmem>>
      %dma_wait3A_318 = tpu.memref_squeeze %dma_wait3A_317 : memref<1x128xi32, #tpu.memory_space<vmem>> -> memref<128xi32, #tpu.memory_space<vmem>>
      %dma_wait3A_319 = arith.constant 0 : i32
      %dma_wait3A_320 = arith.constant 0 : i32
      %dma_wait3A_321 = tpu.memref_slice %arg4[%dma_wait3A_319, %dma_wait3A_320] : memref<10000x64xbf16, #tpu.memory_space<hbm>> -> memref<10000x64xbf16, #tpu.memory_space<hbm>>
      %dma_wait3A_322 = tpu.memref_slice %arg11[%dma_wait3A_311] : memref<8x!tpu.dma_semaphore, #tpu.memory_space<semaphore_mem>> -> memref<1x!tpu.dma_semaphore, #tpu.memory_space<semaphore_mem>>
      %dma_wait3A_323 = tpu.memref_squeeze %dma_wait3A_322 : memref<1x!tpu.dma_semaphore, #tpu.memory_space<semaphore_mem>> -> memref<!tpu.dma_semaphore, #tpu.memory_space<semaphore_mem>>
      tpu.wait_indirect_dma semaphore(%dma_wait3A_323 : memref<!tpu.dma_semaphore, #tpu.memory_space<semaphore_mem>>) src(%dma_wait3A_321 : memref<10000x64xbf16, #tpu.memory_space<hbm>>) dst(%dma_wait3A_315 : memref<128x64xbf16, #tpu.memory_space<vmem>>)
      %run_scoped3A_324 = arith.constant 1 : i32
      "tpu.region"() ({
        %run_scoped3A_551 = tpu.sem_alloc : memref<!tpu.dma_semaphore, #tpu.memory_space<semaphore_mem>>
        %dma_start3A_552 = arith.constant 0 : i32
        %dma_start3A_553 = arith.constant 0 : i32
        %dma_start3A_554 = tpu.memref_slice %arg9[%run_scoped3A_324, %dma_start3A_552, %dma_start3A_553] : memref<8x128x64xbf16, #tpu.memory_space<vmem>> -> memref<1x128x64xbf16, #tpu.memory_space<vmem>>
        %dma_start3A_555 = tpu.memref_squeeze %dma_start3A_554 : memref<1x128x64xbf16, #tpu.memory_space<vmem>> -> memref<128x64xbf16, #tpu.memory_space<vmem>>
        %dma_start3A_556 = arith.constant 0 : i32
        %dma_start3A_557 = tpu.memref_slice %arg8[%add3A_309, %dma_start3A_556] : memref<80x128xi32, #tpu.memory_space<vmem>> -> memref<1x128xi32, #tpu.memory_space<vmem>>
        %dma_start3A_558 = tpu.memref_squeeze %dma_start3A_557 : memref<1x128xi32, #tpu.memory_space<vmem>> -> memref<128xi32, #tpu.memory_space<vmem>>
        %dma_start3A_559 = arith.constant 0 : i32
        %dma_start3A_560 = arith.constant 0 : i32
        %dma_start3A_561 = tpu.memref_slice %arg10[%dma_start3A_559, %dma_start3A_560] : memref<10112x64xbf16, #tpu.memory_space<vmem_shared>> -> memref<10112x64xbf16, #tpu.memory_space<vmem_shared>>
        tpu.enqueue_indirect_dma source(%dma_start3A_555 : memref<128x64xbf16, #tpu.memory_space<vmem>>) target(%dma_start3A_561 : memref<10112x64xbf16, #tpu.memory_space<vmem_shared>>) offsets(%dma_start3A_558 : memref<128xi32, #tpu.memory_space<vmem>>) semaphore(%run_scoped3A_551 : memref<!tpu.dma_semaphore, #tpu.memory_space<semaphore_mem>>) {add = true}
        %dma_wait3A_562 = arith.constant 0 : i32
        %dma_wait3A_563 = arith.constant 0 : i32
        %dma_wait3A_564 = tpu.memref_slice %arg9[%run_scoped3A_324, %dma_wait3A_562, %dma_wait3A_563] : memref<8x128x64xbf16, #tpu.memory_space<vmem>> -> memref<1x128x64xbf16, #tpu.memory_space<vmem>>
        %dma_wait3A_565 = tpu.memref_squeeze %dma_wait3A_564 : memref<1x128x64xbf16, #tpu.memory_space<vmem>> -> memref<128x64xbf16, #tpu.memory_space<vmem>>
        %dma_wait3A_566 = arith.constant 0 : i32
        %dma_wait3A_567 = tpu.memref_slice %arg8[%add3A_309, %dma_wait3A_566] : memref<80x128xi32, #tpu.memory_space<vmem>> -> memref<1x128xi32, #tpu.memory_space<vmem>>
        %dma_wait3A_568 = tpu.memref_squeeze %dma_wait3A_567 : memref<1x128xi32, #tpu.memory_space<vmem>> -> memref<128xi32, #tpu.memory_space<vmem>>
        %dma_wait3A_569 = arith.constant 0 : i32
        %dma_wait3A_570 = arith.constant 0 : i32
        %dma_wait3A_571 = tpu.memref_slice %arg10[%dma_wait3A_569, %dma_wait3A_570] : memref<10112x64xbf16, #tpu.memory_space<vmem_shared>> -> memref<10112x64xbf16, #tpu.memory_space<vmem_shared>>
        tpu.wait_indirect_dma semaphore(%run_scoped3A_551 : memref<!tpu.dma_semaphore, #tpu.memory_space<semaphore_mem>>) src(%dma_wait3A_565 : memref<128x64xbf16, #tpu.memory_space<vmem>>) dst(%dma_wait3A_571 : memref<10112x64xbf16, #tpu.memory_space<vmem_shared>>)
        tpu.yield
      }) : () -> ()
      %add3A_325 = arith.constant 8 : i32
      %add3A_326 = arith.addi %add3A_309, %add3A_325 : i32
      %dma_start3A_327 = arith.constant 1 : i32
      %dma_start3A_328 = arith.constant 1 : i32
      %dma_start3A_329 = arith.constant 0 : i32
      %dma_start3A_330 = arith.constant 0 : i32
      %dma_start3A_331 = tpu.memref_slice %arg9[%dma_start3A_327, %dma_start3A_329, %dma_start3A_330] : memref<8x128x64xbf16, #tpu.memory_space<vmem>> -> memref<1x128x64xbf16, #tpu.memory_space<vmem>>
      %dma_start3A_332 = tpu.memref_squeeze %dma_start3A_331 : memref<1x128x64xbf16, #tpu.memory_space<vmem>> -> memref<128x64xbf16, #tpu.memory_space<vmem>>
      %dma_start3A_333 = arith.constant 0 : i32
      %dma_start3A_334 = tpu.memref_slice %arg7[%add3A_326, %dma_start3A_333] : memref<80x128xi32, #tpu.memory_space<vmem>> -> memref<1x128xi32, #tpu.memory_space<vmem>>
      %dma_start3A_335 = tpu.memref_squeeze %dma_start3A_334 : memref<1x128xi32, #tpu.memory_space<vmem>> -> memref<128xi32, #tpu.memory_space<vmem>>
      %dma_start3A_336 = arith.constant 0 : i32
      %dma_start3A_337 = arith.constant 0 : i32
      %dma_start3A_338 = tpu.memref_slice %arg4[%dma_start3A_336, %dma_start3A_337] : memref<10000x64xbf16, #tpu.memory_space<hbm>> -> memref<10000x64xbf16, #tpu.memory_space<hbm>>
      %dma_start3A_339 = tpu.memref_slice %arg11[%dma_start3A_328] : memref<8x!tpu.dma_semaphore, #tpu.memory_space<semaphore_mem>> -> memref<1x!tpu.dma_semaphore, #tpu.memory_space<semaphore_mem>>
      %dma_start3A_340 = tpu.memref_squeeze %dma_start3A_339 : memref<1x!tpu.dma_semaphore, #tpu.memory_space<semaphore_mem>> -> memref<!tpu.dma_semaphore, #tpu.memory_space<semaphore_mem>>
      tpu.enqueue_indirect_dma source(%dma_start3A_338 : memref<10000x64xbf16, #tpu.memory_space<hbm>>) target(%dma_start3A_332 : memref<128x64xbf16, #tpu.memory_space<vmem>>) offsets(%dma_start3A_335 : memref<128xi32, #tpu.memory_space<vmem>>) semaphore(%dma_start3A_340 : memref<!tpu.dma_semaphore, #tpu.memory_space<semaphore_mem>>)
      %mul3A_341 = arith.constant 8 : i32
      %mul3A_342 = arith.muli %scan3A_270, %mul3A_341 : i32
      %add3A_343 = arith.constant 2 : i32
      %add3A_344 = arith.addi %mul3A_342, %add3A_343 : i32
      %dma_wait3A_345 = arith.constant 2 : i32
      %dma_wait3A_346 = arith.constant 2 : i32
      %dma_wait3A_347 = arith.constant 0 : i32
      %dma_wait3A_348 = arith.constant 0 : i32
      %dma_wait3A_349 = tpu.memref_slice %arg9[%dma_wait3A_345, %dma_wait3A_347, %dma_wait3A_348] : memref<8x128x64xbf16, #tpu.memory_space<vmem>> -> memref<1x128x64xbf16, #tpu.memory_space<vmem>>
      %dma_wait3A_350 = tpu.memref_squeeze %dma_wait3A_349 : memref<1x128x64xbf16, #tpu.memory_space<vmem>> -> memref<128x64xbf16, #tpu.memory_space<vmem>>
      %dma_wait3A_351 = arith.constant 0 : i32
      %dma_wait3A_352 = tpu.memref_slice %arg7[%add3A_344, %dma_wait3A_351] : memref<80x128xi32, #tpu.memory_space<vmem>> -> memref<1x128xi32, #tpu.memory_space<vmem>>
      %dma_wait3A_353 = tpu.memref_squeeze %dma_wait3A_352 : memref<1x128xi32, #tpu.memory_space<vmem>> -> memref<128xi32, #tpu.memory_space<vmem>>
      %dma_wait3A_354 = arith.constant 0 : i32
      %dma_wait3A_355 = arith.constant 0 : i32
      %dma_wait3A_356 = tpu.memref_slice %arg4[%dma_wait3A_354, %dma_wait3A_355] : memref<10000x64xbf16, #tpu.memory_space<hbm>> -> memref<10000x64xbf16, #tpu.memory_space<hbm>>
      %dma_wait3A_357 = tpu.memref_slice %arg11[%dma_wait3A_346] : memref<8x!tpu.dma_semaphore, #tpu.memory_space<semaphore_mem>> -> memref<1x!tpu.dma_semaphore, #tpu.memory_space<semaphore_mem>>
      %dma_wait3A_358 = tpu.memref_squeeze %dma_wait3A_357 : memref<1x!tpu.dma_semaphore, #tpu.memory_space<semaphore_mem>> -> memref<!tpu.dma_semaphore, #tpu.memory_space<semaphore_mem>>
      tpu.wait_indirect_dma semaphore(%dma_wait3A_358 : memref<!tpu.dma_semaphore, #tpu.memory_space<semaphore_mem>>) src(%dma_wait3A_356 : memref<10000x64xbf16, #tpu.memory_space<hbm>>) dst(%dma_wait3A_350 : memref<128x64xbf16, #tpu.memory_space<vmem>>)
      %run_scoped3A_359 = arith.constant 2 : i32
      "tpu.region"() ({
        %run_scoped3A_551 = tpu.sem_alloc : memref<!tpu.dma_semaphore, #tpu.memory_space<semaphore_mem>>
        %dma_start3A_552 = arith.constant 0 : i32
        %dma_start3A_553 = arith.constant 0 : i32
        %dma_start3A_554 = tpu.memref_slice %arg9[%run_scoped3A_359, %dma_start3A_552, %dma_start3A_553] : memref<8x128x64xbf16, #tpu.memory_space<vmem>> -> memref<1x128x64xbf16, #tpu.memory_space<vmem>>
        %dma_start3A_555 = tpu.memref_squeeze %dma_start3A_554 : memref<1x128x64xbf16, #tpu.memory_space<vmem>> -> memref<128x64xbf16, #tpu.memory_space<vmem>>
        %dma_start3A_556 = arith.constant 0 : i32
        %dma_start3A_557 = tpu.memref_slice %arg8[%add3A_344, %dma_start3A_556] : memref<80x128xi32, #tpu.memory_space<vmem>> -> memref<1x128xi32, #tpu.memory_space<vmem>>
        %dma_start3A_558 = tpu.memref_squeeze %dma_start3A_557 : memref<1x128xi32, #tpu.memory_space<vmem>> -> memref<128xi32, #tpu.memory_space<vmem>>
        %dma_start3A_559 = arith.constant 0 : i32
        %dma_start3A_560 = arith.constant 0 : i32
        %dma_start3A_561 = tpu.memref_slice %arg10[%dma_start3A_559, %dma_start3A_560] : memref<10112x64xbf16, #tpu.memory_space<vmem_shared>> -> memref<10112x64xbf16, #tpu.memory_space<vmem_shared>>
        tpu.enqueue_indirect_dma source(%dma_start3A_555 : memref<128x64xbf16, #tpu.memory_space<vmem>>) target(%dma_start3A_561 : memref<10112x64xbf16, #tpu.memory_space<vmem_shared>>) offsets(%dma_start3A_558 : memref<128xi32, #tpu.memory_space<vmem>>) semaphore(%run_scoped3A_551 : memref<!tpu.dma_semaphore, #tpu.memory_space<semaphore_mem>>) {add = true}
        %dma_wait3A_562 = arith.constant 0 : i32
        %dma_wait3A_563 = arith.constant 0 : i32
        %dma_wait3A_564 = tpu.memref_slice %arg9[%run_scoped3A_359, %dma_wait3A_562, %dma_wait3A_563] : memref<8x128x64xbf16, #tpu.memory_space<vmem>> -> memref<1x128x64xbf16, #tpu.memory_space<vmem>>
        %dma_wait3A_565 = tpu.memref_squeeze %dma_wait3A_564 : memref<1x128x64xbf16, #tpu.memory_space<vmem>> -> memref<128x64xbf16, #tpu.memory_space<vmem>>
        %dma_wait3A_566 = arith.constant 0 : i32
        %dma_wait3A_567 = tpu.memref_slice %arg8[%add3A_344, %dma_wait3A_566] : memref<80x128xi32, #tpu.memory_space<vmem>> -> memref<1x128xi32, #tpu.memory_space<vmem>>
        %dma_wait3A_568 = tpu.memref_squeeze %dma_wait3A_567 : memref<1x128xi32, #tpu.memory_space<vmem>> -> memref<128xi32, #tpu.memory_space<vmem>>
        %dma_wait3A_569 = arith.constant 0 : i32
        %dma_wait3A_570 = arith.constant 0 : i32
        %dma_wait3A_571 = tpu.memref_slice %arg10[%dma_wait3A_569, %dma_wait3A_570] : memref<10112x64xbf16, #tpu.memory_space<vmem_shared>> -> memref<10112x64xbf16, #tpu.memory_space<vmem_shared>>
        tpu.wait_indirect_dma semaphore(%run_scoped3A_551 : memref<!tpu.dma_semaphore, #tpu.memory_space<semaphore_mem>>) src(%dma_wait3A_565 : memref<128x64xbf16, #tpu.memory_space<vmem>>) dst(%dma_wait3A_571 : memref<10112x64xbf16, #tpu.memory_space<vmem_shared>>)
        tpu.yield
      }) : () -> ()
      %add3A_360 = arith.constant 8 : i32
      %add3A_361 = arith.addi %add3A_344, %add3A_360 : i32
      %dma_start3A_362 = arith.constant 2 : i32
      %dma_start3A_363 = arith.constant 2 : i32
      %dma_start3A_364 = arith.constant 0 : i32
      %dma_start3A_365 = arith.constant 0 : i32
      %dma_start3A_366 = tpu.memref_slice %arg9[%dma_start3A_362, %dma_start3A_364, %dma_start3A_365] : memref<8x128x64xbf16, #tpu.memory_space<vmem>> -> memref<1x128x64xbf16, #tpu.memory_space<vmem>>
      %dma_start3A_367 = tpu.memref_squeeze %dma_start3A_366 : memref<1x128x64xbf16, #tpu.memory_space<vmem>> -> memref<128x64xbf16, #tpu.memory_space<vmem>>
      %dma_start3A_368 = arith.constant 0 : i32
      %dma_start3A_369 = tpu.memref_slice %arg7[%add3A_361, %dma_start3A_368] : memref<80x128xi32, #tpu.memory_space<vmem>> -> memref<1x128xi32, #tpu.memory_space<vmem>>
      %dma_start3A_370 = tpu.memref_squeeze %dma_start3A_369 : memref<1x128xi32, #tpu.memory_space<vmem>> -> memref<128xi32, #tpu.memory_space<vmem>>
      %dma_start3A_371 = arith.constant 0 : i32
      %dma_start3A_372 = arith.constant 0 : i32
      %dma_start3A_373 = tpu.memref_slice %arg4[%dma_start3A_371, %dma_start3A_372] : memref<10000x64xbf16, #tpu.memory_space<hbm>> -> memref<10000x64xbf16, #tpu.memory_space<hbm>>
      %dma_start3A_374 = tpu.memref_slice %arg11[%dma_start3A_363] : memref<8x!tpu.dma_semaphore, #tpu.memory_space<semaphore_mem>> -> memref<1x!tpu.dma_semaphore, #tpu.memory_space<semaphore_mem>>
      %dma_start3A_375 = tpu.memref_squeeze %dma_start3A_374 : memref<1x!tpu.dma_semaphore, #tpu.memory_space<semaphore_mem>> -> memref<!tpu.dma_semaphore, #tpu.memory_space<semaphore_mem>>
      tpu.enqueue_indirect_dma source(%dma_start3A_373 : memref<10000x64xbf16, #tpu.memory_space<hbm>>) target(%dma_start3A_367 : memref<128x64xbf16, #tpu.memory_space<vmem>>) offsets(%dma_start3A_370 : memref<128xi32, #tpu.memory_space<vmem>>) semaphore(%dma_start3A_375 : memref<!tpu.dma_semaphore, #tpu.memory_space<semaphore_mem>>)
      %mul3A_376 = arith.constant 8 : i32
      %mul3A_377 = arith.muli %scan3A_270, %mul3A_376 : i32
      %add3A_378 = arith.constant 3 : i32
      %add3A_379 = arith.addi %mul3A_377, %add3A_378 : i32
      %dma_wait3A_380 = arith.constant 3 : i32
      %dma_wait3A_381 = arith.constant 3 : i32
      %dma_wait3A_382 = arith.constant 0 : i32
      %dma_wait3A_383 = arith.constant 0 : i32
      %dma_wait3A_384 = tpu.memref_slice %arg9[%dma_wait3A_380, %dma_wait3A_382, %dma_wait3A_383] : memref<8x128x64xbf16, #tpu.memory_space<vmem>> -> memref<1x128x64xbf16, #tpu.memory_space<vmem>>
      %dma_wait3A_385 = tpu.memref_squeeze %dma_wait3A_384 : memref<1x128x64xbf16, #tpu.memory_space<vmem>> -> memref<128x64xbf16, #tpu.memory_space<vmem>>
      %dma_wait3A_386 = arith.constant 0 : i32
      %dma_wait3A_387 = tpu.memref_slice %arg7[%add3A_379, %dma_wait3A_386] : memref<80x128xi32, #tpu.memory_space<vmem>> -> memref<1x128xi32, #tpu.memory_space<vmem>>
      %dma_wait3A_388 = tpu.memref_squeeze %dma_wait3A_387 : memref<1x128xi32, #tpu.memory_space<vmem>> -> memref<128xi32, #tpu.memory_space<vmem>>
      %dma_wait3A_389 = arith.constant 0 : i32
      %dma_wait3A_390 = arith.constant 0 : i32
      %dma_wait3A_391 = tpu.memref_slice %arg4[%dma_wait3A_389, %dma_wait3A_390] : memref<10000x64xbf16, #tpu.memory_space<hbm>> -> memref<10000x64xbf16, #tpu.memory_space<hbm>>
      %dma_wait3A_392 = tpu.memref_slice %arg11[%dma_wait3A_381] : memref<8x!tpu.dma_semaphore, #tpu.memory_space<semaphore_mem>> -> memref<1x!tpu.dma_semaphore, #tpu.memory_space<semaphore_mem>>
      %dma_wait3A_393 = tpu.memref_squeeze %dma_wait3A_392 : memref<1x!tpu.dma_semaphore, #tpu.memory_space<semaphore_mem>> -> memref<!tpu.dma_semaphore, #tpu.memory_space<semaphore_mem>>
      tpu.wait_indirect_dma semaphore(%dma_wait3A_393 : memref<!tpu.dma_semaphore, #tpu.memory_space<semaphore_mem>>) src(%dma_wait3A_391 : memref<10000x64xbf16, #tpu.memory_space<hbm>>) dst(%dma_wait3A_385 : memref<128x64xbf16, #tpu.memory_space<vmem>>)
      %run_scoped3A_394 = arith.constant 3 : i32
      "tpu.region"() ({
        %run_scoped3A_551 = tpu.sem_alloc : memref<!tpu.dma_semaphore, #tpu.memory_space<semaphore_mem>>
        %dma_start3A_552 = arith.constant 0 : i32
        %dma_start3A_553 = arith.constant 0 : i32
        %dma_start3A_554 = tpu.memref_slice %arg9[%run_scoped3A_394, %dma_start3A_552, %dma_start3A_553] : memref<8x128x64xbf16, #tpu.memory_space<vmem>> -> memref<1x128x64xbf16, #tpu.memory_space<vmem>>
        %dma_start3A_555 = tpu.memref_squeeze %dma_start3A_554 : memref<1x128x64xbf16, #tpu.memory_space<vmem>> -> memref<128x64xbf16, #tpu.memory_space<vmem>>
        %dma_start3A_556 = arith.constant 0 : i32
        %dma_start3A_557 = tpu.memref_slice %arg8[%add3A_379, %dma_start3A_556] : memref<80x128xi32, #tpu.memory_space<vmem>> -> memref<1x128xi32, #tpu.memory_space<vmem>>
        %dma_start3A_558 = tpu.memref_squeeze %dma_start3A_557 : memref<1x128xi32, #tpu.memory_space<vmem>> -> memref<128xi32, #tpu.memory_space<vmem>>
        %dma_start3A_559 = arith.constant 0 : i32
        %dma_start3A_560 = arith.constant 0 : i32
        %dma_start3A_561 = tpu.memref_slice %arg10[%dma_start3A_559, %dma_start3A_560] : memref<10112x64xbf16, #tpu.memory_space<vmem_shared>> -> memref<10112x64xbf16, #tpu.memory_space<vmem_shared>>
        tpu.enqueue_indirect_dma source(%dma_start3A_555 : memref<128x64xbf16, #tpu.memory_space<vmem>>) target(%dma_start3A_561 : memref<10112x64xbf16, #tpu.memory_space<vmem_shared>>) offsets(%dma_start3A_558 : memref<128xi32, #tpu.memory_space<vmem>>) semaphore(%run_scoped3A_551 : memref<!tpu.dma_semaphore, #tpu.memory_space<semaphore_mem>>) {add = true}
        %dma_wait3A_562 = arith.constant 0 : i32
        %dma_wait3A_563 = arith.constant 0 : i32
        %dma_wait3A_564 = tpu.memref_slice %arg9[%run_scoped3A_394, %dma_wait3A_562, %dma_wait3A_563] : memref<8x128x64xbf16, #tpu.memory_space<vmem>> -> memref<1x128x64xbf16, #tpu.memory_space<vmem>>
        %dma_wait3A_565 = tpu.memref_squeeze %dma_wait3A_564 : memref<1x128x64xbf16, #tpu.memory_space<vmem>> -> memref<128x64xbf16, #tpu.memory_space<vmem>>
        %dma_wait3A_566 = arith.constant 0 : i32
        %dma_wait3A_567 = tpu.memref_slice %arg8[%add3A_379, %dma_wait3A_566] : memref<80x128xi32, #tpu.memory_space<vmem>> -> memref<1x128xi32, #tpu.memory_space<vmem>>
        %dma_wait3A_568 = tpu.memref_squeeze %dma_wait3A_567 : memref<1x128xi32, #tpu.memory_space<vmem>> -> memref<128xi32, #tpu.memory_space<vmem>>
        %dma_wait3A_569 = arith.constant 0 : i32
        %dma_wait3A_570 = arith.constant 0 : i32
        %dma_wait3A_571 = tpu.memref_slice %arg10[%dma_wait3A_569, %dma_wait3A_570] : memref<10112x64xbf16, #tpu.memory_space<vmem_shared>> -> memref<10112x64xbf16, #tpu.memory_space<vmem_shared>>
        tpu.wait_indirect_dma semaphore(%run_scoped3A_551 : memref<!tpu.dma_semaphore, #tpu.memory_space<semaphore_mem>>) src(%dma_wait3A_565 : memref<128x64xbf16, #tpu.memory_space<vmem>>) dst(%dma_wait3A_571 : memref<10112x64xbf16, #tpu.memory_space<vmem_shared>>)
        tpu.yield
      }) : () -> ()
      %add3A_395 = arith.constant 8 : i32
      %add3A_396 = arith.addi %add3A_379, %add3A_395 : i32
      %dma_start3A_397 = arith.constant 3 : i32
      %dma_start3A_398 = arith.constant 3 : i32
      %dma_start3A_399 = arith.constant 0 : i32
      %dma_start3A_400 = arith.constant 0 : i32
      %dma_start3A_401 = tpu.memref_slice %arg9[%dma_start3A_397, %dma_start3A_399, %dma_start3A_400] : memref<8x128x64xbf16, #tpu.memory_space<vmem>> -> memref<1x128x64xbf16, #tpu.memory_space<vmem>>
      %dma_start3A_402 = tpu.memref_squeeze %dma_start3A_401 : memref<1x128x64xbf16, #tpu.memory_space<vmem>> -> memref<128x64xbf16, #tpu.memory_space<vmem>>
      %dma_start3A_403 = arith.constant 0 : i32
      %dma_start3A_404 = tpu.memref_slice %arg7[%add3A_396, %dma_start3A_403] : memref<80x128xi32, #tpu.memory_space<vmem>> -> memref<1x128xi32, #tpu.memory_space<vmem>>
      %dma_start3A_405 = tpu.memref_squeeze %dma_start3A_404 : memref<1x128xi32, #tpu.memory_space<vmem>> -> memref<128xi32, #tpu.memory_space<vmem>>
      %dma_start3A_406 = arith.constant 0 : i32
      %dma_start3A_407 = arith.constant 0 : i32
      %dma_start3A_408 = tpu.memref_slice %arg4[%dma_start3A_406, %dma_start3A_407] : memref<10000x64xbf16, #tpu.memory_space<hbm>> -> memref<10000x64xbf16, #tpu.memory_space<hbm>>
      %dma_start3A_409 = tpu.memref_slice %arg11[%dma_start3A_398] : memref<8x!tpu.dma_semaphore, #tpu.memory_space<semaphore_mem>> -> memref<1x!tpu.dma_semaphore, #tpu.memory_space<semaphore_mem>>
      %dma_start3A_410 = tpu.memref_squeeze %dma_start3A_409 : memref<1x!tpu.dma_semaphore, #tpu.memory_space<semaphore_mem>> -> memref<!tpu.dma_semaphore, #tpu.memory_space<semaphore_mem>>
      tpu.enqueue_indirect_dma source(%dma_start3A_408 : memref<10000x64xbf16, #tpu.memory_space<hbm>>) target(%dma_start3A_402 : memref<128x64xbf16, #tpu.memory_space<vmem>>) offsets(%dma_start3A_405 : memref<128xi32, #tpu.memory_space<vmem>>) semaphore(%dma_start3A_410 : memref<!tpu.dma_semaphore, #tpu.memory_space<semaphore_mem>>)
      %mul3A_411 = arith.constant 8 : i32
      %mul3A_412 = arith.muli %scan3A_270, %mul3A_411 : i32
      %add3A_413 = arith.constant 4 : i32
      %add3A_414 = arith.addi %mul3A_412, %add3A_413 : i32
      %dma_wait3A_415 = arith.constant 4 : i32
      %dma_wait3A_416 = arith.constant 4 : i32
      %dma_wait3A_417 = arith.constant 0 : i32
      %dma_wait3A_418 = arith.constant 0 : i32
      %dma_wait3A_419 = tpu.memref_slice %arg9[%dma_wait3A_415, %dma_wait3A_417, %dma_wait3A_418] : memref<8x128x64xbf16, #tpu.memory_space<vmem>> -> memref<1x128x64xbf16, #tpu.memory_space<vmem>>
      %dma_wait3A_420 = tpu.memref_squeeze %dma_wait3A_419 : memref<1x128x64xbf16, #tpu.memory_space<vmem>> -> memref<128x64xbf16, #tpu.memory_space<vmem>>
      %dma_wait3A_421 = arith.constant 0 : i32
      %dma_wait3A_422 = tpu.memref_slice %arg7[%add3A_414, %dma_wait3A_421] : memref<80x128xi32, #tpu.memory_space<vmem>> -> memref<1x128xi32, #tpu.memory_space<vmem>>
      %dma_wait3A_423 = tpu.memref_squeeze %dma_wait3A_422 : memref<1x128xi32, #tpu.memory_space<vmem>> -> memref<128xi32, #tpu.memory_space<vmem>>
      %dma_wait3A_424 = arith.constant 0 : i32
      %dma_wait3A_425 = arith.constant 0 : i32
      %dma_wait3A_426 = tpu.memref_slice %arg4[%dma_wait3A_424, %dma_wait3A_425] : memref<10000x64xbf16, #tpu.memory_space<hbm>> -> memref<10000x64xbf16, #tpu.memory_space<hbm>>
      %dma_wait3A_427 = tpu.memref_slice %arg11[%dma_wait3A_416] : memref<8x!tpu.dma_semaphore, #tpu.memory_space<semaphore_mem>> -> memref<1x!tpu.dma_semaphore, #tpu.memory_space<semaphore_mem>>
      %dma_wait3A_428 = tpu.memref_squeeze %dma_wait3A_427 : memref<1x!tpu.dma_semaphore, #tpu.memory_space<semaphore_mem>> -> memref<!tpu.dma_semaphore, #tpu.memory_space<semaphore_mem>>
      tpu.wait_indirect_dma semaphore(%dma_wait3A_428 : memref<!tpu.dma_semaphore, #tpu.memory_space<semaphore_mem>>) src(%dma_wait3A_426 : memref<10000x64xbf16, #tpu.memory_space<hbm>>) dst(%dma_wait3A_420 : memref<128x64xbf16, #tpu.memory_space<vmem>>)
      %run_scoped3A_429 = arith.constant 4 : i32
      "tpu.region"() ({
        %run_scoped3A_551 = tpu.sem_alloc : memref<!tpu.dma_semaphore, #tpu.memory_space<semaphore_mem>>
        %dma_start3A_552 = arith.constant 0 : i32
        %dma_start3A_553 = arith.constant 0 : i32
        %dma_start3A_554 = tpu.memref_slice %arg9[%run_scoped3A_429, %dma_start3A_552, %dma_start3A_553] : memref<8x128x64xbf16, #tpu.memory_space<vmem>> -> memref<1x128x64xbf16, #tpu.memory_space<vmem>>
        %dma_start3A_555 = tpu.memref_squeeze %dma_start3A_554 : memref<1x128x64xbf16, #tpu.memory_space<vmem>> -> memref<128x64xbf16, #tpu.memory_space<vmem>>
        %dma_start3A_556 = arith.constant 0 : i32
        %dma_start3A_557 = tpu.memref_slice %arg8[%add3A_414, %dma_start3A_556] : memref<80x128xi32, #tpu.memory_space<vmem>> -> memref<1x128xi32, #tpu.memory_space<vmem>>
        %dma_start3A_558 = tpu.memref_squeeze %dma_start3A_557 : memref<1x128xi32, #tpu.memory_space<vmem>> -> memref<128xi32, #tpu.memory_space<vmem>>
        %dma_start3A_559 = arith.constant 0 : i32
        %dma_start3A_560 = arith.constant 0 : i32
        %dma_start3A_561 = tpu.memref_slice %arg10[%dma_start3A_559, %dma_start3A_560] : memref<10112x64xbf16, #tpu.memory_space<vmem_shared>> -> memref<10112x64xbf16, #tpu.memory_space<vmem_shared>>
        tpu.enqueue_indirect_dma source(%dma_start3A_555 : memref<128x64xbf16, #tpu.memory_space<vmem>>) target(%dma_start3A_561 : memref<10112x64xbf16, #tpu.memory_space<vmem_shared>>) offsets(%dma_start3A_558 : memref<128xi32, #tpu.memory_space<vmem>>) semaphore(%run_scoped3A_551 : memref<!tpu.dma_semaphore, #tpu.memory_space<semaphore_mem>>) {add = true}
        %dma_wait3A_562 = arith.constant 0 : i32
        %dma_wait3A_563 = arith.constant 0 : i32
        %dma_wait3A_564 = tpu.memref_slice %arg9[%run_scoped3A_429, %dma_wait3A_562, %dma_wait3A_563] : memref<8x128x64xbf16, #tpu.memory_space<vmem>> -> memref<1x128x64xbf16, #tpu.memory_space<vmem>>
        %dma_wait3A_565 = tpu.memref_squeeze %dma_wait3A_564 : memref<1x128x64xbf16, #tpu.memory_space<vmem>> -> memref<128x64xbf16, #tpu.memory_space<vmem>>
        %dma_wait3A_566 = arith.constant 0 : i32
        %dma_wait3A_567 = tpu.memref_slice %arg8[%add3A_414, %dma_wait3A_566] : memref<80x128xi32, #tpu.memory_space<vmem>> -> memref<1x128xi32, #tpu.memory_space<vmem>>
        %dma_wait3A_568 = tpu.memref_squeeze %dma_wait3A_567 : memref<1x128xi32, #tpu.memory_space<vmem>> -> memref<128xi32, #tpu.memory_space<vmem>>
        %dma_wait3A_569 = arith.constant 0 : i32
        %dma_wait3A_570 = arith.constant 0 : i32
        %dma_wait3A_571 = tpu.memref_slice %arg10[%dma_wait3A_569, %dma_wait3A_570] : memref<10112x64xbf16, #tpu.memory_space<vmem_shared>> -> memref<10112x64xbf16, #tpu.memory_space<vmem_shared>>
        tpu.wait_indirect_dma semaphore(%run_scoped3A_551 : memref<!tpu.dma_semaphore, #tpu.memory_space<semaphore_mem>>) src(%dma_wait3A_565 : memref<128x64xbf16, #tpu.memory_space<vmem>>) dst(%dma_wait3A_571 : memref<10112x64xbf16, #tpu.memory_space<vmem_shared>>)
        tpu.yield
      }) : () -> ()
      %add3A_430 = arith.constant 8 : i32
      %add3A_431 = arith.addi %add3A_414, %add3A_430 : i32
      %dma_start3A_432 = arith.constant 4 : i32
      %dma_start3A_433 = arith.constant 4 : i32
      %dma_start3A_434 = arith.constant 0 : i32
      %dma_start3A_435 = arith.constant 0 : i32
      %dma_start3A_436 = tpu.memref_slice %arg9[%dma_start3A_432, %dma_start3A_434, %dma_start3A_435] : memref<8x128x64xbf16, #tpu.memory_space<vmem>> -> memref<1x128x64xbf16, #tpu.memory_space<vmem>>
      %dma_start3A_437 = tpu.memref_squeeze %dma_start3A_436 : memref<1x128x64xbf16, #tpu.memory_space<vmem>> -> memref<128x64xbf16, #tpu.memory_space<vmem>>
      %dma_start3A_438 = arith.constant 0 : i32
      %dma_start3A_439 = tpu.memref_slice %arg7[%add3A_431, %dma_start3A_438] : memref<80x128xi32, #tpu.memory_space<vmem>> -> memref<1x128xi32, #tpu.memory_space<vmem>>
      %dma_start3A_440 = tpu.memref_squeeze %dma_start3A_439 : memref<1x128xi32, #tpu.memory_space<vmem>> -> memref<128xi32, #tpu.memory_space<vmem>>
      %dma_start3A_441 = arith.constant 0 : i32
      %dma_start3A_442 = arith.constant 0 : i32
      %dma_start3A_443 = tpu.memref_slice %arg4[%dma_start3A_441, %dma_start3A_442] : memref<10000x64xbf16, #tpu.memory_space<hbm>> -> memref<10000x64xbf16, #tpu.memory_space<hbm>>
      %dma_start3A_444 = tpu.memref_slice %arg11[%dma_start3A_433] : memref<8x!tpu.dma_semaphore, #tpu.memory_space<semaphore_mem>> -> memref<1x!tpu.dma_semaphore, #tpu.memory_space<semaphore_mem>>
      %dma_start3A_445 = tpu.memref_squeeze %dma_start3A_444 : memref<1x!tpu.dma_semaphore, #tpu.memory_space<semaphore_mem>> -> memref<!tpu.dma_semaphore, #tpu.memory_space<semaphore_mem>>
      tpu.enqueue_indirect_dma source(%dma_start3A_443 : memref<10000x64xbf16, #tpu.memory_space<hbm>>) target(%dma_start3A_437 : memref<128x64xbf16, #tpu.memory_space<vmem>>) offsets(%dma_start3A_440 : memref<128xi32, #tpu.memory_space<vmem>>) semaphore(%dma_start3A_445 : memref<!tpu.dma_semaphore, #tpu.memory_space<semaphore_mem>>)
      %mul3A_446 = arith.constant 8 : i32
      %mul3A_447 = arith.muli %scan3A_270, %mul3A_446 : i32
      %add3A_448 = arith.constant 5 : i32
      %add3A_449 = arith.addi %mul3A_447, %add3A_448 : i32
      %dma_wait3A_450 = arith.constant 5 : i32
      %dma_wait3A_451 = arith.constant 5 : i32
      %dma_wait3A_452 = arith.constant 0 : i32
      %dma_wait3A_453 = arith.constant 0 : i32
      %dma_wait3A_454 = tpu.memref_slice %arg9[%dma_wait3A_450, %dma_wait3A_452, %dma_wait3A_453] : memref<8x128x64xbf16, #tpu.memory_space<vmem>> -> memref<1x128x64xbf16, #tpu.memory_space<vmem>>
      %dma_wait3A_455 = tpu.memref_squeeze %dma_wait3A_454 : memref<1x128x64xbf16, #tpu.memory_space<vmem>> -> memref<128x64xbf16, #tpu.memory_space<vmem>>
      %dma_wait3A_456 = arith.constant 0 : i32
      %dma_wait3A_457 = tpu.memref_slice %arg7[%add3A_449, %dma_wait3A_456] : memref<80x128xi32, #tpu.memory_space<vmem>> -> memref<1x128xi32, #tpu.memory_space<vmem>>
      %dma_wait3A_458 = tpu.memref_squeeze %dma_wait3A_457 : memref<1x128xi32, #tpu.memory_space<vmem>> -> memref<128xi32, #tpu.memory_space<vmem>>
      %dma_wait3A_459 = arith.constant 0 : i32
      %dma_wait3A_460 = arith.constant 0 : i32
      %dma_wait3A_461 = tpu.memref_slice %arg4[%dma_wait3A_459, %dma_wait3A_460] : memref<10000x64xbf16, #tpu.memory_space<hbm>> -> memref<10000x64xbf16, #tpu.memory_space<hbm>>
      %dma_wait3A_462 = tpu.memref_slice %arg11[%dma_wait3A_451] : memref<8x!tpu.dma_semaphore, #tpu.memory_space<semaphore_mem>> -> memref<1x!tpu.dma_semaphore, #tpu.memory_space<semaphore_mem>>
      %dma_wait3A_463 = tpu.memref_squeeze %dma_wait3A_462 : memref<1x!tpu.dma_semaphore, #tpu.memory_space<semaphore_mem>> -> memref<!tpu.dma_semaphore, #tpu.memory_space<semaphore_mem>>
      tpu.wait_indirect_dma semaphore(%dma_wait3A_463 : memref<!tpu.dma_semaphore, #tpu.memory_space<semaphore_mem>>) src(%dma_wait3A_461 : memref<10000x64xbf16, #tpu.memory_space<hbm>>) dst(%dma_wait3A_455 : memref<128x64xbf16, #tpu.memory_space<vmem>>)
      %run_scoped3A_464 = arith.constant 5 : i32
      "tpu.region"() ({
        %run_scoped3A_551 = tpu.sem_alloc : memref<!tpu.dma_semaphore, #tpu.memory_space<semaphore_mem>>
        %dma_start3A_552 = arith.constant 0 : i32
        %dma_start3A_553 = arith.constant 0 : i32
        %dma_start3A_554 = tpu.memref_slice %arg9[%run_scoped3A_464, %dma_start3A_552, %dma_start3A_553] : memref<8x128x64xbf16, #tpu.memory_space<vmem>> -> memref<1x128x64xbf16, #tpu.memory_space<vmem>>
        %dma_start3A_555 = tpu.memref_squeeze %dma_start3A_554 : memref<1x128x64xbf16, #tpu.memory_space<vmem>> -> memref<128x64xbf16, #tpu.memory_space<vmem>>
        %dma_start3A_556 = arith.constant 0 : i32
        %dma_start3A_557 = tpu.memref_slice %arg8[%add3A_449, %dma_start3A_556] : memref<80x128xi32, #tpu.memory_space<vmem>> -> memref<1x128xi32, #tpu.memory_space<vmem>>
        %dma_start3A_558 = tpu.memref_squeeze %dma_start3A_557 : memref<1x128xi32, #tpu.memory_space<vmem>> -> memref<128xi32, #tpu.memory_space<vmem>>
        %dma_start3A_559 = arith.constant 0 : i32
        %dma_start3A_560 = arith.constant 0 : i32
        %dma_start3A_561 = tpu.memref_slice %arg10[%dma_start3A_559, %dma_start3A_560] : memref<10112x64xbf16, #tpu.memory_space<vmem_shared>> -> memref<10112x64xbf16, #tpu.memory_space<vmem_shared>>
        tpu.enqueue_indirect_dma source(%dma_start3A_555 : memref<128x64xbf16, #tpu.memory_space<vmem>>) target(%dma_start3A_561 : memref<10112x64xbf16, #tpu.memory_space<vmem_shared>>) offsets(%dma_start3A_558 : memref<128xi32, #tpu.memory_space<vmem>>) semaphore(%run_scoped3A_551 : memref<!tpu.dma_semaphore, #tpu.memory_space<semaphore_mem>>) {add = true}
        %dma_wait3A_562 = arith.constant 0 : i32
        %dma_wait3A_563 = arith.constant 0 : i32
        %dma_wait3A_564 = tpu.memref_slice %arg9[%run_scoped3A_464, %dma_wait3A_562, %dma_wait3A_563] : memref<8x128x64xbf16, #tpu.memory_space<vmem>> -> memref<1x128x64xbf16, #tpu.memory_space<vmem>>
        %dma_wait3A_565 = tpu.memref_squeeze %dma_wait3A_564 : memref<1x128x64xbf16, #tpu.memory_space<vmem>> -> memref<128x64xbf16, #tpu.memory_space<vmem>>
        %dma_wait3A_566 = arith.constant 0 : i32
        %dma_wait3A_567 = tpu.memref_slice %arg8[%add3A_449, %dma_wait3A_566] : memref<80x128xi32, #tpu.memory_space<vmem>> -> memref<1x128xi32, #tpu.memory_space<vmem>>
        %dma_wait3A_568 = tpu.memref_squeeze %dma_wait3A_567 : memref<1x128xi32, #tpu.memory_space<vmem>> -> memref<128xi32, #tpu.memory_space<vmem>>
        %dma_wait3A_569 = arith.constant 0 : i32
        %dma_wait3A_570 = arith.constant 0 : i32
        %dma_wait3A_571 = tpu.memref_slice %arg10[%dma_wait3A_569, %dma_wait3A_570] : memref<10112x64xbf16, #tpu.memory_space<vmem_shared>> -> memref<10112x64xbf16, #tpu.memory_space<vmem_shared>>
        tpu.wait_indirect_dma semaphore(%run_scoped3A_551 : memref<!tpu.dma_semaphore, #tpu.memory_space<semaphore_mem>>) src(%dma_wait3A_565 : memref<128x64xbf16, #tpu.memory_space<vmem>>) dst(%dma_wait3A_571 : memref<10112x64xbf16, #tpu.memory_space<vmem_shared>>)
        tpu.yield
      }) : () -> ()
      %add3A_465 = arith.constant 8 : i32
      %add3A_466 = arith.addi %add3A_449, %add3A_465 : i32
      %dma_start3A_467 = arith.constant 5 : i32
      %dma_start3A_468 = arith.constant 5 : i32
      %dma_start3A_469 = arith.constant 0 : i32
      %dma_start3A_470 = arith.constant 0 : i32
      %dma_start3A_471 = tpu.memref_slice %arg9[%dma_start3A_467, %dma_start3A_469, %dma_start3A_470] : memref<8x128x64xbf16, #tpu.memory_space<vmem>> -> memref<1x128x64xbf16, #tpu.memory_space<vmem>>
      %dma_start3A_472 = tpu.memref_squeeze %dma_start3A_471 : memref<1x128x64xbf16, #tpu.memory_space<vmem>> -> memref<128x64xbf16, #tpu.memory_space<vmem>>
      %dma_start3A_473 = arith.constant 0 : i32
      %dma_start3A_474 = tpu.memref_slice %arg7[%add3A_466, %dma_start3A_473] : memref<80x128xi32, #tpu.memory_space<vmem>> -> memref<1x128xi32, #tpu.memory_space<vmem>>
      %dma_start3A_475 = tpu.memref_squeeze %dma_start3A_474 : memref<1x128xi32, #tpu.memory_space<vmem>> -> memref<128xi32, #tpu.memory_space<vmem>>
      %dma_start3A_476 = arith.constant 0 : i32
      %dma_start3A_477 = arith.constant 0 : i32
      %dma_start3A_478 = tpu.memref_slice %arg4[%dma_start3A_476, %dma_start3A_477] : memref<10000x64xbf16, #tpu.memory_space<hbm>> -> memref<10000x64xbf16, #tpu.memory_space<hbm>>
      %dma_start3A_479 = tpu.memref_slice %arg11[%dma_start3A_468] : memref<8x!tpu.dma_semaphore, #tpu.memory_space<semaphore_mem>> -> memref<1x!tpu.dma_semaphore, #tpu.memory_space<semaphore_mem>>
      %dma_start3A_480 = tpu.memref_squeeze %dma_start3A_479 : memref<1x!tpu.dma_semaphore, #tpu.memory_space<semaphore_mem>> -> memref<!tpu.dma_semaphore, #tpu.memory_space<semaphore_mem>>
      tpu.enqueue_indirect_dma source(%dma_start3A_478 : memref<10000x64xbf16, #tpu.memory_space<hbm>>) target(%dma_start3A_472 : memref<128x64xbf16, #tpu.memory_space<vmem>>) offsets(%dma_start3A_475 : memref<128xi32, #tpu.memory_space<vmem>>) semaphore(%dma_start3A_480 : memref<!tpu.dma_semaphore, #tpu.memory_space<semaphore_mem>>)
      %mul3A_481 = arith.constant 8 : i32
      %mul3A_482 = arith.muli %scan3A_270, %mul3A_481 : i32
      %add3A_483 = arith.constant 6 : i32
      %add3A_484 = arith.addi %mul3A_482, %add3A_483 : i32
      %dma_wait3A_485 = arith.constant 6 : i32
      %dma_wait3A_486 = arith.constant 6 : i32
      %dma_wait3A_487 = arith.constant 0 : i32
      %dma_wait3A_488 = arith.constant 0 : i32
      %dma_wait3A_489 = tpu.memref_slice %arg9[%dma_wait3A_485, %dma_wait3A_487, %dma_wait3A_488] : memref<8x128x64xbf16, #tpu.memory_space<vmem>> -> memref<1x128x64xbf16, #tpu.memory_space<vmem>>
      %dma_wait3A_490 = tpu.memref_squeeze %dma_wait3A_489 : memref<1x128x64xbf16, #tpu.memory_space<vmem>> -> memref<128x64xbf16, #tpu.memory_space<vmem>>
      %dma_wait3A_491 = arith.constant 0 : i32
      %dma_wait3A_492 = tpu.memref_slice %arg7[%add3A_484, %dma_wait3A_491] : memref<80x128xi32, #tpu.memory_space<vmem>> -> memref<1x128xi32, #tpu.memory_space<vmem>>
      %dma_wait3A_493 = tpu.memref_squeeze %dma_wait3A_492 : memref<1x128xi32, #tpu.memory_space<vmem>> -> memref<128xi32, #tpu.memory_space<vmem>>
      %dma_wait3A_494 = arith.constant 0 : i32
      %dma_wait3A_495 = arith.constant 0 : i32
      %dma_wait3A_496 = tpu.memref_slice %arg4[%dma_wait3A_494, %dma_wait3A_495] : memref<10000x64xbf16, #tpu.memory_space<hbm>> -> memref<10000x64xbf16, #tpu.memory_space<hbm>>
      %dma_wait3A_497 = tpu.memref_slice %arg11[%dma_wait3A_486] : memref<8x!tpu.dma_semaphore, #tpu.memory_space<semaphore_mem>> -> memref<1x!tpu.dma_semaphore, #tpu.memory_space<semaphore_mem>>
      %dma_wait3A_498 = tpu.memref_squeeze %dma_wait3A_497 : memref<1x!tpu.dma_semaphore, #tpu.memory_space<semaphore_mem>> -> memref<!tpu.dma_semaphore, #tpu.memory_space<semaphore_mem>>
      tpu.wait_indirect_dma semaphore(%dma_wait3A_498 : memref<!tpu.dma_semaphore, #tpu.memory_space<semaphore_mem>>) src(%dma_wait3A_496 : memref<10000x64xbf16, #tpu.memory_space<hbm>>) dst(%dma_wait3A_490 : memref<128x64xbf16, #tpu.memory_space<vmem>>)
      %run_scoped3A_499 = arith.constant 6 : i32
      "tpu.region"() ({
        %run_scoped3A_551 = tpu.sem_alloc : memref<!tpu.dma_semaphore, #tpu.memory_space<semaphore_mem>>
        %dma_start3A_552 = arith.constant 0 : i32
        %dma_start3A_553 = arith.constant 0 : i32
        %dma_start3A_554 = tpu.memref_slice %arg9[%run_scoped3A_499, %dma_start3A_552, %dma_start3A_553] : memref<8x128x64xbf16, #tpu.memory_space<vmem>> -> memref<1x128x64xbf16, #tpu.memory_space<vmem>>
        %dma_start3A_555 = tpu.memref_squeeze %dma_start3A_554 : memref<1x128x64xbf16, #tpu.memory_space<vmem>> -> memref<128x64xbf16, #tpu.memory_space<vmem>>
        %dma_start3A_556 = arith.constant 0 : i32
        %dma_start3A_557 = tpu.memref_slice %arg8[%add3A_484, %dma_start3A_556] : memref<80x128xi32, #tpu.memory_space<vmem>> -> memref<1x128xi32, #tpu.memory_space<vmem>>
        %dma_start3A_558 = tpu.memref_squeeze %dma_start3A_557 : memref<1x128xi32, #tpu.memory_space<vmem>> -> memref<128xi32, #tpu.memory_space<vmem>>
        %dma_start3A_559 = arith.constant 0 : i32
        %dma_start3A_560 = arith.constant 0 : i32
        %dma_start3A_561 = tpu.memref_slice %arg10[%dma_start3A_559, %dma_start3A_560] : memref<10112x64xbf16, #tpu.memory_space<vmem_shared>> -> memref<10112x64xbf16, #tpu.memory_space<vmem_shared>>
        tpu.enqueue_indirect_dma source(%dma_start3A_555 : memref<128x64xbf16, #tpu.memory_space<vmem>>) target(%dma_start3A_561 : memref<10112x64xbf16, #tpu.memory_space<vmem_shared>>) offsets(%dma_start3A_558 : memref<128xi32, #tpu.memory_space<vmem>>) semaphore(%run_scoped3A_551 : memref<!tpu.dma_semaphore, #tpu.memory_space<semaphore_mem>>) {add = true}
        %dma_wait3A_562 = arith.constant 0 : i32
        %dma_wait3A_563 = arith.constant 0 : i32
        %dma_wait3A_564 = tpu.memref_slice %arg9[%run_scoped3A_499, %dma_wait3A_562, %dma_wait3A_563] : memref<8x128x64xbf16, #tpu.memory_space<vmem>> -> memref<1x128x64xbf16, #tpu.memory_space<vmem>>
        %dma_wait3A_565 = tpu.memref_squeeze %dma_wait3A_564 : memref<1x128x64xbf16, #tpu.memory_space<vmem>> -> memref<128x64xbf16, #tpu.memory_space<vmem>>
        %dma_wait3A_566 = arith.constant 0 : i32
        %dma_wait3A_567 = tpu.memref_slice %arg8[%add3A_484, %dma_wait3A_566] : memref<80x128xi32, #tpu.memory_space<vmem>> -> memref<1x128xi32, #tpu.memory_space<vmem>>
        %dma_wait3A_568 = tpu.memref_squeeze %dma_wait3A_567 : memref<1x128xi32, #tpu.memory_space<vmem>> -> memref<128xi32, #tpu.memory_space<vmem>>
        %dma_wait3A_569 = arith.constant 0 : i32
        %dma_wait3A_570 = arith.constant 0 : i32
        %dma_wait3A_571 = tpu.memref_slice %arg10[%dma_wait3A_569, %dma_wait3A_570] : memref<10112x64xbf16, #tpu.memory_space<vmem_shared>> -> memref<10112x64xbf16, #tpu.memory_space<vmem_shared>>
        tpu.wait_indirect_dma semaphore(%run_scoped3A_551 : memref<!tpu.dma_semaphore, #tpu.memory_space<semaphore_mem>>) src(%dma_wait3A_565 : memref<128x64xbf16, #tpu.memory_space<vmem>>) dst(%dma_wait3A_571 : memref<10112x64xbf16, #tpu.memory_space<vmem_shared>>)
        tpu.yield
      }) : () -> ()
      %add3A_500 = arith.constant 8 : i32
      %add3A_501 = arith.addi %add3A_484, %add3A_500 : i32
      %dma_start3A_502 = arith.constant 6 : i32
      %dma_start3A_503 = arith.constant 6 : i32
      %dma_start3A_504 = arith.constant 0 : i32
      %dma_start3A_505 = arith.constant 0 : i32
      %dma_start3A_506 = tpu.memref_slice %arg9[%dma_start3A_502, %dma_start3A_504, %dma_start3A_505] : memref<8x128x64xbf16, #tpu.memory_space<vmem>> -> memref<1x128x64xbf16, #tpu.memory_space<vmem>>
      %dma_start3A_507 = tpu.memref_squeeze %dma_start3A_506 : memref<1x128x64xbf16, #tpu.memory_space<vmem>> -> memref<128x64xbf16, #tpu.memory_space<vmem>>
      %dma_start3A_508 = arith.constant 0 : i32
      %dma_start3A_509 = tpu.memref_slice %arg7[%add3A_501, %dma_start3A_508] : memref<80x128xi32, #tpu.memory_space<vmem>> -> memref<1x128xi32, #tpu.memory_space<vmem>>
      %dma_start3A_510 = tpu.memref_squeeze %dma_start3A_509 : memref<1x128xi32, #tpu.memory_space<vmem>> -> memref<128xi32, #tpu.memory_space<vmem>>
      %dma_start3A_511 = arith.constant 0 : i32
      %dma_start3A_512 = arith.constant 0 : i32
      %dma_start3A_513 = tpu.memref_slice %arg4[%dma_start3A_511, %dma_start3A_512] : memref<10000x64xbf16, #tpu.memory_space<hbm>> -> memref<10000x64xbf16, #tpu.memory_space<hbm>>
      %dma_start3A_514 = tpu.memref_slice %arg11[%dma_start3A_503] : memref<8x!tpu.dma_semaphore, #tpu.memory_space<semaphore_mem>> -> memref<1x!tpu.dma_semaphore, #tpu.memory_space<semaphore_mem>>
      %dma_start3A_515 = tpu.memref_squeeze %dma_start3A_514 : memref<1x!tpu.dma_semaphore, #tpu.memory_space<semaphore_mem>> -> memref<!tpu.dma_semaphore, #tpu.memory_space<semaphore_mem>>
      tpu.enqueue_indirect_dma source(%dma_start3A_513 : memref<10000x64xbf16, #tpu.memory_space<hbm>>) target(%dma_start3A_507 : memref<128x64xbf16, #tpu.memory_space<vmem>>) offsets(%dma_start3A_510 : memref<128xi32, #tpu.memory_space<vmem>>) semaphore(%dma_start3A_515 : memref<!tpu.dma_semaphore, #tpu.memory_space<semaphore_mem>>)
      %mul3A_516 = arith.constant 8 : i32
      %mul3A_517 = arith.muli %scan3A_270, %mul3A_516 : i32
      %add3A_518 = arith.constant 7 : i32
      %add3A_519 = arith.addi %mul3A_517, %add3A_518 : i32
      %dma_wait3A_520 = arith.constant 7 : i32
      %dma_wait3A_521 = arith.constant 7 : i32
      %dma_wait3A_522 = arith.constant 0 : i32
      %dma_wait3A_523 = arith.constant 0 : i32
      %dma_wait3A_524 = tpu.memref_slice %arg9[%dma_wait3A_520, %dma_wait3A_522, %dma_wait3A_523] : memref<8x128x64xbf16, #tpu.memory_space<vmem>> -> memref<1x128x64xbf16, #tpu.memory_space<vmem>>
      %dma_wait3A_525 = tpu.memref_squeeze %dma_wait3A_524 : memref<1x128x64xbf16, #tpu.memory_space<vmem>> -> memref<128x64xbf16, #tpu.memory_space<vmem>>
      %dma_wait3A_526 = arith.constant 0 : i32
      %dma_wait3A_527 = tpu.memref_slice %arg7[%add3A_519, %dma_wait3A_526] : memref<80x128xi32, #tpu.memory_space<vmem>> -> memref<1x128xi32, #tpu.memory_space<vmem>>
      %dma_wait3A_528 = tpu.memref_squeeze %dma_wait3A_527 : memref<1x128xi32, #tpu.memory_space<vmem>> -> memref<128xi32, #tpu.memory_space<vmem>>
      %dma_wait3A_529 = arith.constant 0 : i32
      %dma_wait3A_530 = arith.constant 0 : i32
      %dma_wait3A_531 = tpu.memref_slice %arg4[%dma_wait3A_529, %dma_wait3A_530] : memref<10000x64xbf16, #tpu.memory_space<hbm>> -> memref<10000x64xbf16, #tpu.memory_space<hbm>>
      %dma_wait3A_532 = tpu.memref_slice %arg11[%dma_wait3A_521] : memref<8x!tpu.dma_semaphore, #tpu.memory_space<semaphore_mem>> -> memref<1x!tpu.dma_semaphore, #tpu.memory_space<semaphore_mem>>
      %dma_wait3A_533 = tpu.memref_squeeze %dma_wait3A_532 : memref<1x!tpu.dma_semaphore, #tpu.memory_space<semaphore_mem>> -> memref<!tpu.dma_semaphore, #tpu.memory_space<semaphore_mem>>
      tpu.wait_indirect_dma semaphore(%dma_wait3A_533 : memref<!tpu.dma_semaphore, #tpu.memory_space<semaphore_mem>>) src(%dma_wait3A_531 : memref<10000x64xbf16, #tpu.memory_space<hbm>>) dst(%dma_wait3A_525 : memref<128x64xbf16, #tpu.memory_space<vmem>>)
      %run_scoped3A_534 = arith.constant 7 : i32
      "tpu.region"() ({
        %run_scoped3A_551 = tpu.sem_alloc : memref<!tpu.dma_semaphore, #tpu.memory_space<semaphore_mem>>
        %dma_start3A_552 = arith.constant 0 : i32
        %dma_start3A_553 = arith.constant 0 : i32
        %dma_start3A_554 = tpu.memref_slice %arg9[%run_scoped3A_534, %dma_start3A_552, %dma_start3A_553] : memref<8x128x64xbf16, #tpu.memory_space<vmem>> -> memref<1x128x64xbf16, #tpu.memory_space<vmem>>
        %dma_start3A_555 = tpu.memref_squeeze %dma_start3A_554 : memref<1x128x64xbf16, #tpu.memory_space<vmem>> -> memref<128x64xbf16, #tpu.memory_space<vmem>>
        %dma_start3A_556 = arith.constant 0 : i32
        %dma_start3A_557 = tpu.memref_slice %arg8[%add3A_519, %dma_start3A_556] : memref<80x128xi32, #tpu.memory_space<vmem>> -> memref<1x128xi32, #tpu.memory_space<vmem>>
        %dma_start3A_558 = tpu.memref_squeeze %dma_start3A_557 : memref<1x128xi32, #tpu.memory_space<vmem>> -> memref<128xi32, #tpu.memory_space<vmem>>
        %dma_start3A_559 = arith.constant 0 : i32
        %dma_start3A_560 = arith.constant 0 : i32
        %dma_start3A_561 = tpu.memref_slice %arg10[%dma_start3A_559, %dma_start3A_560] : memref<10112x64xbf16, #tpu.memory_space<vmem_shared>> -> memref<10112x64xbf16, #tpu.memory_space<vmem_shared>>
        tpu.enqueue_indirect_dma source(%dma_start3A_555 : memref<128x64xbf16, #tpu.memory_space<vmem>>) target(%dma_start3A_561 : memref<10112x64xbf16, #tpu.memory_space<vmem_shared>>) offsets(%dma_start3A_558 : memref<128xi32, #tpu.memory_space<vmem>>) semaphore(%run_scoped3A_551 : memref<!tpu.dma_semaphore, #tpu.memory_space<semaphore_mem>>) {add = true}
        %dma_wait3A_562 = arith.constant 0 : i32
        %dma_wait3A_563 = arith.constant 0 : i32
        %dma_wait3A_564 = tpu.memref_slice %arg9[%run_scoped3A_534, %dma_wait3A_562, %dma_wait3A_563] : memref<8x128x64xbf16, #tpu.memory_space<vmem>> -> memref<1x128x64xbf16, #tpu.memory_space<vmem>>
        %dma_wait3A_565 = tpu.memref_squeeze %dma_wait3A_564 : memref<1x128x64xbf16, #tpu.memory_space<vmem>> -> memref<128x64xbf16, #tpu.memory_space<vmem>>
        %dma_wait3A_566 = arith.constant 0 : i32
        %dma_wait3A_567 = tpu.memref_slice %arg8[%add3A_519, %dma_wait3A_566] : memref<80x128xi32, #tpu.memory_space<vmem>> -> memref<1x128xi32, #tpu.memory_space<vmem>>
        %dma_wait3A_568 = tpu.memref_squeeze %dma_wait3A_567 : memref<1x128xi32, #tpu.memory_space<vmem>> -> memref<128xi32, #tpu.memory_space<vmem>>
        %dma_wait3A_569 = arith.constant 0 : i32
        %dma_wait3A_570 = arith.constant 0 : i32
        %dma_wait3A_571 = tpu.memref_slice %arg10[%dma_wait3A_569, %dma_wait3A_570] : memref<10112x64xbf16, #tpu.memory_space<vmem_shared>> -> memref<10112x64xbf16, #tpu.memory_space<vmem_shared>>
        tpu.wait_indirect_dma semaphore(%run_scoped3A_551 : memref<!tpu.dma_semaphore, #tpu.memory_space<semaphore_mem>>) src(%dma_wait3A_565 : memref<128x64xbf16, #tpu.memory_space<vmem>>) dst(%dma_wait3A_571 : memref<10112x64xbf16, #tpu.memory_space<vmem_shared>>)
        tpu.yield
      }) : () -> ()
      %add3A_535 = arith.constant 8 : i32
      %add3A_536 = arith.addi %add3A_519, %add3A_535 : i32
      %dma_start3A_537 = arith.constant 7 : i32
      %dma_start3A_538 = arith.constant 7 : i32
      %dma_start3A_539 = arith.constant 0 : i32
      %dma_start3A_540 = arith.constant 0 : i32
      %dma_start3A_541 = tpu.memref_slice %arg9[%dma_start3A_537, %dma_start3A_539, %dma_start3A_540] : memref<8x128x64xbf16, #tpu.memory_space<vmem>> -> memref<1x128x64xbf16, #tpu.memory_space<vmem>>
      %dma_start3A_542 = tpu.memref_squeeze %dma_start3A_541 : memref<1x128x64xbf16, #tpu.memory_space<vmem>> -> memref<128x64xbf16, #tpu.memory_space<vmem>>
      %dma_start3A_543 = arith.constant 0 : i32
      %dma_start3A_544 = tpu.memref_slice %arg7[%add3A_536, %dma_start3A_543] : memref<80x128xi32, #tpu.memory_space<vmem>> -> memref<1x128xi32, #tpu.memory_space<vmem>>
      %dma_start3A_545 = tpu.memref_squeeze %dma_start3A_544 : memref<1x128xi32, #tpu.memory_space<vmem>> -> memref<128xi32, #tpu.memory_space<vmem>>
      %dma_start3A_546 = arith.constant 0 : i32
      %dma_start3A_547 = arith.constant 0 : i32
      %dma_start3A_548 = tpu.memref_slice %arg4[%dma_start3A_546, %dma_start3A_547] : memref<10000x64xbf16, #tpu.memory_space<hbm>> -> memref<10000x64xbf16, #tpu.memory_space<hbm>>
      %dma_start3A_549 = tpu.memref_slice %arg11[%dma_start3A_538] : memref<8x!tpu.dma_semaphore, #tpu.memory_space<semaphore_mem>> -> memref<1x!tpu.dma_semaphore, #tpu.memory_space<semaphore_mem>>
      %dma_start3A_550 = tpu.memref_squeeze %dma_start3A_549 : memref<1x!tpu.dma_semaphore, #tpu.memory_space<semaphore_mem>> -> memref<!tpu.dma_semaphore, #tpu.memory_space<semaphore_mem>>
      tpu.enqueue_indirect_dma source(%dma_start3A_548 : memref<10000x64xbf16, #tpu.memory_space<hbm>>) target(%dma_start3A_542 : memref<128x64xbf16, #tpu.memory_space<vmem>>) offsets(%dma_start3A_545 : memref<128xi32, #tpu.memory_space<vmem>>) semaphore(%dma_start3A_550 : memref<!tpu.dma_semaphore, #tpu.memory_space<semaphore_mem>>)
    }
    %scan3A_130 = arith.constant 9 : i32
    %dma_wait3A = arith.constant 72 : i32
    %dma_wait3A_131 = arith.constant 0 : i32
    %dma_wait3A_132 = arith.constant 0 : i32
    %dma_wait3A_133 = arith.constant 0 : i32
    %dma_wait3A_134 = arith.constant 0 : i32
    %dma_wait3A_135 = tpu.memref_slice %arg9[%dma_wait3A_131, %dma_wait3A_133, %dma_wait3A_134] : memref<8x128x64xbf16, #tpu.memory_space<vmem>> -> memref<1x128x64xbf16, #tpu.memory_space<vmem>>
    %dma_wait3A_136 = tpu.memref_squeeze %dma_wait3A_135 : memref<1x128x64xbf16, #tpu.memory_space<vmem>> -> memref<128x64xbf16, #tpu.memory_space<vmem>>
    %dma_wait3A_137 = arith.constant 0 : i32
    %dma_wait3A_138 = tpu.memref_slice %arg7[%dma_wait3A, %dma_wait3A_137] : memref<80x128xi32, #tpu.memory_space<vmem>> -> memref<1x128xi32, #tpu.memory_space<vmem>>
    %dma_wait3A_139 = tpu.memref_squeeze %dma_wait3A_138 : memref<1x128xi32, #tpu.memory_space<vmem>> -> memref<128xi32, #tpu.memory_space<vmem>>
    %dma_wait3A_140 = arith.constant 0 : i32
    %dma_wait3A_141 = arith.constant 0 : i32
    %dma_wait3A_142 = tpu.memref_slice %arg4[%dma_wait3A_140, %dma_wait3A_141] : memref<10000x64xbf16, #tpu.memory_space<hbm>> -> memref<10000x64xbf16, #tpu.memory_space<hbm>>
    %dma_wait3A_143 = tpu.memref_slice %arg11[%dma_wait3A_132] : memref<8x!tpu.dma_semaphore, #tpu.memory_space<semaphore_mem>> -> memref<1x!tpu.dma_semaphore, #tpu.memory_space<semaphore_mem>>
    %dma_wait3A_144 = tpu.memref_squeeze %dma_wait3A_143 : memref<1x!tpu.dma_semaphore, #tpu.memory_space<semaphore_mem>> -> memref<!tpu.dma_semaphore, #tpu.memory_space<semaphore_mem>>
    tpu.wait_indirect_dma semaphore(%dma_wait3A_144 : memref<!tpu.dma_semaphore, #tpu.memory_space<semaphore_mem>>) src(%dma_wait3A_142 : memref<10000x64xbf16, #tpu.memory_space<hbm>>) dst(%dma_wait3A_136 : memref<128x64xbf16, #tpu.memory_space<vmem>>)
    %run_scoped3A = arith.constant 0 : i32
    %run_scoped3A_145 = arith.constant 72 : i32
    "tpu.region"() ({
      %run_scoped3A_270 = tpu.sem_alloc : memref<!tpu.dma_semaphore, #tpu.memory_space<semaphore_mem>>
      %dma_start3A_271 = arith.constant 0 : i32
      %dma_start3A_272 = arith.constant 0 : i32
      %dma_start3A_273 = tpu.memref_slice %arg9[%run_scoped3A, %dma_start3A_271, %dma_start3A_272] : memref<8x128x64xbf16, #tpu.memory_space<vmem>> -> memref<1x128x64xbf16, #tpu.memory_space<vmem>>
      %dma_start3A_274 = tpu.memref_squeeze %dma_start3A_273 : memref<1x128x64xbf16, #tpu.memory_space<vmem>> -> memref<128x64xbf16, #tpu.memory_space<vmem>>
      %dma_start3A_275 = arith.constant 0 : i32
      %dma_start3A_276 = tpu.memref_slice %arg8[%run_scoped3A_145, %dma_start3A_275] : memref<80x128xi32, #tpu.memory_space<vmem>> -> memref<1x128xi32, #tpu.memory_space<vmem>>
      %dma_start3A_277 = tpu.memref_squeeze %dma_start3A_276 : memref<1x128xi32, #tpu.memory_space<vmem>> -> memref<128xi32, #tpu.memory_space<vmem>>
      %dma_start3A_278 = arith.constant 0 : i32
      %dma_start3A_279 = arith.constant 0 : i32
      %dma_start3A_280 = tpu.memref_slice %arg10[%dma_start3A_278, %dma_start3A_279] : memref<10112x64xbf16, #tpu.memory_space<vmem_shared>> -> memref<10112x64xbf16, #tpu.memory_space<vmem_shared>>
      tpu.enqueue_indirect_dma source(%dma_start3A_274 : memref<128x64xbf16, #tpu.memory_space<vmem>>) target(%dma_start3A_280 : memref<10112x64xbf16, #tpu.memory_space<vmem_shared>>) offsets(%dma_start3A_277 : memref<128xi32, #tpu.memory_space<vmem>>) semaphore(%run_scoped3A_270 : memref<!tpu.dma_semaphore, #tpu.memory_space<semaphore_mem>>) {add = true}
      %dma_wait3A_281 = arith.constant 0 : i32
      %dma_wait3A_282 = arith.constant 0 : i32
      %dma_wait3A_283 = tpu.memref_slice %arg9[%run_scoped3A, %dma_wait3A_281, %dma_wait3A_282] : memref<8x128x64xbf16, #tpu.memory_space<vmem>> -> memref<1x128x64xbf16, #tpu.memory_space<vmem>>
      %dma_wait3A_284 = tpu.memref_squeeze %dma_wait3A_283 : memref<1x128x64xbf16, #tpu.memory_space<vmem>> -> memref<128x64xbf16, #tpu.memory_space<vmem>>
      %dma_wait3A_285 = arith.constant 0 : i32
      %dma_wait3A_286 = tpu.memref_slice %arg8[%run_scoped3A_145, %dma_wait3A_285] : memref<80x128xi32, #tpu.memory_space<vmem>> -> memref<1x128xi32, #tpu.memory_space<vmem>>
      %dma_wait3A_287 = tpu.memref_squeeze %dma_wait3A_286 : memref<1x128xi32, #tpu.memory_space<vmem>> -> memref<128xi32, #tpu.memory_space<vmem>>
      %dma_wait3A_288 = arith.constant 0 : i32
      %dma_wait3A_289 = arith.constant 0 : i32
      %dma_wait3A_290 = tpu.memref_slice %arg10[%dma_wait3A_288, %dma_wait3A_289] : memref<10112x64xbf16, #tpu.memory_space<vmem_shared>> -> memref<10112x64xbf16, #tpu.memory_space<vmem_shared>>
      tpu.wait_indirect_dma semaphore(%run_scoped3A_270 : memref<!tpu.dma_semaphore, #tpu.memory_space<semaphore_mem>>) src(%dma_wait3A_284 : memref<128x64xbf16, #tpu.memory_space<vmem>>) dst(%dma_wait3A_290 : memref<10112x64xbf16, #tpu.memory_space<vmem_shared>>)
      tpu.yield
    }) : () -> ()
    %dma_wait3A_146 = arith.constant 73 : i32
    %dma_wait3A_147 = arith.constant 1 : i32
    %dma_wait3A_148 = arith.constant 1 : i32
    %dma_wait3A_149 = arith.constant 0 : i32
    %dma_wait3A_150 = arith.constant 0 : i32
    %dma_wait3A_151 = tpu.memref_slice %arg9[%dma_wait3A_147, %dma_wait3A_149, %dma_wait3A_150] : memref<8x128x64xbf16, #tpu.memory_space<vmem>> -> memref<1x128x64xbf16, #tpu.memory_space<vmem>>
    %dma_wait3A_152 = tpu.memref_squeeze %dma_wait3A_151 : memref<1x128x64xbf16, #tpu.memory_space<vmem>> -> memref<128x64xbf16, #tpu.memory_space<vmem>>
    %dma_wait3A_153 = arith.constant 0 : i32
    %dma_wait3A_154 = tpu.memref_slice %arg7[%dma_wait3A_146, %dma_wait3A_153] : memref<80x128xi32, #tpu.memory_space<vmem>> -> memref<1x128xi32, #tpu.memory_space<vmem>>
    %dma_wait3A_155 = tpu.memref_squeeze %dma_wait3A_154 : memref<1x128xi32, #tpu.memory_space<vmem>> -> memref<128xi32, #tpu.memory_space<vmem>>
    %dma_wait3A_156 = arith.constant 0 : i32
    %dma_wait3A_157 = arith.constant 0 : i32
    %dma_wait3A_158 = tpu.memref_slice %arg4[%dma_wait3A_156, %dma_wait3A_157] : memref<10000x64xbf16, #tpu.memory_space<hbm>> -> memref<10000x64xbf16, #tpu.memory_space<hbm>>
    %dma_wait3A_159 = tpu.memref_slice %arg11[%dma_wait3A_148] : memref<8x!tpu.dma_semaphore, #tpu.memory_space<semaphore_mem>> -> memref<1x!tpu.dma_semaphore, #tpu.memory_space<semaphore_mem>>
    %dma_wait3A_160 = tpu.memref_squeeze %dma_wait3A_159 : memref<1x!tpu.dma_semaphore, #tpu.memory_space<semaphore_mem>> -> memref<!tpu.dma_semaphore, #tpu.memory_space<semaphore_mem>>
    tpu.wait_indirect_dma semaphore(%dma_wait3A_160 : memref<!tpu.dma_semaphore, #tpu.memory_space<semaphore_mem>>) src(%dma_wait3A_158 : memref<10000x64xbf16, #tpu.memory_space<hbm>>) dst(%dma_wait3A_152 : memref<128x64xbf16, #tpu.memory_space<vmem>>)
    %run_scoped3A_161 = arith.constant 1 : i32
    %run_scoped3A_162 = arith.constant 73 : i32
    "tpu.region"() ({
      %run_scoped3A_270 = tpu.sem_alloc : memref<!tpu.dma_semaphore, #tpu.memory_space<semaphore_mem>>
      %dma_start3A_271 = arith.constant 0 : i32
      %dma_start3A_272 = arith.constant 0 : i32
      %dma_start3A_273 = tpu.memref_slice %arg9[%run_scoped3A_161, %dma_start3A_271, %dma_start3A_272] : memref<8x128x64xbf16, #tpu.memory_space<vmem>> -> memref<1x128x64xbf16, #tpu.memory_space<vmem>>
      %dma_start3A_274 = tpu.memref_squeeze %dma_start3A_273 : memref<1x128x64xbf16, #tpu.memory_space<vmem>> -> memref<128x64xbf16, #tpu.memory_space<vmem>>
      %dma_start3A_275 = arith.constant 0 : i32
      %dma_start3A_276 = tpu.memref_slice %arg8[%run_scoped3A_162, %dma_start3A_275] : memref<80x128xi32, #tpu.memory_space<vmem>> -> memref<1x128xi32, #tpu.memory_space<vmem>>
      %dma_start3A_277 = tpu.memref_squeeze %dma_start3A_276 : memref<1x128xi32, #tpu.memory_space<vmem>> -> memref<128xi32, #tpu.memory_space<vmem>>
      %dma_start3A_278 = arith.constant 0 : i32
      %dma_start3A_279 = arith.constant 0 : i32
      %dma_start3A_280 = tpu.memref_slice %arg10[%dma_start3A_278, %dma_start3A_279] : memref<10112x64xbf16, #tpu.memory_space<vmem_shared>> -> memref<10112x64xbf16, #tpu.memory_space<vmem_shared>>
      tpu.enqueue_indirect_dma source(%dma_start3A_274 : memref<128x64xbf16, #tpu.memory_space<vmem>>) target(%dma_start3A_280 : memref<10112x64xbf16, #tpu.memory_space<vmem_shared>>) offsets(%dma_start3A_277 : memref<128xi32, #tpu.memory_space<vmem>>) semaphore(%run_scoped3A_270 : memref<!tpu.dma_semaphore, #tpu.memory_space<semaphore_mem>>) {add = true}
      %dma_wait3A_281 = arith.constant 0 : i32
      %dma_wait3A_282 = arith.constant 0 : i32
      %dma_wait3A_283 = tpu.memref_slice %arg9[%run_scoped3A_161, %dma_wait3A_281, %dma_wait3A_282] : memref<8x128x64xbf16, #tpu.memory_space<vmem>> -> memref<1x128x64xbf16, #tpu.memory_space<vmem>>
      %dma_wait3A_284 = tpu.memref_squeeze %dma_wait3A_283 : memref<1x128x64xbf16, #tpu.memory_space<vmem>> -> memref<128x64xbf16, #tpu.memory_space<vmem>>
      %dma_wait3A_285 = arith.constant 0 : i32
      %dma_wait3A_286 = tpu.memref_slice %arg8[%run_scoped3A_162, %dma_wait3A_285] : memref<80x128xi32, #tpu.memory_space<vmem>> -> memref<1x128xi32, #tpu.memory_space<vmem>>
      %dma_wait3A_287 = tpu.memref_squeeze %dma_wait3A_286 : memref<1x128xi32, #tpu.memory_space<vmem>> -> memref<128xi32, #tpu.memory_space<vmem>>
      %dma_wait3A_288 = arith.constant 0 : i32
      %dma_wait3A_289 = arith.constant 0 : i32
      %dma_wait3A_290 = tpu.memref_slice %arg10[%dma_wait3A_288, %dma_wait3A_289] : memref<10112x64xbf16, #tpu.memory_space<vmem_shared>> -> memref<10112x64xbf16, #tpu.memory_space<vmem_shared>>
      tpu.wait_indirect_dma semaphore(%run_scoped3A_270 : memref<!tpu.dma_semaphore, #tpu.memory_space<semaphore_mem>>) src(%dma_wait3A_284 : memref<128x64xbf16, #tpu.memory_space<vmem>>) dst(%dma_wait3A_290 : memref<10112x64xbf16, #tpu.memory_space<vmem_shared>>)
      tpu.yield
    }) : () -> ()
    %dma_wait3A_163 = arith.constant 74 : i32
    %dma_wait3A_164 = arith.constant 2 : i32
    %dma_wait3A_165 = arith.constant 2 : i32
    %dma_wait3A_166 = arith.constant 0 : i32
    %dma_wait3A_167 = arith.constant 0 : i32
    %dma_wait3A_168 = tpu.memref_slice %arg9[%dma_wait3A_164, %dma_wait3A_166, %dma_wait3A_167] : memref<8x128x64xbf16, #tpu.memory_space<vmem>> -> memref<1x128x64xbf16, #tpu.memory_space<vmem>>
    %dma_wait3A_169 = tpu.memref_squeeze %dma_wait3A_168 : memref<1x128x64xbf16, #tpu.memory_space<vmem>> -> memref<128x64xbf16, #tpu.memory_space<vmem>>
    %dma_wait3A_170 = arith.constant 0 : i32
    %dma_wait3A_171 = tpu.memref_slice %arg7[%dma_wait3A_163, %dma_wait3A_170] : memref<80x128xi32, #tpu.memory_space<vmem>> -> memref<1x128xi32, #tpu.memory_space<vmem>>
    %dma_wait3A_172 = tpu.memref_squeeze %dma_wait3A_171 : memref<1x128xi32, #tpu.memory_space<vmem>> -> memref<128xi32, #tpu.memory_space<vmem>>
    %dma_wait3A_173 = arith.constant 0 : i32
    %dma_wait3A_174 = arith.constant 0 : i32
    %dma_wait3A_175 = tpu.memref_slice %arg4[%dma_wait3A_173, %dma_wait3A_174] : memref<10000x64xbf16, #tpu.memory_space<hbm>> -> memref<10000x64xbf16, #tpu.memory_space<hbm>>
    %dma_wait3A_176 = tpu.memref_slice %arg11[%dma_wait3A_165] : memref<8x!tpu.dma_semaphore, #tpu.memory_space<semaphore_mem>> -> memref<1x!tpu.dma_semaphore, #tpu.memory_space<semaphore_mem>>
    %dma_wait3A_177 = tpu.memref_squeeze %dma_wait3A_176 : memref<1x!tpu.dma_semaphore, #tpu.memory_space<semaphore_mem>> -> memref<!tpu.dma_semaphore, #tpu.memory_space<semaphore_mem>>
    tpu.wait_indirect_dma semaphore(%dma_wait3A_177 : memref<!tpu.dma_semaphore, #tpu.memory_space<semaphore_mem>>) src(%dma_wait3A_175 : memref<10000x64xbf16, #tpu.memory_space<hbm>>) dst(%dma_wait3A_169 : memref<128x64xbf16, #tpu.memory_space<vmem>>)
    %run_scoped3A_178 = arith.constant 2 : i32
    %run_scoped3A_179 = arith.constant 74 : i32
    "tpu.region"() ({
      %run_scoped3A_270 = tpu.sem_alloc : memref<!tpu.dma_semaphore, #tpu.memory_space<semaphore_mem>>
      %dma_start3A_271 = arith.constant 0 : i32
      %dma_start3A_272 = arith.constant 0 : i32
      %dma_start3A_273 = tpu.memref_slice %arg9[%run_scoped3A_178, %dma_start3A_271, %dma_start3A_272] : memref<8x128x64xbf16, #tpu.memory_space<vmem>> -> memref<1x128x64xbf16, #tpu.memory_space<vmem>>
      %dma_start3A_274 = tpu.memref_squeeze %dma_start3A_273 : memref<1x128x64xbf16, #tpu.memory_space<vmem>> -> memref<128x64xbf16, #tpu.memory_space<vmem>>
      %dma_start3A_275 = arith.constant 0 : i32
      %dma_start3A_276 = tpu.memref_slice %arg8[%run_scoped3A_179, %dma_start3A_275] : memref<80x128xi32, #tpu.memory_space<vmem>> -> memref<1x128xi32, #tpu.memory_space<vmem>>
      %dma_start3A_277 = tpu.memref_squeeze %dma_start3A_276 : memref<1x128xi32, #tpu.memory_space<vmem>> -> memref<128xi32, #tpu.memory_space<vmem>>
      %dma_start3A_278 = arith.constant 0 : i32
      %dma_start3A_279 = arith.constant 0 : i32
      %dma_start3A_280 = tpu.memref_slice %arg10[%dma_start3A_278, %dma_start3A_279] : memref<10112x64xbf16, #tpu.memory_space<vmem_shared>> -> memref<10112x64xbf16, #tpu.memory_space<vmem_shared>>
      tpu.enqueue_indirect_dma source(%dma_start3A_274 : memref<128x64xbf16, #tpu.memory_space<vmem>>) target(%dma_start3A_280 : memref<10112x64xbf16, #tpu.memory_space<vmem_shared>>) offsets(%dma_start3A_277 : memref<128xi32, #tpu.memory_space<vmem>>) semaphore(%run_scoped3A_270 : memref<!tpu.dma_semaphore, #tpu.memory_space<semaphore_mem>>) {add = true}
      %dma_wait3A_281 = arith.constant 0 : i32
      %dma_wait3A_282 = arith.constant 0 : i32
      %dma_wait3A_283 = tpu.memref_slice %arg9[%run_scoped3A_178, %dma_wait3A_281, %dma_wait3A_282] : memref<8x128x64xbf16, #tpu.memory_space<vmem>> -> memref<1x128x64xbf16, #tpu.memory_space<vmem>>
      %dma_wait3A_284 = tpu.memref_squeeze %dma_wait3A_283 : memref<1x128x64xbf16, #tpu.memory_space<vmem>> -> memref<128x64xbf16, #tpu.memory_space<vmem>>
      %dma_wait3A_285 = arith.constant 0 : i32
      %dma_wait3A_286 = tpu.memref_slice %arg8[%run_scoped3A_179, %dma_wait3A_285] : memref<80x128xi32, #tpu.memory_space<vmem>> -> memref<1x128xi32, #tpu.memory_space<vmem>>
      %dma_wait3A_287 = tpu.memref_squeeze %dma_wait3A_286 : memref<1x128xi32, #tpu.memory_space<vmem>> -> memref<128xi32, #tpu.memory_space<vmem>>
      %dma_wait3A_288 = arith.constant 0 : i32
      %dma_wait3A_289 = arith.constant 0 : i32
      %dma_wait3A_290 = tpu.memref_slice %arg10[%dma_wait3A_288, %dma_wait3A_289] : memref<10112x64xbf16, #tpu.memory_space<vmem_shared>> -> memref<10112x64xbf16, #tpu.memory_space<vmem_shared>>
      tpu.wait_indirect_dma semaphore(%run_scoped3A_270 : memref<!tpu.dma_semaphore, #tpu.memory_space<semaphore_mem>>) src(%dma_wait3A_284 : memref<128x64xbf16, #tpu.memory_space<vmem>>) dst(%dma_wait3A_290 : memref<10112x64xbf16, #tpu.memory_space<vmem_shared>>)
      tpu.yield
    }) : () -> ()
    %dma_wait3A_180 = arith.constant 75 : i32
    %dma_wait3A_181 = arith.constant 3 : i32
    %dma_wait3A_182 = arith.constant 3 : i32
    %dma_wait3A_183 = arith.constant 0 : i32
    %dma_wait3A_184 = arith.constant 0 : i32
    %dma_wait3A_185 = tpu.memref_slice %arg9[%dma_wait3A_181, %dma_wait3A_183, %dma_wait3A_184] : memref<8x128x64xbf16, #tpu.memory_space<vmem>> -> memref<1x128x64xbf16, #tpu.memory_space<vmem>>
    %dma_wait3A_186 = tpu.memref_squeeze %dma_wait3A_185 : memref<1x128x64xbf16, #tpu.memory_space<vmem>> -> memref<128x64xbf16, #tpu.memory_space<vmem>>
    %dma_wait3A_187 = arith.constant 0 : i32
    %dma_wait3A_188 = tpu.memref_slice %arg7[%dma_wait3A_180, %dma_wait3A_187] : memref<80x128xi32, #tpu.memory_space<vmem>> -> memref<1x128xi32, #tpu.memory_space<vmem>>
    %dma_wait3A_189 = tpu.memref_squeeze %dma_wait3A_188 : memref<1x128xi32, #tpu.memory_space<vmem>> -> memref<128xi32, #tpu.memory_space<vmem>>
    %dma_wait3A_190 = arith.constant 0 : i32
    %dma_wait3A_191 = arith.constant 0 : i32
    %dma_wait3A_192 = tpu.memref_slice %arg4[%dma_wait3A_190, %dma_wait3A_191] : memref<10000x64xbf16, #tpu.memory_space<hbm>> -> memref<10000x64xbf16, #tpu.memory_space<hbm>>
    %dma_wait3A_193 = tpu.memref_slice %arg11[%dma_wait3A_182] : memref<8x!tpu.dma_semaphore, #tpu.memory_space<semaphore_mem>> -> memref<1x!tpu.dma_semaphore, #tpu.memory_space<semaphore_mem>>
    %dma_wait3A_194 = tpu.memref_squeeze %dma_wait3A_193 : memref<1x!tpu.dma_semaphore, #tpu.memory_space<semaphore_mem>> -> memref<!tpu.dma_semaphore, #tpu.memory_space<semaphore_mem>>
    tpu.wait_indirect_dma semaphore(%dma_wait3A_194 : memref<!tpu.dma_semaphore, #tpu.memory_space<semaphore_mem>>) src(%dma_wait3A_192 : memref<10000x64xbf16, #tpu.memory_space<hbm>>) dst(%dma_wait3A_186 : memref<128x64xbf16, #tpu.memory_space<vmem>>)
    %run_scoped3A_195 = arith.constant 3 : i32
    %run_scoped3A_196 = arith.constant 75 : i32
    "tpu.region"() ({
      %run_scoped3A_270 = tpu.sem_alloc : memref<!tpu.dma_semaphore, #tpu.memory_space<semaphore_mem>>
      %dma_start3A_271 = arith.constant 0 : i32
      %dma_start3A_272 = arith.constant 0 : i32
      %dma_start3A_273 = tpu.memref_slice %arg9[%run_scoped3A_195, %dma_start3A_271, %dma_start3A_272] : memref<8x128x64xbf16, #tpu.memory_space<vmem>> -> memref<1x128x64xbf16, #tpu.memory_space<vmem>>
      %dma_start3A_274 = tpu.memref_squeeze %dma_start3A_273 : memref<1x128x64xbf16, #tpu.memory_space<vmem>> -> memref<128x64xbf16, #tpu.memory_space<vmem>>
      %dma_start3A_275 = arith.constant 0 : i32
      %dma_start3A_276 = tpu.memref_slice %arg8[%run_scoped3A_196, %dma_start3A_275] : memref<80x128xi32, #tpu.memory_space<vmem>> -> memref<1x128xi32, #tpu.memory_space<vmem>>
      %dma_start3A_277 = tpu.memref_squeeze %dma_start3A_276 : memref<1x128xi32, #tpu.memory_space<vmem>> -> memref<128xi32, #tpu.memory_space<vmem>>
      %dma_start3A_278 = arith.constant 0 : i32
      %dma_start3A_279 = arith.constant 0 : i32
      %dma_start3A_280 = tpu.memref_slice %arg10[%dma_start3A_278, %dma_start3A_279] : memref<10112x64xbf16, #tpu.memory_space<vmem_shared>> -> memref<10112x64xbf16, #tpu.memory_space<vmem_shared>>
      tpu.enqueue_indirect_dma source(%dma_start3A_274 : memref<128x64xbf16, #tpu.memory_space<vmem>>) target(%dma_start3A_280 : memref<10112x64xbf16, #tpu.memory_space<vmem_shared>>) offsets(%dma_start3A_277 : memref<128xi32, #tpu.memory_space<vmem>>) semaphore(%run_scoped3A_270 : memref<!tpu.dma_semaphore, #tpu.memory_space<semaphore_mem>>) {add = true}
      %dma_wait3A_281 = arith.constant 0 : i32
      %dma_wait3A_282 = arith.constant 0 : i32
      %dma_wait3A_283 = tpu.memref_slice %arg9[%run_scoped3A_195, %dma_wait3A_281, %dma_wait3A_282] : memref<8x128x64xbf16, #tpu.memory_space<vmem>> -> memref<1x128x64xbf16, #tpu.memory_space<vmem>>
      %dma_wait3A_284 = tpu.memref_squeeze %dma_wait3A_283 : memref<1x128x64xbf16, #tpu.memory_space<vmem>> -> memref<128x64xbf16, #tpu.memory_space<vmem>>
      %dma_wait3A_285 = arith.constant 0 : i32
      %dma_wait3A_286 = tpu.memref_slice %arg8[%run_scoped3A_196, %dma_wait3A_285] : memref<80x128xi32, #tpu.memory_space<vmem>> -> memref<1x128xi32, #tpu.memory_space<vmem>>
      %dma_wait3A_287 = tpu.memref_squeeze %dma_wait3A_286 : memref<1x128xi32, #tpu.memory_space<vmem>> -> memref<128xi32, #tpu.memory_space<vmem>>
      %dma_wait3A_288 = arith.constant 0 : i32
      %dma_wait3A_289 = arith.constant 0 : i32
      %dma_wait3A_290 = tpu.memref_slice %arg10[%dma_wait3A_288, %dma_wait3A_289] : memref<10112x64xbf16, #tpu.memory_space<vmem_shared>> -> memref<10112x64xbf16, #tpu.memory_space<vmem_shared>>
      tpu.wait_indirect_dma semaphore(%run_scoped3A_270 : memref<!tpu.dma_semaphore, #tpu.memory_space<semaphore_mem>>) src(%dma_wait3A_284 : memref<128x64xbf16, #tpu.memory_space<vmem>>) dst(%dma_wait3A_290 : memref<10112x64xbf16, #tpu.memory_space<vmem_shared>>)
      tpu.yield
    }) : () -> ()
    %dma_wait3A_197 = arith.constant 76 : i32
    %dma_wait3A_198 = arith.constant 4 : i32
    %dma_wait3A_199 = arith.constant 4 : i32
    %dma_wait3A_200 = arith.constant 0 : i32
    %dma_wait3A_201 = arith.constant 0 : i32
    %dma_wait3A_202 = tpu.memref_slice %arg9[%dma_wait3A_198, %dma_wait3A_200, %dma_wait3A_201] : memref<8x128x64xbf16, #tpu.memory_space<vmem>> -> memref<1x128x64xbf16, #tpu.memory_space<vmem>>
    %dma_wait3A_203 = tpu.memref_squeeze %dma_wait3A_202 : memref<1x128x64xbf16, #tpu.memory_space<vmem>> -> memref<128x64xbf16, #tpu.memory_space<vmem>>
    %dma_wait3A_204 = arith.constant 0 : i32
    %dma_wait3A_205 = tpu.memref_slice %arg7[%dma_wait3A_197, %dma_wait3A_204] : memref<80x128xi32, #tpu.memory_space<vmem>> -> memref<1x128xi32, #tpu.memory_space<vmem>>
    %dma_wait3A_206 = tpu.memref_squeeze %dma_wait3A_205 : memref<1x128xi32, #tpu.memory_space<vmem>> -> memref<128xi32, #tpu.memory_space<vmem>>
    %dma_wait3A_207 = arith.constant 0 : i32
    %dma_wait3A_208 = arith.constant 0 : i32
    %dma_wait3A_209 = tpu.memref_slice %arg4[%dma_wait3A_207, %dma_wait3A_208] : memref<10000x64xbf16, #tpu.memory_space<hbm>> -> memref<10000x64xbf16, #tpu.memory_space<hbm>>
    %dma_wait3A_210 = tpu.memref_slice %arg11[%dma_wait3A_199] : memref<8x!tpu.dma_semaphore, #tpu.memory_space<semaphore_mem>> -> memref<1x!tpu.dma_semaphore, #tpu.memory_space<semaphore_mem>>
    %dma_wait3A_211 = tpu.memref_squeeze %dma_wait3A_210 : memref<1x!tpu.dma_semaphore, #tpu.memory_space<semaphore_mem>> -> memref<!tpu.dma_semaphore, #tpu.memory_space<semaphore_mem>>
    tpu.wait_indirect_dma semaphore(%dma_wait3A_211 : memref<!tpu.dma_semaphore, #tpu.memory_space<semaphore_mem>>) src(%dma_wait3A_209 : memref<10000x64xbf16, #tpu.memory_space<hbm>>) dst(%dma_wait3A_203 : memref<128x64xbf16, #tpu.memory_space<vmem>>)
    %run_scoped3A_212 = arith.constant 4 : i32
    %run_scoped3A_213 = arith.constant 76 : i32
    "tpu.region"() ({
      %run_scoped3A_270 = tpu.sem_alloc : memref<!tpu.dma_semaphore, #tpu.memory_space<semaphore_mem>>
      %dma_start3A_271 = arith.constant 0 : i32
      %dma_start3A_272 = arith.constant 0 : i32
      %dma_start3A_273 = tpu.memref_slice %arg9[%run_scoped3A_212, %dma_start3A_271, %dma_start3A_272] : memref<8x128x64xbf16, #tpu.memory_space<vmem>> -> memref<1x128x64xbf16, #tpu.memory_space<vmem>>
      %dma_start3A_274 = tpu.memref_squeeze %dma_start3A_273 : memref<1x128x64xbf16, #tpu.memory_space<vmem>> -> memref<128x64xbf16, #tpu.memory_space<vmem>>
      %dma_start3A_275 = arith.constant 0 : i32
      %dma_start3A_276 = tpu.memref_slice %arg8[%run_scoped3A_213, %dma_start3A_275] : memref<80x128xi32, #tpu.memory_space<vmem>> -> memref<1x128xi32, #tpu.memory_space<vmem>>
      %dma_start3A_277 = tpu.memref_squeeze %dma_start3A_276 : memref<1x128xi32, #tpu.memory_space<vmem>> -> memref<128xi32, #tpu.memory_space<vmem>>
      %dma_start3A_278 = arith.constant 0 : i32
      %dma_start3A_279 = arith.constant 0 : i32
      %dma_start3A_280 = tpu.memref_slice %arg10[%dma_start3A_278, %dma_start3A_279] : memref<10112x64xbf16, #tpu.memory_space<vmem_shared>> -> memref<10112x64xbf16, #tpu.memory_space<vmem_shared>>
      tpu.enqueue_indirect_dma source(%dma_start3A_274 : memref<128x64xbf16, #tpu.memory_space<vmem>>) target(%dma_start3A_280 : memref<10112x64xbf16, #tpu.memory_space<vmem_shared>>) offsets(%dma_start3A_277 : memref<128xi32, #tpu.memory_space<vmem>>) semaphore(%run_scoped3A_270 : memref<!tpu.dma_semaphore, #tpu.memory_space<semaphore_mem>>) {add = true}
      %dma_wait3A_281 = arith.constant 0 : i32
      %dma_wait3A_282 = arith.constant 0 : i32
      %dma_wait3A_283 = tpu.memref_slice %arg9[%run_scoped3A_212, %dma_wait3A_281, %dma_wait3A_282] : memref<8x128x64xbf16, #tpu.memory_space<vmem>> -> memref<1x128x64xbf16, #tpu.memory_space<vmem>>
      %dma_wait3A_284 = tpu.memref_squeeze %dma_wait3A_283 : memref<1x128x64xbf16, #tpu.memory_space<vmem>> -> memref<128x64xbf16, #tpu.memory_space<vmem>>
      %dma_wait3A_285 = arith.constant 0 : i32
      %dma_wait3A_286 = tpu.memref_slice %arg8[%run_scoped3A_213, %dma_wait3A_285] : memref<80x128xi32, #tpu.memory_space<vmem>> -> memref<1x128xi32, #tpu.memory_space<vmem>>
      %dma_wait3A_287 = tpu.memref_squeeze %dma_wait3A_286 : memref<1x128xi32, #tpu.memory_space<vmem>> -> memref<128xi32, #tpu.memory_space<vmem>>
      %dma_wait3A_288 = arith.constant 0 : i32
      %dma_wait3A_289 = arith.constant 0 : i32
      %dma_wait3A_290 = tpu.memref_slice %arg10[%dma_wait3A_288, %dma_wait3A_289] : memref<10112x64xbf16, #tpu.memory_space<vmem_shared>> -> memref<10112x64xbf16, #tpu.memory_space<vmem_shared>>
      tpu.wait_indirect_dma semaphore(%run_scoped3A_270 : memref<!tpu.dma_semaphore, #tpu.memory_space<semaphore_mem>>) src(%dma_wait3A_284 : memref<128x64xbf16, #tpu.memory_space<vmem>>) dst(%dma_wait3A_290 : memref<10112x64xbf16, #tpu.memory_space<vmem_shared>>)
      tpu.yield
    }) : () -> ()
    %dma_wait3A_214 = arith.constant 77 : i32
    %dma_wait3A_215 = arith.constant 5 : i32
    %dma_wait3A_216 = arith.constant 5 : i32
    %dma_wait3A_217 = arith.constant 0 : i32
    %dma_wait3A_218 = arith.constant 0 : i32
    %dma_wait3A_219 = tpu.memref_slice %arg9[%dma_wait3A_215, %dma_wait3A_217, %dma_wait3A_218] : memref<8x128x64xbf16, #tpu.memory_space<vmem>> -> memref<1x128x64xbf16, #tpu.memory_space<vmem>>
    %dma_wait3A_220 = tpu.memref_squeeze %dma_wait3A_219 : memref<1x128x64xbf16, #tpu.memory_space<vmem>> -> memref<128x64xbf16, #tpu.memory_space<vmem>>
    %dma_wait3A_221 = arith.constant 0 : i32
    %dma_wait3A_222 = tpu.memref_slice %arg7[%dma_wait3A_214, %dma_wait3A_221] : memref<80x128xi32, #tpu.memory_space<vmem>> -> memref<1x128xi32, #tpu.memory_space<vmem>>
    %dma_wait3A_223 = tpu.memref_squeeze %dma_wait3A_222 : memref<1x128xi32, #tpu.memory_space<vmem>> -> memref<128xi32, #tpu.memory_space<vmem>>
    %dma_wait3A_224 = arith.constant 0 : i32
    %dma_wait3A_225 = arith.constant 0 : i32
    %dma_wait3A_226 = tpu.memref_slice %arg4[%dma_wait3A_224, %dma_wait3A_225] : memref<10000x64xbf16, #tpu.memory_space<hbm>> -> memref<10000x64xbf16, #tpu.memory_space<hbm>>
    %dma_wait3A_227 = tpu.memref_slice %arg11[%dma_wait3A_216] : memref<8x!tpu.dma_semaphore, #tpu.memory_space<semaphore_mem>> -> memref<1x!tpu.dma_semaphore, #tpu.memory_space<semaphore_mem>>
    %dma_wait3A_228 = tpu.memref_squeeze %dma_wait3A_227 : memref<1x!tpu.dma_semaphore, #tpu.memory_space<semaphore_mem>> -> memref<!tpu.dma_semaphore, #tpu.memory_space<semaphore_mem>>
    tpu.wait_indirect_dma semaphore(%dma_wait3A_228 : memref<!tpu.dma_semaphore, #tpu.memory_space<semaphore_mem>>) src(%dma_wait3A_226 : memref<10000x64xbf16, #tpu.memory_space<hbm>>) dst(%dma_wait3A_220 : memref<128x64xbf16, #tpu.memory_space<vmem>>)
    %run_scoped3A_229 = arith.constant 5 : i32
    %run_scoped3A_230 = arith.constant 77 : i32
    "tpu.region"() ({
      %run_scoped3A_270 = tpu.sem_alloc : memref<!tpu.dma_semaphore, #tpu.memory_space<semaphore_mem>>
      %dma_start3A_271 = arith.constant 0 : i32
      %dma_start3A_272 = arith.constant 0 : i32
      %dma_start3A_273 = tpu.memref_slice %arg9[%run_scoped3A_229, %dma_start3A_271, %dma_start3A_272] : memref<8x128x64xbf16, #tpu.memory_space<vmem>> -> memref<1x128x64xbf16, #tpu.memory_space<vmem>>
      %dma_start3A_274 = tpu.memref_squeeze %dma_start3A_273 : memref<1x128x64xbf16, #tpu.memory_space<vmem>> -> memref<128x64xbf16, #tpu.memory_space<vmem>>
      %dma_start3A_275 = arith.constant 0 : i32
      %dma_start3A_276 = tpu.memref_slice %arg8[%run_scoped3A_230, %dma_start3A_275] : memref<80x128xi32, #tpu.memory_space<vmem>> -> memref<1x128xi32, #tpu.memory_space<vmem>>
      %dma_start3A_277 = tpu.memref_squeeze %dma_start3A_276 : memref<1x128xi32, #tpu.memory_space<vmem>> -> memref<128xi32, #tpu.memory_space<vmem>>
      %dma_start3A_278 = arith.constant 0 : i32
      %dma_start3A_279 = arith.constant 0 : i32
      %dma_start3A_280 = tpu.memref_slice %arg10[%dma_start3A_278, %dma_start3A_279] : memref<10112x64xbf16, #tpu.memory_space<vmem_shared>> -> memref<10112x64xbf16, #tpu.memory_space<vmem_shared>>
      tpu.enqueue_indirect_dma source(%dma_start3A_274 : memref<128x64xbf16, #tpu.memory_space<vmem>>) target(%dma_start3A_280 : memref<10112x64xbf16, #tpu.memory_space<vmem_shared>>) offsets(%dma_start3A_277 : memref<128xi32, #tpu.memory_space<vmem>>) semaphore(%run_scoped3A_270 : memref<!tpu.dma_semaphore, #tpu.memory_space<semaphore_mem>>) {add = true}
      %dma_wait3A_281 = arith.constant 0 : i32
      %dma_wait3A_282 = arith.constant 0 : i32
      %dma_wait3A_283 = tpu.memref_slice %arg9[%run_scoped3A_229, %dma_wait3A_281, %dma_wait3A_282] : memref<8x128x64xbf16, #tpu.memory_space<vmem>> -> memref<1x128x64xbf16, #tpu.memory_space<vmem>>
      %dma_wait3A_284 = tpu.memref_squeeze %dma_wait3A_283 : memref<1x128x64xbf16, #tpu.memory_space<vmem>> -> memref<128x64xbf16, #tpu.memory_space<vmem>>
      %dma_wait3A_285 = arith.constant 0 : i32
      %dma_wait3A_286 = tpu.memref_slice %arg8[%run_scoped3A_230, %dma_wait3A_285] : memref<80x128xi32, #tpu.memory_space<vmem>> -> memref<1x128xi32, #tpu.memory_space<vmem>>
      %dma_wait3A_287 = tpu.memref_squeeze %dma_wait3A_286 : memref<1x128xi32, #tpu.memory_space<vmem>> -> memref<128xi32, #tpu.memory_space<vmem>>
      %dma_wait3A_288 = arith.constant 0 : i32
      %dma_wait3A_289 = arith.constant 0 : i32
      %dma_wait3A_290 = tpu.memref_slice %arg10[%dma_wait3A_288, %dma_wait3A_289] : memref<10112x64xbf16, #tpu.memory_space<vmem_shared>> -> memref<10112x64xbf16, #tpu.memory_space<vmem_shared>>
      tpu.wait_indirect_dma semaphore(%run_scoped3A_270 : memref<!tpu.dma_semaphore, #tpu.memory_space<semaphore_mem>>) src(%dma_wait3A_284 : memref<128x64xbf16, #tpu.memory_space<vmem>>) dst(%dma_wait3A_290 : memref<10112x64xbf16, #tpu.memory_space<vmem_shared>>)
      tpu.yield
    }) : () -> ()
    %dma_wait3A_231 = arith.constant 78 : i32
    %dma_wait3A_232 = arith.constant 6 : i32
    %dma_wait3A_233 = arith.constant 6 : i32
    %dma_wait3A_234 = arith.constant 0 : i32
    %dma_wait3A_235 = arith.constant 0 : i32
    %dma_wait3A_236 = tpu.memref_slice %arg9[%dma_wait3A_232, %dma_wait3A_234, %dma_wait3A_235] : memref<8x128x64xbf16, #tpu.memory_space<vmem>> -> memref<1x128x64xbf16, #tpu.memory_space<vmem>>
    %dma_wait3A_237 = tpu.memref_squeeze %dma_wait3A_236 : memref<1x128x64xbf16, #tpu.memory_space<vmem>> -> memref<128x64xbf16, #tpu.memory_space<vmem>>
    %dma_wait3A_238 = arith.constant 0 : i32
    %dma_wait3A_239 = tpu.memref_slice %arg7[%dma_wait3A_231, %dma_wait3A_238] : memref<80x128xi32, #tpu.memory_space<vmem>> -> memref<1x128xi32, #tpu.memory_space<vmem>>
    %dma_wait3A_240 = tpu.memref_squeeze %dma_wait3A_239 : memref<1x128xi32, #tpu.memory_space<vmem>> -> memref<128xi32, #tpu.memory_space<vmem>>
    %dma_wait3A_241 = arith.constant 0 : i32
    %dma_wait3A_242 = arith.constant 0 : i32
    %dma_wait3A_243 = tpu.memref_slice %arg4[%dma_wait3A_241, %dma_wait3A_242] : memref<10000x64xbf16, #tpu.memory_space<hbm>> -> memref<10000x64xbf16, #tpu.memory_space<hbm>>
    %dma_wait3A_244 = tpu.memref_slice %arg11[%dma_wait3A_233] : memref<8x!tpu.dma_semaphore, #tpu.memory_space<semaphore_mem>> -> memref<1x!tpu.dma_semaphore, #tpu.memory_space<semaphore_mem>>
    %dma_wait3A_245 = tpu.memref_squeeze %dma_wait3A_244 : memref<1x!tpu.dma_semaphore, #tpu.memory_space<semaphore_mem>> -> memref<!tpu.dma_semaphore, #tpu.memory_space<semaphore_mem>>
    tpu.wait_indirect_dma semaphore(%dma_wait3A_245 : memref<!tpu.dma_semaphore, #tpu.memory_space<semaphore_mem>>) src(%dma_wait3A_243 : memref<10000x64xbf16, #tpu.memory_space<hbm>>) dst(%dma_wait3A_237 : memref<128x64xbf16, #tpu.memory_space<vmem>>)
    %run_scoped3A_246 = arith.constant 6 : i32
    %run_scoped3A_247 = arith.constant 78 : i32
    "tpu.region"() ({
      %run_scoped3A_270 = tpu.sem_alloc : memref<!tpu.dma_semaphore, #tpu.memory_space<semaphore_mem>>
      %dma_start3A_271 = arith.constant 0 : i32
      %dma_start3A_272 = arith.constant 0 : i32
      %dma_start3A_273 = tpu.memref_slice %arg9[%run_scoped3A_246, %dma_start3A_271, %dma_start3A_272] : memref<8x128x64xbf16, #tpu.memory_space<vmem>> -> memref<1x128x64xbf16, #tpu.memory_space<vmem>>
      %dma_start3A_274 = tpu.memref_squeeze %dma_start3A_273 : memref<1x128x64xbf16, #tpu.memory_space<vmem>> -> memref<128x64xbf16, #tpu.memory_space<vmem>>
      %dma_start3A_275 = arith.constant 0 : i32
      %dma_start3A_276 = tpu.memref_slice %arg8[%run_scoped3A_247, %dma_start3A_275] : memref<80x128xi32, #tpu.memory_space<vmem>> -> memref<1x128xi32, #tpu.memory_space<vmem>>
      %dma_start3A_277 = tpu.memref_squeeze %dma_start3A_276 : memref<1x128xi32, #tpu.memory_space<vmem>> -> memref<128xi32, #tpu.memory_space<vmem>>
      %dma_start3A_278 = arith.constant 0 : i32
      %dma_start3A_279 = arith.constant 0 : i32
      %dma_start3A_280 = tpu.memref_slice %arg10[%dma_start3A_278, %dma_start3A_279] : memref<10112x64xbf16, #tpu.memory_space<vmem_shared>> -> memref<10112x64xbf16, #tpu.memory_space<vmem_shared>>
      tpu.enqueue_indirect_dma source(%dma_start3A_274 : memref<128x64xbf16, #tpu.memory_space<vmem>>) target(%dma_start3A_280 : memref<10112x64xbf16, #tpu.memory_space<vmem_shared>>) offsets(%dma_start3A_277 : memref<128xi32, #tpu.memory_space<vmem>>) semaphore(%run_scoped3A_270 : memref<!tpu.dma_semaphore, #tpu.memory_space<semaphore_mem>>) {add = true}
      %dma_wait3A_281 = arith.constant 0 : i32
      %dma_wait3A_282 = arith.constant 0 : i32
      %dma_wait3A_283 = tpu.memref_slice %arg9[%run_scoped3A_246, %dma_wait3A_281, %dma_wait3A_282] : memref<8x128x64xbf16, #tpu.memory_space<vmem>> -> memref<1x128x64xbf16, #tpu.memory_space<vmem>>
      %dma_wait3A_284 = tpu.memref_squeeze %dma_wait3A_283 : memref<1x128x64xbf16, #tpu.memory_space<vmem>> -> memref<128x64xbf16, #tpu.memory_space<vmem>>
      %dma_wait3A_285 = arith.constant 0 : i32
      %dma_wait3A_286 = tpu.memref_slice %arg8[%run_scoped3A_247, %dma_wait3A_285] : memref<80x128xi32, #tpu.memory_space<vmem>> -> memref<1x128xi32, #tpu.memory_space<vmem>>
      %dma_wait3A_287 = tpu.memref_squeeze %dma_wait3A_286 : memref<1x128xi32, #tpu.memory_space<vmem>> -> memref<128xi32, #tpu.memory_space<vmem>>
      %dma_wait3A_288 = arith.constant 0 : i32
      %dma_wait3A_289 = arith.constant 0 : i32
      %dma_wait3A_290 = tpu.memref_slice %arg10[%dma_wait3A_288, %dma_wait3A_289] : memref<10112x64xbf16, #tpu.memory_space<vmem_shared>> -> memref<10112x64xbf16, #tpu.memory_space<vmem_shared>>
      tpu.wait_indirect_dma semaphore(%run_scoped3A_270 : memref<!tpu.dma_semaphore, #tpu.memory_space<semaphore_mem>>) src(%dma_wait3A_284 : memref<128x64xbf16, #tpu.memory_space<vmem>>) dst(%dma_wait3A_290 : memref<10112x64xbf16, #tpu.memory_space<vmem_shared>>)
      tpu.yield
    }) : () -> ()
    %dma_wait3A_248 = arith.constant 79 : i32
    %dma_wait3A_249 = arith.constant 7 : i32
    %dma_wait3A_250 = arith.constant 7 : i32
    %dma_wait3A_251 = arith.constant 0 : i32
    %dma_wait3A_252 = arith.constant 0 : i32
    %dma_wait3A_253 = tpu.memref_slice %arg9[%dma_wait3A_249, %dma_wait3A_251, %dma_wait3A_252] : memref<8x128x64xbf16, #tpu.memory_space<vmem>> -> memref<1x128x64xbf16, #tpu.memory_space<vmem>>
    %dma_wait3A_254 = tpu.memref_squeeze %dma_wait3A_253 : memref<1x128x64xbf16, #tpu.memory_space<vmem>> -> memref<128x64xbf16, #tpu.memory_space<vmem>>
    %dma_wait3A_255 = arith.constant 0 : i32
    %dma_wait3A_256 = tpu.memref_slice %arg7[%dma_wait3A_248, %dma_wait3A_255] : memref<80x128xi32, #tpu.memory_space<vmem>> -> memref<1x128xi32, #tpu.memory_space<vmem>>
    %dma_wait3A_257 = tpu.memref_squeeze %dma_wait3A_256 : memref<1x128xi32, #tpu.memory_space<vmem>> -> memref<128xi32, #tpu.memory_space<vmem>>
    %dma_wait3A_258 = arith.constant 0 : i32
    %dma_wait3A_259 = arith.constant 0 : i32
    %dma_wait3A_260 = tpu.memref_slice %arg4[%dma_wait3A_258, %dma_wait3A_259] : memref<10000x64xbf16, #tpu.memory_space<hbm>> -> memref<10000x64xbf16, #tpu.memory_space<hbm>>
    %dma_wait3A_261 = tpu.memref_slice %arg11[%dma_wait3A_250] : memref<8x!tpu.dma_semaphore, #tpu.memory_space<semaphore_mem>> -> memref<1x!tpu.dma_semaphore, #tpu.memory_space<semaphore_mem>>
    %dma_wait3A_262 = tpu.memref_squeeze %dma_wait3A_261 : memref<1x!tpu.dma_semaphore, #tpu.memory_space<semaphore_mem>> -> memref<!tpu.dma_semaphore, #tpu.memory_space<semaphore_mem>>
    tpu.wait_indirect_dma semaphore(%dma_wait3A_262 : memref<!tpu.dma_semaphore, #tpu.memory_space<semaphore_mem>>) src(%dma_wait3A_260 : memref<10000x64xbf16, #tpu.memory_space<hbm>>) dst(%dma_wait3A_254 : memref<128x64xbf16, #tpu.memory_space<vmem>>)
    %run_scoped3A_263 = arith.constant 7 : i32
    %run_scoped3A_264 = arith.constant 79 : i32
    "tpu.region"() ({
      %run_scoped3A_270 = tpu.sem_alloc : memref<!tpu.dma_semaphore, #tpu.memory_space<semaphore_mem>>
      %dma_start3A_271 = arith.constant 0 : i32
      %dma_start3A_272 = arith.constant 0 : i32
      %dma_start3A_273 = tpu.memref_slice %arg9[%run_scoped3A_263, %dma_start3A_271, %dma_start3A_272] : memref<8x128x64xbf16, #tpu.memory_space<vmem>> -> memref<1x128x64xbf16, #tpu.memory_space<vmem>>
      %dma_start3A_274 = tpu.memref_squeeze %dma_start3A_273 : memref<1x128x64xbf16, #tpu.memory_space<vmem>> -> memref<128x64xbf16, #tpu.memory_space<vmem>>
      %dma_start3A_275 = arith.constant 0 : i32
      %dma_start3A_276 = tpu.memref_slice %arg8[%run_scoped3A_264, %dma_start3A_275] : memref<80x128xi32, #tpu.memory_space<vmem>> -> memref<1x128xi32, #tpu.memory_space<vmem>>
      %dma_start3A_277 = tpu.memref_squeeze %dma_start3A_276 : memref<1x128xi32, #tpu.memory_space<vmem>> -> memref<128xi32, #tpu.memory_space<vmem>>
      %dma_start3A_278 = arith.constant 0 : i32
      %dma_start3A_279 = arith.constant 0 : i32
      %dma_start3A_280 = tpu.memref_slice %arg10[%dma_start3A_278, %dma_start3A_279] : memref<10112x64xbf16, #tpu.memory_space<vmem_shared>> -> memref<10112x64xbf16, #tpu.memory_space<vmem_shared>>
      tpu.enqueue_indirect_dma source(%dma_start3A_274 : memref<128x64xbf16, #tpu.memory_space<vmem>>) target(%dma_start3A_280 : memref<10112x64xbf16, #tpu.memory_space<vmem_shared>>) offsets(%dma_start3A_277 : memref<128xi32, #tpu.memory_space<vmem>>) semaphore(%run_scoped3A_270 : memref<!tpu.dma_semaphore, #tpu.memory_space<semaphore_mem>>) {add = true}
      %dma_wait3A_281 = arith.constant 0 : i32
      %dma_wait3A_282 = arith.constant 0 : i32
      %dma_wait3A_283 = tpu.memref_slice %arg9[%run_scoped3A_263, %dma_wait3A_281, %dma_wait3A_282] : memref<8x128x64xbf16, #tpu.memory_space<vmem>> -> memref<1x128x64xbf16, #tpu.memory_space<vmem>>
      %dma_wait3A_284 = tpu.memref_squeeze %dma_wait3A_283 : memref<1x128x64xbf16, #tpu.memory_space<vmem>> -> memref<128x64xbf16, #tpu.memory_space<vmem>>
      %dma_wait3A_285 = arith.constant 0 : i32
      %dma_wait3A_286 = tpu.memref_slice %arg8[%run_scoped3A_264, %dma_wait3A_285] : memref<80x128xi32, #tpu.memory_space<vmem>> -> memref<1x128xi32, #tpu.memory_space<vmem>>
      %dma_wait3A_287 = tpu.memref_squeeze %dma_wait3A_286 : memref<1x128xi32, #tpu.memory_space<vmem>> -> memref<128xi32, #tpu.memory_space<vmem>>
      %dma_wait3A_288 = arith.constant 0 : i32
      %dma_wait3A_289 = arith.constant 0 : i32
      %dma_wait3A_290 = tpu.memref_slice %arg10[%dma_wait3A_288, %dma_wait3A_289] : memref<10112x64xbf16, #tpu.memory_space<vmem_shared>> -> memref<10112x64xbf16, #tpu.memory_space<vmem_shared>>
      tpu.wait_indirect_dma semaphore(%run_scoped3A_270 : memref<!tpu.dma_semaphore, #tpu.memory_space<semaphore_mem>>) src(%dma_wait3A_284 : memref<128x64xbf16, #tpu.memory_space<vmem>>) dst(%dma_wait3A_290 : memref<10112x64xbf16, #tpu.memory_space<vmem_shared>>)
      tpu.yield
    }) : () -> ()
    %barrier3A_265 = arith.constant 0 : index
    tpu.barrier barrier_id(%barrier3A_265)
    %mul3A_266 = arith.constant 632 : i32
    %mul3A_267 = arith.muli %arg1, %mul3A_266 : i32
    %mul3A_268 = arith.constant 632 : i32
    %mul3A_269 = arith.muli %arg1, %mul3A_268 : i32
    "tpu.region"() ({
      %run_scoped3A_270 = tpu.sem_alloc : memref<!tpu.dma_semaphore, #tpu.memory_space<semaphore_mem>>
      %dma_start3A_271 = arith.constant 0 : i32
      %dma_start3A_272 = tpu.memref_slice %arg6[%arg0, %mul3A_269, %dma_start3A_271] : memref<2x10112x64xbf16, #tpu.memory_space<hbm>> -> memref<1x632x64xbf16, #tpu.memory_space<hbm>>
      %dma_start3A_273 = tpu.memref_squeeze %dma_start3A_272 : memref<1x632x64xbf16, #tpu.memory_space<hbm>> -> memref<632x64xbf16, #tpu.memory_space<hbm>>
      %dma_start3A_274 = arith.constant 0 : i32
      %dma_start3A_275 = tpu.memref_slice %arg10[%mul3A_267, %dma_start3A_274] : memref<10112x64xbf16, #tpu.memory_space<vmem_shared>> -> memref<632x64xbf16, #tpu.memory_space<vmem_shared>>
      tpu.enqueue_dma source(%dma_start3A_275 : memref<632x64xbf16, #tpu.memory_space<vmem_shared>>) target(%dma_start3A_273 : memref<632x64xbf16, #tpu.memory_space<hbm>>) target_semaphore(%run_scoped3A_270 : memref<!tpu.dma_semaphore, #tpu.memory_space<semaphore_mem>>)
      %dma_wait3A_276 = arith.constant 0 : i32
      %dma_wait3A_277 = tpu.memref_slice %arg6[%arg0, %mul3A_269, %dma_wait3A_276] : memref<2x10112x64xbf16, #tpu.memory_space<hbm>> -> memref<1x632x64xbf16, #tpu.memory_space<hbm>>
      %dma_wait3A_278 = tpu.memref_squeeze %dma_wait3A_277 : memref<1x632x64xbf16, #tpu.memory_space<hbm>> -> memref<632x64xbf16, #tpu.memory_space<hbm>>
      %dma_wait3A_279 = arith.constant 0 : i32
      %dma_wait3A_280 = tpu.memref_slice %arg10[%mul3A_267, %dma_wait3A_279] : memref<10112x64xbf16, #tpu.memory_space<vmem_shared>> -> memref<632x64xbf16, #tpu.memory_space<vmem_shared>>
      tpu.wait_dma2 semaphore(%run_scoped3A_270 : memref<!tpu.dma_semaphore, #tpu.memory_space<semaphore_mem>>) src(%dma_wait3A_280 : memref<632x64xbf16, #tpu.memory_space<vmem_shared>>) dst(%dma_wait3A_278 : memref<632x64xbf16, #tpu.memory_space<hbm>>)
      tpu.yield
    }) : () -> ()
    return
  }
}

module attributes {stable_mosaic.version = 14 : i64} {
  func.func @_scale_body(%arg0: i32, %arg1: memref<2x2048x16xf32, #tpu.memory_space<vmem>>, %arg2: memref<2048x128xf32, #tpu.memory_space<vmem>>, %arg3: memref<2048x1xf32, #tpu.memory_space<vmem>>, %arg4: memref<2048x128xbf16, #tpu.memory_space<vmem>>) attributes {dimension_semantics = [#tpu.dimension_semantics<arbitrary>], iteration_bounds = array<i64: 5>, scalar_prefetch = 0 : i64, scratch_operands = 0 : i64, tpu.core_type = #tpu.core_type<tc>, window_params = [{transform_indices = @transform_0, window_bounds = array<i64: 2, 2048, 16>}, {transform_indices = @transform_1, window_bounds = array<i64: 2048, 128>}, {transform_indices = @transform_2, window_bounds = array<i64: 2048, 1>}, {transform_indices = @transform_3, window_bounds = array<i64: 2048, 128>}]} {
    %get3A = arith.constant 0 : index
    %get3A_0 = arith.constant 0 : index
    %get3A_1 = arith.constant 0 : index
    %get3A_2 = vector.load %arg1[%get3A, %get3A_0, %get3A_1] : memref<2x2048x16xf32, #tpu.memory_space<vmem>>, vector<1x2048x1xf32>
    %get3A_3 = vector.shape_cast %get3A_2 : vector<1x2048x1xf32> to vector<2048x1xf32>
    %add3A = arith.constant 1.000000e+00 : f32
    %add3A_4 = vector.broadcast %add3A : f32 to vector<2048x1xf32>
    %add3A_5 = arith.addf %add3A_4, %get3A_3 : vector<2048x1xf32>
    %get3A_6 = arith.constant 1 : index
    %get3A_7 = arith.constant 0 : index
    %get3A_8 = arith.constant 0 : index
    %get3A_9 = vector.load %arg1[%get3A_6, %get3A_7, %get3A_8] : memref<2x2048x16xf32, #tpu.memory_space<vmem>>, vector<1x2048x1xf32>
    %get3A_10 = vector.shape_cast %get3A_9 : vector<1x2048x1xf32> to vector<2048x1xf32>
    %add3A_11 = arith.addf %add3A_5, %get3A_10 : vector<2048x1xf32>
    %rsqrt3A = math.rsqrt %add3A_11 : vector<2048x1xf32>
    %swap3A = arith.constant 0 : index
    %swap3A_12 = arith.constant 0 : index
    %swap3A_13 = vector.load %arg3[%swap3A, %swap3A_12] : memref<2048x1xf32, #tpu.memory_space<vmem>>, vector<2048x1xf32>
    tpu.vector_store %arg3[%swap3A, %swap3A_12], %rsqrt3A {strides = array<i32>} : memref<2048x1xf32, #tpu.memory_space<vmem>>, vector<2048x1xf32>,
    %get3A_14 = arith.constant 0 : index
    %get3A_15 = arith.constant 0 : index
    %get3A_16 = vector.load %arg2[%get3A_14, %get3A_15] : memref<2048x128xf32, #tpu.memory_space<vmem>>, vector<2048x128xf32>
    %mul3A = vector.broadcast %rsqrt3A : vector<2048x1xf32> to vector<2048x128xf32>
    %mul3A_17 = arith.mulf %mul3A, %get3A_16 : vector<2048x128xf32>
    %convert_element_type3A = arith.truncf %mul3A_17 : vector<2048x128xf32> to vector<2048x128xbf16>
    %swap3A_18 = arith.constant 0 : index
    %swap3A_19 = arith.constant 0 : index
    %swap3A_20 = vector.load %arg4[%swap3A_18, %swap3A_19] : memref<2048x128xbf16, #tpu.memory_space<vmem>>, vector<2048x128xbf16>
    tpu.vector_store %arg4[%swap3A_18, %swap3A_19], %convert_element_type3A {strides = array<i32>} : memref<2048x128xbf16, #tpu.memory_space<vmem>>, vector<2048x128xbf16>,
    return
  }
  func.func @transform_0(%arg0: i32) -> (i32, i32, i32) {
    %c0_i32 = arith.constant 0 : i32
    %c0_i32_0 = arith.constant 0 : i32
    %c0_i32_1 = arith.constant 0 : i32
    return %c0_i32, %arg0, %c0_i32_0 : i32, i32, i32
  }
  func.func @transform_1(%arg0: i32) -> (i32, i32) {
    %c0_i32 = arith.constant 0 : i32
    %c0_i32_0 = arith.constant 0 : i32
    return %arg0, %c0_i32 : i32, i32
  }
  func.func @transform_2(%arg0: i32) -> (i32, i32) {
    %c0_i32 = arith.constant 0 : i32
    %c0_i32_0 = arith.constant 0 : i32
    return %arg0, %c0_i32 : i32, i32
  }
  func.func @transform_3(%arg0: i32) -> (i32, i32) {
    %c0_i32 = arith.constant 0 : i32
    %c0_i32_0 = arith.constant 0 : i32
    return %arg0, %c0_i32 : i32, i32
  }
}

module attributes {stable_mosaic.version = 14 : i64} {
  func.func @_mid_body(%arg0: i32, %arg1: memref<2048x128xbf16, #tpu.memory_space<vmem>>, %arg2: memref<2x2048x128xbf16, #tpu.memory_space<vmem>>, %arg3: memref<2048x1xf32, #tpu.memory_space<vmem>>, %arg4: memref<128x128xf32, #tpu.memory_space<vmem>>, %arg5: memref<1x128xf32, #tpu.memory_space<vmem>>, %arg6: memref<128x64xf32, #tpu.memory_space<vmem>>, %arg7: memref<2048x64xbf16, #tpu.memory_space<vmem>>) attributes {dimension_semantics = [#tpu.dimension_semantics<arbitrary>], iteration_bounds = array<i64: 5>, scalar_prefetch = 0 : i64, scratch_operands = 0 : i64, tpu.core_type = #tpu.core_type<tc>, window_params = [{transform_indices = @transform_0, window_bounds = array<i64: 2048, 128>}, {transform_indices = @transform_1, window_bounds = array<i64: 2, 2048, 128>}, {transform_indices = @transform_2, window_bounds = array<i64: 2048, 1>}, {pipeline_mode = #tpu.pipeline_mode<synchronous>, transform_indices = @transform_3, window_bounds = array<i64: 128, 128>}, {pipeline_mode = #tpu.pipeline_mode<synchronous>, transform_indices = @transform_4, window_bounds = array<i64: 1, 128>}, {pipeline_mode = #tpu.pipeline_mode<synchronous>, transform_indices = @transform_5, window_bounds = array<i64: 128, 64>}, {transform_indices = @transform_6, window_bounds = array<i64: 2048, 64>}]} {
    %get3A = arith.constant 0 : index
    %get3A_0 = arith.constant 0 : index
    %get3A_1 = vector.load %arg1[%get3A, %get3A_0] : memref<2048x128xbf16, #tpu.memory_space<vmem>>, vector<2048x128xbf16>
    %convert_element_type3A = arith.extf %get3A_1 : vector<2048x128xbf16> to vector<2048x128xf32>
    %get3A_2 = arith.constant 0 : index
    %get3A_3 = arith.constant 0 : index
    %get3A_4 = arith.constant 0 : index
    %get3A_5 = vector.load %arg2[%get3A_2, %get3A_3, %get3A_4] : memref<2x2048x128xbf16, #tpu.memory_space<vmem>>, vector<1x2048x128xbf16>
    %get3A_6 = vector.shape_cast %get3A_5 : vector<1x2048x128xbf16> to vector<2048x128xbf16>
    %convert_element_type3A_7 = arith.extf %get3A_6 : vector<2048x128xbf16> to vector<2048x128xf32>
    %add3A = arith.addf %convert_element_type3A, %convert_element_type3A_7 : vector<2048x128xf32>
    %get3A_8 = arith.constant 1 : index
    %get3A_9 = arith.constant 0 : index
    %get3A_10 = arith.constant 0 : index
    %get3A_11 = vector.load %arg2[%get3A_8, %get3A_9, %get3A_10] : memref<2x2048x128xbf16, #tpu.memory_space<vmem>>, vector<1x2048x128xbf16>
    %get3A_12 = vector.shape_cast %get3A_11 : vector<1x2048x128xbf16> to vector<2048x128xbf16>
    %convert_element_type3A_13 = arith.extf %get3A_12 : vector<2048x128xbf16> to vector<2048x128xf32>
    %add3A_14 = arith.addf %add3A, %convert_element_type3A_13 : vector<2048x128xf32>
    %get3A_15 = arith.constant 0 : index
    %get3A_16 = arith.constant 0 : index
    %get3A_17 = vector.load %arg3[%get3A_15, %get3A_16] : memref<2048x1xf32, #tpu.memory_space<vmem>>, vector<2048x1xf32>
    %mul3A = vector.broadcast %get3A_17 : vector<2048x1xf32> to vector<2048x128xf32>
    %mul3A_18 = arith.mulf %mul3A, %add3A_14 : vector<2048x128xf32>
    %get3A_19 = arith.constant 0 : index
    %get3A_20 = arith.constant 0 : index
    %get3A_21 = vector.load %arg4[%get3A_19, %get3A_20] : memref<128x128xf32, #tpu.memory_space<vmem>>, vector<128x128xf32>
    %dot_general3A = arith.constant dense<0.000000e+00> : vector<2048x128xf32>
    %dot_general3A_22 = tpu.matmul %mul3A_18, %get3A_21, %dot_general3A {dimension_numbers = #tpu.dot_dimension_numbers<[1], [0], [0], [1], [0, 0, 1, 1], [], []>, precision = #tpu.contract_precision<fp32>, transpose_lhs_hint = false} : vector<2048x128xf32>, vector<128x128xf32>, vector<2048x128xf32> -> vector<2048x128xf32>
    %get3A_23 = arith.constant 0 : index
    %get3A_24 = arith.constant 0 : index
    %get3A_25 = vector.load %arg5[%get3A_23, %get3A_24] : memref<1x128xf32, #tpu.memory_space<vmem>>, vector<1x128xf32>
    %add3A_26 = vector.broadcast %get3A_25 : vector<1x128xf32> to vector<2048x128xf32>
    %add3A_27 = arith.addf %dot_general3A_22, %add3A_26 : vector<2048x128xf32>
    %max3A = arith.constant 0.000000e+00 : f32
    %max3A_28 = vector.broadcast %max3A : f32 to vector<2048x128xf32>
    %max3A_29 = arith.maximumf %add3A_27, %max3A_28 : vector<2048x128xf32>
    %get3A_30 = arith.constant 0 : index
    %get3A_31 = arith.constant 0 : index
    %get3A_32 = vector.load %arg3[%get3A_30, %get3A_31] : memref<2048x1xf32, #tpu.memory_space<vmem>>, vector<2048x1xf32>
    %get3A_33 = arith.constant 0 : index
    %get3A_34 = arith.constant 0 : index
    %get3A_35 = vector.load %arg6[%get3A_33, %get3A_34] : memref<128x64xf32, #tpu.memory_space<vmem>>, vector<128x64xf32>
    %dot_general3A_36 = arith.constant dense<0.000000e+00> : vector<2048x64xf32>
    %dot_general3A_37 = tpu.matmul %max3A_29, %get3A_35, %dot_general3A_36 {dimension_numbers = #tpu.dot_dimension_numbers<[1], [0], [0], [1], [0, 0, 1, 1], [], []>, precision = #tpu.contract_precision<fp32>, transpose_lhs_hint = false} : vector<2048x128xf32>, vector<128x64xf32>, vector<2048x64xf32> -> vector<2048x64xf32>
    %mul3A_38 = vector.broadcast %get3A_32 : vector<2048x1xf32> to vector<2048x64xf32>
    %mul3A_39 = arith.mulf %mul3A_38, %dot_general3A_37 : vector<2048x64xf32>
    %convert_element_type3A_40 = arith.truncf %mul3A_39 : vector<2048x64xf32> to vector<2048x64xbf16>
    %swap3A = arith.constant 0 : index
    %swap3A_41 = arith.constant 0 : index
    %swap3A_42 = vector.load %arg7[%swap3A, %swap3A_41] : memref<2048x64xbf16, #tpu.memory_space<vmem>>, vector<2048x64xbf16>
    tpu.vector_store %arg7[%swap3A, %swap3A_41], %convert_element_type3A_40 {strides = array<i32>} : memref<2048x64xbf16, #tpu.memory_space<vmem>>, vector<2048x64xbf16>,
    return
  }
  func.func @transform_0(%arg0: i32) -> (i32, i32) {
    %c0_i32 = arith.constant 0 : i32
    %c0_i32_0 = arith.constant 0 : i32
    return %arg0, %c0_i32 : i32, i32
  }
  func.func @transform_1(%arg0: i32) -> (i32, i32, i32) {
    %c0_i32 = arith.constant 0 : i32
    %c0_i32_0 = arith.constant 0 : i32
    %c0_i32_1 = arith.constant 0 : i32
    return %c0_i32, %arg0, %c0_i32_0 : i32, i32, i32
  }
  func.func @transform_2(%arg0: i32) -> (i32, i32) {
    %c0_i32 = arith.constant 0 : i32
    %c0_i32_0 = arith.constant 0 : i32
    return %arg0, %c0_i32 : i32, i32
  }
  func.func @transform_3(%arg0: i32) -> (i32, i32) {
    %c0_i32 = arith.constant 0 : i32
    %c0_i32_0 = arith.constant 0 : i32
    %c0_i32_1 = arith.constant 0 : i32
    return %c0_i32, %c0_i32_0 : i32, i32
  }
  func.func @transform_4(%arg0: i32) -> (i32, i32) {
    %c0_i32 = arith.constant 0 : i32
    %c0_i32_0 = arith.constant 0 : i32
    %c0_i32_1 = arith.constant 0 : i32
    return %c0_i32, %c0_i32_0 : i32, i32
  }
  func.func @transform_5(%arg0: i32) -> (i32, i32) {
    %c0_i32 = arith.constant 0 : i32
    %c0_i32_0 = arith.constant 0 : i32
    %c0_i32_1 = arith.constant 0 : i32
    return %c0_i32, %c0_i32_0 : i32, i32
  }
  func.func @transform_6(%arg0: i32) -> (i32, i32) {
    %c0_i32 = arith.constant 0 : i32
    %c0_i32_0 = arith.constant 0 : i32
    return %arg0, %c0_i32 : i32, i32
  }
}

module attributes {stable_mosaic.version = 14 : i64} {
  func.func @_fin_body(%arg0: i32, %arg1: memref<2048x64xbf16, #tpu.memory_space<vmem>>, %arg2: memref<2x2048x64xbf16, #tpu.memory_space<vmem>>, %arg3: memref<2048x1xf32, #tpu.memory_space<vmem>>, %arg4: memref<1x40xf32, #tpu.memory_space<vmem>>, %arg5: memref<2048x40xf32, #tpu.memory_space<vmem>>) attributes {dimension_semantics = [#tpu.dimension_semantics<arbitrary>], iteration_bounds = array<i64: 5>, scalar_prefetch = 0 : i64, scratch_operands = 0 : i64, tpu.core_type = #tpu.core_type<tc>, window_params = [{transform_indices = @transform_0, window_bounds = array<i64: 2048, 64>}, {transform_indices = @transform_1, window_bounds = array<i64: 2, 2048, 64>}, {transform_indices = @transform_2, window_bounds = array<i64: 2048, 1>}, {pipeline_mode = #tpu.pipeline_mode<synchronous>, transform_indices = @transform_3, window_bounds = array<i64: 1, 40>}, {transform_indices = @transform_4, window_bounds = array<i64: 2048, 40>}]} {
    %get3A = arith.constant 0 : index
    %get3A_0 = arith.constant 0 : index
    %get3A_1 = vector.load %arg1[%get3A, %get3A_0] : memref<2048x64xbf16, #tpu.memory_space<vmem>>, vector<2048x64xbf16>
    %convert_element_type3A = arith.extf %get3A_1 : vector<2048x64xbf16> to vector<2048x64xf32>
    %get3A_2 = arith.constant 0 : index
    %get3A_3 = arith.constant 0 : index
    %get3A_4 = arith.constant 0 : index
    %get3A_5 = vector.load %arg2[%get3A_2, %get3A_3, %get3A_4] : memref<2x2048x64xbf16, #tpu.memory_space<vmem>>, vector<1x2048x64xbf16>
    %get3A_6 = vector.shape_cast %get3A_5 : vector<1x2048x64xbf16> to vector<2048x64xbf16>
    %convert_element_type3A_7 = arith.extf %get3A_6 : vector<2048x64xbf16> to vector<2048x64xf32>
    %add3A = arith.addf %convert_element_type3A, %convert_element_type3A_7 : vector<2048x64xf32>
    %get3A_8 = arith.constant 1 : index
    %get3A_9 = arith.constant 0 : index
    %get3A_10 = arith.constant 0 : index
    %get3A_11 = vector.load %arg2[%get3A_8, %get3A_9, %get3A_10] : memref<2x2048x64xbf16, #tpu.memory_space<vmem>>, vector<1x2048x64xbf16>
    %get3A_12 = vector.shape_cast %get3A_11 : vector<1x2048x64xbf16> to vector<2048x64xbf16>
    %convert_element_type3A_13 = arith.extf %get3A_12 : vector<2048x64xbf16> to vector<2048x64xf32>
    %add3A_14 = arith.addf %add3A, %convert_element_type3A_13 : vector<2048x64xf32>
    %slice3A = vector.extract_strided_slice %add3A_14 {offsets = [0, 0], sizes = [2048, 40], strides = [1, 1]} : vector<2048x64xf32> to vector<2048x40xf32>
    %get3A_15 = arith.constant 0 : index
    %get3A_16 = arith.constant 0 : index
    %get3A_17 = vector.load %arg3[%get3A_15, %get3A_16] : memref<2048x1xf32, #tpu.memory_space<vmem>>, vector<2048x1xf32>
    %mul3A = vector.broadcast %get3A_17 : vector<2048x1xf32> to vector<2048x40xf32>
    %mul3A_18 = arith.mulf %mul3A, %slice3A : vector<2048x40xf32>
    %get3A_19 = arith.constant 0 : index
    %get3A_20 = arith.constant 0 : index
    %get3A_21 = vector.load %arg4[%get3A_19, %get3A_20] : memref<1x40xf32, #tpu.memory_space<vmem>>, vector<1x40xf32>
    %add3A_22 = vector.broadcast %get3A_21 : vector<1x40xf32> to vector<2048x40xf32>
    %add3A_23 = arith.addf %mul3A_18, %add3A_22 : vector<2048x40xf32>
    %reduce_max3A = arith.constant dense<0xFF800000> : vector<2048xf32>
    %reduce_max3A_24 = vector.multi_reduction <maximumf>, %add3A_23, %reduce_max3A [1] : vector<2048x40xf32> to vector<2048xf32>
    %broadcast_in_dim3A = vector.shape_cast %reduce_max3A_24 : vector<2048xf32> to vector<2048x1xf32>
    %sub3A = vector.broadcast %broadcast_in_dim3A : vector<2048x1xf32> to vector<2048x40xf32>
    %sub3A_25 = arith.subf %add3A_23, %sub3A : vector<2048x40xf32>
    %exp3A = math.exp %sub3A_25 : vector<2048x40xf32>
    %reduce_sum3A = arith.constant dense<0.000000e+00> : vector<2048xf32>
    %reduce_sum3A_26 = vector.multi_reduction <add>, %exp3A, %reduce_sum3A [1] : vector<2048x40xf32> to vector<2048xf32>
    %broadcast_in_dim3A_27 = vector.shape_cast %reduce_sum3A_26 : vector<2048xf32> to vector<2048x1xf32>
    %log3A = math.log %broadcast_in_dim3A_27 : vector<2048x1xf32>
    %sub3A_28 = vector.broadcast %log3A : vector<2048x1xf32> to vector<2048x40xf32>
    %sub3A_29 = arith.subf %sub3A_25, %sub3A_28 : vector<2048x40xf32>
    %swap3A = arith.constant 0 : index
    %swap3A_30 = arith.constant 0 : index
    %swap3A_31 = vector.load %arg5[%swap3A, %swap3A_30] : memref<2048x40xf32, #tpu.memory_space<vmem>>, vector<2048x40xf32>
    tpu.vector_store %arg5[%swap3A, %swap3A_30], %sub3A_29 {strides = array<i32>} : memref<2048x40xf32, #tpu.memory_space<vmem>>, vector<2048x40xf32>,
    return
  }
  func.func @transform_0(%arg0: i32) -> (i32, i32) {
    %c0_i32 = arith.constant 0 : i32
    %c0_i32_0 = arith.constant 0 : i32
    return %arg0, %c0_i32 : i32, i32
  }
  func.func @transform_1(%arg0: i32) -> (i32, i32, i32) {
    %c0_i32 = arith.constant 0 : i32
    %c0_i32_0 = arith.constant 0 : i32
    %c0_i32_1 = arith.constant 0 : i32
    return %c0_i32, %arg0, %c0_i32_0 : i32, i32, i32
  }
  func.func @transform_2(%arg0: i32) -> (i32, i32) {
    %c0_i32 = arith.constant 0 : i32
    %c0_i32_0 = arith.constant 0 : i32
    return %arg0, %c0_i32 : i32, i32
  }
  func.func @transform_3(%arg0: i32) -> (i32, i32) {
    %c0_i32 = arith.constant 0 : i32
    %c0_i32_0 = arith.constant 0 : i32
    %c0_i32_1 = arith.constant 0 : i32
    return %c0_i32, %c0_i32_0 : i32, i32
  }
  func.func @transform_4(%arg0: i32) -> (i32, i32) {
    %c0_i32 = arith.constant 0 : i32
    %c0_i32_0 = arith.constant 0 : i32
    return %arg0, %c0_i32 : i32, i32
  }
}

</mosaic_0001>

<sc_bundles>
// kernel: kernel.11.cloned.1.call-start
scs
__scs_entry_jumppad:
0x0: {  	(pc) =	sbr.rel $0x88, $3  }
0x1: {  	(tag) =	ssettag $0x0;
	lr =	simm.s32 $0x1  }
0x2: {  	[smem:$0x3F9B] =	sst lr;
	_ =	strace $0xD0000000  }
0x3: {  	_ = 	snop  }
0x4: {  	_ = 	snop  }
0x5: {  	_ = 	snop  }
0x6: {  	_ = 	snop  }
0x7: {  	_ = 	snop  }
__scs_overlays_trampoline_lowered:
0x8: {  	[smem:$0x3FAA] =	sst s0  }
0x9: {  	[smem:$0x3FAB] =	sst s1  }
0xa: {  	[smem:$0x3FAC] =	sst s2  }
0xb: {  	[smem:$0x3FAD] =	sst s3  }
0xc: {  	[smem:$0x3FAE] =	sst s4  }
0xd: {  	[smem:$0x3FAF] =	sst s5  }
0xe: {  	[smem:$0x3FB0] =	sst s6  }
0xf: {  	[smem:$0x3FB1] =	sst s7  }
0x10: {  	[smem:$0x3FB2] =	sst s8  }
0x11: {  	[smem:$0x3FB3] =	sst s9;
	s0 =	simm.s32 @!p0 $0x0  }
0x12: {  	s1 =	sld [smem:$0x3F99];
	s0 =	simm.s32 @p0 $0x1  }
0x13: {  	[smem:$0x3FB4] =	sst s0;
	s0 =	simm.s32 @!p1 $0x0  }
0x14: {  	s2 =	sld [smem:$0x3F98];
	s0 =	simm.s32 @p1 $0x1  }
0x15: {  	[smem:$0x3FB5] =	sst s0;
	s0 =	simm.s32 @!p2 $0x0  }
0x16: {  	s3 =	sld [smem:$0x3FDB];
	s0 =	simm.s32 @p2 $0x1  }
0x17: {  	s4 =	simm.s32 $0x1BF5;
	[smem:$0x3FB7] =	sst s0  }
0x18: {  	s0 =	sld [smem:$0x3F9A];
	_ =	swait.ge [sflag:s4], $0x0  }
0x19: {  	s7 =	sld [smem:$0x3F9B]  }
0x1a: {  	s8 =	sadd.s32 $0xFFFFE003, lr  }
0x1b: {  	s9 =	sadd.s32 $0xFFFFFEF7, lr;
	s5 =	simm.s32 $0xFFFFFFFF;
	p2 =	slt.u32 s8, $0xFFFFF086  }
0x1c: {  	p1 =	slt.u32 s9, $0xF7A;
	s5 =	simm.s32 @!p2 $0x0  }
0x1d: {  	s5 =	simm.s32 @p1 $0x1;
	p0 =	seq.s32 s7, s2  }
0x1e: {  	s7 =	smul.u32 @!p0 $0xF7A, s2;
	p2 =	seq.s32 @!p0 s5, $0x0  }
0x1f: {  	s9 =	smul.u32 $0xF7A, s1;
	s8 =	simm.s32 @!p0 $0x1BF5;
	p2 =	por !p2, p0  }
0x20: {  	[sflag:s8] =	ssyncset.s32 @!p0 $0xFFFFF086;
	s6 =	sadd.s32 @!p0 s3, s7;
	s7 =	simm.s32 @!p0 $0x108  }
0x21: {  	s3 =	sadd.s32 s3, s9;
	s6 =	sadd.s32 @!p0 $0x88, s6;
	s7 =	simm.s32 @p2 $0x1082  }
0x22: {  	[simem:s7], [sflag:s8] =	dma.local @!p0 [hbm:s6], $0xF7A  }
0x23: {  	s9 =	sor.u32 $0xD0000000, s2;
	s6 =	simm.s32 $0x108;
	_ =	swait.ge @!p0 [sflag:s8], $0x0  }
0x24: {  	s3 =	sadd.s32 $0x88, s3;
	s6 =	simm.s32 @!p1 $0x1082;
	[sflag:s4] =	ssyncset.s32 $0xFFFFF086  }
0x25: {  	[simem:s6], [sflag:s4] =	dma.local [hbm:s3], $0xF7A  }
0x26: {  	[smem:$0x3F9B] =	sst s1;
	(tag) =	ssettag s2;
	_ =	strace s9  }
0x27: {  	s1 =	sld [smem:$0x3FAB]  }
0x28: {  	s2 =	sld [smem:$0x3FAC]  }
0x29: {  	s4 =	sld [smem:$0x3FAE]  }
0x2a: {  	p0 =	seq.s32 s5, $0x0;
	s5 =	sld [smem:$0x3FAF]  }
0x2b: {  	s6 =	sld [smem:$0x3FB0]  }
0x2c: {  	s7 =	sld [smem:$0x3FB1]  }
0x2d: {  	s3 =	simm.s32 $0x108;
	s8 =	sld [smem:$0x3FB2]  }
0x2e: {  	s3 =	simm.s32 @!p0 $0x1082;
	s9 =	sld [smem:$0x3FB3]  }
0x2f: {  	lr =	sadd.s32 s0, s3;
	s0 =	sld [smem:$0x3FAA]  }
0x30: {  	s3 =	sld [smem:$0x3FAD]  }
0x31: {  	[smem:$0x3FB6] =	sst s10  }
0x32: {  	s10 =	sld [smem:$0x3FB4];
	_ =	sdelay $0x3  }
0x33: {  	p0 =	seq.s32 s10, $0x1;
	s10 =	sld [smem:$0x3FB6];
	_ =	sdelay $0x3  }
0x34: {  	[smem:$0x3FB6] =	sst s10  }
0x35: {  	s10 =	sld [smem:$0x3FB5];
	_ =	sdelay $0x3  }
0x36: {  	p1 =	seq.s32 s10, $0x1;
	s10 =	sld [smem:$0x3FB6];
	_ =	sdelay $0x3  }
0x37: {  	[smem:$0x3FB6] =	sst s10  }
0x38: {  	s10 =	sld [smem:$0x3FB7]  }
0x39: {  	_ = 	snop;
	(pc) =	sbr.ind lr, $3  }
0x3a: {  	_ = 	snop  }
0x3b: {  	_ = 	snop  }
0x3c: {  	p2 =	seq.s32 s10, $0x1;
	s10 =	sld [smem:$0x3FB6]  }
0x3d: {  	_ =	shalt  }
0x3e: {  	_ =	shalt  }
0x3f: {  	_ =	shalt  }
0x40: {  	_ =	shalt  }
0x41: {  	_ =	shalt  }
0x42: {  	_ =	shalt  }
0x43: {  	_ =	shalt  }
0x44: {  	_ =	shalt  }
0x45: {  	_ =	shalt  }
0x46: {  	_ =	shalt  }
0x47: {  	_ =	shalt  }
0x48: {  	_ =	shalt  }
0x49: {  	_ =	shalt  }
0x4a: {  	_ =	shalt  }
0x4b: {  	_ =	shalt  }
0x4c: {  	_ =	shalt  }
0x4d: {  	_ =	shalt  }
0x4e: {  	_ =	shalt  }
0x4f: {  	_ =	shalt  }
0x50: {  	_ =	shalt  }
0x51: {  	_ =	shalt  }
0x52: {  	_ =	shalt  }
0x53: {  	_ =	shalt  }
0x54: {  	_ =	shalt  }
0x55: {  	_ =	shalt  }
0x56: {  	_ =	shalt  }
0x57: {  	_ =	shalt  }
0x58: {  	_ =	shalt  }
0x59: {  	_ =	shalt  }
0x5a: {  	_ =	shalt  }
0x5b: {  	_ =	shalt  }
0x5c: {  	_ =	shalt  }
0x5d: {  	_ =	shalt  }
0x5e: {  	_ =	shalt  }
0x5f: {  	_ =	shalt  }
0x60: {  	_ =	shalt  }
0x61: {  	_ =	shalt  }
0x62: {  	_ =	shalt  }
0x63: {  	_ =	shalt  }
0x64: {  	_ =	shalt  }
0x65: {  	_ =	shalt  }
0x66: {  	_ =	shalt  }
0x67: {  	_ =	shalt  }
0x68: {  	_ =	shalt  }
0x69: {  	_ =	shalt  }
0x6a: {  	_ =	shalt  }
0x6b: {  	_ =	shalt  }
0x6c: {  	_ =	shalt  }
0x6d: {  	_ =	shalt  }
0x6e: {  	_ =	shalt  }
0x6f: {  	_ =	shalt  }
0x70: {  	_ =	shalt  }
0x71: {  	_ =	shalt  }
0x72: {  	_ =	shalt  }
0x73: {  	_ =	shalt  }
0x74: {  	_ =	shalt  }
0x75: {  	_ =	shalt  }
0x76: {  	_ =	shalt  }
0x77: {  	_ =	shalt  }
0x78: {  	_ =	shalt  }
0x79: {  	_ =	shalt  }
0x7a: {  	_ =	shalt  }
0x7b: {  	_ =	shalt  }
0x7c: {  	_ =	shalt  }
0x7d: {  	_ =	shalt  }
0x7e: {  	_ =	shalt  }
0x7f: {  	_ =	shalt  }
0x80: {  	_ =	shalt  }
0x81: {  	_ =	shalt  }
0x82: {  	_ =	shalt  }
0x83: {  	_ =	shalt  }
0x84: {  	_ =	shalt  }
0x85: {  	_ =	shalt  }
0x86: {  	_ =	shalt  }
0x87: {  	_ =	shalt  }
.Lfunc_end0:
.L_simem_size_0:
called_computation.1_lowered:
.L_overlay_start_0:
0x88: {  	s2 =	sld [smem:$0x3FD9]  }
0x89: {  	s3 =	sld [smem:$0x3FFE];
	_ =	sdelay $0x1  }
0x8a: {  	s1 =	srdreg.scid  }
0x8b: {  	s0 =	sand.u32 $0x1, s1  }
0x8c: {  	s17 =	sshll.u32 s0, $0xA;
	s2 =	sadd.s32 s3, s2  }
0x8d: {  	s2 =	sadd.s32 s2, s17  }
0x8e: {  	[smem:$0x3FC2] =	sst s2  }
0x8f: {  	_ = 	snop  }
0x90: {  	s2 =	sld [smem:$0x3FD0];
	(tm) =	ssettm $0x1  }
0x91: {  	s18 =	sld [smem:$0x3FFB];
	_ =	sdelay $0x3  }
0x92: {  	_ =	strace s18  }
0x93: {  	s3 =	sld [smem:$0x3FFC];
	_ =	sdelay $0x3  }
0x94: {  	_ =	strace s3  }
0x95: {  	s3 =	sld [smem:$0x3FFD];
	_ =	sdelay $0x3  }
0x96: {  	_ =	strace s3  }
0x97: {  	_ =	strace $0x8FFFFFFF  }
0x98: {  	s19 =	sld [smem:$0x3FDB];
	_ =	sdelay $0x1  }
0x99: {  	s4 =	simm.s32 $_scs_section_size  }
0x9a: {  	s5 =	simm.s32 $_size__tile_overlayer_lowered;
	s6 =	simm.s32 $_tile_overlayer_lowered  }
0x9b: {  	s22 =	simm.s32 $0x1BFF;
	s21 =	sshll.u32 s6, $0x1;
	s3 =	sadd.s32 s4, s19  }
0x9c: {  	s7 =	simm.s32 $0x0;
	s20 =	sshll.u32 s5, $0x1;
	s5 =	sadd.s32 s21, s3  }
0x9d: {  	[timem:s7], [sflag:s22] =	dma.local [hbm:s5], s20  }
0x9e: {  	_ =	swait.ge [sflag:s22], s20  }
0x9f: {  	s4 =	ssub.s32 $0x0, s20;
	[sflag:s22] =	ssyncset.done $0x0  }
0xa0: {  	[sflag:s22] =	ssyncadd.s32 s4;
	_ =	sdelay $0x1  }
0xa1: {  	s23 =	simm.s32 $0x1B8B  }
0xa2: {  	_ =	swait.ge [sflag:s23], $0x1  }
0xa3: {  	[sflag:s23] =	ssyncset.done $0x0  }
0xa4: {  	s25 =	simm.s32 $0x1B8E;
	s24 =	sld [smem:$0x3FFE];
	[sflag:s23] =	ssyncadd.s32 $0xFFFFFFFF  }
0xa5: {  	s26 =	simm.s32 $execute0_lowered;
	[smem:$0x3FD2] =	sst s25  }
0xa6: {  	s5 =	sshll.u32 s26, $0x1;
	_ =	strace $0x80000049;
	[dreg:$0x1] =	wrdreg $0xFFFFFFFF  }
0xa7: {  	s28 =	simm.s32 $_size_execute0_lowered;
	s3 =	sadd.s32 s3, s5;
	[dreg:$0x0] =	wrdreg $0x0  }
0xa8: {  	s5 =	sshll.u32 s28, $0x1;
	[dreg:$0x2] =	wrdreg s3  }
0xa9: {  	[dreg:$0x3] =	wrdreg s5  }
0xaa: {  	[dreg:$0x4] =	wrdreg $0xC0  }
0xab: {  	_ =	task [dreg:s7], $0x5FFFF  }
0xac: {  	[dreg:$0x1] =	wrdreg $0xFFFFFFFF  }
0xad: {  	[dreg:$0x0] =	wrdreg $0x60  }
0xae: {  	[dreg:$0x2] =	wrdreg s24  }
0xaf: {  	[dreg:$0x3] =	wrdreg s2  }
0xb0: {  	[dreg:$0x4] =	wrdreg $0x128000  }
0xb1: {  	[dreg:$0x5] =	wrdreg $0x9  }
0xb2: {  	_ =	task.clear_ibuf [dreg:s7], $0x6FFFF;
	_ =	strace $0x90000049  }
0xb3: {  	s29 =	simm.s32 $0x9;
	_ =	strace $0x8000004B  }
0xb4: {  	_ =	swait.ge [sflag:s29], $0x1  }
0xb5: {  	[sflag:s29] =	ssyncadd.s32 $0xFFFFFFFF  }
0xb6: {  	_ =	strace $0x9000004B  }
0xb7: {  	_ =	sfence  }
0xb8: {  	s30 =	sld [smem:$0x0];
	_ =	sdelay $0x2  }
0xb9: {  	s31 =	sshll.u32 s1, $0xD;
	s1 =	sshrl.u32 s1, $0x2  }
0xba: {  	s3 =	sand.u32 $0x4000, s31;
	s1 =	sadd.s32 s1, s30  }
0xbb: {  	s0 =	sor.u32 s3, s0;
	s1 =	sshll.u32 s1, $0x11  }
0xbc: {  	s0 =	sor.u32 s1, s0  }
0xbd: {  	s0 =	sadd.s32 $0x8F2B, s0  }
0xbe: {  	[sflag:s0] =	ssyncadd.remote.s32 $0x1  }
0xbf: {  	_ =	sfence.sel $0xFFFF  }
0xc0: {  	[dreg:$0x0] =	wrdreg $0xFFFFFFFF;
	(pc) =	sbr.abs _section_cstart, $3  }
0xc1: {  	[dreg:$0x1] =	wrdreg $0xFFFFFFFF  }
0xc2: {  	_ =	task.clear_ibuf [dreg:s7], $0x2FFFF;
	_ =	strace $0x9FFFFFFF  }
0xc3: {  	(tm) =	ssettm $0x7FFFFFFF  }
tec
execute0_lowered:
.L_overlay_start_1:
0x0: {  	(tag) =	ssettag $0x1  }
0x1: {  	s0 =	rddreg [dreg:$0x0]  }
0x2: {  	s1 =	rddreg [dreg:$0x1]  }
0x3: {  	s2 =	rddreg [dreg:$0x2];
	s3 =	simm.s32 $0x0  }
0x4: {  	s4 =	srdreg.scid;
	s12 =	stileid.u32;
	s14 =	simm.s32 $0x9  }
0x5: {  	s16 =	simm.s32 $0x80;
	s17 =	simm.s32 $0x2800;
	s18 =	simm.s32 $0x4800  }
0x6: {  	s29 =	simm.s32 $0xE800;
	s31 =	simm.s32 $0x10800;
	s15 =	simm.s32 $0x4  }
0x7: {  	s28 =	simm.s32 $0x2700;
	s30 =	simm.s32 $0x2780;
	[smem:$0x7FF] =	sst s3  }
0x8: {  	s5 =	sand.u32 $0x1, s4;
	s6 =	smul.u32 $0x13C00, s12;
	s8 =	sadd.s32 $0x1800, s0  }
0x9: {  	s4 =	sadd.s32 $0x17200, s0;
	s9 =	sadd.s32 $0x15E00, s0;
	s10 =	sshll.u32 s12, $0x1  }
0xa: {  	s22 =	sshll.u32 s12, $0x6;
	_ =	strace $0x8000004A;
	s7 =	smul.u32 $0x13C000, s5  }
0xb: {  	[dreg:$0x4] =	wrdreg s9;
	s19 =	ssub.s32 $0x2, s5;
	s5 =	sor.u32 s5, s10  }
0xc: {  	s10 =	simm.s32 $0x0;
	s11 =	sshrl.u32 s19, $0x1;
	s21 =	smul.u32 $0x2800, s5  }
0xd: {  	s5 =	smul.u32 $0x500, s5;
	s7 =	sadd.s32 s6, s7;
	s20 =	ssub.s32 s19, s11  }
0xe: {  	s6 =	sshrl.u32 s6, $0x1;
	s19 =	simm.s32 $0x7;
	s7 =	sshrl.u32 s7, $0x4  }
0xf: {  	s23 =	sadd.s32 s6, s2;
	s6 =	sor.u32 $0x1C09, s22;
	s9 =	sshrl.u32 s21, $0x3  }
0x10: {  	s24 =	sadd.s32 s8, s5;
	s5 =	sadd.s32 s1, s5;
	s26 =	smax.u32 s20, $0x1  }
0x11: {  	s20 =	simm.s32 $0x6800;
	s22 =	simm.s32 $0x8800;
	[dreg:$0x5] =	wrdreg s24  }
0x12: {  	s0 =	sadd.s32 s7, s0;
	[dreg:$0x6] =	wrdreg s5;
	s25 =	sadd.s32 $0x280, s9  }
0x13: {  	[dreg:$0xa] =	wrdreg s26;
	s13 =	sshrl.u32 s23, $0x3;
	s24 =	simm.s32 $0xA800  }
0x14: {  	s26 =	simm.s32 $0xC800;
	s5 =	simm.s32 $0x3;
	s8 =	sadd.s32 s8, s25  }
0x15: {  	s7 =	simm.s32 $0x5;
	s1 =	sadd.s32 s1, s25;
	[dreg:$0x7] =	wrdreg s8  }
0x16: {  	s9 =	simm.s32 $0x8;
	s0 =	sadd.s32 $0x2AC00, s0;
	[dreg:$0x8] =	wrdreg s1  }
0x17: {  	s23 =	simm.s32 $0x2600;
	s25 =	simm.s32 $0x2680;
	[dreg:$0x9] =	wrdreg s0  }
0x18: {  	s0 =	simm.s32 $0x1;
	s1 =	simm.s32 $0x2;
	s8 =	simm.s32 $0x6  }
.LBB2_1:
0x19: {  	s11 =	rddreg [dreg:$0x4]  }
0x1a: {  	[spmem:s13], [sflag:s6] =	dma.local [hbm:s11], $0x13C0  }
0x1b: {  	_ =	swait.ge [sflag:s14], $0x13C0  }
0x1c: {  	[sflag:s14] =	ssyncset.done $0x0  }
0x1d: {  	[sflag:s14] =	ssyncadd.s32 $0xFFFFEC40  }
0x1e: {  	[bflag:$0x0] =	sbarrier.arrive $0xFFFF  }
0x1f: {  	s12 =	rddreg [dreg:$0x5]  }
0x20: {  	[tilespmem:s3], [sflag:$0x9] =	stream.linear.gather [hbm4b:s12+s3], $0x1400, $0x38;
	[tilespmem:$0x1C600] =	vst v63  }
0x21: {  	_ =	swait.ge [sflag:s14], $0x1400  }
0x22: {  	[sflag:s14] =	ssyncset.done $0x0  }
0x23: {  	s12 =	simm.s32 $0x1400;
	s21 =	rddreg [dreg:$0x6];
	[sflag:s14] =	ssyncadd.s32 $0xFFFFEC00  }
0x24: {  	[tilespmem:s12], [sflag:$0x9] =	stream.linear.gather [hbm4b:s21+s3], $0x1400, $0x38;
	[tilespmem:$0x1C600] =	vst v63  }
0x25: {  	_ =	swait.ge [sflag:s14], $0x1400  }
0x26: {  	[sflag:s14] =	ssyncset.done $0x0  }
0x27: {  	[sflag:s14] =	ssyncadd.s32 $0xFFFFEC00  }
0x28: {  	[tilespmem:s17], [sflag:$0x1] =	stream.indirect.gather [hbm4b:s4+s16], $0x40, s3, s16, $0xb8;
	[tilespmem:$0x1C600] =	vst v63  }
0x29: {  	_ = 	snop  }
0x2a: {  	[tilespmem:s18], [sflag:$0x2] =	stream.indirect.gather [hbm4b:s4+s16], $0x40, s16, s16, $0xb8;
	[tilespmem:$0x1C600] =	vst v63  }
0x2b: {  	s21 =	simm.s32 $0x100  }
0x2c: {  	[tilespmem:s20], [sflag:$0x3] =	stream.indirect.gather [hbm4b:s4+s16], $0x40, s21, s16, $0xb8;
	[tilespmem:$0x1C600] =	vst v63  }
0x2d: {  	s12 =	simm.s32 $0x180  }
0x2e: {  	[tilespmem:s22], [sflag:$0x4] =	stream.indirect.gather [hbm4b:s4+s16], $0x40, s12, s16, $0xb8;
	[tilespmem:$0x1C600] =	vst v63  }
0x2f: {  	s21 =	simm.s32 $0x200  }
0x30: {  	[tilespmem:s24], [sflag:$0x5] =	stream.indirect.gather [hbm4b:s4+s16], $0x40, s21, s16, $0xb8;
	[tilespmem:$0x1C600] =	vst v63  }
0x31: {  	s12 =	simm.s32 $0x280  }
0x32: {  	[tilespmem:s26], [sflag:$0x6] =	stream.indirect.gather [hbm4b:s4+s16], $0x40, s12, s16, $0xb8;
	[tilespmem:$0x1C600] =	vst v63  }
0x33: {  	s21 =	simm.s32 $0x300  }
0x34: {  	[tilespmem:s29], [sflag:$0x7] =	stream.indirect.gather [hbm4b:s4+s16], $0x40, s21, s16, $0xb8;
	[tilespmem:$0x1C600] =	vst v63  }
0x35: {  	s12 =	simm.s32 $0x380  }
0x36: {  	[tilespmem:s31], [sflag:$0x8] =	stream.indirect.gather [hbm4b:s4+s16], $0x40, s12, s16, $0xb8;
	[tilespmem:$0x1C600] =	vst v63  }
0x37: {  	_ =	swait.ge [sflag:s0], $0x2000  }
0x38: {  	[sflag:s0] =	ssyncset.done $0x0  }
0x39: {  	s21 =	simm.s32 $0x1400;
	[sflag:s0] =	ssyncadd.s32 $0xFFFFE000  }
0x3a: {  	[spmem:s2] =	stream.indirect.scatter.add.bf16 [tilespmem:s17], [sflag:$0x9], $0x40, s21, s16, $0xb8;
	[tilespmem:$0x1C600] =	vst v63  }
0x3b: {  	_ =	swait.ge [sflag:s14], $0x2000  }
0x3c: {  	[sflag:s14] =	ssyncset.done $0x0  }
0x3d: {  	s12 =	simm.s32 $0x400;
	[sflag:s14] =	ssyncadd.s32 $0xFFFFE000  }
0x3e: {  	[tilespmem:s17], [sflag:$0x1] =	stream.indirect.gather [hbm4b:s4+s16], $0x40, s12, s16, $0xb8;
	[tilespmem:$0x1C600] =	vst v63  }
0x3f: {  	_ =	swait.ge [sflag:s1], $0x2000  }
0x40: {  	[sflag:s1] =	ssyncset.done $0x0  }
0x41: {  	s21 =	simm.s32 $0x1480;
	[sflag:s1] =	ssyncadd.s32 $0xFFFFE000  }
0x42: {  	[spmem:s2] =	stream.indirect.scatter.add.bf16 [tilespmem:s18], [sflag:$0x9], $0x40, s21, s16, $0xb8;
	[tilespmem:$0x1C600] =	vst v63  }
0x43: {  	_ =	swait.ge [sflag:s14], $0x2000  }
0x44: {  	[sflag:s14] =	ssyncset.done $0x0  }
0x45: {  	s12 =	simm.s32 $0x480;
	[sflag:s14] =	ssyncadd.s32 $0xFFFFE000  }
0x46: {  	[tilespmem:s18], [sflag:$0x2] =	stream.indirect.gather [hbm4b:s4+s16], $0x40, s12, s16, $0xb8;
	[tilespmem:$0x1C600] =	vst v63  }
0x47: {  	_ =	swait.ge [sflag:s5], $0x2000  }
0x48: {  	[sflag:s5] =	ssyncset.done $0x0  }
0x49: {  	s21 =	simm.s32 $0x1500;
	[sflag:s5] =	ssyncadd.s32 $0xFFFFE000  }
0x4a: {  	[spmem:s2] =	stream.indirect.scatter.add.bf16 [tilespmem:s20], [sflag:$0x9], $0x40, s21, s16, $0xb8;
	[tilespmem:$0x1C600] =	vst v63  }
0x4b: {  	_ =	swait.ge [sflag:s14], $0x2000  }
0x4c: {  	[sflag:s14] =	ssyncset.done $0x0  }
0x4d: {  	s12 =	simm.s32 $0x500;
	[sflag:s14] =	ssyncadd.s32 $0xFFFFE000  }
0x4e: {  	[tilespmem:s20], [sflag:$0x3] =	stream.indirect.gather [hbm4b:s4+s16], $0x40, s12, s16, $0xb8;
	[tilespmem:$0x1C600] =	vst v63  }
0x4f: {  	_ =	swait.ge [sflag:s15], $0x2000  }
0x50: {  	[sflag:s15] =	ssyncset.done $0x0  }
0x51: {  	s21 =	simm.s32 $0x1580;
	[sflag:s15] =	ssyncadd.s32 $0xFFFFE000  }
0x52: {  	[spmem:s2] =	stream.indirect.scatter.add.bf16 [tilespmem:s22], [sflag:$0x9], $0x40, s21, s16, $0xb8;
	[tilespmem:$0x1C600] =	vst v63  }
0x53: {  	_ =	swait.ge [sflag:s14], $0x2000  }
0x54: {  	[sflag:s14] =	ssyncset.done $0x0  }
0x55: {  	s12 =	simm.s32 $0x580;
	[sflag:s14] =	ssyncadd.s32 $0xFFFFE000  }
0x56: {  	[tilespmem:s22], [sflag:$0x4] =	stream.indirect.gather [hbm4b:s4+s16], $0x40, s12, s16, $0xb8;
	[tilespmem:$0x1C600] =	vst v63  }
0x57: {  	_ =	swait.ge [sflag:s7], $0x2000  }
0x58: {  	[sflag:s7] =	ssyncset.done $0x0  }
0x59: {  	s21 =	simm.s32 $0x1600;
	[sflag:s7] =	ssyncadd.s32 $0xFFFFE000  }
0x5a: {  	[spmem:s2] =	stream.indirect.scatter.add.bf16 [tilespmem:s24], [sflag:$0x9], $0x40, s21, s16, $0xb8;
	[tilespmem:$0x1C600] =	vst v63  }
0x5b: {  	_ =	swait.ge [sflag:s14], $0x2000  }
0x5c: {  	[sflag:s14] =	ssyncset.done $0x0  }
0x5d: {  	s12 =	simm.s32 $0x600;
	[sflag:s14] =	ssyncadd.s32 $0xFFFFE000  }
0x5e: {  	[tilespmem:s24], [sflag:$0x5] =	stream.indirect.gather [hbm4b:s4+s16], $0x40, s12, s16, $0xb8;
	[tilespmem:$0x1C600] =	vst v63  }
0x5f: {  	_ =	swait.ge [sflag:s8], $0x2000  }
0x60: {  	[sflag:s8] =	ssyncset.done $0x0  }
0x61: {  	s21 =	simm.s32 $0x1680;
	[sflag:s8] =	ssyncadd.s32 $0xFFFFE000  }
0x62: {  	[spmem:s2] =	stream.indirect.scatter.add.bf16 [tilespmem:s26], [sflag:$0x9], $0x40, s21, s16, $0xb8;
	[tilespmem:$0x1C600] =	vst v63  }
0x63: {  	_ =	swait.ge [sflag:s14], $0x2000  }
0x64: {  	[sflag:s14] =	ssyncset.done $0x0  }
0x65: {  	s12 =	simm.s32 $0x680;
	[sflag:s14] =	ssyncadd.s32 $0xFFFFE000  }
0x66: {  	[tilespmem:s26], [sflag:$0x6] =	stream.indirect.gather [hbm4b:s4+s16], $0x40, s12, s16, $0xb8;
	[tilespmem:$0x1C600] =	vst v63  }
0x67: {  	_ =	swait.ge [sflag:s19], $0x2000  }
0x68: {  	[sflag:s19] =	ssyncset.done $0x0  }
0x69: {  	s21 =	simm.s32 $0x1700;
	[sflag:s19] =	ssyncadd.s32 $0xFFFFE000  }
0x6a: {  	[spmem:s2] =	stream.indirect.scatter.add.bf16 [tilespmem:s29], [sflag:$0x9], $0x40, s21, s16, $0xb8;
	[tilespmem:$0x1C600] =	vst v63  }
0x6b: {  	_ =	swait.ge [sflag:s14], $0x2000  }
0x6c: {  	[sflag:s14] =	ssyncset.done $0x0  }
0x6d: {  	s12 =	simm.s32 $0x700;
	[sflag:s14] =	ssyncadd.s32 $0xFFFFE000  }
0x6e: {  	[tilespmem:s29], [sflag:$0x7] =	stream.indirect.gather [hbm4b:s4+s16], $0x40, s12, s16, $0xb8;
	[tilespmem:$0x1C600] =	vst v63  }
0x6f: {  	_ =	swait.ge [sflag:s9], $0x2000  }
0x70: {  	[sflag:s9] =	ssyncset.done $0x0  }
0x71: {  	s21 =	simm.s32 $0x1780;
	[sflag:s9] =	ssyncadd.s32 $0xFFFFE000  }
0x72: {  	[spmem:s2] =	stream.indirect.scatter.add.bf16 [tilespmem:s31], [sflag:$0x9], $0x40, s21, s16, $0xb8;
	[tilespmem:$0x1C600] =	vst v63  }
0x73: {  	_ =	swait.ge [sflag:s14], $0x2000  }
0x74: {  	[sflag:s14] =	ssyncset.done $0x0  }
0x75: {  	s11 =	simm.s32 $0x780;
	s21 =	simm.s32 $0x1000;
	[sflag:s14] =	ssyncadd.s32 $0xFFFFE000  }
.LBB2_2:
0x76: {  	[tilespmem:s31], [sflag:$0x8] =	stream.indirect.gather [hbm4b:s4+s16], $0x40, s11, s16, $0xb8;
	[tilespmem:$0x1C600] =	vst v63  }
0x77: {  	s11 =	smov.u32 s21  }
0x78: {  	p0 =	sne.s32 s21, $0x3000;
	s21 =	sadd.s32 $0x1000, s21;
	_ =	swait.ge [sflag:s0], $0x2000  }
0x79: {  	s11 =	sshra.s32 s11, $0x2;
	[sflag:s0] =	ssyncset.done $0x0  }
0x7a: {  	s12 =	sadd.s32 $0x1400, s11;
	[sflag:s0] =	ssyncadd.s32 $0xFFFFE000  }
0x7b: {  	[spmem:s2] =	stream.indirect.scatter.add.bf16 [tilespmem:s17], [sflag:$0x9], $0x40, s12, s16, $0xb8;
	[tilespmem:$0x1C600] =	vst v63  }
0x7c: {  	_ =	swait.ge [sflag:s14], $0x2000  }
0x7d: {  	[sflag:s14] =	ssyncset.done $0x0  }
0x7e: {  	s12 =	sadd.s32 $0x400, s11;
	[sflag:s14] =	ssyncadd.s32 $0xFFFFE000  }
0x7f: {  	[tilespmem:s17], [sflag:$0x1] =	stream.indirect.gather [hbm4b:s4+s16], $0x40, s12, s16, $0xb8;
	[tilespmem:$0x1C600] =	vst v63  }
0x80: {  	_ =	swait.ge [sflag:s1], $0x2000  }
0x81: {  	[sflag:s1] =	ssyncset.done $0x0  }
0x82: {  	s12 =	sadd.s32 $0x1480, s11;
	[sflag:s1] =	ssyncadd.s32 $0xFFFFE000  }
0x83: {  	[spmem:s2] =	stream.indirect.scatter.add.bf16 [tilespmem:s18], [sflag:$0x9], $0x40, s12, s16, $0xb8;
	[tilespmem:$0x1C600] =	vst v63  }
0x84: {  	_ =	swait.ge [sflag:s14], $0x2000  }
0x85: {  	[sflag:s14] =	ssyncset.done $0x0  }
0x86: {  	s12 =	sadd.s32 $0x480, s11;
	[sflag:s14] =	ssyncadd.s32 $0xFFFFE000  }
0x87: {  	[tilespmem:s18], [sflag:$0x2] =	stream.indirect.gather [hbm4b:s4+s16], $0x40, s12, s16, $0xb8;
	[tilespmem:$0x1C600] =	vst v63  }
0x88: {  	_ =	swait.ge [sflag:s5], $0x2000  }
0x89: {  	[sflag:s5] =	ssyncset.done $0x0  }
0x8a: {  	s12 =	sadd.s32 $0x1500, s11;
	[sflag:s5] =	ssyncadd.s32 $0xFFFFE000  }
0x8b: {  	[spmem:s2] =	stream.indirect.scatter.add.bf16 [tilespmem:s20], [sflag:$0x9], $0x40, s12, s16, $0xb8;
	[tilespmem:$0x1C600] =	vst v63  }
0x8c: {  	_ =	swait.ge [sflag:s14], $0x2000  }
0x8d: {  	[sflag:s14] =	ssyncset.done $0x0  }
0x8e: {  	s12 =	sadd.s32 $0x500, s11;
	[sflag:s14] =	ssyncadd.s32 $0xFFFFE000  }
0x8f: {  	[tilespmem:s20], [sflag:$0x3] =	stream.indirect.gather [hbm4b:s4+s16], $0x40, s12, s16, $0xb8;
	[tilespmem:$0x1C600] =	vst v63  }
0x90: {  	_ =	swait.ge [sflag:s15], $0x2000  }
0x91: {  	[sflag:s15] =	ssyncset.done $0x0  }
0x92: {  	s12 =	sadd.s32 $0x1580, s11;
	[sflag:s15] =	ssyncadd.s32 $0xFFFFE000  }
0x93: {  	[spmem:s2] =	stream.indirect.scatter.add.bf16 [tilespmem:s22], [sflag:$0x9], $0x40, s12, s16, $0xb8;
	[tilespmem:$0x1C600] =	vst v63  }
0x94: {  	_ =	swait.ge [sflag:s14], $0x2000  }
0x95: {  	[sflag:s14] =	ssyncset.done $0x0  }
0x96: {  	s12 =	sadd.s32 $0x580, s11;
	[sflag:s14] =	ssyncadd.s32 $0xFFFFE000  }
0x97: {  	[tilespmem:s22], [sflag:$0x4] =	stream.indirect.gather [hbm4b:s4+s16], $0x40, s12, s16, $0xb8;
	[tilespmem:$0x1C600] =	vst v63  }
0x98: {  	_ =	swait.ge [sflag:s7], $0x2000  }
0x99: {  	[sflag:s7] =	ssyncset.done $0x0  }
0x9a: {  	s12 =	sadd.s32 $0x1600, s11;
	[sflag:s7] =	ssyncadd.s32 $0xFFFFE000  }
0x9b: {  	[spmem:s2] =	stream.indirect.scatter.add.bf16 [tilespmem:s24], [sflag:$0x9], $0x40, s12, s16, $0xb8;
	[tilespmem:$0x1C600] =	vst v63  }
0x9c: {  	_ =	swait.ge [sflag:s14], $0x2000  }
0x9d: {  	[sflag:s14] =	ssyncset.done $0x0  }
0x9e: {  	s12 =	sadd.s32 $0x600, s11;
	[sflag:s14] =	ssyncadd.s32 $0xFFFFE000  }
0x9f: {  	[tilespmem:s24], [sflag:$0x5] =	stream.indirect.gather [hbm4b:s4+s16], $0x40, s12, s16, $0xb8;
	[tilespmem:$0x1C600] =	vst v63  }
0xa0: {  	_ =	swait.ge [sflag:s8], $0x2000  }
0xa1: {  	[sflag:s8] =	ssyncset.done $0x0  }
0xa2: {  	s12 =	sadd.s32 $0x1680, s11;
	[sflag:s8] =	ssyncadd.s32 $0xFFFFE000  }
0xa3: {  	[spmem:s2] =	stream.indirect.scatter.add.bf16 [tilespmem:s26], [sflag:$0x9], $0x40, s12, s16, $0xb8;
	[tilespmem:$0x1C600] =	vst v63  }
0xa4: {  	_ =	swait.ge [sflag:s14], $0x2000  }
0xa5: {  	[sflag:s14] =	ssyncset.done $0x0  }
0xa6: {  	s12 =	sadd.s32 $0x680, s11;
	[sflag:s14] =	ssyncadd.s32 $0xFFFFE000  }
0xa7: {  	[tilespmem:s26], [sflag:$0x6] =	stream.indirect.gather [hbm4b:s4+s16], $0x40, s12, s16, $0xb8;
	[tilespmem:$0x1C600] =	vst v63  }
0xa8: {  	_ =	swait.ge [sflag:s19], $0x2000  }
0xa9: {  	[sflag:s19] =	ssyncset.done $0x0  }
0xaa: {  	s12 =	sadd.s32 $0x1700, s11;
	[sflag:s19] =	ssyncadd.s32 $0xFFFFE000  }
0xab: {  	[spmem:s2] =	stream.indirect.scatter.add.bf16 [tilespmem:s29], [sflag:$0x9], $0x40, s12, s16, $0xb8;
	[tilespmem:$0x1C600] =	vst v63  }
0xac: {  	_ =	swait.ge [sflag:s14], $0x2000  }
0xad: {  	[sflag:s14] =	ssyncset.done $0x0  }
0xae: {  	s12 =	sadd.s32 $0x700, s11;
	[sflag:s14] =	ssyncadd.s32 $0xFFFFE000  }
0xaf: {  	[tilespmem:s29], [sflag:$0x7] =	stream.indirect.gather [hbm4b:s4+s16], $0x40, s12, s16, $0xb8;
	[tilespmem:$0x1C600] =	vst v63  }
0xb0: {  	_ =	swait.ge [sflag:s9], $0x2000  }
0xb1: {  	[sflag:s9] =	ssyncset.done $0x0  }
.Ltmp0:
0xb2: {  	s12 =	sadd.s32 $0x1780, s11;
	[sflag:s9] =	ssyncadd.s32 $0xFFFFE000;
	(pc) =	sbr.rel @p0 .LBB2_2-.Ltmp0, $4  }
0xb3: {  	[spmem:s2] =	stream.indirect.scatter.add.bf16 [tilespmem:s31], [sflag:$0x9], $0x40, s12, s16, $0xb8;
	[tilespmem:$0x1C600] =	vst v63  }
0xb4: {  	_ =	swait.ge [sflag:s14], $0x2000  }
0xb5: {  	[sflag:s14] =	ssyncset.done $0x0  }
0xb6: {  	s11 =	sadd.s32 $0x780, s11;
	[sflag:s14] =	ssyncadd.s32 $0xFFFFE000  }
0xb7: {  	[tilespmem:s31], [sflag:$0x8] =	stream.indirect.gather [hbm4b:s4+s16], $0x40, s11, s16, $0xb8;
	[tilespmem:$0x1C600] =	vst v63  }
0xb8: {  	_ =	swait.ge [sflag:s0], $0x2000  }
0xb9: {  	[sflag:s0] =	ssyncset.done $0x0  }
0xba: {  	s21 =	simm.s32 $0x2400;
	[sflag:s0] =	ssyncadd.s32 $0xFFFFE000  }
0xbb: {  	[spmem:s2] =	stream.indirect.scatter.add.bf16 [tilespmem:s17], [sflag:$0x9], $0x40, s21, s16, $0xb8;
	[tilespmem:$0x1C600] =	vst v63  }
0xbc: {  	_ =	swait.ge [sflag:s14], $0x2000  }
0xbd: {  	[sflag:s14] =	ssyncset.done $0x0  }
0xbe: {  	[sflag:s14] =	ssyncadd.s32 $0xFFFFE000  }
0xbf: {  	_ =	swait.ge [sflag:s1], $0x2000  }
0xc0: {  	[sflag:s1] =	ssyncset.done $0x0  }
0xc1: {  	s12 =	simm.s32 $0x2480;
	[sflag:s1] =	ssyncadd.s32 $0xFFFFE000  }
0xc2: {  	[spmem:s2] =	stream.indirect.scatter.add.bf16 [tilespmem:s18], [sflag:$0x9], $0x40, s12, s16, $0xb8;
	[tilespmem:$0x1C600] =	vst v63  }
0xc3: {  	_ =	swait.ge [sflag:s14], $0x2000  }
0xc4: {  	[sflag:s14] =	ssyncset.done $0x0  }
0xc5: {  	[sflag:s14] =	ssyncadd.s32 $0xFFFFE000  }
0xc6: {  	_ =	swait.ge [sflag:s5], $0x2000  }
0xc7: {  	[sflag:s5] =	ssyncset.done $0x0  }
0xc8: {  	s21 =	simm.s32 $0x2500;
	[sflag:s5] =	ssyncadd.s32 $0xFFFFE000  }
0xc9: {  	[spmem:s2] =	stream.indirect.scatter.add.bf16 [tilespmem:s20], [sflag:$0x9], $0x40, s21, s16, $0xb8;
	[tilespmem:$0x1C600] =	vst v63  }
0xca: {  	_ =	swait.ge [sflag:s14], $0x2000  }
0xcb: {  	[sflag:s14] =	ssyncset.done $0x0  }
0xcc: {  	[sflag:s14] =	ssyncadd.s32 $0xFFFFE000  }
0xcd: {  	_ =	swait.ge [sflag:s15], $0x2000  }
0xce: {  	[sflag:s15] =	ssyncset.done $0x0  }
0xcf: {  	s12 =	simm.s32 $0x2580;
	[sflag:s15] =	ssyncadd.s32 $0xFFFFE000  }
0xd0: {  	[spmem:s2] =	stream.indirect.scatter.add.bf16 [tilespmem:s22], [sflag:$0x9], $0x40, s12, s16, $0xb8;
	[tilespmem:$0x1C600] =	vst v63  }
0xd1: {  	_ =	swait.ge [sflag:s14], $0x2000  }
0xd2: {  	[sflag:s14] =	ssyncset.done $0x0  }
0xd3: {  	[sflag:s14] =	ssyncadd.s32 $0xFFFFE000  }
0xd4: {  	_ =	swait.ge [sflag:s7], $0x2000  }
0xd5: {  	[sflag:s7] =	ssyncset.done $0x0  }
0xd6: {  	[sflag:s7] =	ssyncadd.s32 $0xFFFFE000  }
0xd7: {  	[spmem:s2] =	stream.indirect.scatter.add.bf16 [tilespmem:s24], [sflag:$0x9], $0x40, s23, s16, $0xb8;
	[tilespmem:$0x1C600] =	vst v63  }
0xd8: {  	_ =	swait.ge [sflag:s14], $0x2000  }
0xd9: {  	[sflag:s14] =	ssyncset.done $0x0  }
0xda: {  	[sflag:s14] =	ssyncadd.s32 $0xFFFFE000  }
0xdb: {  	_ =	swait.ge [sflag:s8], $0x2000  }
0xdc: {  	[sflag:s8] =	ssyncset.done $0x0  }
0xdd: {  	[sflag:s8] =	ssyncadd.s32 $0xFFFFE000  }
0xde: {  	[spmem:s2] =	stream.indirect.scatter.add.bf16 [tilespmem:s26], [sflag:$0x9], $0x40, s25, s16, $0xb8;
	[tilespmem:$0x1C600] =	vst v63  }
0xdf: {  	_ =	swait.ge [sflag:s14], $0x2000  }
0xe0: {  	[sflag:s14] =	ssyncset.done $0x0  }
0xe1: {  	[sflag:s14] =	ssyncadd.s32 $0xFFFFE000  }
0xe2: {  	_ =	swait.ge [sflag:s19], $0x2000  }
0xe3: {  	[sflag:s19] =	ssyncset.done $0x0  }
0xe4: {  	[sflag:s19] =	ssyncadd.s32 $0xFFFFE000  }
0xe5: {  	[spmem:s2] =	stream.indirect.scatter.add.bf16 [tilespmem:s29], [sflag:$0x9], $0x40, s28, s16, $0xb8;
	[tilespmem:$0x1C600] =	vst v63  }
0xe6: {  	_ =	swait.ge [sflag:s14], $0x2000  }
0xe7: {  	[sflag:s14] =	ssyncset.done $0x0  }
0xe8: {  	[sflag:s14] =	ssyncadd.s32 $0xFFFFE000  }
0xe9: {  	_ =	swait.ge [sflag:s9], $0x2000  }
0xea: {  	[sflag:s9] =	ssyncset.done $0x0  }
0xeb: {  	[sflag:s9] =	ssyncadd.s32 $0xFFFFE000  }
0xec: {  	[spmem:s2] =	stream.indirect.scatter.add.bf16 [tilespmem:s31], [sflag:$0x9], $0x40, s30, s16, $0xb8;
	[tilespmem:$0x1C600] =	vst v63  }
0xed: {  	_ =	swait.ge [sflag:s14], $0x2000  }
0xee: {  	[sflag:s14] =	ssyncset.done $0x0  }
0xef: {  	s11 =	simm.s32 $0x0;
	s12 =	rddreg [dreg:$0x7];
	[sflag:s14] =	ssyncadd.s32 $0xFFFFE000  }
0xf0: {  	[tilespmem:s11], [sflag:$0x9] =	stream.linear.gather [hbm4b:s12+s11], $0x1400, $0x38;
	[tilespmem:$0x1C600] =	vst v63  }
0xf1: {  	_ =	swait.ge [sflag:s14], $0x1400  }
0xf2: {  	[sflag:s14] =	ssyncset.done $0x0  }
0xf3: {  	s21 =	simm.s32 $0x1400;
	s12 =	rddreg [dreg:$0x8];
	[sflag:s14] =	ssyncadd.s32 $0xFFFFEC00  }
0xf4: {  	[tilespmem:s21], [sflag:$0x9] =	stream.linear.gather [hbm4b:s12+s11], $0x1400, $0x38;
	[tilespmem:$0x1C600] =	vst v63  }
0xf5: {  	_ =	swait.ge [sflag:s14], $0x1400  }
0xf6: {  	[sflag:s14] =	ssyncset.done $0x0  }
0xf7: {  	[sflag:s14] =	ssyncadd.s32 $0xFFFFEC00  }
0xf8: {  	[tilespmem:s17], [sflag:$0x1] =	stream.indirect.gather [hbm4b:s4+s16], $0x40, s11, s16, $0xb8;
	[tilespmem:$0x1C600] =	vst v63  }
0xf9: {  	_ = 	snop  }
0xfa: {  	[tilespmem:s18], [sflag:$0x2] =	stream.indirect.gather [hbm4b:s4+s16], $0x40, s16, s16, $0xb8;
	[tilespmem:$0x1C600] =	vst v63  }
0xfb: {  	s21 =	simm.s32 $0x100  }
0xfc: {  	[tilespmem:s20], [sflag:$0x3] =	stream.indirect.gather [hbm4b:s4+s16], $0x40, s21, s16, $0xb8;
	[tilespmem:$0x1C600] =	vst v63  }
0xfd: {  	s12 =	simm.s32 $0x180  }
0xfe: {  	[tilespmem:s22], [sflag:$0x4] =	stream.indirect.gather [hbm4b:s4+s16], $0x40, s12, s16, $0xb8;
	[tilespmem:$0x1C600] =	vst v63  }
0xff: {  	s21 =	simm.s32 $0x200  }
0x100: {  	[tilespmem:s24], [sflag:$0x5] =	stream.indirect.gather [hbm4b:s4+s16], $0x40, s21, s16, $0xb8;
	[tilespmem:$0x1C600] =	vst v63  }
0x101: {  	s12 =	simm.s32 $0x280  }
0x102: {  	[tilespmem:s26], [sflag:$0x6] =	stream.indirect.gather [hbm4b:s4+s16], $0x40, s12, s16, $0xb8;
	[tilespmem:$0x1C600] =	vst v63  }
0x103: {  	s21 =	simm.s32 $0x300  }
0x104: {  	[tilespmem:s29], [sflag:$0x7] =	stream.indirect.gather [hbm4b:s4+s16], $0x40, s21, s16, $0xb8;
	[tilespmem:$0x1C600] =	vst v63  }
0x105: {  	s12 =	simm.s32 $0x380  }
0x106: {  	[tilespmem:s31], [sflag:$0x8] =	stream.indirect.gather [hbm4b:s4+s16], $0x40, s12, s16, $0xb8;
	[tilespmem:$0x1C600] =	vst v63  }
0x107: {  	_ =	swait.ge [sflag:s0], $0x2000  }
0x108: {  	[sflag:s0] =	ssyncset.done $0x0  }
0x109: {  	s21 =	simm.s32 $0x1400;
	[sflag:s0] =	ssyncadd.s32 $0xFFFFE000  }
0x10a: {  	[spmem:s2] =	stream.indirect.scatter.add.bf16 [tilespmem:s17], [sflag:$0x9], $0x40, s21, s16, $0xb8;
	[tilespmem:$0x1C600] =	vst v63  }
0x10b: {  	_ =	swait.ge [sflag:s14], $0x2000  }
0x10c: {  	[sflag:s14] =	ssyncset.done $0x0  }
0x10d: {  	s12 =	simm.s32 $0x400;
	[sflag:s14] =	ssyncadd.s32 $0xFFFFE000  }
0x10e: {  	[tilespmem:s17], [sflag:$0x1] =	stream.indirect.gather [hbm4b:s4+s16], $0x40, s12, s16, $0xb8;
	[tilespmem:$0x1C600] =	vst v63  }
0x10f: {  	_ =	swait.ge [sflag:s1], $0x2000  }
0x110: {  	[sflag:s1] =	ssyncset.done $0x0  }
0x111: {  	s21 =	simm.s32 $0x1480;
	[sflag:s1] =	ssyncadd.s32 $0xFFFFE000  }
0x112: {  	[spmem:s2] =	stream.indirect.scatter.add.bf16 [tilespmem:s18], [sflag:$0x9], $0x40, s21, s16, $0xb8;
	[tilespmem:$0x1C600] =	vst v63  }
0x113: {  	_ =	swait.ge [sflag:s14], $0x2000  }
0x114: {  	[sflag:s14] =	ssyncset.done $0x0  }
0x115: {  	s12 =	simm.s32 $0x480;
	[sflag:s14] =	ssyncadd.s32 $0xFFFFE000  }
0x116: {  	[tilespmem:s18], [sflag:$0x2] =	stream.indirect.gather [hbm4b:s4+s16], $0x40, s12, s16, $0xb8;
	[tilespmem:$0x1C600] =	vst v63  }
0x117: {  	_ =	swait.ge [sflag:s5], $0x2000  }
0x118: {  	[sflag:s5] =	ssyncset.done $0x0  }
0x119: {  	s21 =	simm.s32 $0x1500;
	[sflag:s5] =	ssyncadd.s32 $0xFFFFE000  }
0x11a: {  	[spmem:s2] =	stream.indirect.scatter.add.bf16 [tilespmem:s20], [sflag:$0x9], $0x40, s21, s16, $0xb8;
	[tilespmem:$0x1C600] =	vst v63  }
0x11b: {  	_ =	swait.ge [sflag:s14], $0x2000  }
0x11c: {  	[sflag:s14] =	ssyncset.done $0x0  }
0x11d: {  	s12 =	simm.s32 $0x500;
	[sflag:s14] =	ssyncadd.s32 $0xFFFFE000  }
0x11e: {  	[tilespmem:s20], [sflag:$0x3] =	stream.indirect.gather [hbm4b:s4+s16], $0x40, s12, s16, $0xb8;
	[tilespmem:$0x1C600] =	vst v63  }
0x11f: {  	_ =	swait.ge [sflag:s15], $0x2000  }
0x120: {  	[sflag:s15] =	ssyncset.done $0x0  }
0x121: {  	s21 =	simm.s32 $0x1580;
	[sflag:s15] =	ssyncadd.s32 $0xFFFFE000  }
0x122: {  	[spmem:s2] =	stream.indirect.scatter.add.bf16 [tilespmem:s22], [sflag:$0x9], $0x40, s21, s16, $0xb8;
	[tilespmem:$0x1C600] =	vst v63  }
0x123: {  	_ =	swait.ge [sflag:s14], $0x2000  }
0x124: {  	[sflag:s14] =	ssyncset.done $0x0  }
0x125: {  	s12 =	simm.s32 $0x580;
	[sflag:s14] =	ssyncadd.s32 $0xFFFFE000  }
0x126: {  	[tilespmem:s22], [sflag:$0x4] =	stream.indirect.gather [hbm4b:s4+s16], $0x40, s12, s16, $0xb8;
	[tilespmem:$0x1C600] =	vst v63  }
0x127: {  	_ =	swait.ge [sflag:s7], $0x2000  }
0x128: {  	[sflag:s7] =	ssyncset.done $0x0  }
0x129: {  	s21 =	simm.s32 $0x1600;
	[sflag:s7] =	ssyncadd.s32 $0xFFFFE000  }
0x12a: {  	[spmem:s2] =	stream.indirect.scatter.add.bf16 [tilespmem:s24], [sflag:$0x9], $0x40, s21, s16, $0xb8;
	[tilespmem:$0x1C600] =	vst v63  }
0x12b: {  	_ =	swait.ge [sflag:s14], $0x2000  }
0x12c: {  	[sflag:s14] =	ssyncset.done $0x0  }
0x12d: {  	s12 =	simm.s32 $0x600;
	[sflag:s14] =	ssyncadd.s32 $0xFFFFE000  }
0x12e: {  	[tilespmem:s24], [sflag:$0x5] =	stream.indirect.gather [hbm4b:s4+s16], $0x40, s12, s16, $0xb8;
	[tilespmem:$0x1C600] =	vst v63  }
0x12f: {  	_ =	swait.ge [sflag:s8], $0x2000  }
0x130: {  	[sflag:s8] =	ssyncset.done $0x0  }
0x131: {  	s21 =	simm.s32 $0x1680;
	[sflag:s8] =	ssyncadd.s32 $0xFFFFE000  }
0x132: {  	[spmem:s2] =	stream.indirect.scatter.add.bf16 [tilespmem:s26], [sflag:$0x9], $0x40, s21, s16, $0xb8;
	[tilespmem:$0x1C600] =	vst v63  }
0x133: {  	_ =	swait.ge [sflag:s14], $0x2000  }
0x134: {  	[sflag:s14] =	ssyncset.done $0x0  }
0x135: {  	s12 =	simm.s32 $0x680;
	[sflag:s14] =	ssyncadd.s32 $0xFFFFE000  }
0x136: {  	[tilespmem:s26], [sflag:$0x6] =	stream.indirect.gather [hbm4b:s4+s16], $0x40, s12, s16, $0xb8;
	[tilespmem:$0x1C600] =	vst v63  }
0x137: {  	_ =	swait.ge [sflag:s19], $0x2000  }
0x138: {  	[sflag:s19] =	ssyncset.done $0x0  }
0x139: {  	s21 =	simm.s32 $0x1700;
	[sflag:s19] =	ssyncadd.s32 $0xFFFFE000  }
0x13a: {  	[spmem:s2] =	stream.indirect.scatter.add.bf16 [tilespmem:s29], [sflag:$0x9], $0x40, s21, s16, $0xb8;
	[tilespmem:$0x1C600] =	vst v63  }
0x13b: {  	_ =	swait.ge [sflag:s14], $0x2000  }
0x13c: {  	[sflag:s14] =	ssyncset.done $0x0  }
0x13d: {  	s12 =	simm.s32 $0x700;
	[sflag:s14] =	ssyncadd.s32 $0xFFFFE000  }
0x13e: {  	[tilespmem:s29], [sflag:$0x7] =	stream.indirect.gather [hbm4b:s4+s16], $0x40, s12, s16, $0xb8;
	[tilespmem:$0x1C600] =	vst v63  }
0x13f: {  	_ =	swait.ge [sflag:s9], $0x2000  }
0x140: {  	[sflag:s9] =	ssyncset.done $0x0  }
0x141: {  	s21 =	simm.s32 $0x1780;
	[sflag:s9] =	ssyncadd.s32 $0xFFFFE000  }
0x142: {  	[spmem:s2] =	stream.indirect.scatter.add.bf16 [tilespmem:s31], [sflag:$0x9], $0x40, s21, s16, $0xb8;
	[tilespmem:$0x1C600] =	vst v63  }
0x143: {  	_ =	swait.ge [sflag:s14], $0x2000  }
0x144: {  	[sflag:s14] =	ssyncset.done $0x0  }
0x145: {  	s11 =	simm.s32 $0x780;
	s21 =	simm.s32 $0x1000;
	[sflag:s14] =	ssyncadd.s32 $0xFFFFE000  }
.LBB2_4:
0x146: {  	[tilespmem:s31], [sflag:$0x8] =	stream.indirect.gather [hbm4b:s4+s16], $0x40, s11, s16, $0xb8;
	[tilespmem:$0x1C600] =	vst v63  }
0x147: {  	s11 =	smov.u32 s21  }
0x148: {  	p0 =	sne.s32 s21, $0x3000;
	s21 =	sadd.s32 $0x1000, s21;
	_ =	swait.ge [sflag:s0], $0x2000  }
0x149: {  	s11 =	sshra.s32 s11, $0x2;
	[sflag:s0] =	ssyncset.done $0x0  }
0x14a: {  	s12 =	sadd.s32 $0x1400, s11;
	[sflag:s0] =	ssyncadd.s32 $0xFFFFE000  }
0x14b: {  	[spmem:s2] =	stream.indirect.scatter.add.bf16 [tilespmem:s17], [sflag:$0x9], $0x40, s12, s16, $0xb8;
	[tilespmem:$0x1C600] =	vst v63  }
0x14c: {  	_ =	swait.ge [sflag:s14], $0x2000  }
0x14d: {  	[sflag:s14] =	ssyncset.done $0x0  }
0x14e: {  	s12 =	sadd.s32 $0x400, s11;
	[sflag:s14] =	ssyncadd.s32 $0xFFFFE000  }
0x14f: {  	[tilespmem:s17], [sflag:$0x1] =	stream.indirect.gather [hbm4b:s4+s16], $0x40, s12, s16, $0xb8;
	[tilespmem:$0x1C600] =	vst v63  }
0x150: {  	_ =	swait.ge [sflag:s1], $0x2000  }
0x151: {  	[sflag:s1] =	ssyncset.done $0x0  }
0x152: {  	s12 =	sadd.s32 $0x1480, s11;
	[sflag:s1] =	ssyncadd.s32 $0xFFFFE000  }
0x153: {  	[spmem:s2] =	stream.indirect.scatter.add.bf16 [tilespmem:s18], [sflag:$0x9], $0x40, s12, s16, $0xb8;
	[tilespmem:$0x1C600] =	vst v63  }
0x154: {  	_ =	swait.ge [sflag:s14], $0x2000  }
0x155: {  	[sflag:s14] =	ssyncset.done $0x0  }
0x156: {  	s12 =	sadd.s32 $0x480, s11;
	[sflag:s14] =	ssyncadd.s32 $0xFFFFE000  }
0x157: {  	[tilespmem:s18], [sflag:$0x2] =	stream.indirect.gather [hbm4b:s4+s16], $0x40, s12, s16, $0xb8;
	[tilespmem:$0x1C600] =	vst v63  }
0x158: {  	_ =	swait.ge [sflag:s5], $0x2000  }
0x159: {  	[sflag:s5] =	ssyncset.done $0x0  }
0x15a: {  	s12 =	sadd.s32 $0x1500, s11;
	[sflag:s5] =	ssyncadd.s32 $0xFFFFE000  }
0x15b: {  	[spmem:s2] =	stream.indirect.scatter.add.bf16 [tilespmem:s20], [sflag:$0x9], $0x40, s12, s16, $0xb8;
	[tilespmem:$0x1C600] =	vst v63  }
0x15c: {  	_ =	swait.ge [sflag:s14], $0x2000  }
0x15d: {  	[sflag:s14] =	ssyncset.done $0x0  }
0x15e: {  	s12 =	sadd.s32 $0x500, s11;
	[sflag:s14] =	ssyncadd.s32 $0xFFFFE000  }
0x15f: {  	[tilespmem:s20], [sflag:$0x3] =	stream.indirect.gather [hbm4b:s4+s16], $0x40, s12, s16, $0xb8;
	[tilespmem:$0x1C600] =	vst v63  }
0x160: {  	_ =	swait.ge [sflag:s15], $0x2000  }
0x161: {  	[sflag:s15] =	ssyncset.done $0x0  }
0x162: {  	s12 =	sadd.s32 $0x1580, s11;
	[sflag:s15] =	ssyncadd.s32 $0xFFFFE000  }
0x163: {  	[spmem:s2] =	stream.indirect.scatter.add.bf16 [tilespmem:s22], [sflag:$0x9], $0x40, s12, s16, $0xb8;
	[tilespmem:$0x1C600] =	vst v63  }
0x164: {  	_ =	swait.ge [sflag:s14], $0x2000  }
0x165: {  	[sflag:s14] =	ssyncset.done $0x0  }
0x166: {  	s12 =	sadd.s32 $0x580, s11;
	[sflag:s14] =	ssyncadd.s32 $0xFFFFE000  }
0x167: {  	[tilespmem:s22], [sflag:$0x4] =	stream.indirect.gather [hbm4b:s4+s16], $0x40, s12, s16, $0xb8;
	[tilespmem:$0x1C600] =	vst v63  }
0x168: {  	_ =	swait.ge [sflag:s7], $0x2000  }
0x169: {  	[sflag:s7] =	ssyncset.done $0x0  }
0x16a: {  	s12 =	sadd.s32 $0x1600, s11;
	[sflag:s7] =	ssyncadd.s32 $0xFFFFE000  }
0x16b: {  	[spmem:s2] =	stream.indirect.scatter.add.bf16 [tilespmem:s24], [sflag:$0x9], $0x40, s12, s16, $0xb8;
	[tilespmem:$0x1C600] =	vst v63  }
0x16c: {  	_ =	swait.ge [sflag:s14], $0x2000  }
0x16d: {  	[sflag:s14] =	ssyncset.done $0x0  }
0x16e: {  	s12 =	sadd.s32 $0x600, s11;
	[sflag:s14] =	ssyncadd.s32 $0xFFFFE000  }
0x16f: {  	[tilespmem:s24], [sflag:$0x5] =	stream.indirect.gather [hbm4b:s4+s16], $0x40, s12, s16, $0xb8;
	[tilespmem:$0x1C600] =	vst v63  }
0x170: {  	_ =	swait.ge [sflag:s8], $0x2000  }
0x171: {  	[sflag:s8] =	ssyncset.done $0x0  }
0x172: {  	s12 =	sadd.s32 $0x1680, s11;
	[sflag:s8] =	ssyncadd.s32 $0xFFFFE000  }
0x173: {  	[spmem:s2] =	stream.indirect.scatter.add.bf16 [tilespmem:s26], [sflag:$0x9], $0x40, s12, s16, $0xb8;
	[tilespmem:$0x1C600] =	vst v63  }
0x174: {  	_ =	swait.ge [sflag:s14], $0x2000  }
0x175: {  	[sflag:s14] =	ssyncset.done $0x0  }
0x176: {  	s12 =	sadd.s32 $0x680, s11;
	[sflag:s14] =	ssyncadd.s32 $0xFFFFE000  }
0x177: {  	[tilespmem:s26], [sflag:$0x6] =	stream.indirect.gather [hbm4b:s4+s16], $0x40, s12, s16, $0xb8;
	[tilespmem:$0x1C600] =	vst v63  }
0x178: {  	_ =	swait.ge [sflag:s19], $0x2000  }
0x179: {  	[sflag:s19] =	ssyncset.done $0x0  }
0x17a: {  	s12 =	sadd.s32 $0x1700, s11;
	[sflag:s19] =	ssyncadd.s32 $0xFFFFE000  }
0x17b: {  	[spmem:s2] =	stream.indirect.scatter.add.bf16 [tilespmem:s29], [sflag:$0x9], $0x40, s12, s16, $0xb8;
	[tilespmem:$0x1C600] =	vst v63  }
0x17c: {  	_ =	swait.ge [sflag:s14], $0x2000  }
0x17d: {  	[sflag:s14] =	ssyncset.done $0x0  }
0x17e: {  	s12 =	sadd.s32 $0x700, s11;
	[sflag:s14] =	ssyncadd.s32 $0xFFFFE000  }
0x17f: {  	[tilespmem:s29], [sflag:$0x7] =	stream.indirect.gather [hbm4b:s4+s16], $0x40, s12, s16, $0xb8;
	[tilespmem:$0x1C600] =	vst v63  }
0x180: {  	_ =	swait.ge [sflag:s9], $0x2000  }
0x181: {  	[sflag:s9] =	ssyncset.done $0x0  }
.Ltmp1:
0x182: {  	s12 =	sadd.s32 $0x1780, s11;
	[sflag:s9] =	ssyncadd.s32 $0xFFFFE000;
	(pc) =	sbr.rel @p0 .LBB2_4-.Ltmp1, $4  }
0x183: {  	[spmem:s2] =	stream.indirect.scatter.add.bf16 [tilespmem:s31], [sflag:$0x9], $0x40, s12, s16, $0xb8;
	[tilespmem:$0x1C600] =	vst v63  }
0x184: {  	_ =	swait.ge [sflag:s14], $0x2000  }
0x185: {  	[sflag:s14] =	ssyncset.done $0x0  }
0x186: {  	s11 =	sadd.s32 $0x780, s11;
	[sflag:s14] =	ssyncadd.s32 $0xFFFFE000  }
0x187: {  	[tilespmem:s31], [sflag:$0x8] =	stream.indirect.gather [hbm4b:s4+s16], $0x40, s11, s16, $0xb8;
	[tilespmem:$0x1C600] =	vst v63  }
0x188: {  	_ =	swait.ge [sflag:s0], $0x2000  }
0x189: {  	[sflag:s0] =	ssyncset.done $0x0  }
0x18a: {  	s12 =	simm.s32 $0x2400;
	[sflag:s0] =	ssyncadd.s32 $0xFFFFE000  }
0x18b: {  	[spmem:s2] =	stream.indirect.scatter.add.bf16 [tilespmem:s17], [sflag:$0x9], $0x40, s12, s16, $0xb8;
	[tilespmem:$0x1C600] =	vst v63  }
0x18c: {  	_ =	swait.ge [sflag:s14], $0x2000  }
0x18d: {  	[sflag:s14] =	ssyncset.done $0x0  }
0x18e: {  	[sflag:s14] =	ssyncadd.s32 $0xFFFFE000  }
0x18f: {  	_ =	swait.ge [sflag:s1], $0x2000  }
0x190: {  	[sflag:s1] =	ssyncset.done $0x0  }
0x191: {  	s21 =	simm.s32 $0x2480;
	[sflag:s1] =	ssyncadd.s32 $0xFFFFE000  }
0x192: {  	[spmem:s2] =	stream.indirect.scatter.add.bf16 [tilespmem:s18], [sflag:$0x9], $0x40, s21, s16, $0xb8;
	[tilespmem:$0x1C600] =	vst v63  }
0x193: {  	_ =	swait.ge [sflag:s14], $0x2000  }
0x194: {  	[sflag:s14] =	ssyncset.done $0x0  }
0x195: {  	[sflag:s14] =	ssyncadd.s32 $0xFFFFE000  }
0x196: {  	_ =	swait.ge [sflag:s5], $0x2000  }
0x197: {  	[sflag:s5] =	ssyncset.done $0x0  }
0x198: {  	s12 =	simm.s32 $0x2500;
	[sflag:s5] =	ssyncadd.s32 $0xFFFFE000  }
0x199: {  	[spmem:s2] =	stream.indirect.scatter.add.bf16 [tilespmem:s20], [sflag:$0x9], $0x40, s12, s16, $0xb8;
	[tilespmem:$0x1C600] =	vst v63  }
0x19a: {  	_ =	swait.ge [sflag:s14], $0x2000  }
0x19b: {  	[sflag:s14] =	ssyncset.done $0x0  }
0x19c: {  	[sflag:s14] =	ssyncadd.s32 $0xFFFFE000  }
0x19d: {  	_ =	swait.ge [sflag:s15], $0x2000  }
0x19e: {  	[sflag:s15] =	ssyncset.done $0x0  }
0x19f: {  	s21 =	simm.s32 $0x2580;
	[sflag:s15] =	ssyncadd.s32 $0xFFFFE000  }
0x1a0: {  	[spmem:s2] =	stream.indirect.scatter.add.bf16 [tilespmem:s22], [sflag:$0x9], $0x40, s21, s16, $0xb8;
	[tilespmem:$0x1C600] =	vst v63  }
0x1a1: {  	_ =	swait.ge [sflag:s14], $0x2000  }
0x1a2: {  	[sflag:s14] =	ssyncset.done $0x0  }
0x1a3: {  	[sflag:s14] =	ssyncadd.s32 $0xFFFFE000  }
0x1a4: {  	_ =	swait.ge [sflag:s7], $0x2000  }
0x1a5: {  	[sflag:s7] =	ssyncset.done $0x0  }
0x1a6: {  	[sflag:s7] =	ssyncadd.s32 $0xFFFFE000  }
0x1a7: {  	[spmem:s2] =	stream.indirect.scatter.add.bf16 [tilespmem:s24], [sflag:$0x9], $0x40, s23, s16, $0xb8;
	[tilespmem:$0x1C600] =	vst v63  }
0x1a8: {  	_ =	swait.ge [sflag:s14], $0x2000  }
0x1a9: {  	[sflag:s14] =	ssyncset.done $0x0  }
0x1aa: {  	[sflag:s14] =	ssyncadd.s32 $0xFFFFE000  }
0x1ab: {  	_ =	swait.ge [sflag:s8], $0x2000  }
0x1ac: {  	[sflag:s8] =	ssyncset.done $0x0  }
0x1ad: {  	[sflag:s8] =	ssyncadd.s32 $0xFFFFE000  }
0x1ae: {  	[spmem:s2] =	stream.indirect.scatter.add.bf16 [tilespmem:s26], [sflag:$0x9], $0x40, s25, s16, $0xb8;
	[tilespmem:$0x1C600] =	vst v63  }
0x1af: {  	_ =	swait.ge [sflag:s14], $0x2000  }
0x1b0: {  	[sflag:s14] =	ssyncset.done $0x0  }
0x1b1: {  	[sflag:s14] =	ssyncadd.s32 $0xFFFFE000  }
0x1b2: {  	_ =	swait.ge [sflag:s19], $0x2000  }
0x1b3: {  	[sflag:s19] =	ssyncset.done $0x0  }
0x1b4: {  	[sflag:s19] =	ssyncadd.s32 $0xFFFFE000  }
0x1b5: {  	[spmem:s2] =	stream.indirect.scatter.add.bf16 [tilespmem:s29], [sflag:$0x9], $0x40, s28, s16, $0xb8;
	[tilespmem:$0x1C600] =	vst v63  }
0x1b6: {  	_ =	swait.ge [sflag:s14], $0x2000  }
0x1b7: {  	[sflag:s14] =	ssyncset.done $0x0  }
0x1b8: {  	[sflag:s14] =	ssyncadd.s32 $0xFFFFE000  }
0x1b9: {  	_ =	swait.ge [sflag:s9], $0x2000  }
0x1ba: {  	[sflag:s9] =	ssyncset.done $0x0  }
0x1bb: {  	[sflag:s9] =	ssyncadd.s32 $0xFFFFE000  }
0x1bc: {  	[spmem:s2] =	stream.indirect.scatter.add.bf16 [tilespmem:s31], [sflag:$0x9], $0x40, s30, s16, $0xb8;
	[tilespmem:$0x1C600] =	vst v63  }
0x1bd: {  	_ =	swait.ge [sflag:s14], $0x2000  }
0x1be: {  	[sflag:s14] =	ssyncset.done $0x0  }
0x1bf: {  	[sflag:s14] =	ssyncadd.s32 $0xFFFFE000  }
0x1c0: {  	[bflag:$0x0] =	sbarrier.arrive $0xFFFF  }
0x1c1: {  	s12 =	rddreg [dreg:$0x9]  }
0x1c2: {  	[hbm:s12], [sflag:s6] =	dma.local [spmem:s13], $0x13C0  }
0x1c3: {  	_ =	swait.ge [sflag:s14], $0x13C0  }
0x1c4: {  	s10 =	sadd.s32 $0x1, s10;
	s21 =	rddreg [dreg:$0xa]  }
0x1c5: {  	p0 =	sne.s32 s10, s21  }
.Ltmp2:
0x1c6: {  	_ = 	snop;
	(pc) =	sbr.rel @p0 .LBB2_1-.Ltmp2, $3  }
0x1c7: {  	_ =	sdelay $0x1  }
0x1c8: {  	[sflag:s14] =	ssyncset.done $0x0  }
0x1c9: {  	[sflag:s14] =	ssyncadd.s32 $0xFFFFEC40  }
0x1ca: {  	_ =	sfence.sel $0x180000  }
0x1cb: {  	[bflag:$0x0] =	sbarrier.arrive $0xFFFF  }
0x1cc: {  	_ =	strace $0x9000004A  }
0x1cd: {  	s0 =	stileid.u32;
	[bflag:$0x2] =	sbarrier.arrive $0xFFFF  }
0x1ce: {  	p0 =	sne.s32 s0, $0x0;
	s0 =	rddreg [dreg:$0x3]  }
0x1cf: {  	s0 =	sadd.s32 @!p0 $0x100000, s0  }
0x1d0: {  	[sflag:s0] =	ssyncadd.tile.s32 @!p0 $0x1;
	_ =	shalt  }
.Lfunc_end2:
_tile_overlayer_lowered:
.L_overlay_start_2:
0x1d1: {  	(tag) =	ssettag $0x2  }
0x1d2: {  	s0 =	rddreg [dreg:$0x0];
	s2 =	stileid.u32  }
0x1d3: {  	s1 =	rddreg [dreg:$0x1];
	p0 =	sne.s32 s2, $0x0  }
0x1d4: {  	s3 =	rddreg [dreg:$0x2];
	[bflag:$0x3] =	sbarrier.arrive $0xFFFF;
	s2 =	simm.s32 @!p0 $0x1C09  }
0x1d5: {  	[timem:s3], [sflag:s2] =	dma.local @!p0 [hbm:s0], s1  }
0x1d6: {  	s0 =	simm.s32 @!p0 $0x9  }
0x1d7: {  	_ =	swait.ge @!p0 [sflag:s0], s1  }
0x1d8: {  	s1 =	ssub.s32 @!p0 $0x0, s1;
	[sflag:s0] =	ssyncset.done @!p0 $0x0  }
0x1d9: {  	[sflag:s0] =	ssyncadd.s32 @!p0 s1  }
0x1da: {  	[bflag:$0x3] =	sbarrier.arrive $0xFFFF  }
0x1db: {  	_ =	shalt  }

// kernel: kernel.14.cloned.1.call-start
scs
__scs_entry_jumppad:
0x0: {  	(pc) =	sbr.rel $0x88, $3  }
0x1: {  	(tag) =	ssettag $0x0;
	lr =	simm.s32 $0x1  }
0x2: {  	[smem:$0x3F9B] =	sst lr;
	_ =	strace $0xD0000000  }
0x3: {  	_ = 	snop  }
0x4: {  	_ = 	snop  }
0x5: {  	_ = 	snop  }
0x6: {  	_ = 	snop  }
0x7: {  	_ = 	snop  }
__scs_overlays_trampoline_lowered:
0x8: {  	[smem:$0x3FAA] =	sst s0  }
0x9: {  	[smem:$0x3FAB] =	sst s1  }
0xa: {  	[smem:$0x3FAC] =	sst s2  }
0xb: {  	[smem:$0x3FAD] =	sst s3  }
0xc: {  	[smem:$0x3FAE] =	sst s4  }
0xd: {  	[smem:$0x3FAF] =	sst s5  }
0xe: {  	[smem:$0x3FB0] =	sst s6  }
0xf: {  	[smem:$0x3FB1] =	sst s7  }
0x10: {  	[smem:$0x3FB2] =	sst s8  }
0x11: {  	[smem:$0x3FB3] =	sst s9;
	s0 =	simm.s32 @!p0 $0x0  }
0x12: {  	s1 =	sld [smem:$0x3F99];
	s0 =	simm.s32 @p0 $0x1  }
0x13: {  	[smem:$0x3FB4] =	sst s0;
	s0 =	simm.s32 @!p1 $0x0  }
0x14: {  	s2 =	sld [smem:$0x3F98];
	s0 =	simm.s32 @p1 $0x1  }
0x15: {  	[smem:$0x3FB5] =	sst s0;
	s0 =	simm.s32 @!p2 $0x0  }
0x16: {  	s3 =	sld [smem:$0x3FDB];
	s0 =	simm.s32 @p2 $0x1  }
0x17: {  	s4 =	simm.s32 $0x1BF5;
	[smem:$0x3FB7] =	sst s0  }
0x18: {  	s0 =	sld [smem:$0x3F9A];
	_ =	swait.ge [sflag:s4], $0x0  }
0x19: {  	s7 =	sld [smem:$0x3F9B]  }
0x1a: {  	s8 =	sadd.s32 $0xFFFFE003, lr  }
0x1b: {  	s9 =	sadd.s32 $0xFFFFFEF7, lr;
	s5 =	simm.s32 $0xFFFFFFFF;
	p2 =	slt.u32 s8, $0xFFFFF086  }
0x1c: {  	p1 =	slt.u32 s9, $0xF7A;
	s5 =	simm.s32 @!p2 $0x0  }
0x1d: {  	s5 =	simm.s32 @p1 $0x1;
	p0 =	seq.s32 s7, s2  }
0x1e: {  	s7 =	smul.u32 @!p0 $0xF7A, s2;
	p2 =	seq.s32 @!p0 s5, $0x0  }
0x1f: {  	s9 =	smul.u32 $0xF7A, s1;
	s8 =	simm.s32 @!p0 $0x1BF5;
	p2 =	por !p2, p0  }
0x20: {  	[sflag:s8] =	ssyncset.s32 @!p0 $0xFFFFF086;
	s6 =	sadd.s32 @!p0 s3, s7;
	s7 =	simm.s32 @!p0 $0x108  }
0x21: {  	s3 =	sadd.s32 s3, s9;
	s6 =	sadd.s32 @!p0 $0x88, s6;
	s7 =	simm.s32 @p2 $0x1082  }
0x22: {  	[simem:s7], [sflag:s8] =	dma.local @!p0 [hbm:s6], $0xF7A  }
0x23: {  	s9 =	sor.u32 $0xD0000000, s2;
	s6 =	simm.s32 $0x108;
	_ =	swait.ge @!p0 [sflag:s8], $0x0  }
0x24: {  	s3 =	sadd.s32 $0x88, s3;
	s6 =	simm.s32 @!p1 $0x1082;
	[sflag:s4] =	ssyncset.s32 $0xFFFFF086  }
0x25: {  	[simem:s6], [sflag:s4] =	dma.local [hbm:s3], $0xF7A  }
0x26: {  	[smem:$0x3F9B] =	sst s1;
	(tag) =	ssettag s2;
	_ =	strace s9  }
0x27: {  	s1 =	sld [smem:$0x3FAB]  }
0x28: {  	s2 =	sld [smem:$0x3FAC]  }
0x29: {  	s4 =	sld [smem:$0x3FAE]  }
0x2a: {  	p0 =	seq.s32 s5, $0x0;
	s5 =	sld [smem:$0x3FAF]  }
0x2b: {  	s6 =	sld [smem:$0x3FB0]  }
0x2c: {  	s7 =	sld [smem:$0x3FB1]  }
0x2d: {  	s3 =	simm.s32 $0x108;
	s8 =	sld [smem:$0x3FB2]  }
0x2e: {  	s3 =	simm.s32 @!p0 $0x1082;
	s9 =	sld [smem:$0x3FB3]  }
0x2f: {  	lr =	sadd.s32 s0, s3;
	s0 =	sld [smem:$0x3FAA]  }
0x30: {  	s3 =	sld [smem:$0x3FAD]  }
0x31: {  	[smem:$0x3FB6] =	sst s10  }
0x32: {  	s10 =	sld [smem:$0x3FB4];
	_ =	sdelay $0x3  }
0x33: {  	p0 =	seq.s32 s10, $0x1;
	s10 =	sld [smem:$0x3FB6];
	_ =	sdelay $0x3  }
0x34: {  	[smem:$0x3FB6] =	sst s10  }
0x35: {  	s10 =	sld [smem:$0x3FB5];
	_ =	sdelay $0x3  }
0x36: {  	p1 =	seq.s32 s10, $0x1;
	s10 =	sld [smem:$0x3FB6];
	_ =	sdelay $0x3  }
0x37: {  	[smem:$0x3FB6] =	sst s10  }
0x38: {  	s10 =	sld [smem:$0x3FB7]  }
0x39: {  	_ = 	snop;
	(pc) =	sbr.ind lr, $3  }
0x3a: {  	_ = 	snop  }
0x3b: {  	_ = 	snop  }
0x3c: {  	p2 =	seq.s32 s10, $0x1;
	s10 =	sld [smem:$0x3FB6]  }
0x3d: {  	_ =	shalt  }
0x3e: {  	_ =	shalt  }
0x3f: {  	_ =	shalt  }
0x40: {  	_ =	shalt  }
0x41: {  	_ =	shalt  }
0x42: {  	_ =	shalt  }
0x43: {  	_ =	shalt  }
0x44: {  	_ =	shalt  }
0x45: {  	_ =	shalt  }
0x46: {  	_ =	shalt  }
0x47: {  	_ =	shalt  }
0x48: {  	_ =	shalt  }
0x49: {  	_ =	shalt  }
0x4a: {  	_ =	shalt  }
0x4b: {  	_ =	shalt  }
0x4c: {  	_ =	shalt  }
0x4d: {  	_ =	shalt  }
0x4e: {  	_ =	shalt  }
0x4f: {  	_ =	shalt  }
0x50: {  	_ =	shalt  }
0x51: {  	_ =	shalt  }
0x52: {  	_ =	shalt  }
0x53: {  	_ =	shalt  }
0x54: {  	_ =	shalt  }
0x55: {  	_ =	shalt  }
0x56: {  	_ =	shalt  }
0x57: {  	_ =	shalt  }
0x58: {  	_ =	shalt  }
0x59: {  	_ =	shalt  }
0x5a: {  	_ =	shalt  }
0x5b: {  	_ =	shalt  }
0x5c: {  	_ =	shalt  }
0x5d: {  	_ =	shalt  }
0x5e: {  	_ =	shalt  }
0x5f: {  	_ =	shalt  }
0x60: {  	_ =	shalt  }
0x61: {  	_ =	shalt  }
0x62: {  	_ =	shalt  }
0x63: {  	_ =	shalt  }
0x64: {  	_ =	shalt  }
0x65: {  	_ =	shalt  }
0x66: {  	_ =	shalt  }
0x67: {  	_ =	shalt  }
0x68: {  	_ =	shalt  }
0x69: {  	_ =	shalt  }
0x6a: {  	_ =	shalt  }
0x6b: {  	_ =	shalt  }
0x6c: {  	_ =	shalt  }
0x6d: {  	_ =	shalt  }
0x6e: {  	_ =	shalt  }
0x6f: {  	_ =	shalt  }
0x70: {  	_ =	shalt  }
0x71: {  	_ =	shalt  }
0x72: {  	_ =	shalt  }
0x73: {  	_ =	shalt  }
0x74: {  	_ =	shalt  }
0x75: {  	_ =	shalt  }
0x76: {  	_ =	shalt  }
0x77: {  	_ =	shalt  }
0x78: {  	_ =	shalt  }
0x79: {  	_ =	shalt  }
0x7a: {  	_ =	shalt  }
0x7b: {  	_ =	shalt  }
0x7c: {  	_ =	shalt  }
0x7d: {  	_ =	shalt  }
0x7e: {  	_ =	shalt  }
0x7f: {  	_ =	shalt  }
0x80: {  	_ =	shalt  }
0x81: {  	_ =	shalt  }
0x82: {  	_ =	shalt  }
0x83: {  	_ =	shalt  }
0x84: {  	_ =	shalt  }
0x85: {  	_ =	shalt  }
0x86: {  	_ =	shalt  }
0x87: {  	_ =	shalt  }
.Lfunc_end0:
.L_simem_size_0:
called_computation.2_lowered:
.L_overlay_start_0:
0x88: {  	s2 =	sld [smem:$0x3FD9]  }
0x89: {  	s3 =	sld [smem:$0x3FFE];
	_ =	sdelay $0x1  }
0x8a: {  	s1 =	srdreg.scid  }
0x8b: {  	s0 =	sand.u32 $0x1, s1  }
0x8c: {  	s17 =	sshll.u32 s0, $0xA;
	s2 =	sadd.s32 s3, s2  }
0x8d: {  	s2 =	sadd.s32 s2, s17  }
0x8e: {  	[smem:$0x3FC2] =	sst s2  }
0x8f: {  	_ = 	snop  }
0x90: {  	s2 =	sld [smem:$0x3FD0];
	(tm) =	ssettm $0x1  }
0x91: {  	s18 =	sld [smem:$0x3FFB];
	_ =	sdelay $0x3  }
0x92: {  	_ =	strace s18  }
0x93: {  	s3 =	sld [smem:$0x3FFC];
	_ =	sdelay $0x3  }
0x94: {  	_ =	strace s3  }
0x95: {  	s3 =	sld [smem:$0x3FFD];
	_ =	sdelay $0x3  }
0x96: {  	_ =	strace s3  }
0x97: {  	_ =	strace $0x8FFFFFFF  }
0x98: {  	s19 =	sld [smem:$0x3FDB];
	_ =	sdelay $0x1  }
0x99: {  	s4 =	simm.s32 $_scs_section_size  }
0x9a: {  	s5 =	simm.s32 $_size__tile_overlayer_lowered;
	s6 =	simm.s32 $_tile_overlayer_lowered  }
0x9b: {  	s22 =	simm.s32 $0x1BFF;
	s21 =	sshll.u32 s6, $0x1;
	s3 =	sadd.s32 s4, s19  }
0x9c: {  	s7 =	simm.s32 $0x0;
	s20 =	sshll.u32 s5, $0x1;
	s5 =	sadd.s32 s21, s3  }
0x9d: {  	[timem:s7], [sflag:s22] =	dma.local [hbm:s5], s20  }
0x9e: {  	_ =	swait.ge [sflag:s22], s20  }
0x9f: {  	s4 =	ssub.s32 $0x0, s20;
	[sflag:s22] =	ssyncset.done $0x0  }
0xa0: {  	[sflag:s22] =	ssyncadd.s32 s4;
	_ =	sdelay $0x1  }
0xa1: {  	s23 =	simm.s32 $0x1B8B  }
0xa2: {  	_ =	swait.ge [sflag:s23], $0x1  }
0xa3: {  	[sflag:s23] =	ssyncset.done $0x0  }
0xa4: {  	s25 =	simm.s32 $0x1B8E;
	s24 =	sld [smem:$0x3FFE];
	[sflag:s23] =	ssyncadd.s32 $0xFFFFFFFF  }
0xa5: {  	s26 =	simm.s32 $execute0_lowered;
	[smem:$0x3FD2] =	sst s25  }
0xa6: {  	s5 =	sshll.u32 s26, $0x1;
	_ =	strace $0x8000004C;
	[dreg:$0x1] =	wrdreg $0xFFFFFFFF  }
0xa7: {  	s28 =	simm.s32 $_size_execute0_lowered;
	s3 =	sadd.s32 s3, s5;
	[dreg:$0x0] =	wrdreg $0x0  }
0xa8: {  	s5 =	sshll.u32 s28, $0x1;
	[dreg:$0x2] =	wrdreg s3  }
0xa9: {  	[dreg:$0x3] =	wrdreg s5  }
0xaa: {  	[dreg:$0x4] =	wrdreg $0xC0  }
0xab: {  	_ =	task [dreg:s7], $0x5FFFF  }
0xac: {  	[dreg:$0x1] =	wrdreg $0xFFFFFFFF  }
0xad: {  	[dreg:$0x0] =	wrdreg $0x60  }
0xae: {  	[dreg:$0x2] =	wrdreg s24  }
0xaf: {  	[dreg:$0x3] =	wrdreg s2  }
0xb0: {  	[dreg:$0x4] =	wrdreg $0xD0000  }
0xb1: {  	[dreg:$0x5] =	wrdreg $0x9  }
0xb2: {  	_ =	task.clear_ibuf [dreg:s7], $0x6FFFF;
	_ =	strace $0x9000004C  }
0xb3: {  	s29 =	simm.s32 $0x9;
	_ =	strace $0x8000004E  }
0xb4: {  	_ =	swait.ge [sflag:s29], $0x1  }
0xb5: {  	[sflag:s29] =	ssyncadd.s32 $0xFFFFFFFF  }
0xb6: {  	_ =	strace $0x9000004E  }
0xb7: {  	_ =	sfence  }
0xb8: {  	s30 =	sld [smem:$0x0];
	_ =	sdelay $0x2  }
0xb9: {  	s31 =	sshll.u32 s1, $0xD;
	s1 =	sshrl.u32 s1, $0x2  }
0xba: {  	s3 =	sand.u32 $0x4000, s31;
	s1 =	sadd.s32 s1, s30  }
0xbb: {  	s0 =	sor.u32 s3, s0;
	s1 =	sshll.u32 s1, $0x11  }
0xbc: {  	s0 =	sor.u32 s1, s0  }
0xbd: {  	s0 =	sadd.s32 $0x8F2B, s0  }
0xbe: {  	[sflag:s0] =	ssyncadd.remote.s32 $0x1  }
0xbf: {  	_ =	sfence.sel $0xFFFF  }
0xc0: {  	[dreg:$0x0] =	wrdreg $0xFFFFFFFF;
	(pc) =	sbr.abs _section_cstart, $3  }
0xc1: {  	[dreg:$0x1] =	wrdreg $0xFFFFFFFF  }
0xc2: {  	_ =	task.clear_ibuf [dreg:s7], $0x2FFFF;
	_ =	strace $0x9FFFFFFF  }
0xc3: {  	(tm) =	ssettm $0x7FFFFFFF  }
tec
execute0_lowered:
.L_overlay_start_1:
0x0: {  	(tag) =	ssettag $0x1  }
0x1: {  	s0 =	rddreg [dreg:$0x0]  }
0x2: {  	s1 =	rddreg [dreg:$0x1]  }
0x3: {  	s2 =	rddreg [dreg:$0x2];
	s3 =	srdreg.scid  }
0x4: {  	s11 =	stileid.u32;
	s14 =	simm.s32 $0x80;
	s15 =	simm.s32 $0x5000  }
0x5: {  	s16 =	simm.s32 $0x6000;
	s18 =	simm.s32 $0x7000;
	s20 =	simm.s32 $0x8000  }
0x6: {  	s22 =	simm.s32 $0x9000;
	s24 =	simm.s32 $0xA000;
	s29 =	simm.s32 $0xC000  }
0x7: {  	s30 =	simm.s32 $0x1;
	s31 =	simm.s32 $0x2;
	s13 =	simm.s32 $0x5  }
0x8: {  	s17 =	simm.s32 $0x6;
	s19 =	simm.s32 $0x7;
	s21 =	simm.s32 $0x8  }
0x9: {  	s28 =	simm.s32 $0x0;
	s6 =	sand.u32 $0x1, s3;
	s4 =	sshll.u32 s11, $0x1  }
0xa: {  	s7 =	smul.u32 $0x9E00, s11;
	s3 =	simm.s32 $0x0;
	s25 =	sadd.s32 $0xB800, s0  }
0xb: {  	s11 =	sshll.u32 s11, $0x6;
	s4 =	sor.u32 s6, s4;
	s5 =	smul.u32 $0x9E000, s6  }
0xc: {  	[smem:$0x7FF] =	sst s3;
	s6 =	ssub.s32 $0x2, s6;
	s8 =	smul.u32 $0x500, s4  }
0xd: {  	_ =	strace $0x8000004D;
	s4 =	sadd.s32 $0xC200, s0;
	[dreg:$0x4] =	wrdreg s25  }
0xe: {  	s26 =	sshrl.u32 s6, $0x1;
	s5 =	sadd.s32 s7, s5;
	s7 =	sshrl.u32 s7, $0x1  }
0xf: {  	s9 =	sadd.s32 s8, s0;
	s10 =	sshrl.u32 s5, $0x4;
	s12 =	sadd.s32 s7, s2  }
0x10: {  	s8 =	sadd.s32 s1, s8;
	s1 =	simm.s32 $0x4;
	s0 =	sadd.s32 s10, s0  }
0x11: {  	s10 =	ssub.s32 s6, s26;
	s6 =	sor.u32 $0x1C09, s11;
	s7 =	sadd.s32 $0x1800, s9  }
0x12: {  	s11 =	sshrl.u32 s12, $0x3;
	s12 =	simm.s32 $0x9;
	s26 =	simm.s32 $0xB000  }
0x13: {  	s9 =	sadd.s32 $0x16000, s0;
	s10 =	smax.u32 s10, $0x1;
	s0 =	simm.s32 $0x3  }
.LBB2_1:
0x14: {  	s5 =	rddreg [dreg:$0x4]  }
0x15: {  	[spmem:s11], [sflag:s6] =	dma.local [hbm:s5], $0x9E0  }
0x16: {  	_ =	swait.ge [sflag:s12], $0x9E0  }
0x17: {  	[sflag:s12] =	ssyncset.done $0x0  }
0x18: {  	[sflag:s12] =	ssyncadd.s32 $0xFFFFF620  }
0x19: {  	[bflag:$0x0] =	sbarrier.arrive $0xFFFF  }
0x1a: {  	[tilespmem:s3], [sflag:$0x9] =	stream.linear.gather [hbm4b:s7+s3], $0x2800, $0x38;
	[tilespmem:$0x11F00] =	vst v63  }
0x1b: {  	_ =	swait.ge [sflag:s12], $0x2800  }
0x1c: {  	[sflag:s12] =	ssyncset.done $0x0  }
0x1d: {  	s25 =	simm.s32 $0x2800;
	[sflag:s12] =	ssyncadd.s32 $0xFFFFD800  }
0x1e: {  	[tilespmem:s25], [sflag:$0x9] =	stream.linear.gather [hbm4b:s8+s3], $0x2800, $0x38;
	[tilespmem:$0x11F00] =	vst v63  }
0x1f: {  	_ =	swait.ge [sflag:s12], $0x2800  }
0x20: {  	[sflag:s12] =	ssyncset.done $0x0  }
0x21: {  	[sflag:s12] =	ssyncadd.s32 $0xFFFFD800  }
0x22: {  	[tilespmem:s15], [sflag:$0x1] =	stream.indirect.gather [hbm4b:s4+s14], $0x20, s3, s14, $0xb8;
	[tilespmem:$0x11F00] =	vst v63  }
0x23: {  	_ = 	snop  }
0x24: {  	[tilespmem:s16], [sflag:$0x2] =	stream.indirect.gather [hbm4b:s4+s14], $0x20, s14, s14, $0xb8;
	[tilespmem:$0x11F00] =	vst v63  }
0x25: {  	s23 =	simm.s32 $0x100  }
0x26: {  	[tilespmem:s18], [sflag:$0x3] =	stream.indirect.gather [hbm4b:s4+s14], $0x20, s23, s14, $0xb8;
	[tilespmem:$0x11F00] =	vst v63  }
0x27: {  	s25 =	simm.s32 $0x180  }
0x28: {  	[tilespmem:s20], [sflag:$0x4] =	stream.indirect.gather [hbm4b:s4+s14], $0x20, s25, s14, $0xb8;
	[tilespmem:$0x11F00] =	vst v63  }
0x29: {  	s23 =	simm.s32 $0x200  }
0x2a: {  	[tilespmem:s22], [sflag:$0x5] =	stream.indirect.gather [hbm4b:s4+s14], $0x20, s23, s14, $0xb8;
	[tilespmem:$0x11F00] =	vst v63  }
0x2b: {  	s25 =	simm.s32 $0x280  }
0x2c: {  	[tilespmem:s24], [sflag:$0x6] =	stream.indirect.gather [hbm4b:s4+s14], $0x20, s25, s14, $0xb8;
	[tilespmem:$0x11F00] =	vst v63  }
0x2d: {  	s23 =	simm.s32 $0x300  }
0x2e: {  	[tilespmem:s26], [sflag:$0x7] =	stream.indirect.gather [hbm4b:s4+s14], $0x20, s23, s14, $0xb8;
	[tilespmem:$0x11F00] =	vst v63  }
0x2f: {  	s25 =	simm.s32 $0x380  }
0x30: {  	[tilespmem:s29], [sflag:$0x8] =	stream.indirect.gather [hbm4b:s4+s14], $0x20, s25, s14, $0xb8;
	[tilespmem:$0x11F00] =	vst v63  }
0x31: {  	_ =	swait.ge [sflag:s30], $0x1000  }
0x32: {  	[sflag:s30] =	ssyncset.done $0x0  }
0x33: {  	s23 =	simm.s32 $0x2800;
	[sflag:s30] =	ssyncadd.s32 $0xFFFFF000  }
0x34: {  	[spmem:s2] =	stream.indirect.scatter.add.bf16 [tilespmem:s15], [sflag:$0x9], $0x20, s23, s14, $0xb8;
	[tilespmem:$0x11F00] =	vst v63  }
0x35: {  	_ =	swait.ge [sflag:s12], $0x1000  }
0x36: {  	[sflag:s12] =	ssyncset.done $0x0  }
0x37: {  	s5 =	simm.s32 $0x400;
	[sflag:s12] =	ssyncadd.s32 $0xFFFFF000  }
0x38: {  	[tilespmem:s15], [sflag:$0x1] =	stream.indirect.gather [hbm4b:s4+s14], $0x20, s5, s14, $0xb8;
	[tilespmem:$0x11F00] =	vst v63  }
0x39: {  	_ =	swait.ge [sflag:s31], $0x1000  }
0x3a: {  	[sflag:s31] =	ssyncset.done $0x0  }
0x3b: {  	s25 =	simm.s32 $0x2880;
	[sflag:s31] =	ssyncadd.s32 $0xFFFFF000  }
0x3c: {  	[spmem:s2] =	stream.indirect.scatter.add.bf16 [tilespmem:s16], [sflag:$0x9], $0x20, s25, s14, $0xb8;
	[tilespmem:$0x11F00] =	vst v63  }
0x3d: {  	_ =	swait.ge [sflag:s12], $0x1000  }
0x3e: {  	[sflag:s12] =	ssyncset.done $0x0  }
0x3f: {  	s5 =	simm.s32 $0x480;
	[sflag:s12] =	ssyncadd.s32 $0xFFFFF000  }
0x40: {  	[tilespmem:s16], [sflag:$0x2] =	stream.indirect.gather [hbm4b:s4+s14], $0x20, s5, s14, $0xb8;
	[tilespmem:$0x11F00] =	vst v63  }
0x41: {  	_ =	swait.ge [sflag:s0], $0x1000  }
0x42: {  	[sflag:s0] =	ssyncset.done $0x0  }
0x43: {  	s25 =	simm.s32 $0x2900;
	[sflag:s0] =	ssyncadd.s32 $0xFFFFF000  }
0x44: {  	[spmem:s2] =	stream.indirect.scatter.add.bf16 [tilespmem:s18], [sflag:$0x9], $0x20, s25, s14, $0xb8;
	[tilespmem:$0x11F00] =	vst v63  }
0x45: {  	_ =	swait.ge [sflag:s12], $0x1000  }
0x46: {  	[sflag:s12] =	ssyncset.done $0x0  }
0x47: {  	s5 =	simm.s32 $0x500;
	[sflag:s12] =	ssyncadd.s32 $0xFFFFF000  }
0x48: {  	[tilespmem:s18], [sflag:$0x3] =	stream.indirect.gather [hbm4b:s4+s14], $0x20, s5, s14, $0xb8;
	[tilespmem:$0x11F00] =	vst v63  }
0x49: {  	_ =	swait.ge [sflag:s1], $0x1000  }
0x4a: {  	[sflag:s1] =	ssyncset.done $0x0  }
0x4b: {  	s25 =	simm.s32 $0x2980;
	[sflag:s1] =	ssyncadd.s32 $0xFFFFF000  }
0x4c: {  	[spmem:s2] =	stream.indirect.scatter.add.bf16 [tilespmem:s20], [sflag:$0x9], $0x20, s25, s14, $0xb8;
	[tilespmem:$0x11F00] =	vst v63  }
0x4d: {  	_ =	swait.ge [sflag:s12], $0x1000  }
0x4e: {  	[sflag:s12] =	ssyncset.done $0x0  }
0x4f: {  	s5 =	simm.s32 $0x580;
	[sflag:s12] =	ssyncadd.s32 $0xFFFFF000  }
0x50: {  	[tilespmem:s20], [sflag:$0x4] =	stream.indirect.gather [hbm4b:s4+s14], $0x20, s5, s14, $0xb8;
	[tilespmem:$0x11F00] =	vst v63  }
0x51: {  	_ =	swait.ge [sflag:s13], $0x1000  }
0x52: {  	[sflag:s13] =	ssyncset.done $0x0  }
0x53: {  	s25 =	simm.s32 $0x2A00;
	[sflag:s13] =	ssyncadd.s32 $0xFFFFF000  }
0x54: {  	[spmem:s2] =	stream.indirect.scatter.add.bf16 [tilespmem:s22], [sflag:$0x9], $0x20, s25, s14, $0xb8;
	[tilespmem:$0x11F00] =	vst v63  }
0x55: {  	_ =	swait.ge [sflag:s12], $0x1000  }
0x56: {  	[sflag:s12] =	ssyncset.done $0x0  }
0x57: {  	s5 =	simm.s32 $0x600;
	[sflag:s12] =	ssyncadd.s32 $0xFFFFF000  }
0x58: {  	[tilespmem:s22], [sflag:$0x5] =	stream.indirect.gather [hbm4b:s4+s14], $0x20, s5, s14, $0xb8;
	[tilespmem:$0x11F00] =	vst v63  }
0x59: {  	_ =	swait.ge [sflag:s17], $0x1000  }
0x5a: {  	[sflag:s17] =	ssyncset.done $0x0  }
0x5b: {  	s25 =	simm.s32 $0x2A80;
	[sflag:s17] =	ssyncadd.s32 $0xFFFFF000  }
0x5c: {  	[spmem:s2] =	stream.indirect.scatter.add.bf16 [tilespmem:s24], [sflag:$0x9], $0x20, s25, s14, $0xb8;
	[tilespmem:$0x11F00] =	vst v63  }
0x5d: {  	_ =	swait.ge [sflag:s12], $0x1000  }
0x5e: {  	[sflag:s12] =	ssyncset.done $0x0  }
0x5f: {  	s5 =	simm.s32 $0x680;
	[sflag:s12] =	ssyncadd.s32 $0xFFFFF000  }
0x60: {  	[tilespmem:s24], [sflag:$0x6] =	stream.indirect.gather [hbm4b:s4+s14], $0x20, s5, s14, $0xb8;
	[tilespmem:$0x11F00] =	vst v63  }
0x61: {  	_ =	swait.ge [sflag:s19], $0x1000  }
0x62: {  	[sflag:s19] =	ssyncset.done $0x0  }
0x63: {  	s25 =	simm.s32 $0x2B00;
	[sflag:s19] =	ssyncadd.s32 $0xFFFFF000  }
0x64: {  	[spmem:s2] =	stream.indirect.scatter.add.bf16 [tilespmem:s26], [sflag:$0x9], $0x20, s25, s14, $0xb8;
	[tilespmem:$0x11F00] =	vst v63  }
0x65: {  	_ =	swait.ge [sflag:s12], $0x1000  }
0x66: {  	[sflag:s12] =	ssyncset.done $0x0  }
0x67: {  	s5 =	simm.s32 $0x700;
	[sflag:s12] =	ssyncadd.s32 $0xFFFFF000  }
0x68: {  	[tilespmem:s26], [sflag:$0x7] =	stream.indirect.gather [hbm4b:s4+s14], $0x20, s5, s14, $0xb8;
	[tilespmem:$0x11F00] =	vst v63  }
0x69: {  	_ =	swait.ge [sflag:s21], $0x1000  }
0x6a: {  	[sflag:s21] =	ssyncset.done $0x0  }
0x6b: {  	s25 =	simm.s32 $0x2B80;
	[sflag:s21] =	ssyncadd.s32 $0xFFFFF000  }
0x6c: {  	[spmem:s2] =	stream.indirect.scatter.add.bf16 [tilespmem:s29], [sflag:$0x9], $0x20, s25, s14, $0xb8;
	[tilespmem:$0x11F00] =	vst v63  }
0x6d: {  	_ =	swait.ge [sflag:s12], $0x1000  }
0x6e: {  	[sflag:s12] =	ssyncset.done $0x0  }
0x6f: {  	s23 =	simm.s32 $0x1000;
	s25 =	simm.s32 $0x780;
	[sflag:s12] =	ssyncadd.s32 $0xFFFFF000  }
.LBB2_2:
0x70: {  	[tilespmem:s29], [sflag:$0x8] =	stream.indirect.gather [hbm4b:s4+s14], $0x20, s25, s14, $0xb8;
	[tilespmem:$0x11F00] =	vst v63  }
0x71: {  	s25 =	smov.u32 s23  }
0x72: {  	p0 =	sne.s32 s23, $0x8000;
	s23 =	sadd.s32 $0x1000, s23;
	_ =	swait.ge [sflag:s30], $0x1000  }
0x73: {  	s25 =	sshra.s32 s25, $0x2;
	[sflag:s30] =	ssyncset.done $0x0  }
0x74: {  	s5 =	sadd.s32 $0x2800, s25;
	[sflag:s30] =	ssyncadd.s32 $0xFFFFF000  }
0x75: {  	[spmem:s2] =	stream.indirect.scatter.add.bf16 [tilespmem:s15], [sflag:$0x9], $0x20, s5, s14, $0xb8;
	[tilespmem:$0x11F00] =	vst v63  }
0x76: {  	_ =	swait.ge [sflag:s12], $0x1000  }
0x77: {  	[sflag:s12] =	ssyncset.done $0x0  }
0x78: {  	s5 =	sadd.s32 $0x400, s25;
	[sflag:s12] =	ssyncadd.s32 $0xFFFFF000  }
0x79: {  	[tilespmem:s15], [sflag:$0x1] =	stream.indirect.gather [hbm4b:s4+s14], $0x20, s5, s14, $0xb8;
	[tilespmem:$0x11F00] =	vst v63  }
0x7a: {  	_ =	swait.ge [sflag:s31], $0x1000  }
0x7b: {  	[sflag:s31] =	ssyncset.done $0x0  }
0x7c: {  	s5 =	sadd.s32 $0x2880, s25;
	[sflag:s31] =	ssyncadd.s32 $0xFFFFF000  }
0x7d: {  	[spmem:s2] =	stream.indirect.scatter.add.bf16 [tilespmem:s16], [sflag:$0x9], $0x20, s5, s14, $0xb8;
	[tilespmem:$0x11F00] =	vst v63  }
0x7e: {  	_ =	swait.ge [sflag:s12], $0x1000  }
0x7f: {  	[sflag:s12] =	ssyncset.done $0x0  }
0x80: {  	s5 =	sadd.s32 $0x480, s25;
	[sflag:s12] =	ssyncadd.s32 $0xFFFFF000  }
0x81: {  	[tilespmem:s16], [sflag:$0x2] =	stream.indirect.gather [hbm4b:s4+s14], $0x20, s5, s14, $0xb8;
	[tilespmem:$0x11F00] =	vst v63  }
0x82: {  	_ =	swait.ge [sflag:s0], $0x1000  }
0x83: {  	[sflag:s0] =	ssyncset.done $0x0  }
0x84: {  	s5 =	sadd.s32 $0x2900, s25;
	[sflag:s0] =	ssyncadd.s32 $0xFFFFF000  }
0x85: {  	[spmem:s2] =	stream.indirect.scatter.add.bf16 [tilespmem:s18], [sflag:$0x9], $0x20, s5, s14, $0xb8;
	[tilespmem:$0x11F00] =	vst v63  }
0x86: {  	_ =	swait.ge [sflag:s12], $0x1000  }
0x87: {  	[sflag:s12] =	ssyncset.done $0x0  }
0x88: {  	s5 =	sadd.s32 $0x500, s25;
	[sflag:s12] =	ssyncadd.s32 $0xFFFFF000  }
0x89: {  	[tilespmem:s18], [sflag:$0x3] =	stream.indirect.gather [hbm4b:s4+s14], $0x20, s5, s14, $0xb8;
	[tilespmem:$0x11F00] =	vst v63  }
0x8a: {  	_ =	swait.ge [sflag:s1], $0x1000  }
0x8b: {  	[sflag:s1] =	ssyncset.done $0x0  }
0x8c: {  	s5 =	sadd.s32 $0x2980, s25;
	[sflag:s1] =	ssyncadd.s32 $0xFFFFF000  }
0x8d: {  	[spmem:s2] =	stream.indirect.scatter.add.bf16 [tilespmem:s20], [sflag:$0x9], $0x20, s5, s14, $0xb8;
	[tilespmem:$0x11F00] =	vst v63  }
0x8e: {  	_ =	swait.ge [sflag:s12], $0x1000  }
0x8f: {  	[sflag:s12] =	ssyncset.done $0x0  }
0x90: {  	s5 =	sadd.s32 $0x580, s25;
	[sflag:s12] =	ssyncadd.s32 $0xFFFFF000  }
0x91: {  	[tilespmem:s20], [sflag:$0x4] =	stream.indirect.gather [hbm4b:s4+s14], $0x20, s5, s14, $0xb8;
	[tilespmem:$0x11F00] =	vst v63  }
0x92: {  	_ =	swait.ge [sflag:s13], $0x1000  }
0x93: {  	[sflag:s13] =	ssyncset.done $0x0  }
0x94: {  	s5 =	sadd.s32 $0x2A00, s25;
	[sflag:s13] =	ssyncadd.s32 $0xFFFFF000  }
0x95: {  	[spmem:s2] =	stream.indirect.scatter.add.bf16 [tilespmem:s22], [sflag:$0x9], $0x20, s5, s14, $0xb8;
	[tilespmem:$0x11F00] =	vst v63  }
0x96: {  	_ =	swait.ge [sflag:s12], $0x1000  }
0x97: {  	[sflag:s12] =	ssyncset.done $0x0  }
0x98: {  	s5 =	sadd.s32 $0x600, s25;
	[sflag:s12] =	ssyncadd.s32 $0xFFFFF000  }
0x99: {  	[tilespmem:s22], [sflag:$0x5] =	stream.indirect.gather [hbm4b:s4+s14], $0x20, s5, s14, $0xb8;
	[tilespmem:$0x11F00] =	vst v63  }
0x9a: {  	_ =	swait.ge [sflag:s17], $0x1000  }
0x9b: {  	[sflag:s17] =	ssyncset.done $0x0  }
0x9c: {  	s5 =	sadd.s32 $0x2A80, s25;
	[sflag:s17] =	ssyncadd.s32 $0xFFFFF000  }
0x9d: {  	[spmem:s2] =	stream.indirect.scatter.add.bf16 [tilespmem:s24], [sflag:$0x9], $0x20, s5, s14, $0xb8;
	[tilespmem:$0x11F00] =	vst v63  }
0x9e: {  	_ =	swait.ge [sflag:s12], $0x1000  }
0x9f: {  	[sflag:s12] =	ssyncset.done $0x0  }
0xa0: {  	s5 =	sadd.s32 $0x680, s25;
	[sflag:s12] =	ssyncadd.s32 $0xFFFFF000  }
0xa1: {  	[tilespmem:s24], [sflag:$0x6] =	stream.indirect.gather [hbm4b:s4+s14], $0x20, s5, s14, $0xb8;
	[tilespmem:$0x11F00] =	vst v63  }
0xa2: {  	_ =	swait.ge [sflag:s19], $0x1000  }
0xa3: {  	[sflag:s19] =	ssyncset.done $0x0  }
0xa4: {  	s5 =	sadd.s32 $0x2B00, s25;
	[sflag:s19] =	ssyncadd.s32 $0xFFFFF000  }
0xa5: {  	[spmem:s2] =	stream.indirect.scatter.add.bf16 [tilespmem:s26], [sflag:$0x9], $0x20, s5, s14, $0xb8;
	[tilespmem:$0x11F00] =	vst v63  }
0xa6: {  	_ =	swait.ge [sflag:s12], $0x1000  }
0xa7: {  	[sflag:s12] =	ssyncset.done $0x0  }
0xa8: {  	s5 =	sadd.s32 $0x700, s25;
	[sflag:s12] =	ssyncadd.s32 $0xFFFFF000  }
0xa9: {  	[tilespmem:s26], [sflag:$0x7] =	stream.indirect.gather [hbm4b:s4+s14], $0x20, s5, s14, $0xb8;
	[tilespmem:$0x11F00] =	vst v63  }
0xaa: {  	_ =	swait.ge [sflag:s21], $0x1000  }
0xab: {  	[sflag:s21] =	ssyncset.done $0x0  }
.Ltmp0:
0xac: {  	s5 =	sadd.s32 $0x2B80, s25;
	[sflag:s21] =	ssyncadd.s32 $0xFFFFF000;
	(pc) =	sbr.rel @p0 .LBB2_2-.Ltmp0, $4  }
0xad: {  	[spmem:s2] =	stream.indirect.scatter.add.bf16 [tilespmem:s29], [sflag:$0x9], $0x20, s5, s14, $0xb8;
	[tilespmem:$0x11F00] =	vst v63  }
0xae: {  	_ =	swait.ge [sflag:s12], $0x1000  }
0xaf: {  	[sflag:s12] =	ssyncset.done $0x0  }
0xb0: {  	s25 =	sadd.s32 $0x780, s25;
	[sflag:s12] =	ssyncadd.s32 $0xFFFFF000  }
0xb1: {  	[tilespmem:s29], [sflag:$0x8] =	stream.indirect.gather [hbm4b:s4+s14], $0x20, s25, s14, $0xb8;
	[tilespmem:$0x11F00] =	vst v63  }
0xb2: {  	_ =	swait.ge [sflag:s30], $0x1000  }
0xb3: {  	[sflag:s30] =	ssyncset.done $0x0  }
0xb4: {  	s5 =	simm.s32 $0x4C00;
	[sflag:s30] =	ssyncadd.s32 $0xFFFFF000  }
0xb5: {  	[spmem:s2] =	stream.indirect.scatter.add.bf16 [tilespmem:s15], [sflag:$0x9], $0x20, s5, s14, $0xb8;
	[tilespmem:$0x11F00] =	vst v63  }
0xb6: {  	_ =	swait.ge [sflag:s12], $0x1000  }
0xb7: {  	[sflag:s12] =	ssyncset.done $0x0  }
0xb8: {  	[sflag:s12] =	ssyncadd.s32 $0xFFFFF000  }
0xb9: {  	_ =	swait.ge [sflag:s31], $0x1000  }
0xba: {  	[sflag:s31] =	ssyncset.done $0x0  }
0xbb: {  	s25 =	simm.s32 $0x4C80;
	[sflag:s31] =	ssyncadd.s32 $0xFFFFF000  }
0xbc: {  	[spmem:s2] =	stream.indirect.scatter.add.bf16 [tilespmem:s16], [sflag:$0x9], $0x20, s25, s14, $0xb8;
	[tilespmem:$0x11F00] =	vst v63  }
0xbd: {  	_ =	swait.ge [sflag:s12], $0x1000  }
0xbe: {  	[sflag:s12] =	ssyncset.done $0x0  }
0xbf: {  	[sflag:s12] =	ssyncadd.s32 $0xFFFFF000  }
0xc0: {  	_ =	swait.ge [sflag:s0], $0x1000  }
0xc1: {  	[sflag:s0] =	ssyncset.done $0x0  }
0xc2: {  	s23 =	simm.s32 $0x4D00;
	[sflag:s0] =	ssyncadd.s32 $0xFFFFF000  }
0xc3: {  	[spmem:s2] =	stream.indirect.scatter.add.bf16 [tilespmem:s18], [sflag:$0x9], $0x20, s23, s14, $0xb8;
	[tilespmem:$0x11F00] =	vst v63  }
0xc4: {  	_ =	swait.ge [sflag:s12], $0x1000  }
0xc5: {  	[sflag:s12] =	ssyncset.done $0x0  }
0xc6: {  	[sflag:s12] =	ssyncadd.s32 $0xFFFFF000  }
0xc7: {  	_ =	swait.ge [sflag:s1], $0x1000  }
0xc8: {  	[sflag:s1] =	ssyncset.done $0x0  }
0xc9: {  	s25 =	simm.s32 $0x4D80;
	[sflag:s1] =	ssyncadd.s32 $0xFFFFF000  }
0xca: {  	[spmem:s2] =	stream.indirect.scatter.add.bf16 [tilespmem:s20], [sflag:$0x9], $0x20, s25, s14, $0xb8;
	[tilespmem:$0x11F00] =	vst v63  }
0xcb: {  	_ =	swait.ge [sflag:s12], $0x1000  }
0xcc: {  	[sflag:s12] =	ssyncset.done $0x0  }
0xcd: {  	[sflag:s12] =	ssyncadd.s32 $0xFFFFF000  }
0xce: {  	_ =	swait.ge [sflag:s13], $0x1000  }
0xcf: {  	[sflag:s13] =	ssyncset.done $0x0  }
0xd0: {  	s23 =	simm.s32 $0x4E00;
	[sflag:s13] =	ssyncadd.s32 $0xFFFFF000  }
0xd1: {  	[spmem:s2] =	stream.indirect.scatter.add.bf16 [tilespmem:s22], [sflag:$0x9], $0x20, s23, s14, $0xb8;
	[tilespmem:$0x11F00] =	vst v63  }
0xd2: {  	_ =	swait.ge [sflag:s12], $0x1000  }
0xd3: {  	[sflag:s12] =	ssyncset.done $0x0  }
0xd4: {  	[sflag:s12] =	ssyncadd.s32 $0xFFFFF000  }
0xd5: {  	_ =	swait.ge [sflag:s17], $0x1000  }
0xd6: {  	[sflag:s17] =	ssyncset.done $0x0  }
0xd7: {  	s25 =	simm.s32 $0x4E80;
	[sflag:s17] =	ssyncadd.s32 $0xFFFFF000  }
0xd8: {  	[spmem:s2] =	stream.indirect.scatter.add.bf16 [tilespmem:s24], [sflag:$0x9], $0x20, s25, s14, $0xb8;
	[tilespmem:$0x11F00] =	vst v63  }
0xd9: {  	_ =	swait.ge [sflag:s12], $0x1000  }
0xda: {  	[sflag:s12] =	ssyncset.done $0x0  }
0xdb: {  	[sflag:s12] =	ssyncadd.s32 $0xFFFFF000  }
0xdc: {  	_ =	swait.ge [sflag:s19], $0x1000  }
0xdd: {  	[sflag:s19] =	ssyncset.done $0x0  }
0xde: {  	s23 =	simm.s32 $0x4F00;
	[sflag:s19] =	ssyncadd.s32 $0xFFFFF000  }
0xdf: {  	[spmem:s2] =	stream.indirect.scatter.add.bf16 [tilespmem:s26], [sflag:$0x9], $0x20, s23, s14, $0xb8;
	[tilespmem:$0x11F00] =	vst v63  }
0xe0: {  	_ =	swait.ge [sflag:s12], $0x1000  }
0xe1: {  	[sflag:s12] =	ssyncset.done $0x0  }
0xe2: {  	[sflag:s12] =	ssyncadd.s32 $0xFFFFF000  }
0xe3: {  	_ =	swait.ge [sflag:s21], $0x1000  }
0xe4: {  	[sflag:s21] =	ssyncset.done $0x0  }
0xe5: {  	s25 =	simm.s32 $0x4F80;
	[sflag:s21] =	ssyncadd.s32 $0xFFFFF000  }
0xe6: {  	[spmem:s2] =	stream.indirect.scatter.add.bf16 [tilespmem:s29], [sflag:$0x9], $0x20, s25, s14, $0xb8;
	[tilespmem:$0x11F00] =	vst v63  }
0xe7: {  	_ =	swait.ge [sflag:s12], $0x1000  }
0xe8: {  	s28 =	sadd.s32 $0x1, s28;
	[sflag:s12] =	ssyncset.done $0x0  }
0xe9: {  	p0 =	sne.s32 s28, s10;
	[sflag:s12] =	ssyncadd.s32 $0xFFFFF000  }
.Ltmp1:
0xea: {  	[bflag:$0x0] =	sbarrier.arrive $0xFFFF;
	(pc) =	sbr.rel @p0 .LBB2_1-.Ltmp1, $4  }
0xeb: {  	[hbm:s9], [sflag:s6] =	dma.local [spmem:s11], $0x9E0  }
0xec: {  	_ =	swait.ge [sflag:s12], $0x9E0  }
0xed: {  	[sflag:s12] =	ssyncset.done $0x0  }
0xee: {  	[sflag:s12] =	ssyncadd.s32 $0xFFFFF620  }
0xef: {  	_ =	sfence.sel $0x180000  }
0xf0: {  	[bflag:$0x0] =	sbarrier.arrive $0xFFFF  }
0xf1: {  	_ =	strace $0x9000004D  }
0xf2: {  	s0 =	stileid.u32;
	[bflag:$0x2] =	sbarrier.arrive $0xFFFF  }
0xf3: {  	p0 =	sne.s32 s0, $0x0;
	s0 =	rddreg [dreg:$0x3]  }
0xf4: {  	s0 =	sadd.s32 @!p0 $0x100000, s0  }
0xf5: {  	[sflag:s0] =	ssyncadd.tile.s32 @!p0 $0x1;
	_ =	shalt  }
.Lfunc_end2:
_tile_overlayer_lowered:
.L_overlay_start_2:
0xf6: {  	(tag) =	ssettag $0x2  }
0xf7: {  	s0 =	rddreg [dreg:$0x0];
	s2 =	stileid.u32  }
0xf8: {  	s1 =	rddreg [dreg:$0x1];
	p0 =	sne.s32 s2, $0x0  }
0xf9: {  	s3 =	rddreg [dreg:$0x2];
	[bflag:$0x3] =	sbarrier.arrive $0xFFFF;
	s2 =	simm.s32 @!p0 $0x1C09  }
0xfa: {  	[timem:s3], [sflag:s2] =	dma.local @!p0 [hbm:s0], s1  }
0xfb: {  	s0 =	simm.s32 @!p0 $0x9  }
0xfc: {  	_ =	swait.ge @!p0 [sflag:s0], s1  }
0xfd: {  	s1 =	ssub.s32 @!p0 $0x0, s1;
	[sflag:s0] =	ssyncset.done @!p0 $0x0  }
0xfe: {  	[sflag:s0] =	ssyncadd.s32 @!p0 s1  }
0xff: {  	[bflag:$0x3] =	sbarrier.arrive $0xFFFF  }
0x100: {  	_ =	shalt  }

// kernel: kernel.8.cloned.1.call-start
scs
__scs_entry_jumppad:
0x0: {  	(pc) =	sbr.rel $0x88, $3  }
0x1: {  	(tag) =	ssettag $0x0;
	lr =	simm.s32 $0x1  }
0x2: {  	[smem:$0x3F9B] =	sst lr;
	_ =	strace $0xD0000000  }
0x3: {  	_ = 	snop  }
0x4: {  	_ = 	snop  }
0x5: {  	_ = 	snop  }
0x6: {  	_ = 	snop  }
0x7: {  	_ = 	snop  }
__scs_overlays_trampoline_lowered:
0x8: {  	[smem:$0x3FAA] =	sst s0  }
0x9: {  	[smem:$0x3FAB] =	sst s1  }
0xa: {  	[smem:$0x3FAC] =	sst s2  }
0xb: {  	[smem:$0x3FAD] =	sst s3  }
0xc: {  	[smem:$0x3FAE] =	sst s4  }
0xd: {  	[smem:$0x3FAF] =	sst s5  }
0xe: {  	[smem:$0x3FB0] =	sst s6  }
0xf: {  	[smem:$0x3FB1] =	sst s7  }
0x10: {  	[smem:$0x3FB2] =	sst s8  }
0x11: {  	[smem:$0x3FB3] =	sst s9;
	s0 =	simm.s32 @!p0 $0x0  }
0x12: {  	s1 =	sld [smem:$0x3F99];
	s0 =	simm.s32 @p0 $0x1  }
0x13: {  	[smem:$0x3FB4] =	sst s0;
	s0 =	simm.s32 @!p1 $0x0  }
0x14: {  	s2 =	sld [smem:$0x3F98];
	s0 =	simm.s32 @p1 $0x1  }
0x15: {  	[smem:$0x3FB5] =	sst s0;
	s0 =	simm.s32 @!p2 $0x0  }
0x16: {  	s3 =	sld [smem:$0x3FDB];
	s0 =	simm.s32 @p2 $0x1  }
0x17: {  	s4 =	simm.s32 $0x1BF5;
	[smem:$0x3FB7] =	sst s0  }
0x18: {  	s0 =	sld [smem:$0x3F9A];
	_ =	swait.ge [sflag:s4], $0x0  }
0x19: {  	s7 =	sld [smem:$0x3F9B]  }
0x1a: {  	s8 =	sadd.s32 $0xFFFFE003, lr  }
0x1b: {  	s9 =	sadd.s32 $0xFFFFFEF7, lr;
	s5 =	simm.s32 $0xFFFFFFFF;
	p2 =	slt.u32 s8, $0xFFFFF086  }
0x1c: {  	p1 =	slt.u32 s9, $0xF7A;
	s5 =	simm.s32 @!p2 $0x0  }
0x1d: {  	s5 =	simm.s32 @p1 $0x1;
	p0 =	seq.s32 s7, s2  }
0x1e: {  	s7 =	smul.u32 @!p0 $0xF7A, s2;
	p2 =	seq.s32 @!p0 s5, $0x0  }
0x1f: {  	s9 =	smul.u32 $0xF7A, s1;
	s8 =	simm.s32 @!p0 $0x1BF5;
	p2 =	por !p2, p0  }
0x20: {  	[sflag:s8] =	ssyncset.s32 @!p0 $0xFFFFF086;
	s6 =	sadd.s32 @!p0 s3, s7;
	s7 =	simm.s32 @!p0 $0x108  }
0x21: {  	s3 =	sadd.s32 s3, s9;
	s6 =	sadd.s32 @!p0 $0x88, s6;
	s7 =	simm.s32 @p2 $0x1082  }
0x22: {  	[simem:s7], [sflag:s8] =	dma.local @!p0 [hbm:s6], $0xF7A  }
0x23: {  	s9 =	sor.u32 $0xD0000000, s2;
	s6 =	simm.s32 $0x108;
	_ =	swait.ge @!p0 [sflag:s8], $0x0  }
0x24: {  	s3 =	sadd.s32 $0x88, s3;
	s6 =	simm.s32 @!p1 $0x1082;
	[sflag:s4] =	ssyncset.s32 $0xFFFFF086  }
0x25: {  	[simem:s6], [sflag:s4] =	dma.local [hbm:s3], $0xF7A  }
0x26: {  	[smem:$0x3F9B] =	sst s1;
	(tag) =	ssettag s2;
	_ =	strace s9  }
0x27: {  	s1 =	sld [smem:$0x3FAB]  }
0x28: {  	s2 =	sld [smem:$0x3FAC]  }
0x29: {  	s4 =	sld [smem:$0x3FAE]  }
0x2a: {  	p0 =	seq.s32 s5, $0x0;
	s5 =	sld [smem:$0x3FAF]  }
0x2b: {  	s6 =	sld [smem:$0x3FB0]  }
0x2c: {  	s7 =	sld [smem:$0x3FB1]  }
0x2d: {  	s3 =	simm.s32 $0x108;
	s8 =	sld [smem:$0x3FB2]  }
0x2e: {  	s3 =	simm.s32 @!p0 $0x1082;
	s9 =	sld [smem:$0x3FB3]  }
0x2f: {  	lr =	sadd.s32 s0, s3;
	s0 =	sld [smem:$0x3FAA]  }
0x30: {  	s3 =	sld [smem:$0x3FAD]  }
0x31: {  	[smem:$0x3FB6] =	sst s10  }
0x32: {  	s10 =	sld [smem:$0x3FB4];
	_ =	sdelay $0x3  }
0x33: {  	p0 =	seq.s32 s10, $0x1;
	s10 =	sld [smem:$0x3FB6];
	_ =	sdelay $0x3  }
0x34: {  	[smem:$0x3FB6] =	sst s10  }
0x35: {  	s10 =	sld [smem:$0x3FB5];
	_ =	sdelay $0x3  }
0x36: {  	p1 =	seq.s32 s10, $0x1;
	s10 =	sld [smem:$0x3FB6];
	_ =	sdelay $0x3  }
0x37: {  	[smem:$0x3FB6] =	sst s10  }
0x38: {  	s10 =	sld [smem:$0x3FB7]  }
0x39: {  	_ = 	snop;
	(pc) =	sbr.ind lr, $3  }
0x3a: {  	_ = 	snop  }
0x3b: {  	_ = 	snop  }
0x3c: {  	p2 =	seq.s32 s10, $0x1;
	s10 =	sld [smem:$0x3FB6]  }
0x3d: {  	_ =	shalt  }
0x3e: {  	_ =	shalt  }
0x3f: {  	_ =	shalt  }
0x40: {  	_ =	shalt  }
0x41: {  	_ =	shalt  }
0x42: {  	_ =	shalt  }
0x43: {  	_ =	shalt  }
0x44: {  	_ =	shalt  }
0x45: {  	_ =	shalt  }
0x46: {  	_ =	shalt  }
0x47: {  	_ =	shalt  }
0x48: {  	_ =	shalt  }
0x49: {  	_ =	shalt  }
0x4a: {  	_ =	shalt  }
0x4b: {  	_ =	shalt  }
0x4c: {  	_ =	shalt  }
0x4d: {  	_ =	shalt  }
0x4e: {  	_ =	shalt  }
0x4f: {  	_ =	shalt  }
0x50: {  	_ =	shalt  }
0x51: {  	_ =	shalt  }
0x52: {  	_ =	shalt  }
0x53: {  	_ =	shalt  }
0x54: {  	_ =	shalt  }
0x55: {  	_ =	shalt  }
0x56: {  	_ =	shalt  }
0x57: {  	_ =	shalt  }
0x58: {  	_ =	shalt  }
0x59: {  	_ =	shalt  }
0x5a: {  	_ =	shalt  }
0x5b: {  	_ =	shalt  }
0x5c: {  	_ =	shalt  }
0x5d: {  	_ =	shalt  }
0x5e: {  	_ =	shalt  }
0x5f: {  	_ =	shalt  }
0x60: {  	_ =	shalt  }
0x61: {  	_ =	shalt  }
0x62: {  	_ =	shalt  }
0x63: {  	_ =	shalt  }
0x64: {  	_ =	shalt  }
0x65: {  	_ =	shalt  }
0x66: {  	_ =	shalt  }
0x67: {  	_ =	shalt  }
0x68: {  	_ =	shalt  }
0x69: {  	_ =	shalt  }
0x6a: {  	_ =	shalt  }
0x6b: {  	_ =	shalt  }
0x6c: {  	_ =	shalt  }
0x6d: {  	_ =	shalt  }
0x6e: {  	_ =	shalt  }
0x6f: {  	_ =	shalt  }
0x70: {  	_ =	shalt  }
0x71: {  	_ =	shalt  }
0x72: {  	_ =	shalt  }
0x73: {  	_ =	shalt  }
0x74: {  	_ =	shalt  }
0x75: {  	_ =	shalt  }
0x76: {  	_ =	shalt  }
0x77: {  	_ =	shalt  }
0x78: {  	_ =	shalt  }
0x79: {  	_ =	shalt  }
0x7a: {  	_ =	shalt  }
0x7b: {  	_ =	shalt  }
0x7c: {  	_ =	shalt  }
0x7d: {  	_ =	shalt  }
0x7e: {  	_ =	shalt  }
0x7f: {  	_ =	shalt  }
0x80: {  	_ =	shalt  }
0x81: {  	_ =	shalt  }
0x82: {  	_ =	shalt  }
0x83: {  	_ =	shalt  }
0x84: {  	_ =	shalt  }
0x85: {  	_ =	shalt  }
0x86: {  	_ =	shalt  }
0x87: {  	_ =	shalt  }
.Lfunc_end0:
.L_simem_size_0:
called_computation_lowered:
.L_overlay_start_0:
0x88: {  	s2 =	sld [smem:$0x3FD9]  }
0x89: {  	s3 =	sld [smem:$0x3FFE];
	_ =	sdelay $0x1  }
0x8a: {  	s1 =	srdreg.scid  }
0x8b: {  	s0 =	sand.u32 $0x1, s1  }
0x8c: {  	s17 =	sshll.u32 s0, $0xA;
	s2 =	sadd.s32 s3, s2  }
0x8d: {  	s2 =	sadd.s32 s2, s17  }
0x8e: {  	[smem:$0x3FC2] =	sst s2  }
0x8f: {  	_ = 	snop  }
0x90: {  	s2 =	sld [smem:$0x3FD0];
	(tm) =	ssettm $0x1  }
0x91: {  	s18 =	sld [smem:$0x3FFB];
	_ =	sdelay $0x3  }
0x92: {  	_ =	strace s18  }
0x93: {  	s3 =	sld [smem:$0x3FFC];
	_ =	sdelay $0x3  }
0x94: {  	_ =	strace s3  }
0x95: {  	s3 =	sld [smem:$0x3FFD];
	_ =	sdelay $0x3  }
0x96: {  	_ =	strace s3  }
0x97: {  	_ =	strace $0x8FFFFFFF  }
0x98: {  	s19 =	sld [smem:$0x3FDB];
	_ =	sdelay $0x1  }
0x99: {  	s4 =	simm.s32 $_scs_section_size  }
0x9a: {  	s5 =	simm.s32 $_size__tile_overlayer_lowered;
	s6 =	simm.s32 $_tile_overlayer_lowered  }
0x9b: {  	s22 =	simm.s32 $0x1BFF;
	s21 =	sshll.u32 s6, $0x1;
	s3 =	sadd.s32 s4, s19  }
0x9c: {  	s7 =	simm.s32 $0x0;
	s20 =	sshll.u32 s5, $0x1;
	s5 =	sadd.s32 s21, s3  }
0x9d: {  	[timem:s7], [sflag:s22] =	dma.local [hbm:s5], s20  }
0x9e: {  	_ =	swait.ge [sflag:s22], s20  }
0x9f: {  	s4 =	ssub.s32 $0x0, s20;
	[sflag:s22] =	ssyncset.done $0x0  }
0xa0: {  	[sflag:s22] =	ssyncadd.s32 s4;
	_ =	sdelay $0x1  }
0xa1: {  	s23 =	simm.s32 $0x1B8B  }
0xa2: {  	_ =	swait.ge [sflag:s23], $0x1  }
0xa3: {  	[sflag:s23] =	ssyncset.done $0x0  }
0xa4: {  	s25 =	simm.s32 $0x1B8E;
	s24 =	sld [smem:$0x3FFE];
	[sflag:s23] =	ssyncadd.s32 $0xFFFFFFFF  }
0xa5: {  	s26 =	simm.s32 $execute0_lowered;
	[smem:$0x3FD2] =	sst s25  }
0xa6: {  	s5 =	sshll.u32 s26, $0x1;
	_ =	strace $0x80000046;
	[dreg:$0x1] =	wrdreg $0xFFFFFFFF  }
0xa7: {  	s28 =	simm.s32 $_size_execute0_lowered;
	s3 =	sadd.s32 s3, s5;
	[dreg:$0x0] =	wrdreg $0x0  }
0xa8: {  	s5 =	sshll.u32 s28, $0x1;
	[dreg:$0x2] =	wrdreg s3  }
0xa9: {  	[dreg:$0x3] =	wrdreg s5  }
0xaa: {  	[dreg:$0x4] =	wrdreg $0xC0  }
0xab: {  	_ =	task [dreg:s7], $0x5FFFF  }
0xac: {  	[dreg:$0x1] =	wrdreg $0xFFFFFFFF  }
0xad: {  	[dreg:$0x0] =	wrdreg $0x60  }
0xae: {  	[dreg:$0x2] =	wrdreg s2  }
0xaf: {  	[dreg:$0x3] =	wrdreg s24  }
0xb0: {  	[dreg:$0x4] =	wrdreg $0x30000  }
0xb1: {  	[dreg:$0x5] =	wrdreg $0x9  }
0xb2: {  	_ =	task.clear_ibuf [dreg:s7], $0x6FFFF;
	_ =	strace $0x90000046  }
0xb3: {  	s29 =	simm.s32 $0x9;
	_ =	strace $0x80000048  }
0xb4: {  	_ =	swait.ge [sflag:s29], $0x1  }
0xb5: {  	[sflag:s29] =	ssyncadd.s32 $0xFFFFFFFF  }
0xb6: {  	_ =	strace $0x90000048  }
0xb7: {  	_ =	sfence  }
0xb8: {  	s30 =	sld [smem:$0x0];
	_ =	sdelay $0x2  }
0xb9: {  	s31 =	sshll.u32 s1, $0xD;
	s1 =	sshrl.u32 s1, $0x2  }
0xba: {  	s3 =	sand.u32 $0x4000, s31;
	s1 =	sadd.s32 s1, s30  }
0xbb: {  	s0 =	sor.u32 s3, s0;
	s1 =	sshll.u32 s1, $0x11  }
0xbc: {  	s0 =	sor.u32 s1, s0  }
0xbd: {  	s0 =	sadd.s32 $0x8F2B, s0  }
0xbe: {  	[sflag:s0] =	ssyncadd.remote.s32 $0x1  }
0xbf: {  	_ =	sfence.sel $0xFFFF  }
0xc0: {  	[dreg:$0x0] =	wrdreg $0xFFFFFFFF;
	(pc) =	sbr.abs _section_cstart, $3  }
0xc1: {  	[dreg:$0x1] =	wrdreg $0xFFFFFFFF  }
0xc2: {  	_ =	task.clear_ibuf [dreg:s7], $0x2FFFF;
	_ =	strace $0x9FFFFFFF  }
0xc3: {  	(tm) =	ssettm $0x7FFFFFFF  }
tec
execute0_lowered:
.L_overlay_start_1:
0x0: {  	(tag) =	ssettag $0x1  }
0x1: {  	s7 =	rddreg [dreg:$0x0]  }
0x2: {  	s6 =	rddreg [dreg:$0x1]  }
0x3: {  	s2 =	rddreg [dreg:$0x2]  }
0x4: {  	s0 =	rddreg [dreg:$0x3]  }
0x5: {  	s4 =	srdreg.scid;
	s1 =	stileid.u32;
	s3 =	simm.s32 $0x0  }
0x6: {  	s13 =	simm.s32 $0x80;
	s14 =	simm.s32 $0x0;
	s8 =	sand.u32 $0x1, s4  }
0x7: {  	s9 =	smul.u32 $0x2780, s1;
	[smem:$0x7FF] =	sst s3;
	s4 =	sadd.s32 $0xB800, s6  }
0x8: {  	s5 =	sadd.s32 $0xBE00, s6;
	s11 =	sshll.u32 s1, $0x1;
	s31 =	sshll.u32 s1, $0x6  }
0x9: {  	s10 =	smul.u32 $0x27800, s8;
	_ =	strace $0x80000047;
	s12 =	ssub.s32 $0x2, s8  }
0xa: {  	s8 =	sor.u32 s8, s11;
	s11 =	simm.s32 $0x1;
	s28 =	sshrl.u32 s12, $0x1  }
0xb: {  	s8 =	smul.u32 $0x500, s8;
	s30 =	sadd.s32 s9, s2;
	s10 =	sadd.s32 s9, s10  }
0xc: {  	s29 =	ssub.s32 s12, s28;
	s12 =	simm.s32 $0x2800;
	s10 =	sshrl.u32 s10, $0x3  }
0xd: {  	s7 =	sadd.s32 s7, s8;
	s9 =	smax.u32 s29, $0x1;
	s10 =	sadd.s32 s10, s6  }
0xe: {  	s6 =	sor.u32 $0x1C01, s31;
	s8 =	sadd.s32 $0xC000, s10;
	s10 =	sshrl.u32 s30, $0x3  }
.LBB2_1:
0xf: {  	[spmem:s10], [sflag:s6] =	dma.local [hbm:s4], $0x4F0  }
0x10: {  	_ =	swait.ge [sflag:s11], $0x4F0  }
0x11: {  	[sflag:s11] =	ssyncset.done $0x0  }
0x12: {  	[sflag:s11] =	ssyncadd.s32 $0xFFFFFB10  }
0x13: {  	[tilespmem:s12], [sflag:$0x1] =	stream.linear.gather [hbm4b:s5+s3], $0x800, $0x38;
	[tilespmem:$0x5780] =	vst v63  }
0x14: {  	_ =	swait.ge [sflag:s11], $0x800  }
0x15: {  	[sflag:s11] =	ssyncset.done $0x0  }
0x16: {  	[sflag:s11] =	ssyncadd.s32 $0xFFFFF800  }
0x17: {  	[tilespmem:s3], [sflag:$0x1] =	stream.linear.gather [hbm4b:s7+s3], $0x2800, $0x38;
	[tilespmem:$0x5780] =	vst v63  }
0x18: {  	_ =	swait.ge [sflag:s11], $0x2800  }
0x19: {  	[sflag:s11] =	ssyncset.done $0x0  }
0x1a: {  	[sflag:s11] =	ssyncadd.s32 $0xFFFFD800  }
0x1b: {  	s15 =	simm.s32 $0x0;
	[bflag:$0x0] =	sbarrier.arrive $0xFFFF  }
0x1c: {  	[spmem:s2] =	stream.indirect.scatter.add.f32 [tilespmem:s12], [sflag:$0x1], $0x10, s15, s13, $0xb8;
	[tilespmem:$0x5780] =	vst v63  }
0x1d: {  	_ =	swait.ge [sflag:s11], $0x800  }
0x1e: {  	s15 =	simm.s32 $0x200;
	[sflag:s11] =	ssyncset.done $0x0  }
.LBB2_2:
0x1f: {  	s16 =	sshra.s32 s15, $0x2;
	[sflag:s11] =	ssyncadd.s32 $0xFFFFF800;
	p0 =	sne.s32 s15, $0x9E00  }
0x20: {  	[spmem:s2] =	stream.indirect.scatter.add.f32 [tilespmem:s12], [sflag:$0x1], $0x10, s16, s13, $0xb8;
	[tilespmem:$0x5780] =	vst v63  }
.Ltmp0:
0x21: {  	_ = 	snop;
	(pc) =	sbr.rel @p0 .LBB2_2-.Ltmp0, $4  }
0x22: {  	_ = 	snop  }
0x23: {  	s15 =	sadd.s32 $0x200, s15  }
0x24: {  	_ =	swait.ge [sflag:s11], $0x800  }
0x25: {  	[sflag:s11] =	ssyncset.done $0x0  }
0x26: {  	s14 =	sadd.s32 $0x1, s14  }
0x27: {  	[sflag:s11] =	ssyncadd.s32 $0xFFFFF800;
	p0 =	sne.s32 s14, s9  }
.Ltmp1:
0x28: {  	[bflag:$0x0] =	sbarrier.arrive $0xFFFF;
	(pc) =	sbr.rel @p0 .LBB2_1-.Ltmp1, $4  }
0x29: {  	[hbm:s8], [sflag:s6] =	dma.local [spmem:s10], $0x4F0  }
0x2a: {  	_ =	swait.ge [sflag:s11], $0x4F0  }
0x2b: {  	[sflag:s11] =	ssyncset.done $0x0  }
0x2c: {  	[sflag:s11] =	ssyncadd.s32 $0xFFFFFB10  }
0x2d: {  	_ =	sfence.sel $0x180000  }
0x2e: {  	[bflag:$0x0] =	sbarrier.arrive $0xFFFF  }
0x2f: {  	p0 =	sne.s32 s1, $0x0;
	_ =	strace $0x90000047  }
0x30: {  	s0 =	sadd.s32 @!p0 $0x100000, s0;
	[bflag:$0x2] =	sbarrier.arrive $0xFFFF  }
0x31: {  	[sflag:s0] =	ssyncadd.tile.s32 @!p0 $0x1;
	_ =	shalt  }
.Lfunc_end2:
_tile_overlayer_lowered:
.L_overlay_start_2:
0x32: {  	(tag) =	ssettag $0x2  }
0x33: {  	s0 =	rddreg [dreg:$0x0];
	s2 =	stileid.u32  }
0x34: {  	s1 =	rddreg [dreg:$0x1];
	p0 =	sne.s32 s2, $0x0  }
0x35: {  	s3 =	rddreg [dreg:$0x2];
	[bflag:$0x3] =	sbarrier.arrive $0xFFFF;
	s2 =	simm.s32 @!p0 $0x1C01  }
0x36: {  	[timem:s3], [sflag:s2] =	dma.local @!p0 [hbm:s0], s1  }
0x37: {  	s0 =	simm.s32 @!p0 $0x1  }
0x38: {  	_ =	swait.ge @!p0 [sflag:s0], s1  }
0x39: {  	s1 =	ssub.s32 @!p0 $0x0, s1;
	[sflag:s0] =	ssyncset.done @!p0 $0x0  }
0x3a: {  	[sflag:s0] =	ssyncadd.s32 @!p0 s1  }
0x3b: {  	[bflag:$0x3] =	sbarrier.arrive $0xFFFF  }
0x3c: {  	_ =	shalt  }

</sc_bundles>
